<compile_context>
chip_gen: v7x
topology: tpu7x:2x2x1
jax: 0.10.2.dev20260603
libtpu: 0.0.44.dev20260713+nightly
codegen_flags: <defaults>
</compile_context>

<pallas_src>
import functools

import jax
import jax.numpy as jnp
from jax import lax
from jax.experimental import pallas as pl
from jax.experimental.pallas import tpu as pltpu
from jax.experimental.pallas import tpu_sc as plsc

LANES = 16


def _dechunk_sc(zf, pf, bf, B, T, L, D):
    info = plsc.get_sparse_core_info()
    NC, NS = info.num_cores, info.num_subcores
    NW = NC * NS
    CPB = NW // B
    TCH = T // CPB
    S = 32
    NSUB = TCH // S
    NVC = TCH // LANES
    UD = D // LANES

    mesh = plsc.VectorSubcoreMesh(core_axis_name="c", subcore_axis_name="s")

    @functools.partial(
        pl.kernel,
        out_type=jax.ShapeDtypeStruct((B * T, D), jnp.float32),
        mesh=mesh,
        scratch_types=[
            pltpu.VMEM((T + LANES,), jnp.int32),
            pltpu.VMEM((TCH + LANES,), jnp.float32),
            pltpu.VMEM((TCH + 2 * LANES,), jnp.int32),
            pltpu.VMEM((T + 2 * LANES,), jnp.int32),
            pltpu.VMEM((LANES,), jnp.int32),
            pltpu.VMEM((16, LANES), jnp.int32),
            pltpu.VMEM_SHARED((16, LANES), jnp.int32),
            pltpu.VMEM((8, D), jnp.float32),
            pltpu.VMEM((S, D), jnp.float32),
            pltpu.VMEM((S, D), jnp.float32),
            pltpu.VMEM((S, D), jnp.float32),
            pltpu.VMEM((S, D), jnp.float32),
            pltpu.VMEM((S, D), jnp.float32),
            pltpu.VMEM((S, D), jnp.float32),
            pltpu.SemaphoreType.DMA,
            pltpu.SemaphoreType.DMA,
            pltpu.SemaphoreType.DMA,
            pltpu.SemaphoreType.DMA,
            pltpu.SemaphoreType.DMA,
            pltpu.SemaphoreType.DMA,
            pltpu.SemaphoreType.DMA,
            pltpu.SemaphoreType.DMA,
        ],
    )
    def body(z_hbm, p_hbm, b_hbm, out_hbm, b_v, p_v, c_v, idxf_v, idxp_v,
             tot_v, tot_sh, prev0_v, rows0, rows1, rows2, rows3,
             outbA, outbB, gsem0, gsem1, gsem2, gsem3, osemA, osemB, psem,
             plsem):
        rows = (rows0, rows1, rows2, rows3)
        gsem = (gsem0, gsem1, gsem2, gsem3)
        outb = (outbA, outbB)
        osem = (osemA, osemB)

        sid = lax.axis_index("s")
        wid = sid * NC + lax.axis_index("c")
        batch = wid % B
        chunk = wid // B
        start = chunk * TCH
        obase = batch * T + start

        p_cp = pltpu.async_copy(p_hbm.at[pl.ds(batch * T + start, TCH)],
                                p_v.at[pl.ds(0, TCH)], plsem)
        pltpu.sync_copy(b_hbm.at[pl.ds(batch * T, T)],
                        b_v.at[pl.ds(LANES, T)])

        zbase = batch * L
        zeros = jnp.zeros((LANES,), jnp.int32)
        b_v[pl.ds(0, LANES)] = zeros

        c_v[pl.ds(0, LANES)] = zeros

        def shift_body(m, carry):
            c_v[pl.ds(LANES + m * LANES, LANES)] = b_v[pl.ds(
                LANES - 1 + start + m * LANES, LANES)]
            return carry

        lax.fori_loop(0, NVC, shift_body, jnp.int32(0))

        s = 1
        while s < TCH:
            lo = s // LANES

            def scan_body(jj, carry, s=s, lo=lo):
                j = NVC - 1 - jj
                o = LANES + j * LANES
                c_v[pl.ds(o, LANES)] = (c_v[pl.ds(o, LANES)] +
                                        c_v[pl.ds(o - s, LANES)])
                return carry

            lax.fori_loop(0, NVC - lo, scan_body, jnp.int32(0))
            s *= 2

        pltpu.sync_copy(c_v.at[pl.ds(LANES + TCH - LANES, LANES)],
                        tot_sh.at[sid])
        plsc.subcore_barrier()
        pltpu.sync_copy(tot_sh, tot_v)
        off = jnp.int32(0)
        for k in range(1, CPB):
            vk = tot_v[jnp.maximum(sid - 4 * k, 0), pl.ds(0, LANES)][15]
            off = off + jnp.where(chunk >= k, vk, 0)

        idxp_v[pl.ds(0, LANES)] = (
            jnp.minimum(c_v[pl.ds(LANES - 1, LANES)] + off, L - 1) + zbase)

        def idx_body(m, carry):
            o = m * LANES
            e = c_v[pl.ds(LANES + o, LANES)] + off
            idxf_v[pl.ds(LANES + start + o, LANES)] = (
                jnp.minimum(e, L - 1) + zbase)
            return carry

        lax.fori_loop(0, NVC, idx_body, jnp.int32(0))

        prev0_cp = pltpu.async_copy(z_hbm.at[idxp_v.at[pl.ds(0, 8)]],
                                    prev0_v, psem)

        def g_src(i):
            return z_hbm.at[idxf_v.at[pl.ds(LANES + start + i * S, S)]]

        for j in range(4):
            pltpu.async_copy(g_src(j), rows[j], gsem[j])
        prev0_cp.wait()
        p_cp.wait()

        @pl.when(chunk == 0)
        def _():
            lane = jnp.arange(LANES, dtype=jnp.int32)
            p0 = p_v[pl.ds(0, LANES)]
            p_v[pl.ds(0, LANES)] = jnp.where(lane == 0, 1.0, p0)

        def blend(s0, rbuf, obuf, prev):
            def rb(k, prev, rbuf=rbuf, obuf=obuf):
                pk = p_v[pl.ds(s0 + k, LANES)][0]
                qk = 1.0 - pk
                new = []
                for u in range(UD):
                    sl = pl.ds(u * LANES, LANES)
                    cu = rbuf[k, sl]
                    obuf[k, sl] = pk * cu + qk * prev[u]
                    new.append(cu)
                return tuple(new)

            return lax.fori_loop(0, S, rb, prev)

        def quarter(ii, j, prev):
            i = 4 * ii + j
            rbuf, gs = rows[j], gsem[j]
            obuf, os_ = outb[j % 2], osem[j % 2]
            pltpu.make_async_copy(z_hbm.at[pl.ds(0, S)], rbuf, gs).wait()

            if j >= 2:
                pltpu.make_async_copy(obuf, out_hbm.at[pl.ds(0, S)],
                                      os_).wait()
            else:

                @pl.when(ii > 0)
                def _():
                    pltpu.make_async_copy(obuf, out_hbm.at[pl.ds(0, S)],
                                          os_).wait()

            prev = blend(i * S, rbuf, obuf, prev)
            pltpu.async_copy(obuf, out_hbm.at[pl.ds(obase + i * S, S)], os_)

            @pl.when(i + 4 < NSUB)
            def _():
                pltpu.async_copy(g_src(i + 4), rbuf, gs)

            return prev

        prev0 = tuple(prev0_v[0, pl.ds(u * LANES, LANES)] for u in range(UD))

        def quad_body(ii, prev):
            for j in range(4):
                prev = quarter(ii, j, prev)
            return prev

        lax.fori_loop(0, NSUB // 4, quad_body, prev0)

        pltpu.make_async_copy(outbA, out_hbm.at[pl.ds(0, S)], osemA).wait()
        pltpu.make_async_copy(outbB, out_hbm.at[pl.ds(0, S)], osemB).wait()

    return body(zf, pf, bf)


def kernel(z, p, b, original_len):
    B, L, D = z.shape
    T = b.shape[1]
    zf = z.reshape(B * L, D)
    pf = p.reshape(B * T)
    bf = b.reshape(B * T)
    out = _dechunk_sc(zf, pf, bf, B, T, L, D)
    return out.reshape(B, T, D)

# --- scband reference (transcript-rebuilt; emitter-appended) ---
"""Pipeline reference for scband-dechunking-layer-89472758710929 (READ-ONLY COPY).

The authoritative reference and input builder live on the scoring server;
editing this copy changes nothing except your own understanding.
"""

import jax, jax.numpy as jnp
import numpy as np


def setup_inputs(seed: int = 0) -> dict:
    key = jax.random.key(seed)
    k1, k2, k3 = jax.random.split(key, 3)
    B, T, L, D = 8, 2048, 1024, 512
    z = jax.random.normal(k1, (B, L, D), dtype=jnp.float32)
    p = jax.random.uniform(k2, (B, T), dtype=jnp.float32)
    b = jax.random.randint(k3, (B, T), 0, 2, dtype=jnp.int32)
    original_len = T
    return {"z": z, "p": p, "b": b, "original_len": original_len}


def reference(z, p, b, original_len):
    # z: [B, L, D] chunk representations; b: [B, T] boundary indicators (0/1)
    # The sequential loop is: idx_t = number of boundaries strictly before t,
    # clamped to L-1 (once idx >= L the torch code uses z[i, -1]).
    L = z.shape[1]
    T = b.shape[1]
    valid = (jnp.arange(T) < original_len)[None, :]
    b_i = jnp.where(valid, b, 0).astype(jnp.int32)
    excl_cumsum = jnp.cumsum(b_i, axis=1) - b_i  # exclusive prefix sum
    idx = jnp.clip(excl_cumsum, 0, L - 1)        # [B, T]
    upsampled = jnp.take_along_axis(z, idx[:, :, None], axis=1)  # [B, T, D]
    coef = jnp.where(valid, p, 0.0)[:, :, None]
    rolled = jnp.roll(upsampled, shift=1, axis=1)
    smoothed_out = coef * upsampled + (1.0 - coef) * rolled
    smoothed_out = smoothed_out.at[:, 0].set(upsampled[:, 0])
    return smoothed_out

if __name__ == "__main__":
    import jax
    _d = setup_inputs()
    print(jax.jit(kernel)(*tuple(_d.values())))

</pallas_src>

<mosaic_0001>
#map = affine_map<(d0, d1) -> (0, 0)>
#map1 = affine_map<(d0, d1) -> (0)>
module attributes {stable_mosaic.version = 14 : i64} {
  func.func @body(%arg0: i32, %arg1: i32, %arg2: memref<8192x512xf32, #tpu.memory_space<hbm>>, %arg3: memref<16384xf32, #tpu.memory_space<hbm>>, %arg4: memref<16384xi32, #tpu.memory_space<hbm>>, %arg5: memref<16384x512xf32, #tpu.memory_space<hbm>>, %arg6: memref<2064xi32, #tpu.memory_space<vmem>>, %arg7: memref<528xf32, #tpu.memory_space<vmem>>, %arg8: memref<544xi32, #tpu.memory_space<vmem>>, %arg9: memref<2080xi32, #tpu.memory_space<vmem>>, %arg10: memref<16xi32, #tpu.memory_space<vmem>>, %arg11: memref<16x16xi32, #tpu.memory_space<vmem>>, %arg12: memref<16x16xi32, #tpu.memory_space<vmem_shared>>, %arg13: memref<8x512xf32, #tpu.memory_space<vmem>>, %arg14: memref<32x512xf32, #tpu.memory_space<vmem>>, %arg15: memref<32x512xf32, #tpu.memory_space<vmem>>, %arg16: memref<32x512xf32, #tpu.memory_space<vmem>>, %arg17: memref<32x512xf32, #tpu.memory_space<vmem>>, %arg18: memref<32x512xf32, #tpu.memory_space<vmem>>, %arg19: memref<32x512xf32, #tpu.memory_space<vmem>>, %arg20: memref<!tpu.dma_semaphore, #tpu.memory_space<semaphore_mem>>, %arg21: memref<!tpu.dma_semaphore, #tpu.memory_space<semaphore_mem>>, %arg22: memref<!tpu.dma_semaphore, #tpu.memory_space<semaphore_mem>>, %arg23: memref<!tpu.dma_semaphore, #tpu.memory_space<semaphore_mem>>, %arg24: memref<!tpu.dma_semaphore, #tpu.memory_space<semaphore_mem>>, %arg25: memref<!tpu.dma_semaphore, #tpu.memory_space<semaphore_mem>>, %arg26: memref<!tpu.dma_semaphore, #tpu.memory_space<semaphore_mem>>, %arg27: memref<!tpu.dma_semaphore, #tpu.memory_space<semaphore_mem>>) attributes {dimension_semantics = [#tpu.dimension_semantics<core_parallel>, #tpu.dimension_semantics<subcore_parallel>], iteration_bounds = array<i64: 2, 16>, scalar_prefetch = 0 : i64, scratch_operands = 22 : i64, tpu.core_type = #tpu.core_type<sc_vector_subcore>, window_params = [{transform_indices = #map}, {transform_indices = #map1}, {transform_indices = #map1}, {transform_indices = #map}]} {
    %mul3A = arith.constant 2 : i32
    %mul3A_0 = arith.muli %arg1, %mul3A : i32
    %add3A = arith.addi %mul3A_0, %arg0 : i32
    %jit3A = arith.constant 8 : i32
    %eq3A = arith.constant 0 : i32
    %eq3A_1 = arith.cmpi eq, %jit3A, %eq3A : i32
    %jit3A_2 = arith.constant 1 : i32
    %select_n3A = arith.select %eq3A_1, %jit3A_2, %jit3A : i32
    %rem3A = arith.remsi %add3A, %select_n3A : i32
    %ne3A = arith.constant 0 : i32
    %ne3A_3 = arith.cmpi ne, %rem3A, %ne3A : i32
    %lt3A = arith.constant 0 : i32
    %lt3A_4 = arith.cmpi slt, %rem3A, %lt3A : i32
    %lt3A_5 = arith.constant 0 : i32
    %lt3A_6 = arith.cmpi slt, %select_n3A, %lt3A_5 : i32
    %ne3A_7 = arith.xori %lt3A_4, %lt3A_6 : i1
    %and3A = arith.andi %ne3A_7, %ne3A_3 : i1
    %add3A_8 = arith.addi %rem3A, %select_n3A : i32
    %select_n3A_9 = arith.select %and3A, %add3A_8, %rem3A : i32
    %jit3A_10 = arith.constant 8 : i32
    %div3A = arith.divsi %add3A, %jit3A_10 : i32
    %sign3A = arith.constant 0 : i32
    %sign3A_11 = arith.cmpi sgt, %add3A, %sign3A : i32
    %sign3A_12 = arith.extui %sign3A_11 : i1 to i32
    %sign3A_13 = arith.constant 0 : i32
    %sign3A_14 = arith.cmpi slt, %add3A, %sign3A_13 : i32
    %sign3A_15 = arith.extui %sign3A_14 : i1 to i32
    %sign3A_16 = arith.subi %sign3A_12, %sign3A_15 : i32
    %sign3A_17 = arith.constant 0 : i32
    %sign3A_18 = arith.cmpi sgt, %jit3A_10, %sign3A_17 : i32
    %sign3A_19 = arith.extui %sign3A_18 : i1 to i32
    %sign3A_20 = arith.constant 0 : i32
    %sign3A_21 = arith.cmpi slt, %jit3A_10, %sign3A_20 : i32
    %sign3A_22 = arith.extui %sign3A_21 : i1 to i32
    %sign3A_23 = arith.subi %sign3A_19, %sign3A_22 : i32
    %ne3A_24 = arith.cmpi ne, %sign3A_16, %sign3A_23 : i32
    %rem3A_25 = arith.remsi %add3A, %jit3A_10 : i32
    %ne3A_26 = arith.constant 0 : i32
    %ne3A_27 = arith.cmpi ne, %rem3A_25, %ne3A_26 : i32
    %and3A_28 = arith.andi %ne3A_24, %ne3A_27 : i1
    %sub3A = arith.constant 1 : i32
    %sub3A_29 = arith.subi %div3A, %sub3A : i32
    %select_n3A_30 = arith.select %and3A_28, %sub3A_29, %div3A : i32
    %mul3A_31 = arith.constant 512 : i32
    %mul3A_32 = arith.muli %select_n3A_30, %mul3A_31 : i32
    %mul3A_33 = arith.constant 2048 : i32
    %mul3A_34 = arith.muli %select_n3A_9, %mul3A_33 : i32
    %add3A_35 = arith.addi %mul3A_34, %mul3A_32 : i32
    %mul3A_36 = arith.constant 2048 : i32
    %mul3A_37 = arith.muli %select_n3A_9, %mul3A_36 : i32
    %add3A_38 = arith.addi %mul3A_37, %mul3A_32 : i32
    %dma_start3A = arith.constant 0 : i32
    %dma_start3A_39 = tpu.memref_slice %arg7[%dma_start3A] : memref<528xf32, #tpu.memory_space<vmem>> -> memref<512xf32, #tpu.memory_space<vmem>>
    %dma_start3A_40 = tpu.memref_slice %arg3[%add3A_38] : memref<16384xf32, #tpu.memory_space<hbm>> -> memref<512xf32, #tpu.memory_space<hbm>>
    %dma_start3A_41 = arith.constant 0 : i32
    %dma_start3A_42 = tpu.memref_slice %arg7[%dma_start3A_41] : memref<528xf32, #tpu.memory_space<vmem>> -> memref<512xf32, #tpu.memory_space<vmem>>
    %dma_start3A_43 = tpu.memref_slice %arg3[%add3A_38] : memref<16384xf32, #tpu.memory_space<hbm>> -> memref<512xf32, #tpu.memory_space<hbm>>
    tpu.enqueue_dma source(%dma_start3A_43 : memref<512xf32, #tpu.memory_space<hbm>>) target(%dma_start3A_42 : memref<512xf32, #tpu.memory_space<vmem>>) target_semaphore(%arg27 : memref<!tpu.dma_semaphore, #tpu.memory_space<semaphore_mem>>)
    %mul3A_44 = arith.constant 2048 : i32
    %mul3A_45 = arith.muli %select_n3A_9, %mul3A_44 : i32
    "tpu.region"() ({
      %run_scoped3A = tpu.sem_alloc : memref<!tpu.dma_semaphore, #tpu.memory_space<semaphore_mem>>
      %dma_start3A_403 = arith.constant 16 : i32
      %dma_start3A_404 = tpu.memref_slice %arg6[%dma_start3A_403] : memref<2064xi32, #tpu.memory_space<vmem>> -> memref<2048xi32, #tpu.memory_space<vmem>>
      %dma_start3A_405 = tpu.memref_slice %arg4[%mul3A_45] : memref<16384xi32, #tpu.memory_space<hbm>> -> memref<2048xi32, #tpu.memory_space<hbm>>
      %dma_start3A_406 = arith.constant 16 : i32
      %dma_start3A_407 = tpu.memref_slice %arg6[%dma_start3A_406] : memref<2064xi32, #tpu.memory_space<vmem>> -> memref<2048xi32, #tpu.memory_space<vmem>>
      %dma_start3A_408 = tpu.memref_slice %arg4[%mul3A_45] : memref<16384xi32, #tpu.memory_space<hbm>> -> memref<2048xi32, #tpu.memory_space<hbm>>
      tpu.enqueue_dma source(%dma_start3A_408 : memref<2048xi32, #tpu.memory_space<hbm>>) target(%dma_start3A_407 : memref<2048xi32, #tpu.memory_space<vmem>>) target_semaphore(%run_scoped3A : memref<!tpu.dma_semaphore, #tpu.memory_space<semaphore_mem>>)
      %dma_wait3A_409 = arith.constant 16 : i32
      %dma_wait3A_410 = tpu.memref_slice %arg6[%dma_wait3A_409] : memref<2064xi32, #tpu.memory_space<vmem>> -> memref<2048xi32, #tpu.memory_space<vmem>>
      %dma_wait3A_411 = tpu.memref_slice %arg4[%mul3A_45] : memref<16384xi32, #tpu.memory_space<hbm>> -> memref<2048xi32, #tpu.memory_space<hbm>>
      %dma_wait3A_412 = arith.constant 16 : i32
      %dma_wait3A_413 = tpu.memref_slice %arg6[%dma_wait3A_412] : memref<2064xi32, #tpu.memory_space<vmem>> -> memref<2048xi32, #tpu.memory_space<vmem>>
      %dma_wait3A_414 = tpu.memref_slice %arg4[%mul3A_45] : memref<16384xi32, #tpu.memory_space<hbm>> -> memref<2048xi32, #tpu.memory_space<hbm>>
      tpu.wait_dma2 semaphore(%run_scoped3A : memref<!tpu.dma_semaphore, #tpu.memory_space<semaphore_mem>>) src(%dma_wait3A_414 : memref<2048xi32, #tpu.memory_space<hbm>>) dst(%dma_wait3A_413 : memref<2048xi32, #tpu.memory_space<vmem>>)
      tpu.yield
    }) : () -> ()
    %mul3A_46 = arith.constant 1024 : i32
    %mul3A_47 = arith.muli %select_n3A_9, %mul3A_46 : i32
    %broadcast_in_dim3A = arith.constant 0 : i32
    %broadcast_in_dim3A_48 = vector.broadcast %broadcast_in_dim3A : i32 to vector<16xi32>
    %swap3A = arith.constant 0 : index
    %swap3A_49 = tpu.vector_load %arg6[%swap3A] {strides = array<i32>} : memref<2064xi32, #tpu.memory_space<vmem>>, vector<16xi32>,
    %swap3A_50 = vector.shape_cast %swap3A_49 : vector<16xi32> to vector<16xi32>
    %swap3A_51 = vector.shape_cast %broadcast_in_dim3A_48 : vector<16xi32> to vector<16xi32>
    tpu.vector_store %arg6[%swap3A], %swap3A_51 {strides = array<i32>} : memref<2064xi32, #tpu.memory_space<vmem>>, vector<16xi32>,
    %swap3A_52 = arith.constant 0 : index
    %swap3A_53 = tpu.vector_load %arg8[%swap3A_52] {strides = array<i32>} : memref<544xi32, #tpu.memory_space<vmem>>, vector<16xi32>,
    %swap3A_54 = vector.shape_cast %swap3A_53 : vector<16xi32> to vector<16xi32>
    %swap3A_55 = vector.shape_cast %broadcast_in_dim3A_48 : vector<16xi32> to vector<16xi32>
    tpu.vector_store %arg8[%swap3A_52], %swap3A_55 {strides = array<i32>} : memref<544xi32, #tpu.memory_space<vmem>>, vector<16xi32>,
    %scan3A = arith.constant 0 : i32
    %scan3A_56 = arith.constant 0 : i32
    %scan3A_57 = arith.constant 32 : i32
    %scan3A_58 = arith.addi %scan3A_56, %scan3A_57 : i32
    %scan3A_59 = arith.constant 1 : i32
    scf.for %scan3A_403 = %scan3A_56 to %scan3A_58 step %scan3A_59  : i32 {
      %add3A_404 = arith.constant 15 : i32
      %add3A_405 = arith.addi %add3A_404, %mul3A_32 : i32
      %mul3A_406 = arith.constant 16 : i32
      %mul3A_407 = arith.muli %scan3A_403, %mul3A_406 : i32
      %add3A_408 = arith.addi %add3A_405, %mul3A_407 : i32
      %get3A_409 = arith.index_cast %add3A_408 : i32 to index
      %get3A_410 = tpu.vector_load %arg6[%get3A_409] {strides = array<i32>} : memref<2064xi32, #tpu.memory_space<vmem>>, vector<16xi32>,
      %get3A_411 = vector.shape_cast %get3A_410 : vector<16xi32> to vector<16xi32>
      %mul3A_412 = arith.constant 16 : i32
      %mul3A_413 = arith.muli %scan3A_403, %mul3A_412 : i32
      %add3A_414 = arith.constant 16 : i32
      %add3A_415 = arith.addi %add3A_414, %mul3A_413 : i32
      %swap3A_416 = arith.index_cast %add3A_415 : i32 to index
      %swap3A_417 = tpu.vector_load %arg8[%swap3A_416] {strides = array<i32>} : memref<544xi32, #tpu.memory_space<vmem>>, vector<16xi32>,
      %swap3A_418 = vector.shape_cast %swap3A_417 : vector<16xi32> to vector<16xi32>
      %swap3A_419 = vector.shape_cast %get3A_411 : vector<16xi32> to vector<16xi32>
      tpu.vector_store %arg8[%swap3A_416], %swap3A_419 {strides = array<i32>} : memref<544xi32, #tpu.memory_space<vmem>>, vector<16xi32>,
    }
    %scan3A_60 = arith.constant 32 : i32
    %scan3A_61 = arith.constant 0 : i32
    %scan3A_62 = arith.constant 0 : i32
    %scan3A_63 = arith.constant 32 : i32
    %scan3A_64 = arith.addi %scan3A_62, %scan3A_63 : i32
    %scan3A_65 = arith.constant 1 : i32
    scf.for %scan3A_403 = %scan3A_62 to %scan3A_64 step %scan3A_65  : i32 {
      %sub3A_404 = arith.constant 31 : i32
      %sub3A_405 = arith.subi %sub3A_404, %scan3A_403 : i32
      %mul3A_406 = arith.constant 16 : i32
      %mul3A_407 = arith.muli %sub3A_405, %mul3A_406 : i32
      %add3A_408 = arith.constant 16 : i32
      %add3A_409 = arith.addi %add3A_408, %mul3A_407 : i32
      %get3A_410 = arith.index_cast %add3A_409 : i32 to index
      %get3A_411 = tpu.vector_load %arg8[%get3A_410] {strides = array<i32>} : memref<544xi32, #tpu.memory_space<vmem>>, vector<16xi32>,
      %get3A_412 = vector.shape_cast %get3A_411 : vector<16xi32> to vector<16xi32>
      %sub3A_413 = arith.constant 1 : i32
      %sub3A_414 = arith.subi %add3A_409, %sub3A_413 : i32
      %get3A_415 = arith.index_cast %sub3A_414 : i32 to index
      %get3A_416 = tpu.vector_load %arg8[%get3A_415] {strides = array<i32>} : memref<544xi32, #tpu.memory_space<vmem>>, vector<16xi32>,
      %get3A_417 = vector.shape_cast %get3A_416 : vector<16xi32> to vector<16xi32>
      %add3A_418 = arith.addi %get3A_412, %get3A_417 : vector<16xi32>
      %swap3A_419 = arith.index_cast %add3A_409 : i32 to index
      %swap3A_420 = tpu.vector_load %arg8[%swap3A_419] {strides = array<i32>} : memref<544xi32, #tpu.memory_space<vmem>>, vector<16xi32>,
      %swap3A_421 = vector.shape_cast %swap3A_420 : vector<16xi32> to vector<16xi32>
      %swap3A_422 = vector.shape_cast %add3A_418 : vector<16xi32> to vector<16xi32>
      tpu.vector_store %arg8[%swap3A_419], %swap3A_422 {strides = array<i32>} : memref<544xi32, #tpu.memory_space<vmem>>, vector<16xi32>,
    }
    %scan3A_66 = arith.constant 32 : i32
    %scan3A_67 = arith.constant 0 : i32
    %scan3A_68 = arith.constant 0 : i32
    %scan3A_69 = arith.constant 32 : i32
    %scan3A_70 = arith.addi %scan3A_68, %scan3A_69 : i32
    %scan3A_71 = arith.constant 1 : i32
    scf.for %scan3A_403 = %scan3A_68 to %scan3A_70 step %scan3A_71  : i32 {
      %sub3A_404 = arith.constant 31 : i32
      %sub3A_405 = arith.subi %sub3A_404, %scan3A_403 : i32
      %mul3A_406 = arith.constant 16 : i32
      %mul3A_407 = arith.muli %sub3A_405, %mul3A_406 : i32
      %add3A_408 = arith.constant 16 : i32
      %add3A_409 = arith.addi %add3A_408, %mul3A_407 : i32
      %get3A_410 = arith.index_cast %add3A_409 : i32 to index
      %get3A_411 = tpu.vector_load %arg8[%get3A_410] {strides = array<i32>} : memref<544xi32, #tpu.memory_space<vmem>>, vector<16xi32>,
      %get3A_412 = vector.shape_cast %get3A_411 : vector<16xi32> to vector<16xi32>
      %sub3A_413 = arith.constant 2 : i32
      %sub3A_414 = arith.subi %add3A_409, %sub3A_413 : i32
      %get3A_415 = arith.index_cast %sub3A_414 : i32 to index
      %get3A_416 = tpu.vector_load %arg8[%get3A_415] {strides = array<i32>} : memref<544xi32, #tpu.memory_space<vmem>>, vector<16xi32>,
      %get3A_417 = vector.shape_cast %get3A_416 : vector<16xi32> to vector<16xi32>
      %add3A_418 = arith.addi %get3A_412, %get3A_417 : vector<16xi32>
      %swap3A_419 = arith.index_cast %add3A_409 : i32 to index
      %swap3A_420 = tpu.vector_load %arg8[%swap3A_419] {strides = array<i32>} : memref<544xi32, #tpu.memory_space<vmem>>, vector<16xi32>,
      %swap3A_421 = vector.shape_cast %swap3A_420 : vector<16xi32> to vector<16xi32>
      %swap3A_422 = vector.shape_cast %add3A_418 : vector<16xi32> to vector<16xi32>
      tpu.vector_store %arg8[%swap3A_419], %swap3A_422 {strides = array<i32>} : memref<544xi32, #tpu.memory_space<vmem>>, vector<16xi32>,
    }
    %scan3A_72 = arith.constant 32 : i32
    %scan3A_73 = arith.constant 0 : i32
    %scan3A_74 = arith.constant 0 : i32
    %scan3A_75 = arith.constant 32 : i32
    %scan3A_76 = arith.addi %scan3A_74, %scan3A_75 : i32
    %scan3A_77 = arith.constant 1 : i32
    scf.for %scan3A_403 = %scan3A_74 to %scan3A_76 step %scan3A_77  : i32 {
      %sub3A_404 = arith.constant 31 : i32
      %sub3A_405 = arith.subi %sub3A_404, %scan3A_403 : i32
      %mul3A_406 = arith.constant 16 : i32
      %mul3A_407 = arith.muli %sub3A_405, %mul3A_406 : i32
      %add3A_408 = arith.constant 16 : i32
      %add3A_409 = arith.addi %add3A_408, %mul3A_407 : i32
      %get3A_410 = arith.index_cast %add3A_409 : i32 to index
      %get3A_411 = tpu.vector_load %arg8[%get3A_410] {strides = array<i32>} : memref<544xi32, #tpu.memory_space<vmem>>, vector<16xi32>,
      %get3A_412 = vector.shape_cast %get3A_411 : vector<16xi32> to vector<16xi32>
      %sub3A_413 = arith.constant 4 : i32
      %sub3A_414 = arith.subi %add3A_409, %sub3A_413 : i32
      %get3A_415 = arith.index_cast %sub3A_414 : i32 to index
      %get3A_416 = tpu.vector_load %arg8[%get3A_415] {strides = array<i32>} : memref<544xi32, #tpu.memory_space<vmem>>, vector<16xi32>,
      %get3A_417 = vector.shape_cast %get3A_416 : vector<16xi32> to vector<16xi32>
      %add3A_418 = arith.addi %get3A_412, %get3A_417 : vector<16xi32>
      %swap3A_419 = arith.index_cast %add3A_409 : i32 to index
      %swap3A_420 = tpu.vector_load %arg8[%swap3A_419] {strides = array<i32>} : memref<544xi32, #tpu.memory_space<vmem>>, vector<16xi32>,
      %swap3A_421 = vector.shape_cast %swap3A_420 : vector<16xi32> to vector<16xi32>
      %swap3A_422 = vector.shape_cast %add3A_418 : vector<16xi32> to vector<16xi32>
      tpu.vector_store %arg8[%swap3A_419], %swap3A_422 {strides = array<i32>} : memref<544xi32, #tpu.memory_space<vmem>>, vector<16xi32>,
    }
    %scan3A_78 = arith.constant 32 : i32
    %scan3A_79 = arith.constant 0 : i32
    %scan3A_80 = arith.constant 0 : i32
    %scan3A_81 = arith.constant 32 : i32
    %scan3A_82 = arith.addi %scan3A_80, %scan3A_81 : i32
    %scan3A_83 = arith.constant 1 : i32
    scf.for %scan3A_403 = %scan3A_80 to %scan3A_82 step %scan3A_83  : i32 {
      %sub3A_404 = arith.constant 31 : i32
      %sub3A_405 = arith.subi %sub3A_404, %scan3A_403 : i32
      %mul3A_406 = arith.constant 16 : i32
      %mul3A_407 = arith.muli %sub3A_405, %mul3A_406 : i32
      %add3A_408 = arith.constant 16 : i32
      %add3A_409 = arith.addi %add3A_408, %mul3A_407 : i32
      %get3A_410 = arith.index_cast %add3A_409 : i32 to index
      %get3A_411 = tpu.vector_load %arg8[%get3A_410] {strides = array<i32>} : memref<544xi32, #tpu.memory_space<vmem>>, vector<16xi32>,
      %get3A_412 = vector.shape_cast %get3A_411 : vector<16xi32> to vector<16xi32>
      %sub3A_413 = arith.constant 8 : i32
      %sub3A_414 = arith.subi %add3A_409, %sub3A_413 : i32
      %get3A_415 = arith.index_cast %sub3A_414 : i32 to index
      %get3A_416 = tpu.vector_load %arg8[%get3A_415] {strides = array<i32>} : memref<544xi32, #tpu.memory_space<vmem>>, vector<16xi32>,
      %get3A_417 = vector.shape_cast %get3A_416 : vector<16xi32> to vector<16xi32>
      %add3A_418 = arith.addi %get3A_412, %get3A_417 : vector<16xi32>
      %swap3A_419 = arith.index_cast %add3A_409 : i32 to index
      %swap3A_420 = tpu.vector_load %arg8[%swap3A_419] {strides = array<i32>} : memref<544xi32, #tpu.memory_space<vmem>>, vector<16xi32>,
      %swap3A_421 = vector.shape_cast %swap3A_420 : vector<16xi32> to vector<16xi32>
      %swap3A_422 = vector.shape_cast %add3A_418 : vector<16xi32> to vector<16xi32>
      tpu.vector_store %arg8[%swap3A_419], %swap3A_422 {strides = array<i32>} : memref<544xi32, #tpu.memory_space<vmem>>, vector<16xi32>,
    }
    %scan3A_84 = arith.constant 32 : i32
    %scan3A_85 = arith.constant 0 : i32
    %scan3A_86 = arith.constant 0 : i32
    %scan3A_87 = arith.constant 31 : i32
    %scan3A_88 = arith.addi %scan3A_86, %scan3A_87 : i32
    %scan3A_89 = arith.constant 1 : i32
    scf.for %scan3A_403 = %scan3A_86 to %scan3A_88 step %scan3A_89  : i32 {
      %sub3A_404 = arith.constant 31 : i32
      %sub3A_405 = arith.subi %sub3A_404, %scan3A_403 : i32
      %mul3A_406 = arith.constant 16 : i32
      %mul3A_407 = arith.muli %sub3A_405, %mul3A_406 : i32
      %add3A_408 = arith.constant 16 : i32
      %add3A_409 = arith.addi %add3A_408, %mul3A_407 : i32
      %get3A_410 = arith.index_cast %add3A_409 : i32 to index
      %get3A_411 = tpu.vector_load %arg8[%get3A_410] {strides = array<i32>} : memref<544xi32, #tpu.memory_space<vmem>>, vector<16xi32>,
      %get3A_412 = vector.shape_cast %get3A_411 : vector<16xi32> to vector<16xi32>
      %sub3A_413 = arith.constant 16 : i32
      %sub3A_414 = arith.subi %add3A_409, %sub3A_413 : i32
      %get3A_415 = arith.index_cast %sub3A_414 : i32 to index
      %get3A_416 = tpu.vector_load %arg8[%get3A_415] {strides = array<i32>} : memref<544xi32, #tpu.memory_space<vmem>>, vector<16xi32>,
      %get3A_417 = vector.shape_cast %get3A_416 : vector<16xi32> to vector<16xi32>
      %add3A_418 = arith.addi %get3A_412, %get3A_417 : vector<16xi32>
      %swap3A_419 = arith.index_cast %add3A_409 : i32 to index
      %swap3A_420 = tpu.vector_load %arg8[%swap3A_419] {strides = array<i32>} : memref<544xi32, #tpu.memory_space<vmem>>, vector<16xi32>,
      %swap3A_421 = vector.shape_cast %swap3A_420 : vector<16xi32> to vector<16xi32>
      %swap3A_422 = vector.shape_cast %add3A_418 : vector<16xi32> to vector<16xi32>
      tpu.vector_store %arg8[%swap3A_419], %swap3A_422 {strides = array<i32>} : memref<544xi32, #tpu.memory_space<vmem>>, vector<16xi32>,
    }
    %scan3A_90 = arith.constant 31 : i32
    %scan3A_91 = arith.constant 0 : i32
    %scan3A_92 = arith.constant 0 : i32
    %scan3A_93 = arith.constant 30 : i32
    %scan3A_94 = arith.addi %scan3A_92, %scan3A_93 : i32
    %scan3A_95 = arith.constant 1 : i32
    scf.for %scan3A_403 = %scan3A_92 to %scan3A_94 step %scan3A_95  : i32 {
      %sub3A_404 = arith.constant 31 : i32
      %sub3A_405 = arith.subi %sub3A_404, %scan3A_403 : i32
      %mul3A_406 = arith.constant 16 : i32
      %mul3A_407 = arith.muli %sub3A_405, %mul3A_406 : i32
      %add3A_408 = arith.constant 16 : i32
      %add3A_409 = arith.addi %add3A_408, %mul3A_407 : i32
      %get3A_410 = arith.index_cast %add3A_409 : i32 to index
      %get3A_411 = tpu.vector_load %arg8[%get3A_410] {strides = array<i32>} : memref<544xi32, #tpu.memory_space<vmem>>, vector<16xi32>,
      %get3A_412 = vector.shape_cast %get3A_411 : vector<16xi32> to vector<16xi32>
      %sub3A_413 = arith.constant 32 : i32
      %sub3A_414 = arith.subi %add3A_409, %sub3A_413 : i32
      %get3A_415 = arith.index_cast %sub3A_414 : i32 to index
      %get3A_416 = tpu.vector_load %arg8[%get3A_415] {strides = array<i32>} : memref<544xi32, #tpu.memory_space<vmem>>, vector<16xi32>,
      %get3A_417 = vector.shape_cast %get3A_416 : vector<16xi32> to vector<16xi32>
      %add3A_418 = arith.addi %get3A_412, %get3A_417 : vector<16xi32>
      %swap3A_419 = arith.index_cast %add3A_409 : i32 to index
      %swap3A_420 = tpu.vector_load %arg8[%swap3A_419] {strides = array<i32>} : memref<544xi32, #tpu.memory_space<vmem>>, vector<16xi32>,
      %swap3A_421 = vector.shape_cast %swap3A_420 : vector<16xi32> to vector<16xi32>
      %swap3A_422 = vector.shape_cast %add3A_418 : vector<16xi32> to vector<16xi32>
      tpu.vector_store %arg8[%swap3A_419], %swap3A_422 {strides = array<i32>} : memref<544xi32, #tpu.memory_space<vmem>>, vector<16xi32>,
    }
    %scan3A_96 = arith.constant 30 : i32
    %scan3A_97 = arith.constant 0 : i32
    %scan3A_98 = arith.constant 0 : i32
    %scan3A_99 = arith.constant 28 : i32
    %scan3A_100 = arith.addi %scan3A_98, %scan3A_99 : i32
    %scan3A_101 = arith.constant 1 : i32
    scf.for %scan3A_403 = %scan3A_98 to %scan3A_100 step %scan3A_101  : i32 {
      %sub3A_404 = arith.constant 31 : i32
      %sub3A_405 = arith.subi %sub3A_404, %scan3A_403 : i32
      %mul3A_406 = arith.constant 16 : i32
      %mul3A_407 = arith.muli %sub3A_405, %mul3A_406 : i32
      %add3A_408 = arith.constant 16 : i32
      %add3A_409 = arith.addi %add3A_408, %mul3A_407 : i32
      %get3A_410 = arith.index_cast %add3A_409 : i32 to index
      %get3A_411 = tpu.vector_load %arg8[%get3A_410] {strides = array<i32>} : memref<544xi32, #tpu.memory_space<vmem>>, vector<16xi32>,
      %get3A_412 = vector.shape_cast %get3A_411 : vector<16xi32> to vector<16xi32>
      %sub3A_413 = arith.constant 64 : i32
      %sub3A_414 = arith.subi %add3A_409, %sub3A_413 : i32
      %get3A_415 = arith.index_cast %sub3A_414 : i32 to index
      %get3A_416 = tpu.vector_load %arg8[%get3A_415] {strides = array<i32>} : memref<544xi32, #tpu.memory_space<vmem>>, vector<16xi32>,
      %get3A_417 = vector.shape_cast %get3A_416 : vector<16xi32> to vector<16xi32>
      %add3A_418 = arith.addi %get3A_412, %get3A_417 : vector<16xi32>
      %swap3A_419 = arith.index_cast %add3A_409 : i32 to index
      %swap3A_420 = tpu.vector_load %arg8[%swap3A_419] {strides = array<i32>} : memref<544xi32, #tpu.memory_space<vmem>>, vector<16xi32>,
      %swap3A_421 = vector.shape_cast %swap3A_420 : vector<16xi32> to vector<16xi32>
      %swap3A_422 = vector.shape_cast %add3A_418 : vector<16xi32> to vector<16xi32>
      tpu.vector_store %arg8[%swap3A_419], %swap3A_422 {strides = array<i32>} : memref<544xi32, #tpu.memory_space<vmem>>, vector<16xi32>,
    }
    %scan3A_102 = arith.constant 28 : i32
    %scan3A_103 = arith.constant 0 : i32
    %scan3A_104 = arith.constant 0 : i32
    %scan3A_105 = arith.constant 24 : i32
    %scan3A_106 = arith.addi %scan3A_104, %scan3A_105 : i32
    %scan3A_107 = arith.constant 1 : i32
    scf.for %scan3A_403 = %scan3A_104 to %scan3A_106 step %scan3A_107  : i32 {
      %sub3A_404 = arith.constant 31 : i32
      %sub3A_405 = arith.subi %sub3A_404, %scan3A_403 : i32
      %mul3A_406 = arith.constant 16 : i32
      %mul3A_407 = arith.muli %sub3A_405, %mul3A_406 : i32
      %add3A_408 = arith.constant 16 : i32
      %add3A_409 = arith.addi %add3A_408, %mul3A_407 : i32
      %get3A_410 = arith.index_cast %add3A_409 : i32 to index
      %get3A_411 = tpu.vector_load %arg8[%get3A_410] {strides = array<i32>} : memref<544xi32, #tpu.memory_space<vmem>>, vector<16xi32>,
      %get3A_412 = vector.shape_cast %get3A_411 : vector<16xi32> to vector<16xi32>
      %sub3A_413 = arith.constant 128 : i32
      %sub3A_414 = arith.subi %add3A_409, %sub3A_413 : i32
      %get3A_415 = arith.index_cast %sub3A_414 : i32 to index
      %get3A_416 = tpu.vector_load %arg8[%get3A_415] {strides = array<i32>} : memref<544xi32, #tpu.memory_space<vmem>>, vector<16xi32>,
      %get3A_417 = vector.shape_cast %get3A_416 : vector<16xi32> to vector<16xi32>
      %add3A_418 = arith.addi %get3A_412, %get3A_417 : vector<16xi32>
      %swap3A_419 = arith.index_cast %add3A_409 : i32 to index
      %swap3A_420 = tpu.vector_load %arg8[%swap3A_419] {strides = array<i32>} : memref<544xi32, #tpu.memory_space<vmem>>, vector<16xi32>,
      %swap3A_421 = vector.shape_cast %swap3A_420 : vector<16xi32> to vector<16xi32>
      %swap3A_422 = vector.shape_cast %add3A_418 : vector<16xi32> to vector<16xi32>
      tpu.vector_store %arg8[%swap3A_419], %swap3A_422 {strides = array<i32>} : memref<544xi32, #tpu.memory_space<vmem>>, vector<16xi32>,
    }
    %scan3A_108 = arith.constant 24 : i32
    %scan3A_109 = arith.constant 0 : i32
    %scan3A_110 = arith.constant 0 : i32
    %scan3A_111 = arith.constant 16 : i32
    %scan3A_112 = arith.addi %scan3A_110, %scan3A_111 : i32
    %scan3A_113 = arith.constant 1 : i32
    scf.for %scan3A_403 = %scan3A_110 to %scan3A_112 step %scan3A_113  : i32 {
      %sub3A_404 = arith.constant 31 : i32
      %sub3A_405 = arith.subi %sub3A_404, %scan3A_403 : i32
      %mul3A_406 = arith.constant 16 : i32
      %mul3A_407 = arith.muli %sub3A_405, %mul3A_406 : i32
      %add3A_408 = arith.constant 16 : i32
      %add3A_409 = arith.addi %add3A_408, %mul3A_407 : i32
      %get3A_410 = arith.index_cast %add3A_409 : i32 to index
      %get3A_411 = tpu.vector_load %arg8[%get3A_410] {strides = array<i32>} : memref<544xi32, #tpu.memory_space<vmem>>, vector<16xi32>,
      %get3A_412 = vector.shape_cast %get3A_411 : vector<16xi32> to vector<16xi32>
      %sub3A_413 = arith.constant 256 : i32
      %sub3A_414 = arith.subi %add3A_409, %sub3A_413 : i32
      %get3A_415 = arith.index_cast %sub3A_414 : i32 to index
      %get3A_416 = tpu.vector_load %arg8[%get3A_415] {strides = array<i32>} : memref<544xi32, #tpu.memory_space<vmem>>, vector<16xi32>,
      %get3A_417 = vector.shape_cast %get3A_416 : vector<16xi32> to vector<16xi32>
      %add3A_418 = arith.addi %get3A_412, %get3A_417 : vector<16xi32>
      %swap3A_419 = arith.index_cast %add3A_409 : i32 to index
      %swap3A_420 = tpu.vector_load %arg8[%swap3A_419] {strides = array<i32>} : memref<544xi32, #tpu.memory_space<vmem>>, vector<16xi32>,
      %swap3A_421 = vector.shape_cast %swap3A_420 : vector<16xi32> to vector<16xi32>
      %swap3A_422 = vector.shape_cast %add3A_418 : vector<16xi32> to vector<16xi32>
      tpu.vector_store %arg8[%swap3A_419], %swap3A_422 {strides = array<i32>} : memref<544xi32, #tpu.memory_space<vmem>>, vector<16xi32>,
    }
    %scan3A_114 = arith.constant 16 : i32
    "tpu.region"() ({
      %run_scoped3A = tpu.sem_alloc : memref<!tpu.dma_semaphore, #tpu.memory_space<semaphore_mem>>
      %dma_start3A_403 = arith.constant 512 : i32
      %dma_start3A_404 = tpu.memref_slice %arg8[%dma_start3A_403] : memref<544xi32, #tpu.memory_space<vmem>> -> memref<16xi32, #tpu.memory_space<vmem>>
      %dma_start3A_405 = arith.constant 0 : i32
      %dma_start3A_406 = tpu.memref_slice %arg12[%arg1, %dma_start3A_405] : memref<16x16xi32, #tpu.memory_space<vmem_shared>> -> memref<1x16xi32, #tpu.memory_space<vmem_shared>>
      %dma_start3A_407 = tpu.memref_squeeze %dma_start3A_406 : memref<1x16xi32, #tpu.memory_space<vmem_shared>> -> memref<16xi32, #tpu.memory_space<vmem_shared>>
      %dma_start3A_408 = arith.constant 0 : i32
      %dma_start3A_409 = tpu.memref_slice %arg12[%arg1, %dma_start3A_408] : memref<16x16xi32, #tpu.memory_space<vmem_shared>> -> memref<1x16xi32, #tpu.memory_space<vmem_shared>>
      %dma_start3A_410 = tpu.memref_squeeze %dma_start3A_409 : memref<1x16xi32, #tpu.memory_space<vmem_shared>> -> memref<16xi32, #tpu.memory_space<vmem_shared>>
      %dma_start3A_411 = arith.constant 512 : i32
      %dma_start3A_412 = tpu.memref_slice %arg8[%dma_start3A_411] : memref<544xi32, #tpu.memory_space<vmem>> -> memref<16xi32, #tpu.memory_space<vmem>>
      tpu.enqueue_dma source(%dma_start3A_412 : memref<16xi32, #tpu.memory_space<vmem>>) target(%dma_start3A_410 : memref<16xi32, #tpu.memory_space<vmem_shared>>) target_semaphore(%run_scoped3A : memref<!tpu.dma_semaphore, #tpu.memory_space<semaphore_mem>>)
      %dma_wait3A_413 = arith.constant 512 : i32
      %dma_wait3A_414 = tpu.memref_slice %arg8[%dma_wait3A_413] : memref<544xi32, #tpu.memory_space<vmem>> -> memref<16xi32, #tpu.memory_space<vmem>>
      %dma_wait3A_415 = arith.constant 0 : i32
      %dma_wait3A_416 = tpu.memref_slice %arg12[%arg1, %dma_wait3A_415] : memref<16x16xi32, #tpu.memory_space<vmem_shared>> -> memref<1x16xi32, #tpu.memory_space<vmem_shared>>
      %dma_wait3A_417 = tpu.memref_squeeze %dma_wait3A_416 : memref<1x16xi32, #tpu.memory_space<vmem_shared>> -> memref<16xi32, #tpu.memory_space<vmem_shared>>
      %dma_wait3A_418 = arith.constant 0 : i32
      %dma_wait3A_419 = tpu.memref_slice %arg12[%arg1, %dma_wait3A_418] : memref<16x16xi32, #tpu.memory_space<vmem_shared>> -> memref<1x16xi32, #tpu.memory_space<vmem_shared>>
      %dma_wait3A_420 = tpu.memref_squeeze %dma_wait3A_419 : memref<1x16xi32, #tpu.memory_space<vmem_shared>> -> memref<16xi32, #tpu.memory_space<vmem_shared>>
      %dma_wait3A_421 = arith.constant 512 : i32
      %dma_wait3A_422 = tpu.memref_slice %arg8[%dma_wait3A_421] : memref<544xi32, #tpu.memory_space<vmem>> -> memref<16xi32, #tpu.memory_space<vmem>>
      tpu.wait_dma2 semaphore(%run_scoped3A : memref<!tpu.dma_semaphore, #tpu.memory_space<semaphore_mem>>) src(%dma_wait3A_422 : memref<16xi32, #tpu.memory_space<vmem>>) dst(%dma_wait3A_420 : memref<16xi32, #tpu.memory_space<vmem_shared>>)
      tpu.yield
    }) : () -> ()
    %barrier3A = arith.constant 0 : index
    tpu.barrier barrier_id(%barrier3A)
    "tpu.region"() ({
      %run_scoped3A = tpu.sem_alloc : memref<!tpu.dma_semaphore, #tpu.memory_space<semaphore_mem>>
      tpu.enqueue_dma source(%arg12 : memref<16x16xi32, #tpu.memory_space<vmem_shared>>) target(%arg11 : memref<16x16xi32, #tpu.memory_space<vmem>>) target_semaphore(%run_scoped3A : memref<!tpu.dma_semaphore, #tpu.memory_space<semaphore_mem>>)
      tpu.wait_dma2 semaphore(%run_scoped3A : memref<!tpu.dma_semaphore, #tpu.memory_space<semaphore_mem>>) src(%arg12 : memref<16x16xi32, #tpu.memory_space<vmem_shared>>) dst(%arg11 : memref<16x16xi32, #tpu.memory_space<vmem>>)
      tpu.yield
    }) : () -> ()
    %sub3A_115 = arith.constant 4 : i32
    %sub3A_116 = arith.subi %arg1, %sub3A_115 : i32
    %max3A = arith.constant 0 : i32
    %max3A_117 = arith.maxsi %sub3A_116, %max3A : i32
    %get3A = arith.index_cast %max3A_117 : i32 to index
    %get3A_118 = arith.constant 0 : index
    %get3A_119 = tpu.vector_load %arg11[%get3A, %get3A_118] {strides = array<i32>} : memref<16x16xi32, #tpu.memory_space<vmem>>, vector<1x16xi32>,
    %get3A_120 = vector.shape_cast %get3A_119 : vector<1x16xi32> to vector<16xi32>
    %slice3A = vector.extract_strided_slice %get3A_120 {offsets = [15], sizes = [1], strides = [1]} : vector<16xi32> to vector<1xi32>
    %squeeze3A = vector.extract %slice3A[0] : i32 from vector<1xi32>
    %ge3A = arith.constant 1 : i32
    %ge3A_121 = arith.cmpi sge, %select_n3A_30, %ge3A : i32
    %jit3A_122 = arith.constant 0 : i32
    %select_n3A_123 = arith.select %ge3A_121, %squeeze3A, %jit3A_122 : i32
    %add3A_124 = arith.constant 0 : i32
    %add3A_125 = arith.addi %add3A_124, %select_n3A_123 : i32
    %sub3A_126 = arith.constant 8 : i32
    %sub3A_127 = arith.subi %arg1, %sub3A_126 : i32
    %max3A_128 = arith.constant 0 : i32
    %max3A_129 = arith.maxsi %sub3A_127, %max3A_128 : i32
    %get3A_130 = arith.index_cast %max3A_129 : i32 to index
    %get3A_131 = arith.constant 0 : index
    %get3A_132 = tpu.vector_load %arg11[%get3A_130, %get3A_131] {strides = array<i32>} : memref<16x16xi32, #tpu.memory_space<vmem>>, vector<1x16xi32>,
    %get3A_133 = vector.shape_cast %get3A_132 : vector<1x16xi32> to vector<16xi32>
    %slice3A_134 = vector.extract_strided_slice %get3A_133 {offsets = [15], sizes = [1], strides = [1]} : vector<16xi32> to vector<1xi32>
    %squeeze3A_135 = vector.extract %slice3A_134[0] : i32 from vector<1xi32>
    %ge3A_136 = arith.constant 2 : i32
    %ge3A_137 = arith.cmpi sge, %select_n3A_30, %ge3A_136 : i32
    %jit3A_138 = arith.constant 0 : i32
    %select_n3A_139 = arith.select %ge3A_137, %squeeze3A_135, %jit3A_138 : i32
    %add3A_140 = arith.addi %add3A_125, %select_n3A_139 : i32
    %sub3A_141 = arith.constant 12 : i32
    %sub3A_142 = arith.subi %arg1, %sub3A_141 : i32
    %max3A_143 = arith.constant 0 : i32
    %max3A_144 = arith.maxsi %sub3A_142, %max3A_143 : i32
    %get3A_145 = arith.index_cast %max3A_144 : i32 to index
    %get3A_146 = arith.constant 0 : index
    %get3A_147 = tpu.vector_load %arg11[%get3A_145, %get3A_146] {strides = array<i32>} : memref<16x16xi32, #tpu.memory_space<vmem>>, vector<1x16xi32>,
    %get3A_148 = vector.shape_cast %get3A_147 : vector<1x16xi32> to vector<16xi32>
    %slice3A_149 = vector.extract_strided_slice %get3A_148 {offsets = [15], sizes = [1], strides = [1]} : vector<16xi32> to vector<1xi32>
    %squeeze3A_150 = vector.extract %slice3A_149[0] : i32 from vector<1xi32>
    %ge3A_151 = arith.constant 3 : i32
    %ge3A_152 = arith.cmpi sge, %select_n3A_30, %ge3A_151 : i32
    %jit3A_153 = arith.constant 0 : i32
    %select_n3A_154 = arith.select %ge3A_152, %squeeze3A_150, %jit3A_153 : i32
    %add3A_155 = arith.addi %add3A_140, %select_n3A_154 : i32
    %get3A_156 = arith.constant 15 : index
    %get3A_157 = tpu.vector_load %arg8[%get3A_156] {strides = array<i32>} : memref<544xi32, #tpu.memory_space<vmem>>, vector<16xi32>,
    %get3A_158 = vector.shape_cast %get3A_157 : vector<16xi32> to vector<16xi32>
    %add3A_159 = vector.broadcast %add3A_155 : i32 to vector<16xi32>
    %add3A_160 = arith.addi %get3A_158, %add3A_159 : vector<16xi32>
    %min3A = arith.constant 1023 : i32
    %min3A_161 = vector.broadcast %min3A : i32 to vector<16xi32>
    %min3A_162 = arith.minsi %add3A_160, %min3A_161 : vector<16xi32>
    %add3A_163 = vector.broadcast %mul3A_47 : i32 to vector<16xi32>
    %add3A_164 = arith.addi %min3A_162, %add3A_163 : vector<16xi32>
    %swap3A_165 = arith.constant 0 : index
    %swap3A_166 = tpu.vector_load %arg10[%swap3A_165] {strides = array<i32>} : memref<16xi32, #tpu.memory_space<vmem>>, vector<16xi32>,
    %swap3A_167 = vector.shape_cast %swap3A_166 : vector<16xi32> to vector<16xi32>
    %swap3A_168 = vector.shape_cast %add3A_164 : vector<16xi32> to vector<16xi32>
    tpu.vector_store %arg10[%swap3A_165], %swap3A_168 {strides = array<i32>} : memref<16xi32, #tpu.memory_space<vmem>>, vector<16xi32>,
    %scan3A_169 = arith.constant 0 : i32
    %scan3A_170 = arith.constant 0 : i32
    %scan3A_171 = arith.constant 32 : i32
    %scan3A_172 = arith.addi %scan3A_170, %scan3A_171 : i32
    %scan3A_173 = arith.constant 1 : i32
    scf.for %scan3A_403 = %scan3A_170 to %scan3A_172 step %scan3A_173  : i32 {
      %mul3A_404 = arith.constant 16 : i32
      %mul3A_405 = arith.muli %scan3A_403, %mul3A_404 : i32
      %add3A_406 = arith.constant 16 : i32
      %add3A_407 = arith.addi %add3A_406, %mul3A_405 : i32
      %get3A_408 = arith.index_cast %add3A_407 : i32 to index
      %get3A_409 = tpu.vector_load %arg8[%get3A_408] {strides = array<i32>} : memref<544xi32, #tpu.memory_space<vmem>>, vector<16xi32>,
      %get3A_410 = vector.shape_cast %get3A_409 : vector<16xi32> to vector<16xi32>
      %add3A_411 = vector.broadcast %add3A_155 : i32 to vector<16xi32>
      %add3A_412 = arith.addi %get3A_410, %add3A_411 : vector<16xi32>
      %min3A_413 = arith.constant 1023 : i32
      %min3A_414 = vector.broadcast %min3A_413 : i32 to vector<16xi32>
      %min3A_415 = arith.minsi %add3A_412, %min3A_414 : vector<16xi32>
      %add3A_416 = vector.broadcast %mul3A_47 : i32 to vector<16xi32>
      %add3A_417 = arith.addi %min3A_415, %add3A_416 : vector<16xi32>
      %add3A_418 = arith.constant 16 : i32
      %add3A_419 = arith.addi %add3A_418, %mul3A_32 : i32
      %add3A_420 = arith.addi %add3A_419, %mul3A_405 : i32
      %swap3A_421 = arith.index_cast %add3A_420 : i32 to index
      %swap3A_422 = tpu.vector_load %arg9[%swap3A_421] {strides = array<i32>} : memref<2080xi32, #tpu.memory_space<vmem>>, vector<16xi32>,
      %swap3A_423 = vector.shape_cast %swap3A_422 : vector<16xi32> to vector<16xi32>
      %swap3A_424 = vector.shape_cast %add3A_417 : vector<16xi32> to vector<16xi32>
      tpu.vector_store %arg9[%swap3A_421], %swap3A_424 {strides = array<i32>} : memref<2080xi32, #tpu.memory_space<vmem>>, vector<16xi32>,
    }
    %scan3A_174 = arith.constant 32 : i32
    %dma_start3A_175 = arith.constant 0 : i32
    %dma_start3A_176 = tpu.memref_slice %arg10[%dma_start3A_175] : memref<16xi32, #tpu.memory_space<vmem>> -> memref<8xi32, #tpu.memory_space<vmem>>
    %dma_start3A_177 = arith.constant 0 : i32
    %dma_start3A_178 = arith.constant 0 : i32
    %dma_start3A_179 = tpu.memref_slice %arg2[%dma_start3A_177, %dma_start3A_178] : memref<8192x512xf32, #tpu.memory_space<hbm>> -> memref<8192x512xf32, #tpu.memory_space<hbm>>
    tpu.enqueue_indirect_dma source(%dma_start3A_179 : memref<8192x512xf32, #tpu.memory_space<hbm>>) target(%arg13 : memref<8x512xf32, #tpu.memory_space<vmem>>) offsets(%dma_start3A_176 : memref<8xi32, #tpu.memory_space<vmem>>) semaphore(%arg26 : memref<!tpu.dma_semaphore, #tpu.memory_space<semaphore_mem>>)
    %add3A_180 = arith.constant 16 : i32
    %add3A_181 = arith.addi %add3A_180, %mul3A_32 : i32
    %add3A_182 = arith.constant 0 : i32
    %add3A_183 = arith.addi %add3A_181, %add3A_182 : i32
    %dma_start3A_184 = tpu.memref_slice %arg9[%add3A_183] : memref<2080xi32, #tpu.memory_space<vmem>> -> memref<32xi32, #tpu.memory_space<vmem>>
    %dma_start3A_185 = arith.constant 0 : i32
    %dma_start3A_186 = arith.constant 0 : i32
    %dma_start3A_187 = tpu.memref_slice %arg2[%dma_start3A_185, %dma_start3A_186] : memref<8192x512xf32, #tpu.memory_space<hbm>> -> memref<8192x512xf32, #tpu.memory_space<hbm>>
    tpu.enqueue_indirect_dma source(%dma_start3A_187 : memref<8192x512xf32, #tpu.memory_space<hbm>>) target(%arg14 : memref<32x512xf32, #tpu.memory_space<vmem>>) offsets(%dma_start3A_184 : memref<32xi32, #tpu.memory_space<vmem>>) semaphore(%arg20 : memref<!tpu.dma_semaphore, #tpu.memory_space<semaphore_mem>>)
    %add3A_188 = arith.constant 16 : i32
    %add3A_189 = arith.addi %add3A_188, %mul3A_32 : i32
    %add3A_190 = arith.constant 32 : i32
    %add3A_191 = arith.addi %add3A_189, %add3A_190 : i32
    %dma_start3A_192 = tpu.memref_slice %arg9[%add3A_191] : memref<2080xi32, #tpu.memory_space<vmem>> -> memref<32xi32, #tpu.memory_space<vmem>>
    %dma_start3A_193 = arith.constant 0 : i32
    %dma_start3A_194 = arith.constant 0 : i32
    %dma_start3A_195 = tpu.memref_slice %arg2[%dma_start3A_193, %dma_start3A_194] : memref<8192x512xf32, #tpu.memory_space<hbm>> -> memref<8192x512xf32, #tpu.memory_space<hbm>>
    tpu.enqueue_indirect_dma source(%dma_start3A_195 : memref<8192x512xf32, #tpu.memory_space<hbm>>) target(%arg15 : memref<32x512xf32, #tpu.memory_space<vmem>>) offsets(%dma_start3A_192 : memref<32xi32, #tpu.memory_space<vmem>>) semaphore(%arg21 : memref<!tpu.dma_semaphore, #tpu.memory_space<semaphore_mem>>)
    %add3A_196 = arith.constant 16 : i32
    %add3A_197 = arith.addi %add3A_196, %mul3A_32 : i32
    %add3A_198 = arith.constant 64 : i32
    %add3A_199 = arith.addi %add3A_197, %add3A_198 : i32
    %dma_start3A_200 = tpu.memref_slice %arg9[%add3A_199] : memref<2080xi32, #tpu.memory_space<vmem>> -> memref<32xi32, #tpu.memory_space<vmem>>
    %dma_start3A_201 = arith.constant 0 : i32
    %dma_start3A_202 = arith.constant 0 : i32
    %dma_start3A_203 = tpu.memref_slice %arg2[%dma_start3A_201, %dma_start3A_202] : memref<8192x512xf32, #tpu.memory_space<hbm>> -> memref<8192x512xf32, #tpu.memory_space<hbm>>
    tpu.enqueue_indirect_dma source(%dma_start3A_203 : memref<8192x512xf32, #tpu.memory_space<hbm>>) target(%arg16 : memref<32x512xf32, #tpu.memory_space<vmem>>) offsets(%dma_start3A_200 : memref<32xi32, #tpu.memory_space<vmem>>) semaphore(%arg22 : memref<!tpu.dma_semaphore, #tpu.memory_space<semaphore_mem>>)
    %add3A_204 = arith.constant 16 : i32
    %add3A_205 = arith.addi %add3A_204, %mul3A_32 : i32
    %add3A_206 = arith.constant 96 : i32
    %add3A_207 = arith.addi %add3A_205, %add3A_206 : i32
    %dma_start3A_208 = tpu.memref_slice %arg9[%add3A_207] : memref<2080xi32, #tpu.memory_space<vmem>> -> memref<32xi32, #tpu.memory_space<vmem>>
    %dma_start3A_209 = arith.constant 0 : i32
    %dma_start3A_210 = arith.constant 0 : i32
    %dma_start3A_211 = tpu.memref_slice %arg2[%dma_start3A_209, %dma_start3A_210] : memref<8192x512xf32, #tpu.memory_space<hbm>> -> memref<8192x512xf32, #tpu.memory_space<hbm>>
    tpu.enqueue_indirect_dma source(%dma_start3A_211 : memref<8192x512xf32, #tpu.memory_space<hbm>>) target(%arg17 : memref<32x512xf32, #tpu.memory_space<vmem>>) offsets(%dma_start3A_208 : memref<32xi32, #tpu.memory_space<vmem>>) semaphore(%arg23 : memref<!tpu.dma_semaphore, #tpu.memory_space<semaphore_mem>>)
    %dma_wait3A = arith.constant 0 : i32
    %dma_wait3A_212 = tpu.memref_slice %arg10[%dma_wait3A] : memref<16xi32, #tpu.memory_space<vmem>> -> memref<8xi32, #tpu.memory_space<vmem>>
    %dma_wait3A_213 = arith.constant 0 : i32
    %dma_wait3A_214 = arith.constant 0 : i32
    %dma_wait3A_215 = tpu.memref_slice %arg2[%dma_wait3A_213, %dma_wait3A_214] : memref<8192x512xf32, #tpu.memory_space<hbm>> -> memref<8192x512xf32, #tpu.memory_space<hbm>>
    tpu.wait_indirect_dma semaphore(%arg26 : memref<!tpu.dma_semaphore, #tpu.memory_space<semaphore_mem>>) src(%dma_wait3A_215 : memref<8192x512xf32, #tpu.memory_space<hbm>>) dst(%arg13 : memref<8x512xf32, #tpu.memory_space<vmem>>)
    %dma_wait3A_216 = arith.constant 0 : i32
    %dma_wait3A_217 = tpu.memref_slice %arg7[%dma_wait3A_216] : memref<528xf32, #tpu.memory_space<vmem>> -> memref<512xf32, #tpu.memory_space<vmem>>
    %dma_wait3A_218 = tpu.memref_slice %arg3[%add3A_38] : memref<16384xf32, #tpu.memory_space<hbm>> -> memref<512xf32, #tpu.memory_space<hbm>>
    %dma_wait3A_219 = arith.constant 0 : i32
    %dma_wait3A_220 = tpu.memref_slice %arg7[%dma_wait3A_219] : memref<528xf32, #tpu.memory_space<vmem>> -> memref<512xf32, #tpu.memory_space<vmem>>
    %dma_wait3A_221 = tpu.memref_slice %arg3[%add3A_38] : memref<16384xf32, #tpu.memory_space<hbm>> -> memref<512xf32, #tpu.memory_space<hbm>>
    tpu.wait_dma2 semaphore(%arg27 : memref<!tpu.dma_semaphore, #tpu.memory_space<semaphore_mem>>) src(%dma_wait3A_221 : memref<512xf32, #tpu.memory_space<hbm>>) dst(%dma_wait3A_220 : memref<512xf32, #tpu.memory_space<vmem>>)
    %eq3A_222 = arith.constant 0 : i32
    %eq3A_223 = arith.cmpi eq, %select_n3A_30, %eq3A_222 : i32
    %convert_element_type3A = arith.extui %eq3A_223 : i1 to i32
    %cond3A = arith.constant 0 : i32
    %cond3A_224 = arith.cmpi ne, %convert_element_type3A, %cond3A : i32
    scf.if %cond3A_224 {
      %iota3A = tpu.iota {dimensions = array<i32: 0>} : vector<16xi32>
      %get3A_403 = arith.constant 0 : index
      %get3A_404 = tpu.vector_load %arg7[%get3A_403] {strides = array<i32>} : memref<528xf32, #tpu.memory_space<vmem>>, vector<16xf32>,
      %get3A_405 = vector.shape_cast %get3A_404 : vector<16xf32> to vector<16xf32>
      %eq3A_406 = arith.constant 0 : i32
      %eq3A_407 = vector.broadcast %eq3A_406 : i32 to vector<16xi32>
      %eq3A_408 = arith.cmpi eq, %iota3A, %eq3A_407 : vector<16xi32>
      %jit3A_409 = arith.constant 1.000000e+00 : f32
      %broadcast_in_dim3A_410 = vector.broadcast %jit3A_409 : f32 to vector<16xf32>
      %select_n3A_411 = arith.select %eq3A_408, %broadcast_in_dim3A_410, %get3A_405 : vector<16xi1>, vector<16xf32>
      %swap3A_412 = arith.constant 0 : index
      %swap3A_413 = tpu.vector_load %arg7[%swap3A_412] {strides = array<i32>} : memref<528xf32, #tpu.memory_space<vmem>>, vector<16xf32>,
      %swap3A_414 = vector.shape_cast %swap3A_413 : vector<16xf32> to vector<16xf32>
      %swap3A_415 = vector.shape_cast %select_n3A_411 : vector<16xf32> to vector<16xf32>
      tpu.vector_store %arg7[%swap3A_412], %swap3A_415 {strides = array<i32>} : memref<528xf32, #tpu.memory_space<vmem>>, vector<16xf32>,
    } else {
    }
    %get3A_225 = arith.constant 0 : i32
    %get3A_226 = arith.index_cast %get3A_225 : i32 to index
    %get3A_227 = arith.constant 0 : index
    %get3A_228 = tpu.vector_load %arg13[%get3A_226, %get3A_227] {strides = array<i32>} : memref<8x512xf32, #tpu.memory_space<vmem>>, vector<1x16xf32>,
    %get3A_229 = vector.shape_cast %get3A_228 : vector<1x16xf32> to vector<16xf32>
    %get3A_230 = arith.constant 0 : i32
    %get3A_231 = arith.index_cast %get3A_230 : i32 to index
    %get3A_232 = arith.constant 16 : index
    %get3A_233 = tpu.vector_load %arg13[%get3A_231, %get3A_232] {strides = array<i32>} : memref<8x512xf32, #tpu.memory_space<vmem>>, vector<1x16xf32>,
    %get3A_234 = vector.shape_cast %get3A_233 : vector<1x16xf32> to vector<16xf32>
    %get3A_235 = arith.constant 0 : i32
    %get3A_236 = arith.index_cast %get3A_235 : i32 to index
    %get3A_237 = arith.constant 32 : index
    %get3A_238 = tpu.vector_load %arg13[%get3A_236, %get3A_237] {strides = array<i32>} : memref<8x512xf32, #tpu.memory_space<vmem>>, vector<1x16xf32>,
    %get3A_239 = vector.shape_cast %get3A_238 : vector<1x16xf32> to vector<16xf32>
    %get3A_240 = arith.constant 0 : i32
    %get3A_241 = arith.index_cast %get3A_240 : i32 to index
    %get3A_242 = arith.constant 48 : index
    %get3A_243 = tpu.vector_load %arg13[%get3A_241, %get3A_242] {strides = array<i32>} : memref<8x512xf32, #tpu.memory_space<vmem>>, vector<1x16xf32>,
    %get3A_244 = vector.shape_cast %get3A_243 : vector<1x16xf32> to vector<16xf32>
    %get3A_245 = arith.constant 0 : i32
    %get3A_246 = arith.index_cast %get3A_245 : i32 to index
    %get3A_247 = arith.constant 64 : index
    %get3A_248 = tpu.vector_load %arg13[%get3A_246, %get3A_247] {strides = array<i32>} : memref<8x512xf32, #tpu.memory_space<vmem>>, vector<1x16xf32>,
    %get3A_249 = vector.shape_cast %get3A_248 : vector<1x16xf32> to vector<16xf32>
    %get3A_250 = arith.constant 0 : i32
    %get3A_251 = arith.index_cast %get3A_250 : i32 to index
    %get3A_252 = arith.constant 80 : index
    %get3A_253 = tpu.vector_load %arg13[%get3A_251, %get3A_252] {strides = array<i32>} : memref<8x512xf32, #tpu.memory_space<vmem>>, vector<1x16xf32>,
    %get3A_254 = vector.shape_cast %get3A_253 : vector<1x16xf32> to vector<16xf32>
    %get3A_255 = arith.constant 0 : i32
    %get3A_256 = arith.index_cast %get3A_255 : i32 to index
    %get3A_257 = arith.constant 96 : index
    %get3A_258 = tpu.vector_load %arg13[%get3A_256, %get3A_257] {strides = array<i32>} : memref<8x512xf32, #tpu.memory_space<vmem>>, vector<1x16xf32>,
    %get3A_259 = vector.shape_cast %get3A_258 : vector<1x16xf32> to vector<16xf32>
    %get3A_260 = arith.constant 0 : i32
    %get3A_261 = arith.index_cast %get3A_260 : i32 to index
    %get3A_262 = arith.constant 112 : index
    %get3A_263 = tpu.vector_load %arg13[%get3A_261, %get3A_262] {strides = array<i32>} : memref<8x512xf32, #tpu.memory_space<vmem>>, vector<1x16xf32>,
    %get3A_264 = vector.shape_cast %get3A_263 : vector<1x16xf32> to vector<16xf32>
    %get3A_265 = arith.constant 0 : i32
    %get3A_266 = arith.index_cast %get3A_265 : i32 to index
    %get3A_267 = arith.constant 128 : index
    %get3A_268 = tpu.vector_load %arg13[%get3A_266, %get3A_267] {strides = array<i32>} : memref<8x512xf32, #tpu.memory_space<vmem>>, vector<1x16xf32>,
    %get3A_269 = vector.shape_cast %get3A_268 : vector<1x16xf32> to vector<16xf32>
    %get3A_270 = arith.constant 0 : i32
    %get3A_271 = arith.index_cast %get3A_270 : i32 to index
    %get3A_272 = arith.constant 144 : index
    %get3A_273 = tpu.vector_load %arg13[%get3A_271, %get3A_272] {strides = array<i32>} : memref<8x512xf32, #tpu.memory_space<vmem>>, vector<1x16xf32>,
    %get3A_274 = vector.shape_cast %get3A_273 : vector<1x16xf32> to vector<16xf32>
    %get3A_275 = arith.constant 0 : i32
    %get3A_276 = arith.index_cast %get3A_275 : i32 to index
    %get3A_277 = arith.constant 160 : index
    %get3A_278 = tpu.vector_load %arg13[%get3A_276, %get3A_277] {strides = array<i32>} : memref<8x512xf32, #tpu.memory_space<vmem>>, vector<1x16xf32>,
    %get3A_279 = vector.shape_cast %get3A_278 : vector<1x16xf32> to vector<16xf32>
    %get3A_280 = arith.constant 0 : i32
    %get3A_281 = arith.index_cast %get3A_280 : i32 to index
    %get3A_282 = arith.constant 176 : index
    %get3A_283 = tpu.vector_load %arg13[%get3A_281, %get3A_282] {strides = array<i32>} : memref<8x512xf32, #tpu.memory_space<vmem>>, vector<1x16xf32>,
    %get3A_284 = vector.shape_cast %get3A_283 : vector<1x16xf32> to vector<16xf32>
    %get3A_285 = arith.constant 0 : i32
    %get3A_286 = arith.index_cast %get3A_285 : i32 to index
    %get3A_287 = arith.constant 192 : index
    %get3A_288 = tpu.vector_load %arg13[%get3A_286, %get3A_287] {strides = array<i32>} : memref<8x512xf32, #tpu.memory_space<vmem>>, vector<1x16xf32>,
    %get3A_289 = vector.shape_cast %get3A_288 : vector<1x16xf32> to vector<16xf32>
    %get3A_290 = arith.constant 0 : i32
    %get3A_291 = arith.index_cast %get3A_290 : i32 to index
    %get3A_292 = arith.constant 208 : index
    %get3A_293 = tpu.vector_load %arg13[%get3A_291, %get3A_292] {strides = array<i32>} : memref<8x512xf32, #tpu.memory_space<vmem>>, vector<1x16xf32>,
    %get3A_294 = vector.shape_cast %get3A_293 : vector<1x16xf32> to vector<16xf32>
    %get3A_295 = arith.constant 0 : i32
    %get3A_296 = arith.index_cast %get3A_295 : i32 to index
    %get3A_297 = arith.constant 224 : index
    %get3A_298 = tpu.vector_load %arg13[%get3A_296, %get3A_297] {strides = array<i32>} : memref<8x512xf32, #tpu.memory_space<vmem>>, vector<1x16xf32>,
    %get3A_299 = vector.shape_cast %get3A_298 : vector<1x16xf32> to vector<16xf32>
    %get3A_300 = arith.constant 0 : i32
    %get3A_301 = arith.index_cast %get3A_300 : i32 to index
    %get3A_302 = arith.constant 240 : index
    %get3A_303 = tpu.vector_load %arg13[%get3A_301, %get3A_302] {strides = array<i32>} : memref<8x512xf32, #tpu.memory_space<vmem>>, vector<1x16xf32>,
    %get3A_304 = vector.shape_cast %get3A_303 : vector<1x16xf32> to vector<16xf32>
    %get3A_305 = arith.constant 0 : i32
    %get3A_306 = arith.index_cast %get3A_305 : i32 to index
    %get3A_307 = arith.constant 256 : index
    %get3A_308 = tpu.vector_load %arg13[%get3A_306, %get3A_307] {strides = array<i32>} : memref<8x512xf32, #tpu.memory_space<vmem>>, vector<1x16xf32>,
    %get3A_309 = vector.shape_cast %get3A_308 : vector<1x16xf32> to vector<16xf32>
    %get3A_310 = arith.constant 0 : i32
    %get3A_311 = arith.index_cast %get3A_310 : i32 to index
    %get3A_312 = arith.constant 272 : index
    %get3A_313 = tpu.vector_load %arg13[%get3A_311, %get3A_312] {strides = array<i32>} : memref<8x512xf32, #tpu.memory_space<vmem>>, vector<1x16xf32>,
    %get3A_314 = vector.shape_cast %get3A_313 : vector<1x16xf32> to vector<16xf32>
    %get3A_315 = arith.constant 0 : i32
    %get3A_316 = arith.index_cast %get3A_315 : i32 to index
    %get3A_317 = arith.constant 288 : index
    %get3A_318 = tpu.vector_load %arg13[%get3A_316, %get3A_317] {strides = array<i32>} : memref<8x512xf32, #tpu.memory_space<vmem>>, vector<1x16xf32>,
    %get3A_319 = vector.shape_cast %get3A_318 : vector<1x16xf32> to vector<16xf32>
    %get3A_320 = arith.constant 0 : i32
    %get3A_321 = arith.index_cast %get3A_320 : i32 to index
    %get3A_322 = arith.constant 304 : index
    %get3A_323 = tpu.vector_load %arg13[%get3A_321, %get3A_322] {strides = array<i32>} : memref<8x512xf32, #tpu.memory_space<vmem>>, vector<1x16xf32>,
    %get3A_324 = vector.shape_cast %get3A_323 : vector<1x16xf32> to vector<16xf32>
    %get3A_325 = arith.constant 0 : i32
    %get3A_326 = arith.index_cast %get3A_325 : i32 to index
    %get3A_327 = arith.constant 320 : index
    %get3A_328 = tpu.vector_load %arg13[%get3A_326, %get3A_327] {strides = array<i32>} : memref<8x512xf32, #tpu.memory_space<vmem>>, vector<1x16xf32>,
    %get3A_329 = vector.shape_cast %get3A_328 : vector<1x16xf32> to vector<16xf32>
    %get3A_330 = arith.constant 0 : i32
    %get3A_331 = arith.index_cast %get3A_330 : i32 to index
    %get3A_332 = arith.constant 336 : index
    %get3A_333 = tpu.vector_load %arg13[%get3A_331, %get3A_332] {strides = array<i32>} : memref<8x512xf32, #tpu.memory_space<vmem>>, vector<1x16xf32>,
    %get3A_334 = vector.shape_cast %get3A_333 : vector<1x16xf32> to vector<16xf32>
    %get3A_335 = arith.constant 0 : i32
    %get3A_336 = arith.index_cast %get3A_335 : i32 to index
    %get3A_337 = arith.constant 352 : index
    %get3A_338 = tpu.vector_load %arg13[%get3A_336, %get3A_337] {strides = array<i32>} : memref<8x512xf32, #tpu.memory_space<vmem>>, vector<1x16xf32>,
    %get3A_339 = vector.shape_cast %get3A_338 : vector<1x16xf32> to vector<16xf32>
    %get3A_340 = arith.constant 0 : i32
    %get3A_341 = arith.index_cast %get3A_340 : i32 to index
    %get3A_342 = arith.constant 368 : index
    %get3A_343 = tpu.vector_load %arg13[%get3A_341, %get3A_342] {strides = array<i32>} : memref<8x512xf32, #tpu.memory_space<vmem>>, vector<1x16xf32>,
    %get3A_344 = vector.shape_cast %get3A_343 : vector<1x16xf32> to vector<16xf32>
    %get3A_345 = arith.constant 0 : i32
    %get3A_346 = arith.index_cast %get3A_345 : i32 to index
    %get3A_347 = arith.constant 384 : index
    %get3A_348 = tpu.vector_load %arg13[%get3A_346, %get3A_347] {strides = array<i32>} : memref<8x512xf32, #tpu.memory_space<vmem>>, vector<1x16xf32>,
    %get3A_349 = vector.shape_cast %get3A_348 : vector<1x16xf32> to vector<16xf32>
    %get3A_350 = arith.constant 0 : i32
    %get3A_351 = arith.index_cast %get3A_350 : i32 to index
    %get3A_352 = arith.constant 400 : index
    %get3A_353 = tpu.vector_load %arg13[%get3A_351, %get3A_352] {strides = array<i32>} : memref<8x512xf32, #tpu.memory_space<vmem>>, vector<1x16xf32>,
    %get3A_354 = vector.shape_cast %get3A_353 : vector<1x16xf32> to vector<16xf32>
    %get3A_355 = arith.constant 0 : i32
    %get3A_356 = arith.index_cast %get3A_355 : i32 to index
    %get3A_357 = arith.constant 416 : index
    %get3A_358 = tpu.vector_load %arg13[%get3A_356, %get3A_357] {strides = array<i32>} : memref<8x512xf32, #tpu.memory_space<vmem>>, vector<1x16xf32>,
    %get3A_359 = vector.shape_cast %get3A_358 : vector<1x16xf32> to vector<16xf32>
    %get3A_360 = arith.constant 0 : i32
    %get3A_361 = arith.index_cast %get3A_360 : i32 to index
    %get3A_362 = arith.constant 432 : index
    %get3A_363 = tpu.vector_load %arg13[%get3A_361, %get3A_362] {strides = array<i32>} : memref<8x512xf32, #tpu.memory_space<vmem>>, vector<1x16xf32>,
    %get3A_364 = vector.shape_cast %get3A_363 : vector<1x16xf32> to vector<16xf32>
    %get3A_365 = arith.constant 0 : i32
    %get3A_366 = arith.index_cast %get3A_365 : i32 to index
    %get3A_367 = arith.constant 448 : index
    %get3A_368 = tpu.vector_load %arg13[%get3A_366, %get3A_367] {strides = array<i32>} : memref<8x512xf32, #tpu.memory_space<vmem>>, vector<1x16xf32>,
    %get3A_369 = vector.shape_cast %get3A_368 : vector<1x16xf32> to vector<16xf32>
    %get3A_370 = arith.constant 0 : i32
    %get3A_371 = arith.index_cast %get3A_370 : i32 to index
    %get3A_372 = arith.constant 464 : index
    %get3A_373 = tpu.vector_load %arg13[%get3A_371, %get3A_372] {strides = array<i32>} : memref<8x512xf32, #tpu.memory_space<vmem>>, vector<1x16xf32>,
    %get3A_374 = vector.shape_cast %get3A_373 : vector<1x16xf32> to vector<16xf32>
    %get3A_375 = arith.constant 0 : i32
    %get3A_376 = arith.index_cast %get3A_375 : i32 to index
    %get3A_377 = arith.constant 480 : index
    %get3A_378 = tpu.vector_load %arg13[%get3A_376, %get3A_377] {strides = array<i32>} : memref<8x512xf32, #tpu.memory_space<vmem>>, vector<1x16xf32>,
    %get3A_379 = vector.shape_cast %get3A_378 : vector<1x16xf32> to vector<16xf32>
    %get3A_380 = arith.constant 0 : i32
    %get3A_381 = arith.index_cast %get3A_380 : i32 to index
    %get3A_382 = arith.constant 496 : index
    %get3A_383 = tpu.vector_load %arg13[%get3A_381, %get3A_382] {strides = array<i32>} : memref<8x512xf32, #tpu.memory_space<vmem>>, vector<1x16xf32>,
    %get3A_384 = vector.shape_cast %get3A_383 : vector<1x16xf32> to vector<16xf32>
    %scan3A_385 = arith.constant 0 : i32
    %scan3A_386 = arith.constant 4 : i32
    %scan3A_387 = arith.addi %scan3A_385, %scan3A_386 : i32
    %scan3A_388 = arith.constant 1 : i32
    %scan3A_389:32 = scf.for %scan3A_403 = %scan3A_385 to %scan3A_387 step %scan3A_388 iter_args(%scan3A_404 = %get3A_229, %scan3A_405 = %get3A_234, %scan3A_406 = %get3A_239, %scan3A_407 = %get3A_244, %scan3A_408 = %get3A_249, %scan3A_409 = %get3A_254, %scan3A_410 = %get3A_259, %scan3A_411 = %get3A_264, %scan3A_412 = %get3A_269, %scan3A_413 = %get3A_274, %scan3A_414 = %get3A_279, %scan3A_415 = %get3A_284, %scan3A_416 = %get3A_289, %scan3A_417 = %get3A_294, %scan3A_418 = %get3A_299, %scan3A_419 = %get3A_304, %scan3A_420 = %get3A_309, %scan3A_421 = %get3A_314, %scan3A_422 = %get3A_319, %scan3A_423 = %get3A_324, %scan3A_424 = %get3A_329, %scan3A_425 = %get3A_334, %scan3A_426 = %get3A_339, %scan3A_427 = %get3A_344, %scan3A_428 = %get3A_349, %scan3A_429 = %get3A_354, %scan3A_430 = %get3A_359, %scan3A_431 = %get3A_364, %scan3A_432 = %get3A_369, %scan3A_433 = %get3A_374, %scan3A_434 = %get3A_379, %scan3A_435 = %get3A_384) -> (vector<16xf32>, vector<16xf32>, vector<16xf32>, vector<16xf32>, vector<16xf32>, vector<16xf32>, vector<16xf32>, vector<16xf32>, vector<16xf32>, vector<16xf32>, vector<16xf32>, vector<16xf32>, vector<16xf32>, vector<16xf32>, vector<16xf32>, vector<16xf32>, vector<16xf32>, vector<16xf32>, vector<16xf32>, vector<16xf32>, vector<16xf32>, vector<16xf32>, vector<16xf32>, vector<16xf32>, vector<16xf32>, vector<16xf32>, vector<16xf32>, vector<16xf32>, vector<16xf32>, vector<16xf32>, vector<16xf32>, vector<16xf32>)  : i32 {
      %mul3A_436 = arith.constant 4 : i32
      %mul3A_437 = arith.muli %mul3A_436, %scan3A_403 : i32
      %add3A_438 = arith.constant 0 : i32
      %add3A_439 = arith.addi %mul3A_437, %add3A_438 : i32
      %dma_wait3A_440 = arith.constant 0 : i32
      %dma_wait3A_441 = arith.constant 0 : i32
      %dma_wait3A_442 = tpu.memref_slice %arg2[%dma_wait3A_440, %dma_wait3A_441] : memref<8192x512xf32, #tpu.memory_space<hbm>> -> memref<32x512xf32, #tpu.memory_space<hbm>>
      %dma_wait3A_443 = arith.constant 0 : i32
      %dma_wait3A_444 = arith.constant 0 : i32
      %dma_wait3A_445 = tpu.memref_slice %arg2[%dma_wait3A_443, %dma_wait3A_444] : memref<8192x512xf32, #tpu.memory_space<hbm>> -> memref<32x512xf32, #tpu.memory_space<hbm>>
      tpu.wait_dma2 semaphore(%arg20 : memref<!tpu.dma_semaphore, #tpu.memory_space<semaphore_mem>>) src(%dma_wait3A_445 : memref<32x512xf32, #tpu.memory_space<hbm>>) dst(%arg14 : memref<32x512xf32, #tpu.memory_space<vmem>>)
      %gt3A = arith.constant 0 : i32
      %gt3A_446 = arith.cmpi sgt, %scan3A_403, %gt3A : i32
      %convert_element_type3A_447 = arith.extui %gt3A_446 : i1 to i32
      %cond3A_448 = arith.constant 0 : i32
      %cond3A_449 = arith.cmpi ne, %convert_element_type3A_447, %cond3A_448 : i32
      scf.if %cond3A_449 {
        %dma_wait3A_585 = arith.constant 0 : i32
        %dma_wait3A_586 = arith.constant 0 : i32
        %dma_wait3A_587 = tpu.memref_slice %arg5[%dma_wait3A_585, %dma_wait3A_586] : memref<16384x512xf32, #tpu.memory_space<hbm>> -> memref<32x512xf32, #tpu.memory_space<hbm>>
        %dma_wait3A_588 = arith.constant 0 : i32
        %dma_wait3A_589 = arith.constant 0 : i32
        %dma_wait3A_590 = tpu.memref_slice %arg5[%dma_wait3A_588, %dma_wait3A_589] : memref<16384x512xf32, #tpu.memory_space<hbm>> -> memref<32x512xf32, #tpu.memory_space<hbm>>
        tpu.wait_dma2 semaphore(%arg24 : memref<!tpu.dma_semaphore, #tpu.memory_space<semaphore_mem>>) src(%arg18 : memref<32x512xf32, #tpu.memory_space<vmem>>) dst(%dma_wait3A_590 : memref<32x512xf32, #tpu.memory_space<hbm>>)
      } else {
      }
      %mul3A_450 = arith.constant 32 : i32
      %mul3A_451 = arith.muli %add3A_439, %mul3A_450 : i32
      %scan3A_452 = arith.constant 0 : i32
      %scan3A_453 = arith.constant 32 : i32
      %scan3A_454 = arith.addi %scan3A_452, %scan3A_453 : i32
      %scan3A_455 = arith.constant 1 : i32
      %scan3A_456:32 = scf.for %scan3A_585 = %scan3A_452 to %scan3A_454 step %scan3A_455 iter_args(%scan3A_586 = %scan3A_404, %scan3A_587 = %scan3A_405, %scan3A_588 = %scan3A_406, %scan3A_589 = %scan3A_407, %scan3A_590 = %scan3A_408, %scan3A_591 = %scan3A_409, %scan3A_592 = %scan3A_410, %scan3A_593 = %scan3A_411, %scan3A_594 = %scan3A_412, %scan3A_595 = %scan3A_413, %scan3A_596 = %scan3A_414, %scan3A_597 = %scan3A_415, %scan3A_598 = %scan3A_416, %scan3A_599 = %scan3A_417, %scan3A_600 = %scan3A_418, %scan3A_601 = %scan3A_419, %scan3A_602 = %scan3A_420, %scan3A_603 = %scan3A_421, %scan3A_604 = %scan3A_422, %scan3A_605 = %scan3A_423, %scan3A_606 = %scan3A_424, %scan3A_607 = %scan3A_425, %scan3A_608 = %scan3A_426, %scan3A_609 = %scan3A_427, %scan3A_610 = %scan3A_428, %scan3A_611 = %scan3A_429, %scan3A_612 = %scan3A_430, %scan3A_613 = %scan3A_431, %scan3A_614 = %scan3A_432, %scan3A_615 = %scan3A_433, %scan3A_616 = %scan3A_434, %scan3A_617 = %scan3A_435) -> (vector<16xf32>, vector<16xf32>, vector<16xf32>, vector<16xf32>, vector<16xf32>, vector<16xf32>, vector<16xf32>, vector<16xf32>, vector<16xf32>, vector<16xf32>, vector<16xf32>, vector<16xf32>, vector<16xf32>, vector<16xf32>, vector<16xf32>, vector<16xf32>, vector<16xf32>, vector<16xf32>, vector<16xf32>, vector<16xf32>, vector<16xf32>, vector<16xf32>, vector<16xf32>, vector<16xf32>, vector<16xf32>, vector<16xf32>, vector<16xf32>, vector<16xf32>, vector<16xf32>, vector<16xf32>, vector<16xf32>, vector<16xf32>)  : i32 {
        %add3A_618 = arith.addi %mul3A_451, %scan3A_585 : i32
        %get3A_619 = arith.index_cast %add3A_618 : i32 to index
        %get3A_620 = tpu.vector_load %arg7[%get3A_619] {strides = array<i32>} : memref<528xf32, #tpu.memory_space<vmem>>, vector<16xf32>,
        %get3A_621 = vector.shape_cast %get3A_620 : vector<16xf32> to vector<16xf32>
        %slice3A_622 = vector.extract_strided_slice %get3A_621 {offsets = [0], sizes = [1], strides = [1]} : vector<16xf32> to vector<1xf32>
        %squeeze3A_623 = vector.extract %slice3A_622[0] : f32 from vector<1xf32>
        %sub3A_624 = arith.constant 1.000000e+00 : f32
        %sub3A_625 = arith.subf %sub3A_624, %squeeze3A_623 : f32
        %get3A_626 = arith.index_cast %scan3A_585 : i32 to index
        %get3A_627 = arith.constant 0 : index
        %get3A_628 = tpu.vector_load %arg14[%get3A_626, %get3A_627] {strides = array<i32>} : memref<32x512xf32, #tpu.memory_space<vmem>>, vector<1x16xf32>,
        %get3A_629 = vector.shape_cast %get3A_628 : vector<1x16xf32> to vector<16xf32>
        %mul3A_630 = vector.broadcast %squeeze3A_623 : f32 to vector<16xf32>
        %mul3A_631 = arith.mulf %mul3A_630, %get3A_629 : vector<16xf32>
        %mul3A_632 = vector.broadcast %sub3A_625 : f32 to vector<16xf32>
        %mul3A_633 = arith.mulf %mul3A_632, %scan3A_586 : vector<16xf32>
        %add3A_634 = arith.addf %mul3A_631, %mul3A_633 : vector<16xf32>
        %swap3A_635 = arith.index_cast %scan3A_585 : i32 to index
        %swap3A_636 = arith.constant 0 : index
        %swap3A_637 = tpu.vector_load %arg18[%swap3A_635, %swap3A_636] {strides = array<i32>} : memref<32x512xf32, #tpu.memory_space<vmem>>, vector<1x16xf32>,
        %swap3A_638 = vector.shape_cast %swap3A_637 : vector<1x16xf32> to vector<16xf32>
        %swap3A_639 = vector.shape_cast %add3A_634 : vector<16xf32> to vector<1x16xf32>
        tpu.vector_store %arg18[%swap3A_635, %swap3A_636], %swap3A_639 {strides = array<i32>} : memref<32x512xf32, #tpu.memory_space<vmem>>, vector<1x16xf32>,
        %get3A_640 = arith.index_cast %scan3A_585 : i32 to index
        %get3A_641 = arith.constant 16 : index
        %get3A_642 = tpu.vector_load %arg14[%get3A_640, %get3A_641] {strides = array<i32>} : memref<32x512xf32, #tpu.memory_space<vmem>>, vector<1x16xf32>,
        %get3A_643 = vector.shape_cast %get3A_642 : vector<1x16xf32> to vector<16xf32>
        %mul3A_644 = vector.broadcast %squeeze3A_623 : f32 to vector<16xf32>
        %mul3A_645 = arith.mulf %mul3A_644, %get3A_643 : vector<16xf32>
        %mul3A_646 = vector.broadcast %sub3A_625 : f32 to vector<16xf32>
        %mul3A_647 = arith.mulf %mul3A_646, %scan3A_587 : vector<16xf32>
        %add3A_648 = arith.addf %mul3A_645, %mul3A_647 : vector<16xf32>
        %swap3A_649 = arith.index_cast %scan3A_585 : i32 to index
        %swap3A_650 = arith.constant 16 : index
        %swap3A_651 = tpu.vector_load %arg18[%swap3A_649, %swap3A_650] {strides = array<i32>} : memref<32x512xf32, #tpu.memory_space<vmem>>, vector<1x16xf32>,
        %swap3A_652 = vector.shape_cast %swap3A_651 : vector<1x16xf32> to vector<16xf32>
        %swap3A_653 = vector.shape_cast %add3A_648 : vector<16xf32> to vector<1x16xf32>
        tpu.vector_store %arg18[%swap3A_649, %swap3A_650], %swap3A_653 {strides = array<i32>} : memref<32x512xf32, #tpu.memory_space<vmem>>, vector<1x16xf32>,
        %get3A_654 = arith.index_cast %scan3A_585 : i32 to index
        %get3A_655 = arith.constant 32 : index
        %get3A_656 = tpu.vector_load %arg14[%get3A_654, %get3A_655] {strides = array<i32>} : memref<32x512xf32, #tpu.memory_space<vmem>>, vector<1x16xf32>,
        %get3A_657 = vector.shape_cast %get3A_656 : vector<1x16xf32> to vector<16xf32>
        %mul3A_658 = vector.broadcast %squeeze3A_623 : f32 to vector<16xf32>
        %mul3A_659 = arith.mulf %mul3A_658, %get3A_657 : vector<16xf32>
        %mul3A_660 = vector.broadcast %sub3A_625 : f32 to vector<16xf32>
        %mul3A_661 = arith.mulf %mul3A_660, %scan3A_588 : vector<16xf32>
        %add3A_662 = arith.addf %mul3A_659, %mul3A_661 : vector<16xf32>
        %swap3A_663 = arith.index_cast %scan3A_585 : i32 to index
        %swap3A_664 = arith.constant 32 : index
        %swap3A_665 = tpu.vector_load %arg18[%swap3A_663, %swap3A_664] {strides = array<i32>} : memref<32x512xf32, #tpu.memory_space<vmem>>, vector<1x16xf32>,
        %swap3A_666 = vector.shape_cast %swap3A_665 : vector<1x16xf32> to vector<16xf32>
        %swap3A_667 = vector.shape_cast %add3A_662 : vector<16xf32> to vector<1x16xf32>
        tpu.vector_store %arg18[%swap3A_663, %swap3A_664], %swap3A_667 {strides = array<i32>} : memref<32x512xf32, #tpu.memory_space<vmem>>, vector<1x16xf32>,
        %get3A_668 = arith.index_cast %scan3A_585 : i32 to index
        %get3A_669 = arith.constant 48 : index
        %get3A_670 = tpu.vector_load %arg14[%get3A_668, %get3A_669] {strides = array<i32>} : memref<32x512xf32, #tpu.memory_space<vmem>>, vector<1x16xf32>,
        %get3A_671 = vector.shape_cast %get3A_670 : vector<1x16xf32> to vector<16xf32>
        %mul3A_672 = vector.broadcast %squeeze3A_623 : f32 to vector<16xf32>
        %mul3A_673 = arith.mulf %mul3A_672, %get3A_671 : vector<16xf32>
        %mul3A_674 = vector.broadcast %sub3A_625 : f32 to vector<16xf32>
        %mul3A_675 = arith.mulf %mul3A_674, %scan3A_589 : vector<16xf32>
        %add3A_676 = arith.addf %mul3A_673, %mul3A_675 : vector<16xf32>
        %swap3A_677 = arith.index_cast %scan3A_585 : i32 to index
        %swap3A_678 = arith.constant 48 : index
        %swap3A_679 = tpu.vector_load %arg18[%swap3A_677, %swap3A_678] {strides = array<i32>} : memref<32x512xf32, #tpu.memory_space<vmem>>, vector<1x16xf32>,
        %swap3A_680 = vector.shape_cast %swap3A_679 : vector<1x16xf32> to vector<16xf32>
        %swap3A_681 = vector.shape_cast %add3A_676 : vector<16xf32> to vector<1x16xf32>
        tpu.vector_store %arg18[%swap3A_677, %swap3A_678], %swap3A_681 {strides = array<i32>} : memref<32x512xf32, #tpu.memory_space<vmem>>, vector<1x16xf32>,
        %get3A_682 = arith.index_cast %scan3A_585 : i32 to index
        %get3A_683 = arith.constant 64 : index
        %get3A_684 = tpu.vector_load %arg14[%get3A_682, %get3A_683] {strides = array<i32>} : memref<32x512xf32, #tpu.memory_space<vmem>>, vector<1x16xf32>,
        %get3A_685 = vector.shape_cast %get3A_684 : vector<1x16xf32> to vector<16xf32>
        %mul3A_686 = vector.broadcast %squeeze3A_623 : f32 to vector<16xf32>
        %mul3A_687 = arith.mulf %mul3A_686, %get3A_685 : vector<16xf32>
        %mul3A_688 = vector.broadcast %sub3A_625 : f32 to vector<16xf32>
        %mul3A_689 = arith.mulf %mul3A_688, %scan3A_590 : vector<16xf32>
        %add3A_690 = arith.addf %mul3A_687, %mul3A_689 : vector<16xf32>
        %swap3A_691 = arith.index_cast %scan3A_585 : i32 to index
        %swap3A_692 = arith.constant 64 : index
        %swap3A_693 = tpu.vector_load %arg18[%swap3A_691, %swap3A_692] {strides = array<i32>} : memref<32x512xf32, #tpu.memory_space<vmem>>, vector<1x16xf32>,
        %swap3A_694 = vector.shape_cast %swap3A_693 : vector<1x16xf32> to vector<16xf32>
        %swap3A_695 = vector.shape_cast %add3A_690 : vector<16xf32> to vector<1x16xf32>
        tpu.vector_store %arg18[%swap3A_691, %swap3A_692], %swap3A_695 {strides = array<i32>} : memref<32x512xf32, #tpu.memory_space<vmem>>, vector<1x16xf32>,
        %get3A_696 = arith.index_cast %scan3A_585 : i32 to index
        %get3A_697 = arith.constant 80 : index
        %get3A_698 = tpu.vector_load %arg14[%get3A_696, %get3A_697] {strides = array<i32>} : memref<32x512xf32, #tpu.memory_space<vmem>>, vector<1x16xf32>,
        %get3A_699 = vector.shape_cast %get3A_698 : vector<1x16xf32> to vector<16xf32>
        %mul3A_700 = vector.broadcast %squeeze3A_623 : f32 to vector<16xf32>
        %mul3A_701 = arith.mulf %mul3A_700, %get3A_699 : vector<16xf32>
        %mul3A_702 = vector.broadcast %sub3A_625 : f32 to vector<16xf32>
        %mul3A_703 = arith.mulf %mul3A_702, %scan3A_591 : vector<16xf32>
        %add3A_704 = arith.addf %mul3A_701, %mul3A_703 : vector<16xf32>
        %swap3A_705 = arith.index_cast %scan3A_585 : i32 to index
        %swap3A_706 = arith.constant 80 : index
        %swap3A_707 = tpu.vector_load %arg18[%swap3A_705, %swap3A_706] {strides = array<i32>} : memref<32x512xf32, #tpu.memory_space<vmem>>, vector<1x16xf32>,
        %swap3A_708 = vector.shape_cast %swap3A_707 : vector<1x16xf32> to vector<16xf32>
        %swap3A_709 = vector.shape_cast %add3A_704 : vector<16xf32> to vector<1x16xf32>
        tpu.vector_store %arg18[%swap3A_705, %swap3A_706], %swap3A_709 {strides = array<i32>} : memref<32x512xf32, #tpu.memory_space<vmem>>, vector<1x16xf32>,
        %get3A_710 = arith.index_cast %scan3A_585 : i32 to index
        %get3A_711 = arith.constant 96 : index
        %get3A_712 = tpu.vector_load %arg14[%get3A_710, %get3A_711] {strides = array<i32>} : memref<32x512xf32, #tpu.memory_space<vmem>>, vector<1x16xf32>,
        %get3A_713 = vector.shape_cast %get3A_712 : vector<1x16xf32> to vector<16xf32>
        %mul3A_714 = vector.broadcast %squeeze3A_623 : f32 to vector<16xf32>
        %mul3A_715 = arith.mulf %mul3A_714, %get3A_713 : vector<16xf32>
        %mul3A_716 = vector.broadcast %sub3A_625 : f32 to vector<16xf32>
        %mul3A_717 = arith.mulf %mul3A_716, %scan3A_592 : vector<16xf32>
        %add3A_718 = arith.addf %mul3A_715, %mul3A_717 : vector<16xf32>
        %swap3A_719 = arith.index_cast %scan3A_585 : i32 to index
        %swap3A_720 = arith.constant 96 : index
        %swap3A_721 = tpu.vector_load %arg18[%swap3A_719, %swap3A_720] {strides = array<i32>} : memref<32x512xf32, #tpu.memory_space<vmem>>, vector<1x16xf32>,
        %swap3A_722 = vector.shape_cast %swap3A_721 : vector<1x16xf32> to vector<16xf32>
        %swap3A_723 = vector.shape_cast %add3A_718 : vector<16xf32> to vector<1x16xf32>
        tpu.vector_store %arg18[%swap3A_719, %swap3A_720], %swap3A_723 {strides = array<i32>} : memref<32x512xf32, #tpu.memory_space<vmem>>, vector<1x16xf32>,
        %get3A_724 = arith.index_cast %scan3A_585 : i32 to index
        %get3A_725 = arith.constant 112 : index
        %get3A_726 = tpu.vector_load %arg14[%get3A_724, %get3A_725] {strides = array<i32>} : memref<32x512xf32, #tpu.memory_space<vmem>>, vector<1x16xf32>,
        %get3A_727 = vector.shape_cast %get3A_726 : vector<1x16xf32> to vector<16xf32>
        %mul3A_728 = vector.broadcast %squeeze3A_623 : f32 to vector<16xf32>
        %mul3A_729 = arith.mulf %mul3A_728, %get3A_727 : vector<16xf32>
        %mul3A_730 = vector.broadcast %sub3A_625 : f32 to vector<16xf32>
        %mul3A_731 = arith.mulf %mul3A_730, %scan3A_593 : vector<16xf32>
        %add3A_732 = arith.addf %mul3A_729, %mul3A_731 : vector<16xf32>
        %swap3A_733 = arith.index_cast %scan3A_585 : i32 to index
        %swap3A_734 = arith.constant 112 : index
        %swap3A_735 = tpu.vector_load %arg18[%swap3A_733, %swap3A_734] {strides = array<i32>} : memref<32x512xf32, #tpu.memory_space<vmem>>, vector<1x16xf32>,
        %swap3A_736 = vector.shape_cast %swap3A_735 : vector<1x16xf32> to vector<16xf32>
        %swap3A_737 = vector.shape_cast %add3A_732 : vector<16xf32> to vector<1x16xf32>
        tpu.vector_store %arg18[%swap3A_733, %swap3A_734], %swap3A_737 {strides = array<i32>} : memref<32x512xf32, #tpu.memory_space<vmem>>, vector<1x16xf32>,
        %get3A_738 = arith.index_cast %scan3A_585 : i32 to index
        %get3A_739 = arith.constant 128 : index
        %get3A_740 = tpu.vector_load %arg14[%get3A_738, %get3A_739] {strides = array<i32>} : memref<32x512xf32, #tpu.memory_space<vmem>>, vector<1x16xf32>,
        %get3A_741 = vector.shape_cast %get3A_740 : vector<1x16xf32> to vector<16xf32>
        %mul3A_742 = vector.broadcast %squeeze3A_623 : f32 to vector<16xf32>
        %mul3A_743 = arith.mulf %mul3A_742, %get3A_741 : vector<16xf32>
        %mul3A_744 = vector.broadcast %sub3A_625 : f32 to vector<16xf32>
        %mul3A_745 = arith.mulf %mul3A_744, %scan3A_594 : vector<16xf32>
        %add3A_746 = arith.addf %mul3A_743, %mul3A_745 : vector<16xf32>
        %swap3A_747 = arith.index_cast %scan3A_585 : i32 to index
        %swap3A_748 = arith.constant 128 : index
        %swap3A_749 = tpu.vector_load %arg18[%swap3A_747, %swap3A_748] {strides = array<i32>} : memref<32x512xf32, #tpu.memory_space<vmem>>, vector<1x16xf32>,
        %swap3A_750 = vector.shape_cast %swap3A_749 : vector<1x16xf32> to vector<16xf32>
        %swap3A_751 = vector.shape_cast %add3A_746 : vector<16xf32> to vector<1x16xf32>
        tpu.vector_store %arg18[%swap3A_747, %swap3A_748], %swap3A_751 {strides = array<i32>} : memref<32x512xf32, #tpu.memory_space<vmem>>, vector<1x16xf32>,
        %get3A_752 = arith.index_cast %scan3A_585 : i32 to index
        %get3A_753 = arith.constant 144 : index
        %get3A_754 = tpu.vector_load %arg14[%get3A_752, %get3A_753] {strides = array<i32>} : memref<32x512xf32, #tpu.memory_space<vmem>>, vector<1x16xf32>,
        %get3A_755 = vector.shape_cast %get3A_754 : vector<1x16xf32> to vector<16xf32>
        %mul3A_756 = vector.broadcast %squeeze3A_623 : f32 to vector<16xf32>
        %mul3A_757 = arith.mulf %mul3A_756, %get3A_755 : vector<16xf32>
        %mul3A_758 = vector.broadcast %sub3A_625 : f32 to vector<16xf32>
        %mul3A_759 = arith.mulf %mul3A_758, %scan3A_595 : vector<16xf32>
        %add3A_760 = arith.addf %mul3A_757, %mul3A_759 : vector<16xf32>
        %swap3A_761 = arith.index_cast %scan3A_585 : i32 to index
        %swap3A_762 = arith.constant 144 : index
        %swap3A_763 = tpu.vector_load %arg18[%swap3A_761, %swap3A_762] {strides = array<i32>} : memref<32x512xf32, #tpu.memory_space<vmem>>, vector<1x16xf32>,
        %swap3A_764 = vector.shape_cast %swap3A_763 : vector<1x16xf32> to vector<16xf32>
        %swap3A_765 = vector.shape_cast %add3A_760 : vector<16xf32> to vector<1x16xf32>
        tpu.vector_store %arg18[%swap3A_761, %swap3A_762], %swap3A_765 {strides = array<i32>} : memref<32x512xf32, #tpu.memory_space<vmem>>, vector<1x16xf32>,
        %get3A_766 = arith.index_cast %scan3A_585 : i32 to index
        %get3A_767 = arith.constant 160 : index
        %get3A_768 = tpu.vector_load %arg14[%get3A_766, %get3A_767] {strides = array<i32>} : memref<32x512xf32, #tpu.memory_space<vmem>>, vector<1x16xf32>,
        %get3A_769 = vector.shape_cast %get3A_768 : vector<1x16xf32> to vector<16xf32>
        %mul3A_770 = vector.broadcast %squeeze3A_623 : f32 to vector<16xf32>
        %mul3A_771 = arith.mulf %mul3A_770, %get3A_769 : vector<16xf32>
        %mul3A_772 = vector.broadcast %sub3A_625 : f32 to vector<16xf32>
        %mul3A_773 = arith.mulf %mul3A_772, %scan3A_596 : vector<16xf32>
        %add3A_774 = arith.addf %mul3A_771, %mul3A_773 : vector<16xf32>
        %swap3A_775 = arith.index_cast %scan3A_585 : i32 to index
        %swap3A_776 = arith.constant 160 : index
        %swap3A_777 = tpu.vector_load %arg18[%swap3A_775, %swap3A_776] {strides = array<i32>} : memref<32x512xf32, #tpu.memory_space<vmem>>, vector<1x16xf32>,
        %swap3A_778 = vector.shape_cast %swap3A_777 : vector<1x16xf32> to vector<16xf32>
        %swap3A_779 = vector.shape_cast %add3A_774 : vector<16xf32> to vector<1x16xf32>
        tpu.vector_store %arg18[%swap3A_775, %swap3A_776], %swap3A_779 {strides = array<i32>} : memref<32x512xf32, #tpu.memory_space<vmem>>, vector<1x16xf32>,
        %get3A_780 = arith.index_cast %scan3A_585 : i32 to index
        %get3A_781 = arith.constant 176 : index
        %get3A_782 = tpu.vector_load %arg14[%get3A_780, %get3A_781] {strides = array<i32>} : memref<32x512xf32, #tpu.memory_space<vmem>>, vector<1x16xf32>,
        %get3A_783 = vector.shape_cast %get3A_782 : vector<1x16xf32> to vector<16xf32>
        %mul3A_784 = vector.broadcast %squeeze3A_623 : f32 to vector<16xf32>
        %mul3A_785 = arith.mulf %mul3A_784, %get3A_783 : vector<16xf32>
        %mul3A_786 = vector.broadcast %sub3A_625 : f32 to vector<16xf32>
        %mul3A_787 = arith.mulf %mul3A_786, %scan3A_597 : vector<16xf32>
        %add3A_788 = arith.addf %mul3A_785, %mul3A_787 : vector<16xf32>
        %swap3A_789 = arith.index_cast %scan3A_585 : i32 to index
        %swap3A_790 = arith.constant 176 : index
        %swap3A_791 = tpu.vector_load %arg18[%swap3A_789, %swap3A_790] {strides = array<i32>} : memref<32x512xf32, #tpu.memory_space<vmem>>, vector<1x16xf32>,
        %swap3A_792 = vector.shape_cast %swap3A_791 : vector<1x16xf32> to vector<16xf32>
        %swap3A_793 = vector.shape_cast %add3A_788 : vector<16xf32> to vector<1x16xf32>
        tpu.vector_store %arg18[%swap3A_789, %swap3A_790], %swap3A_793 {strides = array<i32>} : memref<32x512xf32, #tpu.memory_space<vmem>>, vector<1x16xf32>,
        %get3A_794 = arith.index_cast %scan3A_585 : i32 to index
        %get3A_795 = arith.constant 192 : index
        %get3A_796 = tpu.vector_load %arg14[%get3A_794, %get3A_795] {strides = array<i32>} : memref<32x512xf32, #tpu.memory_space<vmem>>, vector<1x16xf32>,
        %get3A_797 = vector.shape_cast %get3A_796 : vector<1x16xf32> to vector<16xf32>
        %mul3A_798 = vector.broadcast %squeeze3A_623 : f32 to vector<16xf32>
        %mul3A_799 = arith.mulf %mul3A_798, %get3A_797 : vector<16xf32>
        %mul3A_800 = vector.broadcast %sub3A_625 : f32 to vector<16xf32>
        %mul3A_801 = arith.mulf %mul3A_800, %scan3A_598 : vector<16xf32>
        %add3A_802 = arith.addf %mul3A_799, %mul3A_801 : vector<16xf32>
        %swap3A_803 = arith.index_cast %scan3A_585 : i32 to index
        %swap3A_804 = arith.constant 192 : index
        %swap3A_805 = tpu.vector_load %arg18[%swap3A_803, %swap3A_804] {strides = array<i32>} : memref<32x512xf32, #tpu.memory_space<vmem>>, vector<1x16xf32>,
        %swap3A_806 = vector.shape_cast %swap3A_805 : vector<1x16xf32> to vector<16xf32>
        %swap3A_807 = vector.shape_cast %add3A_802 : vector<16xf32> to vector<1x16xf32>
        tpu.vector_store %arg18[%swap3A_803, %swap3A_804], %swap3A_807 {strides = array<i32>} : memref<32x512xf32, #tpu.memory_space<vmem>>, vector<1x16xf32>,
        %get3A_808 = arith.index_cast %scan3A_585 : i32 to index
        %get3A_809 = arith.constant 208 : index
        %get3A_810 = tpu.vector_load %arg14[%get3A_808, %get3A_809] {strides = array<i32>} : memref<32x512xf32, #tpu.memory_space<vmem>>, vector<1x16xf32>,
        %get3A_811 = vector.shape_cast %get3A_810 : vector<1x16xf32> to vector<16xf32>
        %mul3A_812 = vector.broadcast %squeeze3A_623 : f32 to vector<16xf32>
        %mul3A_813 = arith.mulf %mul3A_812, %get3A_811 : vector<16xf32>
        %mul3A_814 = vector.broadcast %sub3A_625 : f32 to vector<16xf32>
        %mul3A_815 = arith.mulf %mul3A_814, %scan3A_599 : vector<16xf32>
        %add3A_816 = arith.addf %mul3A_813, %mul3A_815 : vector<16xf32>
        %swap3A_817 = arith.index_cast %scan3A_585 : i32 to index
        %swap3A_818 = arith.constant 208 : index
        %swap3A_819 = tpu.vector_load %arg18[%swap3A_817, %swap3A_818] {strides = array<i32>} : memref<32x512xf32, #tpu.memory_space<vmem>>, vector<1x16xf32>,
        %swap3A_820 = vector.shape_cast %swap3A_819 : vector<1x16xf32> to vector<16xf32>
        %swap3A_821 = vector.shape_cast %add3A_816 : vector<16xf32> to vector<1x16xf32>
        tpu.vector_store %arg18[%swap3A_817, %swap3A_818], %swap3A_821 {strides = array<i32>} : memref<32x512xf32, #tpu.memory_space<vmem>>, vector<1x16xf32>,
        %get3A_822 = arith.index_cast %scan3A_585 : i32 to index
        %get3A_823 = arith.constant 224 : index
        %get3A_824 = tpu.vector_load %arg14[%get3A_822, %get3A_823] {strides = array<i32>} : memref<32x512xf32, #tpu.memory_space<vmem>>, vector<1x16xf32>,
        %get3A_825 = vector.shape_cast %get3A_824 : vector<1x16xf32> to vector<16xf32>
        %mul3A_826 = vector.broadcast %squeeze3A_623 : f32 to vector<16xf32>
        %mul3A_827 = arith.mulf %mul3A_826, %get3A_825 : vector<16xf32>
        %mul3A_828 = vector.broadcast %sub3A_625 : f32 to vector<16xf32>
        %mul3A_829 = arith.mulf %mul3A_828, %scan3A_600 : vector<16xf32>
        %add3A_830 = arith.addf %mul3A_827, %mul3A_829 : vector<16xf32>
        %swap3A_831 = arith.index_cast %scan3A_585 : i32 to index
        %swap3A_832 = arith.constant 224 : index
        %swap3A_833 = tpu.vector_load %arg18[%swap3A_831, %swap3A_832] {strides = array<i32>} : memref<32x512xf32, #tpu.memory_space<vmem>>, vector<1x16xf32>,
        %swap3A_834 = vector.shape_cast %swap3A_833 : vector<1x16xf32> to vector<16xf32>
        %swap3A_835 = vector.shape_cast %add3A_830 : vector<16xf32> to vector<1x16xf32>
        tpu.vector_store %arg18[%swap3A_831, %swap3A_832], %swap3A_835 {strides = array<i32>} : memref<32x512xf32, #tpu.memory_space<vmem>>, vector<1x16xf32>,
        %get3A_836 = arith.index_cast %scan3A_585 : i32 to index
        %get3A_837 = arith.constant 240 : index
        %get3A_838 = tpu.vector_load %arg14[%get3A_836, %get3A_837] {strides = array<i32>} : memref<32x512xf32, #tpu.memory_space<vmem>>, vector<1x16xf32>,
        %get3A_839 = vector.shape_cast %get3A_838 : vector<1x16xf32> to vector<16xf32>
        %mul3A_840 = vector.broadcast %squeeze3A_623 : f32 to vector<16xf32>
        %mul3A_841 = arith.mulf %mul3A_840, %get3A_839 : vector<16xf32>
        %mul3A_842 = vector.broadcast %sub3A_625 : f32 to vector<16xf32>
        %mul3A_843 = arith.mulf %mul3A_842, %scan3A_601 : vector<16xf32>
        %add3A_844 = arith.addf %mul3A_841, %mul3A_843 : vector<16xf32>
        %swap3A_845 = arith.index_cast %scan3A_585 : i32 to index
        %swap3A_846 = arith.constant 240 : index
        %swap3A_847 = tpu.vector_load %arg18[%swap3A_845, %swap3A_846] {strides = array<i32>} : memref<32x512xf32, #tpu.memory_space<vmem>>, vector<1x16xf32>,
        %swap3A_848 = vector.shape_cast %swap3A_847 : vector<1x16xf32> to vector<16xf32>
        %swap3A_849 = vector.shape_cast %add3A_844 : vector<16xf32> to vector<1x16xf32>
        tpu.vector_store %arg18[%swap3A_845, %swap3A_846], %swap3A_849 {strides = array<i32>} : memref<32x512xf32, #tpu.memory_space<vmem>>, vector<1x16xf32>,
        %get3A_850 = arith.index_cast %scan3A_585 : i32 to index
        %get3A_851 = arith.constant 256 : index
        %get3A_852 = tpu.vector_load %arg14[%get3A_850, %get3A_851] {strides = array<i32>} : memref<32x512xf32, #tpu.memory_space<vmem>>, vector<1x16xf32>,
        %get3A_853 = vector.shape_cast %get3A_852 : vector<1x16xf32> to vector<16xf32>
        %mul3A_854 = vector.broadcast %squeeze3A_623 : f32 to vector<16xf32>
        %mul3A_855 = arith.mulf %mul3A_854, %get3A_853 : vector<16xf32>
        %mul3A_856 = vector.broadcast %sub3A_625 : f32 to vector<16xf32>
        %mul3A_857 = arith.mulf %mul3A_856, %scan3A_602 : vector<16xf32>
        %add3A_858 = arith.addf %mul3A_855, %mul3A_857 : vector<16xf32>
        %swap3A_859 = arith.index_cast %scan3A_585 : i32 to index
        %swap3A_860 = arith.constant 256 : index
        %swap3A_861 = tpu.vector_load %arg18[%swap3A_859, %swap3A_860] {strides = array<i32>} : memref<32x512xf32, #tpu.memory_space<vmem>>, vector<1x16xf32>,
        %swap3A_862 = vector.shape_cast %swap3A_861 : vector<1x16xf32> to vector<16xf32>
        %swap3A_863 = vector.shape_cast %add3A_858 : vector<16xf32> to vector<1x16xf32>
        tpu.vector_store %arg18[%swap3A_859, %swap3A_860], %swap3A_863 {strides = array<i32>} : memref<32x512xf32, #tpu.memory_space<vmem>>, vector<1x16xf32>,
        %get3A_864 = arith.index_cast %scan3A_585 : i32 to index
        %get3A_865 = arith.constant 272 : index
        %get3A_866 = tpu.vector_load %arg14[%get3A_864, %get3A_865] {strides = array<i32>} : memref<32x512xf32, #tpu.memory_space<vmem>>, vector<1x16xf32>,
        %get3A_867 = vector.shape_cast %get3A_866 : vector<1x16xf32> to vector<16xf32>
        %mul3A_868 = vector.broadcast %squeeze3A_623 : f32 to vector<16xf32>
        %mul3A_869 = arith.mulf %mul3A_868, %get3A_867 : vector<16xf32>
        %mul3A_870 = vector.broadcast %sub3A_625 : f32 to vector<16xf32>
        %mul3A_871 = arith.mulf %mul3A_870, %scan3A_603 : vector<16xf32>
        %add3A_872 = arith.addf %mul3A_869, %mul3A_871 : vector<16xf32>
        %swap3A_873 = arith.index_cast %scan3A_585 : i32 to index
        %swap3A_874 = arith.constant 272 : index
        %swap3A_875 = tpu.vector_load %arg18[%swap3A_873, %swap3A_874] {strides = array<i32>} : memref<32x512xf32, #tpu.memory_space<vmem>>, vector<1x16xf32>,
        %swap3A_876 = vector.shape_cast %swap3A_875 : vector<1x16xf32> to vector<16xf32>
        %swap3A_877 = vector.shape_cast %add3A_872 : vector<16xf32> to vector<1x16xf32>
        tpu.vector_store %arg18[%swap3A_873, %swap3A_874], %swap3A_877 {strides = array<i32>} : memref<32x512xf32, #tpu.memory_space<vmem>>, vector<1x16xf32>,
        %get3A_878 = arith.index_cast %scan3A_585 : i32 to index
        %get3A_879 = arith.constant 288 : index
        %get3A_880 = tpu.vector_load %arg14[%get3A_878, %get3A_879] {strides = array<i32>} : memref<32x512xf32, #tpu.memory_space<vmem>>, vector<1x16xf32>,
        %get3A_881 = vector.shape_cast %get3A_880 : vector<1x16xf32> to vector<16xf32>
        %mul3A_882 = vector.broadcast %squeeze3A_623 : f32 to vector<16xf32>
        %mul3A_883 = arith.mulf %mul3A_882, %get3A_881 : vector<16xf32>
        %mul3A_884 = vector.broadcast %sub3A_625 : f32 to vector<16xf32>
        %mul3A_885 = arith.mulf %mul3A_884, %scan3A_604 : vector<16xf32>
        %add3A_886 = arith.addf %mul3A_883, %mul3A_885 : vector<16xf32>
        %swap3A_887 = arith.index_cast %scan3A_585 : i32 to index
        %swap3A_888 = arith.constant 288 : index
        %swap3A_889 = tpu.vector_load %arg18[%swap3A_887, %swap3A_888] {strides = array<i32>} : memref<32x512xf32, #tpu.memory_space<vmem>>, vector<1x16xf32>,
        %swap3A_890 = vector.shape_cast %swap3A_889 : vector<1x16xf32> to vector<16xf32>
        %swap3A_891 = vector.shape_cast %add3A_886 : vector<16xf32> to vector<1x16xf32>
        tpu.vector_store %arg18[%swap3A_887, %swap3A_888], %swap3A_891 {strides = array<i32>} : memref<32x512xf32, #tpu.memory_space<vmem>>, vector<1x16xf32>,
        %get3A_892 = arith.index_cast %scan3A_585 : i32 to index
        %get3A_893 = arith.constant 304 : index
        %get3A_894 = tpu.vector_load %arg14[%get3A_892, %get3A_893] {strides = array<i32>} : memref<32x512xf32, #tpu.memory_space<vmem>>, vector<1x16xf32>,
        %get3A_895 = vector.shape_cast %get3A_894 : vector<1x16xf32> to vector<16xf32>
        %mul3A_896 = vector.broadcast %squeeze3A_623 : f32 to vector<16xf32>
        %mul3A_897 = arith.mulf %mul3A_896, %get3A_895 : vector<16xf32>
        %mul3A_898 = vector.broadcast %sub3A_625 : f32 to vector<16xf32>
        %mul3A_899 = arith.mulf %mul3A_898, %scan3A_605 : vector<16xf32>
        %add3A_900 = arith.addf %mul3A_897, %mul3A_899 : vector<16xf32>
        %swap3A_901 = arith.index_cast %scan3A_585 : i32 to index
        %swap3A_902 = arith.constant 304 : index
        %swap3A_903 = tpu.vector_load %arg18[%swap3A_901, %swap3A_902] {strides = array<i32>} : memref<32x512xf32, #tpu.memory_space<vmem>>, vector<1x16xf32>,
        %swap3A_904 = vector.shape_cast %swap3A_903 : vector<1x16xf32> to vector<16xf32>
        %swap3A_905 = vector.shape_cast %add3A_900 : vector<16xf32> to vector<1x16xf32>
        tpu.vector_store %arg18[%swap3A_901, %swap3A_902], %swap3A_905 {strides = array<i32>} : memref<32x512xf32, #tpu.memory_space<vmem>>, vector<1x16xf32>,
        %get3A_906 = arith.index_cast %scan3A_585 : i32 to index
        %get3A_907 = arith.constant 320 : index
        %get3A_908 = tpu.vector_load %arg14[%get3A_906, %get3A_907] {strides = array<i32>} : memref<32x512xf32, #tpu.memory_space<vmem>>, vector<1x16xf32>,
        %get3A_909 = vector.shape_cast %get3A_908 : vector<1x16xf32> to vector<16xf32>
        %mul3A_910 = vector.broadcast %squeeze3A_623 : f32 to vector<16xf32>
        %mul3A_911 = arith.mulf %mul3A_910, %get3A_909 : vector<16xf32>
        %mul3A_912 = vector.broadcast %sub3A_625 : f32 to vector<16xf32>
        %mul3A_913 = arith.mulf %mul3A_912, %scan3A_606 : vector<16xf32>
        %add3A_914 = arith.addf %mul3A_911, %mul3A_913 : vector<16xf32>
        %swap3A_915 = arith.index_cast %scan3A_585 : i32 to index
        %swap3A_916 = arith.constant 320 : index
        %swap3A_917 = tpu.vector_load %arg18[%swap3A_915, %swap3A_916] {strides = array<i32>} : memref<32x512xf32, #tpu.memory_space<vmem>>, vector<1x16xf32>,
        %swap3A_918 = vector.shape_cast %swap3A_917 : vector<1x16xf32> to vector<16xf32>
        %swap3A_919 = vector.shape_cast %add3A_914 : vector<16xf32> to vector<1x16xf32>
        tpu.vector_store %arg18[%swap3A_915, %swap3A_916], %swap3A_919 {strides = array<i32>} : memref<32x512xf32, #tpu.memory_space<vmem>>, vector<1x16xf32>,
        %get3A_920 = arith.index_cast %scan3A_585 : i32 to index
        %get3A_921 = arith.constant 336 : index
        %get3A_922 = tpu.vector_load %arg14[%get3A_920, %get3A_921] {strides = array<i32>} : memref<32x512xf32, #tpu.memory_space<vmem>>, vector<1x16xf32>,
        %get3A_923 = vector.shape_cast %get3A_922 : vector<1x16xf32> to vector<16xf32>
        %mul3A_924 = vector.broadcast %squeeze3A_623 : f32 to vector<16xf32>
        %mul3A_925 = arith.mulf %mul3A_924, %get3A_923 : vector<16xf32>
        %mul3A_926 = vector.broadcast %sub3A_625 : f32 to vector<16xf32>
        %mul3A_927 = arith.mulf %mul3A_926, %scan3A_607 : vector<16xf32>
        %add3A_928 = arith.addf %mul3A_925, %mul3A_927 : vector<16xf32>
        %swap3A_929 = arith.index_cast %scan3A_585 : i32 to index
        %swap3A_930 = arith.constant 336 : index
        %swap3A_931 = tpu.vector_load %arg18[%swap3A_929, %swap3A_930] {strides = array<i32>} : memref<32x512xf32, #tpu.memory_space<vmem>>, vector<1x16xf32>,
        %swap3A_932 = vector.shape_cast %swap3A_931 : vector<1x16xf32> to vector<16xf32>
        %swap3A_933 = vector.shape_cast %add3A_928 : vector<16xf32> to vector<1x16xf32>
        tpu.vector_store %arg18[%swap3A_929, %swap3A_930], %swap3A_933 {strides = array<i32>} : memref<32x512xf32, #tpu.memory_space<vmem>>, vector<1x16xf32>,
        %get3A_934 = arith.index_cast %scan3A_585 : i32 to index
        %get3A_935 = arith.constant 352 : index
        %get3A_936 = tpu.vector_load %arg14[%get3A_934, %get3A_935] {strides = array<i32>} : memref<32x512xf32, #tpu.memory_space<vmem>>, vector<1x16xf32>,
        %get3A_937 = vector.shape_cast %get3A_936 : vector<1x16xf32> to vector<16xf32>
        %mul3A_938 = vector.broadcast %squeeze3A_623 : f32 to vector<16xf32>
        %mul3A_939 = arith.mulf %mul3A_938, %get3A_937 : vector<16xf32>
        %mul3A_940 = vector.broadcast %sub3A_625 : f32 to vector<16xf32>
        %mul3A_941 = arith.mulf %mul3A_940, %scan3A_608 : vector<16xf32>
        %add3A_942 = arith.addf %mul3A_939, %mul3A_941 : vector<16xf32>
        %swap3A_943 = arith.index_cast %scan3A_585 : i32 to index
        %swap3A_944 = arith.constant 352 : index
        %swap3A_945 = tpu.vector_load %arg18[%swap3A_943, %swap3A_944] {strides = array<i32>} : memref<32x512xf32, #tpu.memory_space<vmem>>, vector<1x16xf32>,
        %swap3A_946 = vector.shape_cast %swap3A_945 : vector<1x16xf32> to vector<16xf32>
        %swap3A_947 = vector.shape_cast %add3A_942 : vector<16xf32> to vector<1x16xf32>
        tpu.vector_store %arg18[%swap3A_943, %swap3A_944], %swap3A_947 {strides = array<i32>} : memref<32x512xf32, #tpu.memory_space<vmem>>, vector<1x16xf32>,
        %get3A_948 = arith.index_cast %scan3A_585 : i32 to index
        %get3A_949 = arith.constant 368 : index
        %get3A_950 = tpu.vector_load %arg14[%get3A_948, %get3A_949] {strides = array<i32>} : memref<32x512xf32, #tpu.memory_space<vmem>>, vector<1x16xf32>,
        %get3A_951 = vector.shape_cast %get3A_950 : vector<1x16xf32> to vector<16xf32>
        %mul3A_952 = vector.broadcast %squeeze3A_623 : f32 to vector<16xf32>
        %mul3A_953 = arith.mulf %mul3A_952, %get3A_951 : vector<16xf32>
        %mul3A_954 = vector.broadcast %sub3A_625 : f32 to vector<16xf32>
        %mul3A_955 = arith.mulf %mul3A_954, %scan3A_609 : vector<16xf32>
        %add3A_956 = arith.addf %mul3A_953, %mul3A_955 : vector<16xf32>
        %swap3A_957 = arith.index_cast %scan3A_585 : i32 to index
        %swap3A_958 = arith.constant 368 : index
        %swap3A_959 = tpu.vector_load %arg18[%swap3A_957, %swap3A_958] {strides = array<i32>} : memref<32x512xf32, #tpu.memory_space<vmem>>, vector<1x16xf32>,
        %swap3A_960 = vector.shape_cast %swap3A_959 : vector<1x16xf32> to vector<16xf32>
        %swap3A_961 = vector.shape_cast %add3A_956 : vector<16xf32> to vector<1x16xf32>
        tpu.vector_store %arg18[%swap3A_957, %swap3A_958], %swap3A_961 {strides = array<i32>} : memref<32x512xf32, #tpu.memory_space<vmem>>, vector<1x16xf32>,
        %get3A_962 = arith.index_cast %scan3A_585 : i32 to index
        %get3A_963 = arith.constant 384 : index
        %get3A_964 = tpu.vector_load %arg14[%get3A_962, %get3A_963] {strides = array<i32>} : memref<32x512xf32, #tpu.memory_space<vmem>>, vector<1x16xf32>,
        %get3A_965 = vector.shape_cast %get3A_964 : vector<1x16xf32> to vector<16xf32>
        %mul3A_966 = vector.broadcast %squeeze3A_623 : f32 to vector<16xf32>
        %mul3A_967 = arith.mulf %mul3A_966, %get3A_965 : vector<16xf32>
        %mul3A_968 = vector.broadcast %sub3A_625 : f32 to vector<16xf32>
        %mul3A_969 = arith.mulf %mul3A_968, %scan3A_610 : vector<16xf32>
        %add3A_970 = arith.addf %mul3A_967, %mul3A_969 : vector<16xf32>
        %swap3A_971 = arith.index_cast %scan3A_585 : i32 to index
        %swap3A_972 = arith.constant 384 : index
        %swap3A_973 = tpu.vector_load %arg18[%swap3A_971, %swap3A_972] {strides = array<i32>} : memref<32x512xf32, #tpu.memory_space<vmem>>, vector<1x16xf32>,
        %swap3A_974 = vector.shape_cast %swap3A_973 : vector<1x16xf32> to vector<16xf32>
        %swap3A_975 = vector.shape_cast %add3A_970 : vector<16xf32> to vector<1x16xf32>
        tpu.vector_store %arg18[%swap3A_971, %swap3A_972], %swap3A_975 {strides = array<i32>} : memref<32x512xf32, #tpu.memory_space<vmem>>, vector<1x16xf32>,
        %get3A_976 = arith.index_cast %scan3A_585 : i32 to index
        %get3A_977 = arith.constant 400 : index
        %get3A_978 = tpu.vector_load %arg14[%get3A_976, %get3A_977] {strides = array<i32>} : memref<32x512xf32, #tpu.memory_space<vmem>>, vector<1x16xf32>,
        %get3A_979 = vector.shape_cast %get3A_978 : vector<1x16xf32> to vector<16xf32>
        %mul3A_980 = vector.broadcast %squeeze3A_623 : f32 to vector<16xf32>
        %mul3A_981 = arith.mulf %mul3A_980, %get3A_979 : vector<16xf32>
        %mul3A_982 = vector.broadcast %sub3A_625 : f32 to vector<16xf32>
        %mul3A_983 = arith.mulf %mul3A_982, %scan3A_611 : vector<16xf32>
        %add3A_984 = arith.addf %mul3A_981, %mul3A_983 : vector<16xf32>
        %swap3A_985 = arith.index_cast %scan3A_585 : i32 to index
        %swap3A_986 = arith.constant 400 : index
        %swap3A_987 = tpu.vector_load %arg18[%swap3A_985, %swap3A_986] {strides = array<i32>} : memref<32x512xf32, #tpu.memory_space<vmem>>, vector<1x16xf32>,
        %swap3A_988 = vector.shape_cast %swap3A_987 : vector<1x16xf32> to vector<16xf32>
        %swap3A_989 = vector.shape_cast %add3A_984 : vector<16xf32> to vector<1x16xf32>
        tpu.vector_store %arg18[%swap3A_985, %swap3A_986], %swap3A_989 {strides = array<i32>} : memref<32x512xf32, #tpu.memory_space<vmem>>, vector<1x16xf32>,
        %get3A_990 = arith.index_cast %scan3A_585 : i32 to index
        %get3A_991 = arith.constant 416 : index
        %get3A_992 = tpu.vector_load %arg14[%get3A_990, %get3A_991] {strides = array<i32>} : memref<32x512xf32, #tpu.memory_space<vmem>>, vector<1x16xf32>,
        %get3A_993 = vector.shape_cast %get3A_992 : vector<1x16xf32> to vector<16xf32>
        %mul3A_994 = vector.broadcast %squeeze3A_623 : f32 to vector<16xf32>
        %mul3A_995 = arith.mulf %mul3A_994, %get3A_993 : vector<16xf32>
        %mul3A_996 = vector.broadcast %sub3A_625 : f32 to vector<16xf32>
        %mul3A_997 = arith.mulf %mul3A_996, %scan3A_612 : vector<16xf32>
        %add3A_998 = arith.addf %mul3A_995, %mul3A_997 : vector<16xf32>
        %swap3A_999 = arith.index_cast %scan3A_585 : i32 to index
        %swap3A_1000 = arith.constant 416 : index
        %swap3A_1001 = tpu.vector_load %arg18[%swap3A_999, %swap3A_1000] {strides = array<i32>} : memref<32x512xf32, #tpu.memory_space<vmem>>, vector<1x16xf32>,
        %swap3A_1002 = vector.shape_cast %swap3A_1001 : vector<1x16xf32> to vector<16xf32>
        %swap3A_1003 = vector.shape_cast %add3A_998 : vector<16xf32> to vector<1x16xf32>
        tpu.vector_store %arg18[%swap3A_999, %swap3A_1000], %swap3A_1003 {strides = array<i32>} : memref<32x512xf32, #tpu.memory_space<vmem>>, vector<1x16xf32>,
        %get3A_1004 = arith.index_cast %scan3A_585 : i32 to index
        %get3A_1005 = arith.constant 432 : index
        %get3A_1006 = tpu.vector_load %arg14[%get3A_1004, %get3A_1005] {strides = array<i32>} : memref<32x512xf32, #tpu.memory_space<vmem>>, vector<1x16xf32>,
        %get3A_1007 = vector.shape_cast %get3A_1006 : vector<1x16xf32> to vector<16xf32>
        %mul3A_1008 = vector.broadcast %squeeze3A_623 : f32 to vector<16xf32>
        %mul3A_1009 = arith.mulf %mul3A_1008, %get3A_1007 : vector<16xf32>
        %mul3A_1010 = vector.broadcast %sub3A_625 : f32 to vector<16xf32>
        %mul3A_1011 = arith.mulf %mul3A_1010, %scan3A_613 : vector<16xf32>
        %add3A_1012 = arith.addf %mul3A_1009, %mul3A_1011 : vector<16xf32>
        %swap3A_1013 = arith.index_cast %scan3A_585 : i32 to index
        %swap3A_1014 = arith.constant 432 : index
        %swap3A_1015 = tpu.vector_load %arg18[%swap3A_1013, %swap3A_1014] {strides = array<i32>} : memref<32x512xf32, #tpu.memory_space<vmem>>, vector<1x16xf32>,
        %swap3A_1016 = vector.shape_cast %swap3A_1015 : vector<1x16xf32> to vector<16xf32>
        %swap3A_1017 = vector.shape_cast %add3A_1012 : vector<16xf32> to vector<1x16xf32>
        tpu.vector_store %arg18[%swap3A_1013, %swap3A_1014], %swap3A_1017 {strides = array<i32>} : memref<32x512xf32, #tpu.memory_space<vmem>>, vector<1x16xf32>,
        %get3A_1018 = arith.index_cast %scan3A_585 : i32 to index
        %get3A_1019 = arith.constant 448 : index
        %get3A_1020 = tpu.vector_load %arg14[%get3A_1018, %get3A_1019] {strides = array<i32>} : memref<32x512xf32, #tpu.memory_space<vmem>>, vector<1x16xf32>,
        %get3A_1021 = vector.shape_cast %get3A_1020 : vector<1x16xf32> to vector<16xf32>
        %mul3A_1022 = vector.broadcast %squeeze3A_623 : f32 to vector<16xf32>
        %mul3A_1023 = arith.mulf %mul3A_1022, %get3A_1021 : vector<16xf32>
        %mul3A_1024 = vector.broadcast %sub3A_625 : f32 to vector<16xf32>
        %mul3A_1025 = arith.mulf %mul3A_1024, %scan3A_614 : vector<16xf32>
        %add3A_1026 = arith.addf %mul3A_1023, %mul3A_1025 : vector<16xf32>
        %swap3A_1027 = arith.index_cast %scan3A_585 : i32 to index
        %swap3A_1028 = arith.constant 448 : index
        %swap3A_1029 = tpu.vector_load %arg18[%swap3A_1027, %swap3A_1028] {strides = array<i32>} : memref<32x512xf32, #tpu.memory_space<vmem>>, vector<1x16xf32>,
        %swap3A_1030 = vector.shape_cast %swap3A_1029 : vector<1x16xf32> to vector<16xf32>
        %swap3A_1031 = vector.shape_cast %add3A_1026 : vector<16xf32> to vector<1x16xf32>
        tpu.vector_store %arg18[%swap3A_1027, %swap3A_1028], %swap3A_1031 {strides = array<i32>} : memref<32x512xf32, #tpu.memory_space<vmem>>, vector<1x16xf32>,
        %get3A_1032 = arith.index_cast %scan3A_585 : i32 to index
        %get3A_1033 = arith.constant 464 : index
        %get3A_1034 = tpu.vector_load %arg14[%get3A_1032, %get3A_1033] {strides = array<i32>} : memref<32x512xf32, #tpu.memory_space<vmem>>, vector<1x16xf32>,
        %get3A_1035 = vector.shape_cast %get3A_1034 : vector<1x16xf32> to vector<16xf32>
        %mul3A_1036 = vector.broadcast %squeeze3A_623 : f32 to vector<16xf32>
        %mul3A_1037 = arith.mulf %mul3A_1036, %get3A_1035 : vector<16xf32>
        %mul3A_1038 = vector.broadcast %sub3A_625 : f32 to vector<16xf32>
        %mul3A_1039 = arith.mulf %mul3A_1038, %scan3A_615 : vector<16xf32>
        %add3A_1040 = arith.addf %mul3A_1037, %mul3A_1039 : vector<16xf32>
        %swap3A_1041 = arith.index_cast %scan3A_585 : i32 to index
        %swap3A_1042 = arith.constant 464 : index
        %swap3A_1043 = tpu.vector_load %arg18[%swap3A_1041, %swap3A_1042] {strides = array<i32>} : memref<32x512xf32, #tpu.memory_space<vmem>>, vector<1x16xf32>,
        %swap3A_1044 = vector.shape_cast %swap3A_1043 : vector<1x16xf32> to vector<16xf32>
        %swap3A_1045 = vector.shape_cast %add3A_1040 : vector<16xf32> to vector<1x16xf32>
        tpu.vector_store %arg18[%swap3A_1041, %swap3A_1042], %swap3A_1045 {strides = array<i32>} : memref<32x512xf32, #tpu.memory_space<vmem>>, vector<1x16xf32>,
        %get3A_1046 = arith.index_cast %scan3A_585 : i32 to index
        %get3A_1047 = arith.constant 480 : index
        %get3A_1048 = tpu.vector_load %arg14[%get3A_1046, %get3A_1047] {strides = array<i32>} : memref<32x512xf32, #tpu.memory_space<vmem>>, vector<1x16xf32>,
        %get3A_1049 = vector.shape_cast %get3A_1048 : vector<1x16xf32> to vector<16xf32>
        %mul3A_1050 = vector.broadcast %squeeze3A_623 : f32 to vector<16xf32>
        %mul3A_1051 = arith.mulf %mul3A_1050, %get3A_1049 : vector<16xf32>
        %mul3A_1052 = vector.broadcast %sub3A_625 : f32 to vector<16xf32>
        %mul3A_1053 = arith.mulf %mul3A_1052, %scan3A_616 : vector<16xf32>
        %add3A_1054 = arith.addf %mul3A_1051, %mul3A_1053 : vector<16xf32>
        %swap3A_1055 = arith.index_cast %scan3A_585 : i32 to index
        %swap3A_1056 = arith.constant 480 : index
        %swap3A_1057 = tpu.vector_load %arg18[%swap3A_1055, %swap3A_1056] {strides = array<i32>} : memref<32x512xf32, #tpu.memory_space<vmem>>, vector<1x16xf32>,
        %swap3A_1058 = vector.shape_cast %swap3A_1057 : vector<1x16xf32> to vector<16xf32>
        %swap3A_1059 = vector.shape_cast %add3A_1054 : vector<16xf32> to vector<1x16xf32>
        tpu.vector_store %arg18[%swap3A_1055, %swap3A_1056], %swap3A_1059 {strides = array<i32>} : memref<32x512xf32, #tpu.memory_space<vmem>>, vector<1x16xf32>,
        %get3A_1060 = arith.index_cast %scan3A_585 : i32 to index
        %get3A_1061 = arith.constant 496 : index
        %get3A_1062 = tpu.vector_load %arg14[%get3A_1060, %get3A_1061] {strides = array<i32>} : memref<32x512xf32, #tpu.memory_space<vmem>>, vector<1x16xf32>,
        %get3A_1063 = vector.shape_cast %get3A_1062 : vector<1x16xf32> to vector<16xf32>
        %mul3A_1064 = vector.broadcast %squeeze3A_623 : f32 to vector<16xf32>
        %mul3A_1065 = arith.mulf %mul3A_1064, %get3A_1063 : vector<16xf32>
        %mul3A_1066 = vector.broadcast %sub3A_625 : f32 to vector<16xf32>
        %mul3A_1067 = arith.mulf %mul3A_1066, %scan3A_617 : vector<16xf32>
        %add3A_1068 = arith.addf %mul3A_1065, %mul3A_1067 : vector<16xf32>
        %swap3A_1069 = arith.index_cast %scan3A_585 : i32 to index
        %swap3A_1070 = arith.constant 496 : index
        %swap3A_1071 = tpu.vector_load %arg18[%swap3A_1069, %swap3A_1070] {strides = array<i32>} : memref<32x512xf32, #tpu.memory_space<vmem>>, vector<1x16xf32>,
        %swap3A_1072 = vector.shape_cast %swap3A_1071 : vector<1x16xf32> to vector<16xf32>
        %swap3A_1073 = vector.shape_cast %add3A_1068 : vector<16xf32> to vector<1x16xf32>
        tpu.vector_store %arg18[%swap3A_1069, %swap3A_1070], %swap3A_1073 {strides = array<i32>} : memref<32x512xf32, #tpu.memory_space<vmem>>, vector<1x16xf32>,
        scf.yield %get3A_629, %get3A_643, %get3A_657, %get3A_671, %get3A_685, %get3A_699, %get3A_713, %get3A_727, %get3A_741, %get3A_755, %get3A_769, %get3A_783, %get3A_797, %get3A_811, %get3A_825, %get3A_839, %get3A_853, %get3A_867, %get3A_881, %get3A_895, %get3A_909, %get3A_923, %get3A_937, %get3A_951, %get3A_965, %get3A_979, %get3A_993, %get3A_1007, %get3A_1021, %get3A_1035, %get3A_1049, %get3A_1063 : vector<16xf32>, vector<16xf32>, vector<16xf32>, vector<16xf32>, vector<16xf32>, vector<16xf32>, vector<16xf32>, vector<16xf32>, vector<16xf32>, vector<16xf32>, vector<16xf32>, vector<16xf32>, vector<16xf32>, vector<16xf32>, vector<16xf32>, vector<16xf32>, vector<16xf32>, vector<16xf32>, vector<16xf32>, vector<16xf32>, vector<16xf32>, vector<16xf32>, vector<16xf32>, vector<16xf32>, vector<16xf32>, vector<16xf32>, vector<16xf32>, vector<16xf32>, vector<16xf32>, vector<16xf32>, vector<16xf32>, vector<16xf32>
      }
      %scan3A_457 = arith.constant 32 : i32
      %mul3A_458 = arith.constant 32 : i32
      %mul3A_459 = arith.muli %add3A_439, %mul3A_458 : i32
      %add3A_460 = arith.addi %add3A_35, %mul3A_459 : i32
      %dma_start3A_461 = arith.constant 0 : i32
      %dma_start3A_462 = tpu.memref_slice %arg5[%add3A_460, %dma_start3A_461] : memref<16384x512xf32, #tpu.memory_space<hbm>> -> memref<32x512xf32, #tpu.memory_space<hbm>>
      %dma_start3A_463 = arith.constant 0 : i32
      %dma_start3A_464 = tpu.memref_slice %arg5[%add3A_460, %dma_start3A_463] : memref<16384x512xf32, #tpu.memory_space<hbm>> -> memref<32x512xf32, #tpu.memory_space<hbm>>
      tpu.enqueue_dma source(%arg18 : memref<32x512xf32, #tpu.memory_space<vmem>>) target(%dma_start3A_464 : memref<32x512xf32, #tpu.memory_space<hbm>>) target_semaphore(%arg24 : memref<!tpu.dma_semaphore, #tpu.memory_space<semaphore_mem>>)
      %add3A_465 = arith.constant 4 : i32
      %add3A_466 = arith.addi %add3A_439, %add3A_465 : i32
      %lt3A_467 = arith.constant 16 : i32
      %lt3A_468 = arith.cmpi slt, %add3A_466, %lt3A_467 : i32
      %convert_element_type3A_469 = arith.extui %lt3A_468 : i1 to i32
      %cond3A_470 = arith.constant 0 : i32
      %cond3A_471 = arith.cmpi ne, %convert_element_type3A_469, %cond3A_470 : i32
      scf.if %cond3A_471 {
        %add3A_585 = arith.constant 4 : i32
        %add3A_586 = arith.addi %add3A_439, %add3A_585 : i32
        %add3A_587 = arith.constant 16 : i32
        %add3A_588 = arith.addi %add3A_587, %mul3A_32 : i32
        %mul3A_589 = arith.constant 32 : i32
        %mul3A_590 = arith.muli %add3A_586, %mul3A_589 : i32
        %add3A_591 = arith.addi %add3A_588, %mul3A_590 : i32
        %dma_start3A_592 = tpu.memref_slice %arg9[%add3A_591] : memref<2080xi32, #tpu.memory_space<vmem>> -> memref<32xi32, #tpu.memory_space<vmem>>
        %dma_start3A_593 = arith.constant 0 : i32
        %dma_start3A_594 = arith.constant 0 : i32
        %dma_start3A_595 = tpu.memref_slice %arg2[%dma_start3A_593, %dma_start3A_594] : memref<8192x512xf32, #tpu.memory_space<hbm>> -> memref<8192x512xf32, #tpu.memory_space<hbm>>
        tpu.enqueue_indirect_dma source(%dma_start3A_595 : memref<8192x512xf32, #tpu.memory_space<hbm>>) target(%arg14 : memref<32x512xf32, #tpu.memory_space<vmem>>) offsets(%dma_start3A_592 : memref<32xi32, #tpu.memory_space<vmem>>) semaphore(%arg20 : memref<!tpu.dma_semaphore, #tpu.memory_space<semaphore_mem>>)
      } else {
      }
      %mul3A_472 = arith.constant 4 : i32
      %mul3A_473 = arith.muli %mul3A_472, %scan3A_403 : i32
      %add3A_474 = arith.constant 1 : i32
      %add3A_475 = arith.addi %mul3A_473, %add3A_474 : i32
      %dma_wait3A_476 = arith.constant 0 : i32
      %dma_wait3A_477 = arith.constant 0 : i32
      %dma_wait3A_478 = tpu.memref_slice %arg2[%dma_wait3A_476, %dma_wait3A_477] : memref<8192x512xf32, #tpu.memory_space<hbm>> -> memref<32x512xf32, #tpu.memory_space<hbm>>
      %dma_wait3A_479 = arith.constant 0 : i32
      %dma_wait3A_480 = arith.constant 0 : i32
      %dma_wait3A_481 = tpu.memref_slice %arg2[%dma_wait3A_479, %dma_wait3A_480] : memref<8192x512xf32, #tpu.memory_space<hbm>> -> memref<32x512xf32, #tpu.memory_space<hbm>>
      tpu.wait_dma2 semaphore(%arg21 : memref<!tpu.dma_semaphore, #tpu.memory_space<semaphore_mem>>) src(%dma_wait3A_481 : memref<32x512xf32, #tpu.memory_space<hbm>>) dst(%arg15 : memref<32x512xf32, #tpu.memory_space<vmem>>)
      %gt3A_482 = arith.constant 0 : i32
      %gt3A_483 = arith.cmpi sgt, %scan3A_403, %gt3A_482 : i32
      %convert_element_type3A_484 = arith.extui %gt3A_483 : i1 to i32
      %cond3A_485 = arith.constant 0 : i32
      %cond3A_486 = arith.cmpi ne, %convert_element_type3A_484, %cond3A_485 : i32
      scf.if %cond3A_486 {
        %dma_wait3A_585 = arith.constant 0 : i32
        %dma_wait3A_586 = arith.constant 0 : i32
        %dma_wait3A_587 = tpu.memref_slice %arg5[%dma_wait3A_585, %dma_wait3A_586] : memref<16384x512xf32, #tpu.memory_space<hbm>> -> memref<32x512xf32, #tpu.memory_space<hbm>>
        %dma_wait3A_588 = arith.constant 0 : i32
        %dma_wait3A_589 = arith.constant 0 : i32
        %dma_wait3A_590 = tpu.memref_slice %arg5[%dma_wait3A_588, %dma_wait3A_589] : memref<16384x512xf32, #tpu.memory_space<hbm>> -> memref<32x512xf32, #tpu.memory_space<hbm>>
        tpu.wait_dma2 semaphore(%arg25 : memref<!tpu.dma_semaphore, #tpu.memory_space<semaphore_mem>>) src(%arg19 : memref<32x512xf32, #tpu.memory_space<vmem>>) dst(%dma_wait3A_590 : memref<32x512xf32, #tpu.memory_space<hbm>>)
      } else {
      }
      %mul3A_487 = arith.constant 32 : i32
      %mul3A_488 = arith.muli %add3A_475, %mul3A_487 : i32
      %scan3A_489 = arith.constant 0 : i32
      %scan3A_490 = arith.constant 32 : i32
      %scan3A_491 = arith.addi %scan3A_489, %scan3A_490 : i32
      %scan3A_492 = arith.constant 1 : i32
      %scan3A_493:32 = scf.for %scan3A_585 = %scan3A_489 to %scan3A_491 step %scan3A_492 iter_args(%scan3A_586 = %scan3A_456#0, %scan3A_587 = %scan3A_456#1, %scan3A_588 = %scan3A_456#2, %scan3A_589 = %scan3A_456#3, %scan3A_590 = %scan3A_456#4, %scan3A_591 = %scan3A_456#5, %scan3A_592 = %scan3A_456#6, %scan3A_593 = %scan3A_456#7, %scan3A_594 = %scan3A_456#8, %scan3A_595 = %scan3A_456#9, %scan3A_596 = %scan3A_456#10, %scan3A_597 = %scan3A_456#11, %scan3A_598 = %scan3A_456#12, %scan3A_599 = %scan3A_456#13, %scan3A_600 = %scan3A_456#14, %scan3A_601 = %scan3A_456#15, %scan3A_602 = %scan3A_456#16, %scan3A_603 = %scan3A_456#17, %scan3A_604 = %scan3A_456#18, %scan3A_605 = %scan3A_456#19, %scan3A_606 = %scan3A_456#20, %scan3A_607 = %scan3A_456#21, %scan3A_608 = %scan3A_456#22, %scan3A_609 = %scan3A_456#23, %scan3A_610 = %scan3A_456#24, %scan3A_611 = %scan3A_456#25, %scan3A_612 = %scan3A_456#26, %scan3A_613 = %scan3A_456#27, %scan3A_614 = %scan3A_456#28, %scan3A_615 = %scan3A_456#29, %scan3A_616 = %scan3A_456#30, %scan3A_617 = %scan3A_456#31) -> (vector<16xf32>, vector<16xf32>, vector<16xf32>, vector<16xf32>, vector<16xf32>, vector<16xf32>, vector<16xf32>, vector<16xf32>, vector<16xf32>, vector<16xf32>, vector<16xf32>, vector<16xf32>, vector<16xf32>, vector<16xf32>, vector<16xf32>, vector<16xf32>, vector<16xf32>, vector<16xf32>, vector<16xf32>, vector<16xf32>, vector<16xf32>, vector<16xf32>, vector<16xf32>, vector<16xf32>, vector<16xf32>, vector<16xf32>, vector<16xf32>, vector<16xf32>, vector<16xf32>, vector<16xf32>, vector<16xf32>, vector<16xf32>)  : i32 {
        %add3A_618 = arith.addi %mul3A_488, %scan3A_585 : i32
        %get3A_619 = arith.index_cast %add3A_618 : i32 to index
        %get3A_620 = tpu.vector_load %arg7[%get3A_619] {strides = array<i32>} : memref<528xf32, #tpu.memory_space<vmem>>, vector<16xf32>,
        %get3A_621 = vector.shape_cast %get3A_620 : vector<16xf32> to vector<16xf32>
        %slice3A_622 = vector.extract_strided_slice %get3A_621 {offsets = [0], sizes = [1], strides = [1]} : vector<16xf32> to vector<1xf32>
        %squeeze3A_623 = vector.extract %slice3A_622[0] : f32 from vector<1xf32>
        %sub3A_624 = arith.constant 1.000000e+00 : f32
        %sub3A_625 = arith.subf %sub3A_624, %squeeze3A_623 : f32
        %get3A_626 = arith.index_cast %scan3A_585 : i32 to index
        %get3A_627 = arith.constant 0 : index
        %get3A_628 = tpu.vector_load %arg15[%get3A_626, %get3A_627] {strides = array<i32>} : memref<32x512xf32, #tpu.memory_space<vmem>>, vector<1x16xf32>,
        %get3A_629 = vector.shape_cast %get3A_628 : vector<1x16xf32> to vector<16xf32>
        %mul3A_630 = vector.broadcast %squeeze3A_623 : f32 to vector<16xf32>
        %mul3A_631 = arith.mulf %mul3A_630, %get3A_629 : vector<16xf32>
        %mul3A_632 = vector.broadcast %sub3A_625 : f32 to vector<16xf32>
        %mul3A_633 = arith.mulf %mul3A_632, %scan3A_586 : vector<16xf32>
        %add3A_634 = arith.addf %mul3A_631, %mul3A_633 : vector<16xf32>
        %swap3A_635 = arith.index_cast %scan3A_585 : i32 to index
        %swap3A_636 = arith.constant 0 : index
        %swap3A_637 = tpu.vector_load %arg19[%swap3A_635, %swap3A_636] {strides = array<i32>} : memref<32x512xf32, #tpu.memory_space<vmem>>, vector<1x16xf32>,
        %swap3A_638 = vector.shape_cast %swap3A_637 : vector<1x16xf32> to vector<16xf32>
        %swap3A_639 = vector.shape_cast %add3A_634 : vector<16xf32> to vector<1x16xf32>
        tpu.vector_store %arg19[%swap3A_635, %swap3A_636], %swap3A_639 {strides = array<i32>} : memref<32x512xf32, #tpu.memory_space<vmem>>, vector<1x16xf32>,
        %get3A_640 = arith.index_cast %scan3A_585 : i32 to index
        %get3A_641 = arith.constant 16 : index
        %get3A_642 = tpu.vector_load %arg15[%get3A_640, %get3A_641] {strides = array<i32>} : memref<32x512xf32, #tpu.memory_space<vmem>>, vector<1x16xf32>,
        %get3A_643 = vector.shape_cast %get3A_642 : vector<1x16xf32> to vector<16xf32>
        %mul3A_644 = vector.broadcast %squeeze3A_623 : f32 to vector<16xf32>
        %mul3A_645 = arith.mulf %mul3A_644, %get3A_643 : vector<16xf32>
        %mul3A_646 = vector.broadcast %sub3A_625 : f32 to vector<16xf32>
        %mul3A_647 = arith.mulf %mul3A_646, %scan3A_587 : vector<16xf32>
        %add3A_648 = arith.addf %mul3A_645, %mul3A_647 : vector<16xf32>
        %swap3A_649 = arith.index_cast %scan3A_585 : i32 to index
        %swap3A_650 = arith.constant 16 : index
        %swap3A_651 = tpu.vector_load %arg19[%swap3A_649, %swap3A_650] {strides = array<i32>} : memref<32x512xf32, #tpu.memory_space<vmem>>, vector<1x16xf32>,
        %swap3A_652 = vector.shape_cast %swap3A_651 : vector<1x16xf32> to vector<16xf32>
        %swap3A_653 = vector.shape_cast %add3A_648 : vector<16xf32> to vector<1x16xf32>
        tpu.vector_store %arg19[%swap3A_649, %swap3A_650], %swap3A_653 {strides = array<i32>} : memref<32x512xf32, #tpu.memory_space<vmem>>, vector<1x16xf32>,
        %get3A_654 = arith.index_cast %scan3A_585 : i32 to index
        %get3A_655 = arith.constant 32 : index
        %get3A_656 = tpu.vector_load %arg15[%get3A_654, %get3A_655] {strides = array<i32>} : memref<32x512xf32, #tpu.memory_space<vmem>>, vector<1x16xf32>,
        %get3A_657 = vector.shape_cast %get3A_656 : vector<1x16xf32> to vector<16xf32>
        %mul3A_658 = vector.broadcast %squeeze3A_623 : f32 to vector<16xf32>
        %mul3A_659 = arith.mulf %mul3A_658, %get3A_657 : vector<16xf32>
        %mul3A_660 = vector.broadcast %sub3A_625 : f32 to vector<16xf32>
        %mul3A_661 = arith.mulf %mul3A_660, %scan3A_588 : vector<16xf32>
        %add3A_662 = arith.addf %mul3A_659, %mul3A_661 : vector<16xf32>
        %swap3A_663 = arith.index_cast %scan3A_585 : i32 to index
        %swap3A_664 = arith.constant 32 : index
        %swap3A_665 = tpu.vector_load %arg19[%swap3A_663, %swap3A_664] {strides = array<i32>} : memref<32x512xf32, #tpu.memory_space<vmem>>, vector<1x16xf32>,
        %swap3A_666 = vector.shape_cast %swap3A_665 : vector<1x16xf32> to vector<16xf32>
        %swap3A_667 = vector.shape_cast %add3A_662 : vector<16xf32> to vector<1x16xf32>
        tpu.vector_store %arg19[%swap3A_663, %swap3A_664], %swap3A_667 {strides = array<i32>} : memref<32x512xf32, #tpu.memory_space<vmem>>, vector<1x16xf32>,
        %get3A_668 = arith.index_cast %scan3A_585 : i32 to index
        %get3A_669 = arith.constant 48 : index
        %get3A_670 = tpu.vector_load %arg15[%get3A_668, %get3A_669] {strides = array<i32>} : memref<32x512xf32, #tpu.memory_space<vmem>>, vector<1x16xf32>,
        %get3A_671 = vector.shape_cast %get3A_670 : vector<1x16xf32> to vector<16xf32>
        %mul3A_672 = vector.broadcast %squeeze3A_623 : f32 to vector<16xf32>
        %mul3A_673 = arith.mulf %mul3A_672, %get3A_671 : vector<16xf32>
        %mul3A_674 = vector.broadcast %sub3A_625 : f32 to vector<16xf32>
        %mul3A_675 = arith.mulf %mul3A_674, %scan3A_589 : vector<16xf32>
        %add3A_676 = arith.addf %mul3A_673, %mul3A_675 : vector<16xf32>
        %swap3A_677 = arith.index_cast %scan3A_585 : i32 to index
        %swap3A_678 = arith.constant 48 : index
        %swap3A_679 = tpu.vector_load %arg19[%swap3A_677, %swap3A_678] {strides = array<i32>} : memref<32x512xf32, #tpu.memory_space<vmem>>, vector<1x16xf32>,
        %swap3A_680 = vector.shape_cast %swap3A_679 : vector<1x16xf32> to vector<16xf32>
        %swap3A_681 = vector.shape_cast %add3A_676 : vector<16xf32> to vector<1x16xf32>
        tpu.vector_store %arg19[%swap3A_677, %swap3A_678], %swap3A_681 {strides = array<i32>} : memref<32x512xf32, #tpu.memory_space<vmem>>, vector<1x16xf32>,
        %get3A_682 = arith.index_cast %scan3A_585 : i32 to index
        %get3A_683 = arith.constant 64 : index
        %get3A_684 = tpu.vector_load %arg15[%get3A_682, %get3A_683] {strides = array<i32>} : memref<32x512xf32, #tpu.memory_space<vmem>>, vector<1x16xf32>,
        %get3A_685 = vector.shape_cast %get3A_684 : vector<1x16xf32> to vector<16xf32>
        %mul3A_686 = vector.broadcast %squeeze3A_623 : f32 to vector<16xf32>
        %mul3A_687 = arith.mulf %mul3A_686, %get3A_685 : vector<16xf32>
        %mul3A_688 = vector.broadcast %sub3A_625 : f32 to vector<16xf32>
        %mul3A_689 = arith.mulf %mul3A_688, %scan3A_590 : vector<16xf32>
        %add3A_690 = arith.addf %mul3A_687, %mul3A_689 : vector<16xf32>
        %swap3A_691 = arith.index_cast %scan3A_585 : i32 to index
        %swap3A_692 = arith.constant 64 : index
        %swap3A_693 = tpu.vector_load %arg19[%swap3A_691, %swap3A_692] {strides = array<i32>} : memref<32x512xf32, #tpu.memory_space<vmem>>, vector<1x16xf32>,
        %swap3A_694 = vector.shape_cast %swap3A_693 : vector<1x16xf32> to vector<16xf32>
        %swap3A_695 = vector.shape_cast %add3A_690 : vector<16xf32> to vector<1x16xf32>
        tpu.vector_store %arg19[%swap3A_691, %swap3A_692], %swap3A_695 {strides = array<i32>} : memref<32x512xf32, #tpu.memory_space<vmem>>, vector<1x16xf32>,
        %get3A_696 = arith.index_cast %scan3A_585 : i32 to index
        %get3A_697 = arith.constant 80 : index
        %get3A_698 = tpu.vector_load %arg15[%get3A_696, %get3A_697] {strides = array<i32>} : memref<32x512xf32, #tpu.memory_space<vmem>>, vector<1x16xf32>,
        %get3A_699 = vector.shape_cast %get3A_698 : vector<1x16xf32> to vector<16xf32>
        %mul3A_700 = vector.broadcast %squeeze3A_623 : f32 to vector<16xf32>
        %mul3A_701 = arith.mulf %mul3A_700, %get3A_699 : vector<16xf32>
        %mul3A_702 = vector.broadcast %sub3A_625 : f32 to vector<16xf32>
        %mul3A_703 = arith.mulf %mul3A_702, %scan3A_591 : vector<16xf32>
        %add3A_704 = arith.addf %mul3A_701, %mul3A_703 : vector<16xf32>
        %swap3A_705 = arith.index_cast %scan3A_585 : i32 to index
        %swap3A_706 = arith.constant 80 : index
        %swap3A_707 = tpu.vector_load %arg19[%swap3A_705, %swap3A_706] {strides = array<i32>} : memref<32x512xf32, #tpu.memory_space<vmem>>, vector<1x16xf32>,
        %swap3A_708 = vector.shape_cast %swap3A_707 : vector<1x16xf32> to vector<16xf32>
        %swap3A_709 = vector.shape_cast %add3A_704 : vector<16xf32> to vector<1x16xf32>
        tpu.vector_store %arg19[%swap3A_705, %swap3A_706], %swap3A_709 {strides = array<i32>} : memref<32x512xf32, #tpu.memory_space<vmem>>, vector<1x16xf32>,
        %get3A_710 = arith.index_cast %scan3A_585 : i32 to index
        %get3A_711 = arith.constant 96 : index
        %get3A_712 = tpu.vector_load %arg15[%get3A_710, %get3A_711] {strides = array<i32>} : memref<32x512xf32, #tpu.memory_space<vmem>>, vector<1x16xf32>,
        %get3A_713 = vector.shape_cast %get3A_712 : vector<1x16xf32> to vector<16xf32>
        %mul3A_714 = vector.broadcast %squeeze3A_623 : f32 to vector<16xf32>
        %mul3A_715 = arith.mulf %mul3A_714, %get3A_713 : vector<16xf32>
        %mul3A_716 = vector.broadcast %sub3A_625 : f32 to vector<16xf32>
        %mul3A_717 = arith.mulf %mul3A_716, %scan3A_592 : vector<16xf32>
        %add3A_718 = arith.addf %mul3A_715, %mul3A_717 : vector<16xf32>
        %swap3A_719 = arith.index_cast %scan3A_585 : i32 to index
        %swap3A_720 = arith.constant 96 : index
        %swap3A_721 = tpu.vector_load %arg19[%swap3A_719, %swap3A_720] {strides = array<i32>} : memref<32x512xf32, #tpu.memory_space<vmem>>, vector<1x16xf32>,
        %swap3A_722 = vector.shape_cast %swap3A_721 : vector<1x16xf32> to vector<16xf32>
        %swap3A_723 = vector.shape_cast %add3A_718 : vector<16xf32> to vector<1x16xf32>
        tpu.vector_store %arg19[%swap3A_719, %swap3A_720], %swap3A_723 {strides = array<i32>} : memref<32x512xf32, #tpu.memory_space<vmem>>, vector<1x16xf32>,
        %get3A_724 = arith.index_cast %scan3A_585 : i32 to index
        %get3A_725 = arith.constant 112 : index
        %get3A_726 = tpu.vector_load %arg15[%get3A_724, %get3A_725] {strides = array<i32>} : memref<32x512xf32, #tpu.memory_space<vmem>>, vector<1x16xf32>,
        %get3A_727 = vector.shape_cast %get3A_726 : vector<1x16xf32> to vector<16xf32>
        %mul3A_728 = vector.broadcast %squeeze3A_623 : f32 to vector<16xf32>
        %mul3A_729 = arith.mulf %mul3A_728, %get3A_727 : vector<16xf32>
        %mul3A_730 = vector.broadcast %sub3A_625 : f32 to vector<16xf32>
        %mul3A_731 = arith.mulf %mul3A_730, %scan3A_593 : vector<16xf32>
        %add3A_732 = arith.addf %mul3A_729, %mul3A_731 : vector<16xf32>
        %swap3A_733 = arith.index_cast %scan3A_585 : i32 to index
        %swap3A_734 = arith.constant 112 : index
        %swap3A_735 = tpu.vector_load %arg19[%swap3A_733, %swap3A_734] {strides = array<i32>} : memref<32x512xf32, #tpu.memory_space<vmem>>, vector<1x16xf32>,
        %swap3A_736 = vector.shape_cast %swap3A_735 : vector<1x16xf32> to vector<16xf32>
        %swap3A_737 = vector.shape_cast %add3A_732 : vector<16xf32> to vector<1x16xf32>
        tpu.vector_store %arg19[%swap3A_733, %swap3A_734], %swap3A_737 {strides = array<i32>} : memref<32x512xf32, #tpu.memory_space<vmem>>, vector<1x16xf32>,
        %get3A_738 = arith.index_cast %scan3A_585 : i32 to index
        %get3A_739 = arith.constant 128 : index
        %get3A_740 = tpu.vector_load %arg15[%get3A_738, %get3A_739] {strides = array<i32>} : memref<32x512xf32, #tpu.memory_space<vmem>>, vector<1x16xf32>,
        %get3A_741 = vector.shape_cast %get3A_740 : vector<1x16xf32> to vector<16xf32>
        %mul3A_742 = vector.broadcast %squeeze3A_623 : f32 to vector<16xf32>
        %mul3A_743 = arith.mulf %mul3A_742, %get3A_741 : vector<16xf32>
        %mul3A_744 = vector.broadcast %sub3A_625 : f32 to vector<16xf32>
        %mul3A_745 = arith.mulf %mul3A_744, %scan3A_594 : vector<16xf32>
        %add3A_746 = arith.addf %mul3A_743, %mul3A_745 : vector<16xf32>
        %swap3A_747 = arith.index_cast %scan3A_585 : i32 to index
        %swap3A_748 = arith.constant 128 : index
        %swap3A_749 = tpu.vector_load %arg19[%swap3A_747, %swap3A_748] {strides = array<i32>} : memref<32x512xf32, #tpu.memory_space<vmem>>, vector<1x16xf32>,
        %swap3A_750 = vector.shape_cast %swap3A_749 : vector<1x16xf32> to vector<16xf32>
        %swap3A_751 = vector.shape_cast %add3A_746 : vector<16xf32> to vector<1x16xf32>
        tpu.vector_store %arg19[%swap3A_747, %swap3A_748], %swap3A_751 {strides = array<i32>} : memref<32x512xf32, #tpu.memory_space<vmem>>, vector<1x16xf32>,
        %get3A_752 = arith.index_cast %scan3A_585 : i32 to index
        %get3A_753 = arith.constant 144 : index
        %get3A_754 = tpu.vector_load %arg15[%get3A_752, %get3A_753] {strides = array<i32>} : memref<32x512xf32, #tpu.memory_space<vmem>>, vector<1x16xf32>,
        %get3A_755 = vector.shape_cast %get3A_754 : vector<1x16xf32> to vector<16xf32>
        %mul3A_756 = vector.broadcast %squeeze3A_623 : f32 to vector<16xf32>
        %mul3A_757 = arith.mulf %mul3A_756, %get3A_755 : vector<16xf32>
        %mul3A_758 = vector.broadcast %sub3A_625 : f32 to vector<16xf32>
        %mul3A_759 = arith.mulf %mul3A_758, %scan3A_595 : vector<16xf32>
        %add3A_760 = arith.addf %mul3A_757, %mul3A_759 : vector<16xf32>
        %swap3A_761 = arith.index_cast %scan3A_585 : i32 to index
        %swap3A_762 = arith.constant 144 : index
        %swap3A_763 = tpu.vector_load %arg19[%swap3A_761, %swap3A_762] {strides = array<i32>} : memref<32x512xf32, #tpu.memory_space<vmem>>, vector<1x16xf32>,
        %swap3A_764 = vector.shape_cast %swap3A_763 : vector<1x16xf32> to vector<16xf32>
        %swap3A_765 = vector.shape_cast %add3A_760 : vector<16xf32> to vector<1x16xf32>
        tpu.vector_store %arg19[%swap3A_761, %swap3A_762], %swap3A_765 {strides = array<i32>} : memref<32x512xf32, #tpu.memory_space<vmem>>, vector<1x16xf32>,
        %get3A_766 = arith.index_cast %scan3A_585 : i32 to index
        %get3A_767 = arith.constant 160 : index
        %get3A_768 = tpu.vector_load %arg15[%get3A_766, %get3A_767] {strides = array<i32>} : memref<32x512xf32, #tpu.memory_space<vmem>>, vector<1x16xf32>,
        %get3A_769 = vector.shape_cast %get3A_768 : vector<1x16xf32> to vector<16xf32>
        %mul3A_770 = vector.broadcast %squeeze3A_623 : f32 to vector<16xf32>
        %mul3A_771 = arith.mulf %mul3A_770, %get3A_769 : vector<16xf32>
        %mul3A_772 = vector.broadcast %sub3A_625 : f32 to vector<16xf32>
        %mul3A_773 = arith.mulf %mul3A_772, %scan3A_596 : vector<16xf32>
        %add3A_774 = arith.addf %mul3A_771, %mul3A_773 : vector<16xf32>
        %swap3A_775 = arith.index_cast %scan3A_585 : i32 to index
        %swap3A_776 = arith.constant 160 : index
        %swap3A_777 = tpu.vector_load %arg19[%swap3A_775, %swap3A_776] {strides = array<i32>} : memref<32x512xf32, #tpu.memory_space<vmem>>, vector<1x16xf32>,
        %swap3A_778 = vector.shape_cast %swap3A_777 : vector<1x16xf32> to vector<16xf32>
        %swap3A_779 = vector.shape_cast %add3A_774 : vector<16xf32> to vector<1x16xf32>
        tpu.vector_store %arg19[%swap3A_775, %swap3A_776], %swap3A_779 {strides = array<i32>} : memref<32x512xf32, #tpu.memory_space<vmem>>, vector<1x16xf32>,
        %get3A_780 = arith.index_cast %scan3A_585 : i32 to index
        %get3A_781 = arith.constant 176 : index
        %get3A_782 = tpu.vector_load %arg15[%get3A_780, %get3A_781] {strides = array<i32>} : memref<32x512xf32, #tpu.memory_space<vmem>>, vector<1x16xf32>,
        %get3A_783 = vector.shape_cast %get3A_782 : vector<1x16xf32> to vector<16xf32>
        %mul3A_784 = vector.broadcast %squeeze3A_623 : f32 to vector<16xf32>
        %mul3A_785 = arith.mulf %mul3A_784, %get3A_783 : vector<16xf32>
        %mul3A_786 = vector.broadcast %sub3A_625 : f32 to vector<16xf32>
        %mul3A_787 = arith.mulf %mul3A_786, %scan3A_597 : vector<16xf32>
        %add3A_788 = arith.addf %mul3A_785, %mul3A_787 : vector<16xf32>
        %swap3A_789 = arith.index_cast %scan3A_585 : i32 to index
        %swap3A_790 = arith.constant 176 : index
        %swap3A_791 = tpu.vector_load %arg19[%swap3A_789, %swap3A_790] {strides = array<i32>} : memref<32x512xf32, #tpu.memory_space<vmem>>, vector<1x16xf32>,
        %swap3A_792 = vector.shape_cast %swap3A_791 : vector<1x16xf32> to vector<16xf32>
        %swap3A_793 = vector.shape_cast %add3A_788 : vector<16xf32> to vector<1x16xf32>
        tpu.vector_store %arg19[%swap3A_789, %swap3A_790], %swap3A_793 {strides = array<i32>} : memref<32x512xf32, #tpu.memory_space<vmem>>, vector<1x16xf32>,
        %get3A_794 = arith.index_cast %scan3A_585 : i32 to index
        %get3A_795 = arith.constant 192 : index
        %get3A_796 = tpu.vector_load %arg15[%get3A_794, %get3A_795] {strides = array<i32>} : memref<32x512xf32, #tpu.memory_space<vmem>>, vector<1x16xf32>,
        %get3A_797 = vector.shape_cast %get3A_796 : vector<1x16xf32> to vector<16xf32>
        %mul3A_798 = vector.broadcast %squeeze3A_623 : f32 to vector<16xf32>
        %mul3A_799 = arith.mulf %mul3A_798, %get3A_797 : vector<16xf32>
        %mul3A_800 = vector.broadcast %sub3A_625 : f32 to vector<16xf32>
        %mul3A_801 = arith.mulf %mul3A_800, %scan3A_598 : vector<16xf32>
        %add3A_802 = arith.addf %mul3A_799, %mul3A_801 : vector<16xf32>
        %swap3A_803 = arith.index_cast %scan3A_585 : i32 to index
        %swap3A_804 = arith.constant 192 : index
        %swap3A_805 = tpu.vector_load %arg19[%swap3A_803, %swap3A_804] {strides = array<i32>} : memref<32x512xf32, #tpu.memory_space<vmem>>, vector<1x16xf32>,
        %swap3A_806 = vector.shape_cast %swap3A_805 : vector<1x16xf32> to vector<16xf32>
        %swap3A_807 = vector.shape_cast %add3A_802 : vector<16xf32> to vector<1x16xf32>
        tpu.vector_store %arg19[%swap3A_803, %swap3A_804], %swap3A_807 {strides = array<i32>} : memref<32x512xf32, #tpu.memory_space<vmem>>, vector<1x16xf32>,
        %get3A_808 = arith.index_cast %scan3A_585 : i32 to index
        %get3A_809 = arith.constant 208 : index
        %get3A_810 = tpu.vector_load %arg15[%get3A_808, %get3A_809] {strides = array<i32>} : memref<32x512xf32, #tpu.memory_space<vmem>>, vector<1x16xf32>,
        %get3A_811 = vector.shape_cast %get3A_810 : vector<1x16xf32> to vector<16xf32>
        %mul3A_812 = vector.broadcast %squeeze3A_623 : f32 to vector<16xf32>
        %mul3A_813 = arith.mulf %mul3A_812, %get3A_811 : vector<16xf32>
        %mul3A_814 = vector.broadcast %sub3A_625 : f32 to vector<16xf32>
        %mul3A_815 = arith.mulf %mul3A_814, %scan3A_599 : vector<16xf32>
        %add3A_816 = arith.addf %mul3A_813, %mul3A_815 : vector<16xf32>
        %swap3A_817 = arith.index_cast %scan3A_585 : i32 to index
        %swap3A_818 = arith.constant 208 : index
        %swap3A_819 = tpu.vector_load %arg19[%swap3A_817, %swap3A_818] {strides = array<i32>} : memref<32x512xf32, #tpu.memory_space<vmem>>, vector<1x16xf32>,
        %swap3A_820 = vector.shape_cast %swap3A_819 : vector<1x16xf32> to vector<16xf32>
        %swap3A_821 = vector.shape_cast %add3A_816 : vector<16xf32> to vector<1x16xf32>
        tpu.vector_store %arg19[%swap3A_817, %swap3A_818], %swap3A_821 {strides = array<i32>} : memref<32x512xf32, #tpu.memory_space<vmem>>, vector<1x16xf32>,
        %get3A_822 = arith.index_cast %scan3A_585 : i32 to index
        %get3A_823 = arith.constant 224 : index
        %get3A_824 = tpu.vector_load %arg15[%get3A_822, %get3A_823] {strides = array<i32>} : memref<32x512xf32, #tpu.memory_space<vmem>>, vector<1x16xf32>,
        %get3A_825 = vector.shape_cast %get3A_824 : vector<1x16xf32> to vector<16xf32>
        %mul3A_826 = vector.broadcast %squeeze3A_623 : f32 to vector<16xf32>
        %mul3A_827 = arith.mulf %mul3A_826, %get3A_825 : vector<16xf32>
        %mul3A_828 = vector.broadcast %sub3A_625 : f32 to vector<16xf32>
        %mul3A_829 = arith.mulf %mul3A_828, %scan3A_600 : vector<16xf32>
        %add3A_830 = arith.addf %mul3A_827, %mul3A_829 : vector<16xf32>
        %swap3A_831 = arith.index_cast %scan3A_585 : i32 to index
        %swap3A_832 = arith.constant 224 : index
        %swap3A_833 = tpu.vector_load %arg19[%swap3A_831, %swap3A_832] {strides = array<i32>} : memref<32x512xf32, #tpu.memory_space<vmem>>, vector<1x16xf32>,
        %swap3A_834 = vector.shape_cast %swap3A_833 : vector<1x16xf32> to vector<16xf32>
        %swap3A_835 = vector.shape_cast %add3A_830 : vector<16xf32> to vector<1x16xf32>
        tpu.vector_store %arg19[%swap3A_831, %swap3A_832], %swap3A_835 {strides = array<i32>} : memref<32x512xf32, #tpu.memory_space<vmem>>, vector<1x16xf32>,
        %get3A_836 = arith.index_cast %scan3A_585 : i32 to index
        %get3A_837 = arith.constant 240 : index
        %get3A_838 = tpu.vector_load %arg15[%get3A_836, %get3A_837] {strides = array<i32>} : memref<32x512xf32, #tpu.memory_space<vmem>>, vector<1x16xf32>,
        %get3A_839 = vector.shape_cast %get3A_838 : vector<1x16xf32> to vector<16xf32>
        %mul3A_840 = vector.broadcast %squeeze3A_623 : f32 to vector<16xf32>
        %mul3A_841 = arith.mulf %mul3A_840, %get3A_839 : vector<16xf32>
        %mul3A_842 = vector.broadcast %sub3A_625 : f32 to vector<16xf32>
        %mul3A_843 = arith.mulf %mul3A_842, %scan3A_601 : vector<16xf32>
        %add3A_844 = arith.addf %mul3A_841, %mul3A_843 : vector<16xf32>
        %swap3A_845 = arith.index_cast %scan3A_585 : i32 to index
        %swap3A_846 = arith.constant 240 : index
        %swap3A_847 = tpu.vector_load %arg19[%swap3A_845, %swap3A_846] {strides = array<i32>} : memref<32x512xf32, #tpu.memory_space<vmem>>, vector<1x16xf32>,
        %swap3A_848 = vector.shape_cast %swap3A_847 : vector<1x16xf32> to vector<16xf32>
        %swap3A_849 = vector.shape_cast %add3A_844 : vector<16xf32> to vector<1x16xf32>
        tpu.vector_store %arg19[%swap3A_845, %swap3A_846], %swap3A_849 {strides = array<i32>} : memref<32x512xf32, #tpu.memory_space<vmem>>, vector<1x16xf32>,
        %get3A_850 = arith.index_cast %scan3A_585 : i32 to index
        %get3A_851 = arith.constant 256 : index
        %get3A_852 = tpu.vector_load %arg15[%get3A_850, %get3A_851] {strides = array<i32>} : memref<32x512xf32, #tpu.memory_space<vmem>>, vector<1x16xf32>,
        %get3A_853 = vector.shape_cast %get3A_852 : vector<1x16xf32> to vector<16xf32>
        %mul3A_854 = vector.broadcast %squeeze3A_623 : f32 to vector<16xf32>
        %mul3A_855 = arith.mulf %mul3A_854, %get3A_853 : vector<16xf32>
        %mul3A_856 = vector.broadcast %sub3A_625 : f32 to vector<16xf32>
        %mul3A_857 = arith.mulf %mul3A_856, %scan3A_602 : vector<16xf32>
        %add3A_858 = arith.addf %mul3A_855, %mul3A_857 : vector<16xf32>
        %swap3A_859 = arith.index_cast %scan3A_585 : i32 to index
        %swap3A_860 = arith.constant 256 : index
        %swap3A_861 = tpu.vector_load %arg19[%swap3A_859, %swap3A_860] {strides = array<i32>} : memref<32x512xf32, #tpu.memory_space<vmem>>, vector<1x16xf32>,
        %swap3A_862 = vector.shape_cast %swap3A_861 : vector<1x16xf32> to vector<16xf32>
        %swap3A_863 = vector.shape_cast %add3A_858 : vector<16xf32> to vector<1x16xf32>
        tpu.vector_store %arg19[%swap3A_859, %swap3A_860], %swap3A_863 {strides = array<i32>} : memref<32x512xf32, #tpu.memory_space<vmem>>, vector<1x16xf32>,
        %get3A_864 = arith.index_cast %scan3A_585 : i32 to index
        %get3A_865 = arith.constant 272 : index
        %get3A_866 = tpu.vector_load %arg15[%get3A_864, %get3A_865] {strides = array<i32>} : memref<32x512xf32, #tpu.memory_space<vmem>>, vector<1x16xf32>,
        %get3A_867 = vector.shape_cast %get3A_866 : vector<1x16xf32> to vector<16xf32>
        %mul3A_868 = vector.broadcast %squeeze3A_623 : f32 to vector<16xf32>
        %mul3A_869 = arith.mulf %mul3A_868, %get3A_867 : vector<16xf32>
        %mul3A_870 = vector.broadcast %sub3A_625 : f32 to vector<16xf32>
        %mul3A_871 = arith.mulf %mul3A_870, %scan3A_603 : vector<16xf32>
        %add3A_872 = arith.addf %mul3A_869, %mul3A_871 : vector<16xf32>
        %swap3A_873 = arith.index_cast %scan3A_585 : i32 to index
        %swap3A_874 = arith.constant 272 : index
        %swap3A_875 = tpu.vector_load %arg19[%swap3A_873, %swap3A_874] {strides = array<i32>} : memref<32x512xf32, #tpu.memory_space<vmem>>, vector<1x16xf32>,
        %swap3A_876 = vector.shape_cast %swap3A_875 : vector<1x16xf32> to vector<16xf32>
        %swap3A_877 = vector.shape_cast %add3A_872 : vector<16xf32> to vector<1x16xf32>
        tpu.vector_store %arg19[%swap3A_873, %swap3A_874], %swap3A_877 {strides = array<i32>} : memref<32x512xf32, #tpu.memory_space<vmem>>, vector<1x16xf32>,
        %get3A_878 = arith.index_cast %scan3A_585 : i32 to index
        %get3A_879 = arith.constant 288 : index
        %get3A_880 = tpu.vector_load %arg15[%get3A_878, %get3A_879] {strides = array<i32>} : memref<32x512xf32, #tpu.memory_space<vmem>>, vector<1x16xf32>,
        %get3A_881 = vector.shape_cast %get3A_880 : vector<1x16xf32> to vector<16xf32>
        %mul3A_882 = vector.broadcast %squeeze3A_623 : f32 to vector<16xf32>
        %mul3A_883 = arith.mulf %mul3A_882, %get3A_881 : vector<16xf32>
        %mul3A_884 = vector.broadcast %sub3A_625 : f32 to vector<16xf32>
        %mul3A_885 = arith.mulf %mul3A_884, %scan3A_604 : vector<16xf32>
        %add3A_886 = arith.addf %mul3A_883, %mul3A_885 : vector<16xf32>
        %swap3A_887 = arith.index_cast %scan3A_585 : i32 to index
        %swap3A_888 = arith.constant 288 : index
        %swap3A_889 = tpu.vector_load %arg19[%swap3A_887, %swap3A_888] {strides = array<i32>} : memref<32x512xf32, #tpu.memory_space<vmem>>, vector<1x16xf32>,
        %swap3A_890 = vector.shape_cast %swap3A_889 : vector<1x16xf32> to vector<16xf32>
        %swap3A_891 = vector.shape_cast %add3A_886 : vector<16xf32> to vector<1x16xf32>
        tpu.vector_store %arg19[%swap3A_887, %swap3A_888], %swap3A_891 {strides = array<i32>} : memref<32x512xf32, #tpu.memory_space<vmem>>, vector<1x16xf32>,
        %get3A_892 = arith.index_cast %scan3A_585 : i32 to index
        %get3A_893 = arith.constant 304 : index
        %get3A_894 = tpu.vector_load %arg15[%get3A_892, %get3A_893] {strides = array<i32>} : memref<32x512xf32, #tpu.memory_space<vmem>>, vector<1x16xf32>,
        %get3A_895 = vector.shape_cast %get3A_894 : vector<1x16xf32> to vector<16xf32>
        %mul3A_896 = vector.broadcast %squeeze3A_623 : f32 to vector<16xf32>
        %mul3A_897 = arith.mulf %mul3A_896, %get3A_895 : vector<16xf32>
        %mul3A_898 = vector.broadcast %sub3A_625 : f32 to vector<16xf32>
        %mul3A_899 = arith.mulf %mul3A_898, %scan3A_605 : vector<16xf32>
        %add3A_900 = arith.addf %mul3A_897, %mul3A_899 : vector<16xf32>
        %swap3A_901 = arith.index_cast %scan3A_585 : i32 to index
        %swap3A_902 = arith.constant 304 : index
        %swap3A_903 = tpu.vector_load %arg19[%swap3A_901, %swap3A_902] {strides = array<i32>} : memref<32x512xf32, #tpu.memory_space<vmem>>, vector<1x16xf32>,
        %swap3A_904 = vector.shape_cast %swap3A_903 : vector<1x16xf32> to vector<16xf32>
        %swap3A_905 = vector.shape_cast %add3A_900 : vector<16xf32> to vector<1x16xf32>
        tpu.vector_store %arg19[%swap3A_901, %swap3A_902], %swap3A_905 {strides = array<i32>} : memref<32x512xf32, #tpu.memory_space<vmem>>, vector<1x16xf32>,
        %get3A_906 = arith.index_cast %scan3A_585 : i32 to index
        %get3A_907 = arith.constant 320 : index
        %get3A_908 = tpu.vector_load %arg15[%get3A_906, %get3A_907] {strides = array<i32>} : memref<32x512xf32, #tpu.memory_space<vmem>>, vector<1x16xf32>,
        %get3A_909 = vector.shape_cast %get3A_908 : vector<1x16xf32> to vector<16xf32>
        %mul3A_910 = vector.broadcast %squeeze3A_623 : f32 to vector<16xf32>
        %mul3A_911 = arith.mulf %mul3A_910, %get3A_909 : vector<16xf32>
        %mul3A_912 = vector.broadcast %sub3A_625 : f32 to vector<16xf32>
        %mul3A_913 = arith.mulf %mul3A_912, %scan3A_606 : vector<16xf32>
        %add3A_914 = arith.addf %mul3A_911, %mul3A_913 : vector<16xf32>
        %swap3A_915 = arith.index_cast %scan3A_585 : i32 to index
        %swap3A_916 = arith.constant 320 : index
        %swap3A_917 = tpu.vector_load %arg19[%swap3A_915, %swap3A_916] {strides = array<i32>} : memref<32x512xf32, #tpu.memory_space<vmem>>, vector<1x16xf32>,
        %swap3A_918 = vector.shape_cast %swap3A_917 : vector<1x16xf32> to vector<16xf32>
        %swap3A_919 = vector.shape_cast %add3A_914 : vector<16xf32> to vector<1x16xf32>
        tpu.vector_store %arg19[%swap3A_915, %swap3A_916], %swap3A_919 {strides = array<i32>} : memref<32x512xf32, #tpu.memory_space<vmem>>, vector<1x16xf32>,
        %get3A_920 = arith.index_cast %scan3A_585 : i32 to index
        %get3A_921 = arith.constant 336 : index
        %get3A_922 = tpu.vector_load %arg15[%get3A_920, %get3A_921] {strides = array<i32>} : memref<32x512xf32, #tpu.memory_space<vmem>>, vector<1x16xf32>,
        %get3A_923 = vector.shape_cast %get3A_922 : vector<1x16xf32> to vector<16xf32>
        %mul3A_924 = vector.broadcast %squeeze3A_623 : f32 to vector<16xf32>
        %mul3A_925 = arith.mulf %mul3A_924, %get3A_923 : vector<16xf32>
        %mul3A_926 = vector.broadcast %sub3A_625 : f32 to vector<16xf32>
        %mul3A_927 = arith.mulf %mul3A_926, %scan3A_607 : vector<16xf32>
        %add3A_928 = arith.addf %mul3A_925, %mul3A_927 : vector<16xf32>
        %swap3A_929 = arith.index_cast %scan3A_585 : i32 to index
        %swap3A_930 = arith.constant 336 : index
        %swap3A_931 = tpu.vector_load %arg19[%swap3A_929, %swap3A_930] {strides = array<i32>} : memref<32x512xf32, #tpu.memory_space<vmem>>, vector<1x16xf32>,
        %swap3A_932 = vector.shape_cast %swap3A_931 : vector<1x16xf32> to vector<16xf32>
        %swap3A_933 = vector.shape_cast %add3A_928 : vector<16xf32> to vector<1x16xf32>
        tpu.vector_store %arg19[%swap3A_929, %swap3A_930], %swap3A_933 {strides = array<i32>} : memref<32x512xf32, #tpu.memory_space<vmem>>, vector<1x16xf32>,
        %get3A_934 = arith.index_cast %scan3A_585 : i32 to index
        %get3A_935 = arith.constant 352 : index
        %get3A_936 = tpu.vector_load %arg15[%get3A_934, %get3A_935] {strides = array<i32>} : memref<32x512xf32, #tpu.memory_space<vmem>>, vector<1x16xf32>,
        %get3A_937 = vector.shape_cast %get3A_936 : vector<1x16xf32> to vector<16xf32>
        %mul3A_938 = vector.broadcast %squeeze3A_623 : f32 to vector<16xf32>
        %mul3A_939 = arith.mulf %mul3A_938, %get3A_937 : vector<16xf32>
        %mul3A_940 = vector.broadcast %sub3A_625 : f32 to vector<16xf32>
        %mul3A_941 = arith.mulf %mul3A_940, %scan3A_608 : vector<16xf32>
        %add3A_942 = arith.addf %mul3A_939, %mul3A_941 : vector<16xf32>
        %swap3A_943 = arith.index_cast %scan3A_585 : i32 to index
        %swap3A_944 = arith.constant 352 : index
        %swap3A_945 = tpu.vector_load %arg19[%swap3A_943, %swap3A_944] {strides = array<i32>} : memref<32x512xf32, #tpu.memory_space<vmem>>, vector<1x16xf32>,
        %swap3A_946 = vector.shape_cast %swap3A_945 : vector<1x16xf32> to vector<16xf32>
        %swap3A_947 = vector.shape_cast %add3A_942 : vector<16xf32> to vector<1x16xf32>
        tpu.vector_store %arg19[%swap3A_943, %swap3A_944], %swap3A_947 {strides = array<i32>} : memref<32x512xf32, #tpu.memory_space<vmem>>, vector<1x16xf32>,
        %get3A_948 = arith.index_cast %scan3A_585 : i32 to index
        %get3A_949 = arith.constant 368 : index
        %get3A_950 = tpu.vector_load %arg15[%get3A_948, %get3A_949] {strides = array<i32>} : memref<32x512xf32, #tpu.memory_space<vmem>>, vector<1x16xf32>,
        %get3A_951 = vector.shape_cast %get3A_950 : vector<1x16xf32> to vector<16xf32>
        %mul3A_952 = vector.broadcast %squeeze3A_623 : f32 to vector<16xf32>
        %mul3A_953 = arith.mulf %mul3A_952, %get3A_951 : vector<16xf32>
        %mul3A_954 = vector.broadcast %sub3A_625 : f32 to vector<16xf32>
        %mul3A_955 = arith.mulf %mul3A_954, %scan3A_609 : vector<16xf32>
        %add3A_956 = arith.addf %mul3A_953, %mul3A_955 : vector<16xf32>
        %swap3A_957 = arith.index_cast %scan3A_585 : i32 to index
        %swap3A_958 = arith.constant 368 : index
        %swap3A_959 = tpu.vector_load %arg19[%swap3A_957, %swap3A_958] {strides = array<i32>} : memref<32x512xf32, #tpu.memory_space<vmem>>, vector<1x16xf32>,
        %swap3A_960 = vector.shape_cast %swap3A_959 : vector<1x16xf32> to vector<16xf32>
        %swap3A_961 = vector.shape_cast %add3A_956 : vector<16xf32> to vector<1x16xf32>
        tpu.vector_store %arg19[%swap3A_957, %swap3A_958], %swap3A_961 {strides = array<i32>} : memref<32x512xf32, #tpu.memory_space<vmem>>, vector<1x16xf32>,
        %get3A_962 = arith.index_cast %scan3A_585 : i32 to index
        %get3A_963 = arith.constant 384 : index
        %get3A_964 = tpu.vector_load %arg15[%get3A_962, %get3A_963] {strides = array<i32>} : memref<32x512xf32, #tpu.memory_space<vmem>>, vector<1x16xf32>,
        %get3A_965 = vector.shape_cast %get3A_964 : vector<1x16xf32> to vector<16xf32>
        %mul3A_966 = vector.broadcast %squeeze3A_623 : f32 to vector<16xf32>
        %mul3A_967 = arith.mulf %mul3A_966, %get3A_965 : vector<16xf32>
        %mul3A_968 = vector.broadcast %sub3A_625 : f32 to vector<16xf32>
        %mul3A_969 = arith.mulf %mul3A_968, %scan3A_610 : vector<16xf32>
        %add3A_970 = arith.addf %mul3A_967, %mul3A_969 : vector<16xf32>
        %swap3A_971 = arith.index_cast %scan3A_585 : i32 to index
        %swap3A_972 = arith.constant 384 : index
        %swap3A_973 = tpu.vector_load %arg19[%swap3A_971, %swap3A_972] {strides = array<i32>} : memref<32x512xf32, #tpu.memory_space<vmem>>, vector<1x16xf32>,
        %swap3A_974 = vector.shape_cast %swap3A_973 : vector<1x16xf32> to vector<16xf32>
        %swap3A_975 = vector.shape_cast %add3A_970 : vector<16xf32> to vector<1x16xf32>
        tpu.vector_store %arg19[%swap3A_971, %swap3A_972], %swap3A_975 {strides = array<i32>} : memref<32x512xf32, #tpu.memory_space<vmem>>, vector<1x16xf32>,
        %get3A_976 = arith.index_cast %scan3A_585 : i32 to index
        %get3A_977 = arith.constant 400 : index
        %get3A_978 = tpu.vector_load %arg15[%get3A_976, %get3A_977] {strides = array<i32>} : memref<32x512xf32, #tpu.memory_space<vmem>>, vector<1x16xf32>,
        %get3A_979 = vector.shape_cast %get3A_978 : vector<1x16xf32> to vector<16xf32>
        %mul3A_980 = vector.broadcast %squeeze3A_623 : f32 to vector<16xf32>
        %mul3A_981 = arith.mulf %mul3A_980, %get3A_979 : vector<16xf32>
        %mul3A_982 = vector.broadcast %sub3A_625 : f32 to vector<16xf32>
        %mul3A_983 = arith.mulf %mul3A_982, %scan3A_611 : vector<16xf32>
        %add3A_984 = arith.addf %mul3A_981, %mul3A_983 : vector<16xf32>
        %swap3A_985 = arith.index_cast %scan3A_585 : i32 to index
        %swap3A_986 = arith.constant 400 : index
        %swap3A_987 = tpu.vector_load %arg19[%swap3A_985, %swap3A_986] {strides = array<i32>} : memref<32x512xf32, #tpu.memory_space<vmem>>, vector<1x16xf32>,
        %swap3A_988 = vector.shape_cast %swap3A_987 : vector<1x16xf32> to vector<16xf32>
        %swap3A_989 = vector.shape_cast %add3A_984 : vector<16xf32> to vector<1x16xf32>
        tpu.vector_store %arg19[%swap3A_985, %swap3A_986], %swap3A_989 {strides = array<i32>} : memref<32x512xf32, #tpu.memory_space<vmem>>, vector<1x16xf32>,
        %get3A_990 = arith.index_cast %scan3A_585 : i32 to index
        %get3A_991 = arith.constant 416 : index
        %get3A_992 = tpu.vector_load %arg15[%get3A_990, %get3A_991] {strides = array<i32>} : memref<32x512xf32, #tpu.memory_space<vmem>>, vector<1x16xf32>,
        %get3A_993 = vector.shape_cast %get3A_992 : vector<1x16xf32> to vector<16xf32>
        %mul3A_994 = vector.broadcast %squeeze3A_623 : f32 to vector<16xf32>
        %mul3A_995 = arith.mulf %mul3A_994, %get3A_993 : vector<16xf32>
        %mul3A_996 = vector.broadcast %sub3A_625 : f32 to vector<16xf32>
        %mul3A_997 = arith.mulf %mul3A_996, %scan3A_612 : vector<16xf32>
        %add3A_998 = arith.addf %mul3A_995, %mul3A_997 : vector<16xf32>
        %swap3A_999 = arith.index_cast %scan3A_585 : i32 to index
        %swap3A_1000 = arith.constant 416 : index
        %swap3A_1001 = tpu.vector_load %arg19[%swap3A_999, %swap3A_1000] {strides = array<i32>} : memref<32x512xf32, #tpu.memory_space<vmem>>, vector<1x16xf32>,
        %swap3A_1002 = vector.shape_cast %swap3A_1001 : vector<1x16xf32> to vector<16xf32>
        %swap3A_1003 = vector.shape_cast %add3A_998 : vector<16xf32> to vector<1x16xf32>
        tpu.vector_store %arg19[%swap3A_999, %swap3A_1000], %swap3A_1003 {strides = array<i32>} : memref<32x512xf32, #tpu.memory_space<vmem>>, vector<1x16xf32>,
        %get3A_1004 = arith.index_cast %scan3A_585 : i32 to index
        %get3A_1005 = arith.constant 432 : index
        %get3A_1006 = tpu.vector_load %arg15[%get3A_1004, %get3A_1005] {strides = array<i32>} : memref<32x512xf32, #tpu.memory_space<vmem>>, vector<1x16xf32>,
        %get3A_1007 = vector.shape_cast %get3A_1006 : vector<1x16xf32> to vector<16xf32>
        %mul3A_1008 = vector.broadcast %squeeze3A_623 : f32 to vector<16xf32>
        %mul3A_1009 = arith.mulf %mul3A_1008, %get3A_1007 : vector<16xf32>
        %mul3A_1010 = vector.broadcast %sub3A_625 : f32 to vector<16xf32>
        %mul3A_1011 = arith.mulf %mul3A_1010, %scan3A_613 : vector<16xf32>
        %add3A_1012 = arith.addf %mul3A_1009, %mul3A_1011 : vector<16xf32>
        %swap3A_1013 = arith.index_cast %scan3A_585 : i32 to index
        %swap3A_1014 = arith.constant 432 : index
        %swap3A_1015 = tpu.vector_load %arg19[%swap3A_1013, %swap3A_1014] {strides = array<i32>} : memref<32x512xf32, #tpu.memory_space<vmem>>, vector<1x16xf32>,
        %swap3A_1016 = vector.shape_cast %swap3A_1015 : vector<1x16xf32> to vector<16xf32>
        %swap3A_1017 = vector.shape_cast %add3A_1012 : vector<16xf32> to vector<1x16xf32>
        tpu.vector_store %arg19[%swap3A_1013, %swap3A_1014], %swap3A_1017 {strides = array<i32>} : memref<32x512xf32, #tpu.memory_space<vmem>>, vector<1x16xf32>,
        %get3A_1018 = arith.index_cast %scan3A_585 : i32 to index
        %get3A_1019 = arith.constant 448 : index
        %get3A_1020 = tpu.vector_load %arg15[%get3A_1018, %get3A_1019] {strides = array<i32>} : memref<32x512xf32, #tpu.memory_space<vmem>>, vector<1x16xf32>,
        %get3A_1021 = vector.shape_cast %get3A_1020 : vector<1x16xf32> to vector<16xf32>
        %mul3A_1022 = vector.broadcast %squeeze3A_623 : f32 to vector<16xf32>
        %mul3A_1023 = arith.mulf %mul3A_1022, %get3A_1021 : vector<16xf32>
        %mul3A_1024 = vector.broadcast %sub3A_625 : f32 to vector<16xf32>
        %mul3A_1025 = arith.mulf %mul3A_1024, %scan3A_614 : vector<16xf32>
        %add3A_1026 = arith.addf %mul3A_1023, %mul3A_1025 : vector<16xf32>
        %swap3A_1027 = arith.index_cast %scan3A_585 : i32 to index
        %swap3A_1028 = arith.constant 448 : index
        %swap3A_1029 = tpu.vector_load %arg19[%swap3A_1027, %swap3A_1028] {strides = array<i32>} : memref<32x512xf32, #tpu.memory_space<vmem>>, vector<1x16xf32>,
        %swap3A_1030 = vector.shape_cast %swap3A_1029 : vector<1x16xf32> to vector<16xf32>
        %swap3A_1031 = vector.shape_cast %add3A_1026 : vector<16xf32> to vector<1x16xf32>
        tpu.vector_store %arg19[%swap3A_1027, %swap3A_1028], %swap3A_1031 {strides = array<i32>} : memref<32x512xf32, #tpu.memory_space<vmem>>, vector<1x16xf32>,
        %get3A_1032 = arith.index_cast %scan3A_585 : i32 to index
        %get3A_1033 = arith.constant 464 : index
        %get3A_1034 = tpu.vector_load %arg15[%get3A_1032, %get3A_1033] {strides = array<i32>} : memref<32x512xf32, #tpu.memory_space<vmem>>, vector<1x16xf32>,
        %get3A_1035 = vector.shape_cast %get3A_1034 : vector<1x16xf32> to vector<16xf32>
        %mul3A_1036 = vector.broadcast %squeeze3A_623 : f32 to vector<16xf32>
        %mul3A_1037 = arith.mulf %mul3A_1036, %get3A_1035 : vector<16xf32>
        %mul3A_1038 = vector.broadcast %sub3A_625 : f32 to vector<16xf32>
        %mul3A_1039 = arith.mulf %mul3A_1038, %scan3A_615 : vector<16xf32>
        %add3A_1040 = arith.addf %mul3A_1037, %mul3A_1039 : vector<16xf32>
        %swap3A_1041 = arith.index_cast %scan3A_585 : i32 to index
        %swap3A_1042 = arith.constant 464 : index
        %swap3A_1043 = tpu.vector_load %arg19[%swap3A_1041, %swap3A_1042] {strides = array<i32>} : memref<32x512xf32, #tpu.memory_space<vmem>>, vector<1x16xf32>,
        %swap3A_1044 = vector.shape_cast %swap3A_1043 : vector<1x16xf32> to vector<16xf32>
        %swap3A_1045 = vector.shape_cast %add3A_1040 : vector<16xf32> to vector<1x16xf32>
        tpu.vector_store %arg19[%swap3A_1041, %swap3A_1042], %swap3A_1045 {strides = array<i32>} : memref<32x512xf32, #tpu.memory_space<vmem>>, vector<1x16xf32>,
        %get3A_1046 = arith.index_cast %scan3A_585 : i32 to index
        %get3A_1047 = arith.constant 480 : index
        %get3A_1048 = tpu.vector_load %arg15[%get3A_1046, %get3A_1047] {strides = array<i32>} : memref<32x512xf32, #tpu.memory_space<vmem>>, vector<1x16xf32>,
        %get3A_1049 = vector.shape_cast %get3A_1048 : vector<1x16xf32> to vector<16xf32>
        %mul3A_1050 = vector.broadcast %squeeze3A_623 : f32 to vector<16xf32>
        %mul3A_1051 = arith.mulf %mul3A_1050, %get3A_1049 : vector<16xf32>
        %mul3A_1052 = vector.broadcast %sub3A_625 : f32 to vector<16xf32>
        %mul3A_1053 = arith.mulf %mul3A_1052, %scan3A_616 : vector<16xf32>
        %add3A_1054 = arith.addf %mul3A_1051, %mul3A_1053 : vector<16xf32>
        %swap3A_1055 = arith.index_cast %scan3A_585 : i32 to index
        %swap3A_1056 = arith.constant 480 : index
        %swap3A_1057 = tpu.vector_load %arg19[%swap3A_1055, %swap3A_1056] {strides = array<i32>} : memref<32x512xf32, #tpu.memory_space<vmem>>, vector<1x16xf32>,
        %swap3A_1058 = vector.shape_cast %swap3A_1057 : vector<1x16xf32> to vector<16xf32>
        %swap3A_1059 = vector.shape_cast %add3A_1054 : vector<16xf32> to vector<1x16xf32>
        tpu.vector_store %arg19[%swap3A_1055, %swap3A_1056], %swap3A_1059 {strides = array<i32>} : memref<32x512xf32, #tpu.memory_space<vmem>>, vector<1x16xf32>,
        %get3A_1060 = arith.index_cast %scan3A_585 : i32 to index
        %get3A_1061 = arith.constant 496 : index
        %get3A_1062 = tpu.vector_load %arg15[%get3A_1060, %get3A_1061] {strides = array<i32>} : memref<32x512xf32, #tpu.memory_space<vmem>>, vector<1x16xf32>,
        %get3A_1063 = vector.shape_cast %get3A_1062 : vector<1x16xf32> to vector<16xf32>
        %mul3A_1064 = vector.broadcast %squeeze3A_623 : f32 to vector<16xf32>
        %mul3A_1065 = arith.mulf %mul3A_1064, %get3A_1063 : vector<16xf32>
        %mul3A_1066 = vector.broadcast %sub3A_625 : f32 to vector<16xf32>
        %mul3A_1067 = arith.mulf %mul3A_1066, %scan3A_617 : vector<16xf32>
        %add3A_1068 = arith.addf %mul3A_1065, %mul3A_1067 : vector<16xf32>
        %swap3A_1069 = arith.index_cast %scan3A_585 : i32 to index
        %swap3A_1070 = arith.constant 496 : index
        %swap3A_1071 = tpu.vector_load %arg19[%swap3A_1069, %swap3A_1070] {strides = array<i32>} : memref<32x512xf32, #tpu.memory_space<vmem>>, vector<1x16xf32>,
        %swap3A_1072 = vector.shape_cast %swap3A_1071 : vector<1x16xf32> to vector<16xf32>
        %swap3A_1073 = vector.shape_cast %add3A_1068 : vector<16xf32> to vector<1x16xf32>
        tpu.vector_store %arg19[%swap3A_1069, %swap3A_1070], %swap3A_1073 {strides = array<i32>} : memref<32x512xf32, #tpu.memory_space<vmem>>, vector<1x16xf32>,
        scf.yield %get3A_629, %get3A_643, %get3A_657, %get3A_671, %get3A_685, %get3A_699, %get3A_713, %get3A_727, %get3A_741, %get3A_755, %get3A_769, %get3A_783, %get3A_797, %get3A_811, %get3A_825, %get3A_839, %get3A_853, %get3A_867, %get3A_881, %get3A_895, %get3A_909, %get3A_923, %get3A_937, %get3A_951, %get3A_965, %get3A_979, %get3A_993, %get3A_1007, %get3A_1021, %get3A_1035, %get3A_1049, %get3A_1063 : vector<16xf32>, vector<16xf32>, vector<16xf32>, vector<16xf32>, vector<16xf32>, vector<16xf32>, vector<16xf32>, vector<16xf32>, vector<16xf32>, vector<16xf32>, vector<16xf32>, vector<16xf32>, vector<16xf32>, vector<16xf32>, vector<16xf32>, vector<16xf32>, vector<16xf32>, vector<16xf32>, vector<16xf32>, vector<16xf32>, vector<16xf32>, vector<16xf32>, vector<16xf32>, vector<16xf32>, vector<16xf32>, vector<16xf32>, vector<16xf32>, vector<16xf32>, vector<16xf32>, vector<16xf32>, vector<16xf32>, vector<16xf32>
      }
      %scan3A_494 = arith.constant 32 : i32
      %mul3A_495 = arith.constant 32 : i32
      %mul3A_496 = arith.muli %add3A_475, %mul3A_495 : i32
      %add3A_497 = arith.addi %add3A_35, %mul3A_496 : i32
      %dma_start3A_498 = arith.constant 0 : i32
      %dma_start3A_499 = tpu.memref_slice %arg5[%add3A_497, %dma_start3A_498] : memref<16384x512xf32, #tpu.memory_space<hbm>> -> memref<32x512xf32, #tpu.memory_space<hbm>>
      %dma_start3A_500 = arith.constant 0 : i32
      %dma_start3A_501 = tpu.memref_slice %arg5[%add3A_497, %dma_start3A_500] : memref<16384x512xf32, #tpu.memory_space<hbm>> -> memref<32x512xf32, #tpu.memory_space<hbm>>
      tpu.enqueue_dma source(%arg19 : memref<32x512xf32, #tpu.memory_space<vmem>>) target(%dma_start3A_501 : memref<32x512xf32, #tpu.memory_space<hbm>>) target_semaphore(%arg25 : memref<!tpu.dma_semaphore, #tpu.memory_space<semaphore_mem>>)
      %add3A_502 = arith.constant 4 : i32
      %add3A_503 = arith.addi %add3A_475, %add3A_502 : i32
      %lt3A_504 = arith.constant 16 : i32
      %lt3A_505 = arith.cmpi slt, %add3A_503, %lt3A_504 : i32
      %convert_element_type3A_506 = arith.extui %lt3A_505 : i1 to i32
      %cond3A_507 = arith.constant 0 : i32
      %cond3A_508 = arith.cmpi ne, %convert_element_type3A_506, %cond3A_507 : i32
      scf.if %cond3A_508 {
        %add3A_585 = arith.constant 4 : i32
        %add3A_586 = arith.addi %add3A_475, %add3A_585 : i32
        %add3A_587 = arith.constant 16 : i32
        %add3A_588 = arith.addi %add3A_587, %mul3A_32 : i32
        %mul3A_589 = arith.constant 32 : i32
        %mul3A_590 = arith.muli %add3A_586, %mul3A_589 : i32
        %add3A_591 = arith.addi %add3A_588, %mul3A_590 : i32
        %dma_start3A_592 = tpu.memref_slice %arg9[%add3A_591] : memref<2080xi32, #tpu.memory_space<vmem>> -> memref<32xi32, #tpu.memory_space<vmem>>
        %dma_start3A_593 = arith.constant 0 : i32
        %dma_start3A_594 = arith.constant 0 : i32
        %dma_start3A_595 = tpu.memref_slice %arg2[%dma_start3A_593, %dma_start3A_594] : memref<8192x512xf32, #tpu.memory_space<hbm>> -> memref<8192x512xf32, #tpu.memory_space<hbm>>
        tpu.enqueue_indirect_dma source(%dma_start3A_595 : memref<8192x512xf32, #tpu.memory_space<hbm>>) target(%arg15 : memref<32x512xf32, #tpu.memory_space<vmem>>) offsets(%dma_start3A_592 : memref<32xi32, #tpu.memory_space<vmem>>) semaphore(%arg21 : memref<!tpu.dma_semaphore, #tpu.memory_space<semaphore_mem>>)
      } else {
      }
      %mul3A_509 = arith.constant 4 : i32
      %mul3A_510 = arith.muli %mul3A_509, %scan3A_403 : i32
      %add3A_511 = arith.constant 2 : i32
      %add3A_512 = arith.addi %mul3A_510, %add3A_511 : i32
      %dma_wait3A_513 = arith.constant 0 : i32
      %dma_wait3A_514 = arith.constant 0 : i32
      %dma_wait3A_515 = tpu.memref_slice %arg2[%dma_wait3A_513, %dma_wait3A_514] : memref<8192x512xf32, #tpu.memory_space<hbm>> -> memref<32x512xf32, #tpu.memory_space<hbm>>
      %dma_wait3A_516 = arith.constant 0 : i32
      %dma_wait3A_517 = arith.constant 0 : i32
      %dma_wait3A_518 = tpu.memref_slice %arg2[%dma_wait3A_516, %dma_wait3A_517] : memref<8192x512xf32, #tpu.memory_space<hbm>> -> memref<32x512xf32, #tpu.memory_space<hbm>>
      tpu.wait_dma2 semaphore(%arg22 : memref<!tpu.dma_semaphore, #tpu.memory_space<semaphore_mem>>) src(%dma_wait3A_518 : memref<32x512xf32, #tpu.memory_space<hbm>>) dst(%arg16 : memref<32x512xf32, #tpu.memory_space<vmem>>)
      %dma_wait3A_519 = arith.constant 0 : i32
      %dma_wait3A_520 = arith.constant 0 : i32
      %dma_wait3A_521 = tpu.memref_slice %arg5[%dma_wait3A_519, %dma_wait3A_520] : memref<16384x512xf32, #tpu.memory_space<hbm>> -> memref<32x512xf32, #tpu.memory_space<hbm>>
      %dma_wait3A_522 = arith.constant 0 : i32
      %dma_wait3A_523 = arith.constant 0 : i32
      %dma_wait3A_524 = tpu.memref_slice %arg5[%dma_wait3A_522, %dma_wait3A_523] : memref<16384x512xf32, #tpu.memory_space<hbm>> -> memref<32x512xf32, #tpu.memory_space<hbm>>
      tpu.wait_dma2 semaphore(%arg24 : memref<!tpu.dma_semaphore, #tpu.memory_space<semaphore_mem>>) src(%arg18 : memref<32x512xf32, #tpu.memory_space<vmem>>) dst(%dma_wait3A_524 : memref<32x512xf32, #tpu.memory_space<hbm>>)
      %mul3A_525 = arith.constant 32 : i32
      %mul3A_526 = arith.muli %add3A_512, %mul3A_525 : i32
      %scan3A_527 = arith.constant 0 : i32
      %scan3A_528 = arith.constant 32 : i32
      %scan3A_529 = arith.addi %scan3A_527, %scan3A_528 : i32
      %scan3A_530 = arith.constant 1 : i32
      %scan3A_531:32 = scf.for %scan3A_585 = %scan3A_527 to %scan3A_529 step %scan3A_530 iter_args(%scan3A_586 = %scan3A_493#0, %scan3A_587 = %scan3A_493#1, %scan3A_588 = %scan3A_493#2, %scan3A_589 = %scan3A_493#3, %scan3A_590 = %scan3A_493#4, %scan3A_591 = %scan3A_493#5, %scan3A_592 = %scan3A_493#6, %scan3A_593 = %scan3A_493#7, %scan3A_594 = %scan3A_493#8, %scan3A_595 = %scan3A_493#9, %scan3A_596 = %scan3A_493#10, %scan3A_597 = %scan3A_493#11, %scan3A_598 = %scan3A_493#12, %scan3A_599 = %scan3A_493#13, %scan3A_600 = %scan3A_493#14, %scan3A_601 = %scan3A_493#15, %scan3A_602 = %scan3A_493#16, %scan3A_603 = %scan3A_493#17, %scan3A_604 = %scan3A_493#18, %scan3A_605 = %scan3A_493#19, %scan3A_606 = %scan3A_493#20, %scan3A_607 = %scan3A_493#21, %scan3A_608 = %scan3A_493#22, %scan3A_609 = %scan3A_493#23, %scan3A_610 = %scan3A_493#24, %scan3A_611 = %scan3A_493#25, %scan3A_612 = %scan3A_493#26, %scan3A_613 = %scan3A_493#27, %scan3A_614 = %scan3A_493#28, %scan3A_615 = %scan3A_493#29, %scan3A_616 = %scan3A_493#30, %scan3A_617 = %scan3A_493#31) -> (vector<16xf32>, vector<16xf32>, vector<16xf32>, vector<16xf32>, vector<16xf32>, vector<16xf32>, vector<16xf32>, vector<16xf32>, vector<16xf32>, vector<16xf32>, vector<16xf32>, vector<16xf32>, vector<16xf32>, vector<16xf32>, vector<16xf32>, vector<16xf32>, vector<16xf32>, vector<16xf32>, vector<16xf32>, vector<16xf32>, vector<16xf32>, vector<16xf32>, vector<16xf32>, vector<16xf32>, vector<16xf32>, vector<16xf32>, vector<16xf32>, vector<16xf32>, vector<16xf32>, vector<16xf32>, vector<16xf32>, vector<16xf32>)  : i32 {
        %add3A_618 = arith.addi %mul3A_526, %scan3A_585 : i32
        %get3A_619 = arith.index_cast %add3A_618 : i32 to index
        %get3A_620 = tpu.vector_load %arg7[%get3A_619] {strides = array<i32>} : memref<528xf32, #tpu.memory_space<vmem>>, vector<16xf32>,
        %get3A_621 = vector.shape_cast %get3A_620 : vector<16xf32> to vector<16xf32>
        %slice3A_622 = vector.extract_strided_slice %get3A_621 {offsets = [0], sizes = [1], strides = [1]} : vector<16xf32> to vector<1xf32>
        %squeeze3A_623 = vector.extract %slice3A_622[0] : f32 from vector<1xf32>
        %sub3A_624 = arith.constant 1.000000e+00 : f32
        %sub3A_625 = arith.subf %sub3A_624, %squeeze3A_623 : f32
        %get3A_626 = arith.index_cast %scan3A_585 : i32 to index
        %get3A_627 = arith.constant 0 : index
        %get3A_628 = tpu.vector_load %arg16[%get3A_626, %get3A_627] {strides = array<i32>} : memref<32x512xf32, #tpu.memory_space<vmem>>, vector<1x16xf32>,
        %get3A_629 = vector.shape_cast %get3A_628 : vector<1x16xf32> to vector<16xf32>
        %mul3A_630 = vector.broadcast %squeeze3A_623 : f32 to vector<16xf32>
        %mul3A_631 = arith.mulf %mul3A_630, %get3A_629 : vector<16xf32>
        %mul3A_632 = vector.broadcast %sub3A_625 : f32 to vector<16xf32>
        %mul3A_633 = arith.mulf %mul3A_632, %scan3A_586 : vector<16xf32>
        %add3A_634 = arith.addf %mul3A_631, %mul3A_633 : vector<16xf32>
        %swap3A_635 = arith.index_cast %scan3A_585 : i32 to index
        %swap3A_636 = arith.constant 0 : index
        %swap3A_637 = tpu.vector_load %arg18[%swap3A_635, %swap3A_636] {strides = array<i32>} : memref<32x512xf32, #tpu.memory_space<vmem>>, vector<1x16xf32>,
        %swap3A_638 = vector.shape_cast %swap3A_637 : vector<1x16xf32> to vector<16xf32>
        %swap3A_639 = vector.shape_cast %add3A_634 : vector<16xf32> to vector<1x16xf32>
        tpu.vector_store %arg18[%swap3A_635, %swap3A_636], %swap3A_639 {strides = array<i32>} : memref<32x512xf32, #tpu.memory_space<vmem>>, vector<1x16xf32>,
        %get3A_640 = arith.index_cast %scan3A_585 : i32 to index
        %get3A_641 = arith.constant 16 : index
        %get3A_642 = tpu.vector_load %arg16[%get3A_640, %get3A_641] {strides = array<i32>} : memref<32x512xf32, #tpu.memory_space<vmem>>, vector<1x16xf32>,
        %get3A_643 = vector.shape_cast %get3A_642 : vector<1x16xf32> to vector<16xf32>
        %mul3A_644 = vector.broadcast %squeeze3A_623 : f32 to vector<16xf32>
        %mul3A_645 = arith.mulf %mul3A_644, %get3A_643 : vector<16xf32>
        %mul3A_646 = vector.broadcast %sub3A_625 : f32 to vector<16xf32>
        %mul3A_647 = arith.mulf %mul3A_646, %scan3A_587 : vector<16xf32>
        %add3A_648 = arith.addf %mul3A_645, %mul3A_647 : vector<16xf32>
        %swap3A_649 = arith.index_cast %scan3A_585 : i32 to index
        %swap3A_650 = arith.constant 16 : index
        %swap3A_651 = tpu.vector_load %arg18[%swap3A_649, %swap3A_650] {strides = array<i32>} : memref<32x512xf32, #tpu.memory_space<vmem>>, vector<1x16xf32>,
        %swap3A_652 = vector.shape_cast %swap3A_651 : vector<1x16xf32> to vector<16xf32>
        %swap3A_653 = vector.shape_cast %add3A_648 : vector<16xf32> to vector<1x16xf32>
        tpu.vector_store %arg18[%swap3A_649, %swap3A_650], %swap3A_653 {strides = array<i32>} : memref<32x512xf32, #tpu.memory_space<vmem>>, vector<1x16xf32>,
        %get3A_654 = arith.index_cast %scan3A_585 : i32 to index
        %get3A_655 = arith.constant 32 : index
        %get3A_656 = tpu.vector_load %arg16[%get3A_654, %get3A_655] {strides = array<i32>} : memref<32x512xf32, #tpu.memory_space<vmem>>, vector<1x16xf32>,
        %get3A_657 = vector.shape_cast %get3A_656 : vector<1x16xf32> to vector<16xf32>
        %mul3A_658 = vector.broadcast %squeeze3A_623 : f32 to vector<16xf32>
        %mul3A_659 = arith.mulf %mul3A_658, %get3A_657 : vector<16xf32>
        %mul3A_660 = vector.broadcast %sub3A_625 : f32 to vector<16xf32>
        %mul3A_661 = arith.mulf %mul3A_660, %scan3A_588 : vector<16xf32>
        %add3A_662 = arith.addf %mul3A_659, %mul3A_661 : vector<16xf32>
        %swap3A_663 = arith.index_cast %scan3A_585 : i32 to index
        %swap3A_664 = arith.constant 32 : index
        %swap3A_665 = tpu.vector_load %arg18[%swap3A_663, %swap3A_664] {strides = array<i32>} : memref<32x512xf32, #tpu.memory_space<vmem>>, vector<1x16xf32>,
        %swap3A_666 = vector.shape_cast %swap3A_665 : vector<1x16xf32> to vector<16xf32>
        %swap3A_667 = vector.shape_cast %add3A_662 : vector<16xf32> to vector<1x16xf32>
        tpu.vector_store %arg18[%swap3A_663, %swap3A_664], %swap3A_667 {strides = array<i32>} : memref<32x512xf32, #tpu.memory_space<vmem>>, vector<1x16xf32>,
        %get3A_668 = arith.index_cast %scan3A_585 : i32 to index
        %get3A_669 = arith.constant 48 : index
        %get3A_670 = tpu.vector_load %arg16[%get3A_668, %get3A_669] {strides = array<i32>} : memref<32x512xf32, #tpu.memory_space<vmem>>, vector<1x16xf32>,
        %get3A_671 = vector.shape_cast %get3A_670 : vector<1x16xf32> to vector<16xf32>
        %mul3A_672 = vector.broadcast %squeeze3A_623 : f32 to vector<16xf32>
        %mul3A_673 = arith.mulf %mul3A_672, %get3A_671 : vector<16xf32>
        %mul3A_674 = vector.broadcast %sub3A_625 : f32 to vector<16xf32>
        %mul3A_675 = arith.mulf %mul3A_674, %scan3A_589 : vector<16xf32>
        %add3A_676 = arith.addf %mul3A_673, %mul3A_675 : vector<16xf32>
        %swap3A_677 = arith.index_cast %scan3A_585 : i32 to index
        %swap3A_678 = arith.constant 48 : index
        %swap3A_679 = tpu.vector_load %arg18[%swap3A_677, %swap3A_678] {strides = array<i32>} : memref<32x512xf32, #tpu.memory_space<vmem>>, vector<1x16xf32>,
        %swap3A_680 = vector.shape_cast %swap3A_679 : vector<1x16xf32> to vector<16xf32>
        %swap3A_681 = vector.shape_cast %add3A_676 : vector<16xf32> to vector<1x16xf32>
        tpu.vector_store %arg18[%swap3A_677, %swap3A_678], %swap3A_681 {strides = array<i32>} : memref<32x512xf32, #tpu.memory_space<vmem>>, vector<1x16xf32>,
        %get3A_682 = arith.index_cast %scan3A_585 : i32 to index
        %get3A_683 = arith.constant 64 : index
        %get3A_684 = tpu.vector_load %arg16[%get3A_682, %get3A_683] {strides = array<i32>} : memref<32x512xf32, #tpu.memory_space<vmem>>, vector<1x16xf32>,
        %get3A_685 = vector.shape_cast %get3A_684 : vector<1x16xf32> to vector<16xf32>
        %mul3A_686 = vector.broadcast %squeeze3A_623 : f32 to vector<16xf32>
        %mul3A_687 = arith.mulf %mul3A_686, %get3A_685 : vector<16xf32>
        %mul3A_688 = vector.broadcast %sub3A_625 : f32 to vector<16xf32>
        %mul3A_689 = arith.mulf %mul3A_688, %scan3A_590 : vector<16xf32>
        %add3A_690 = arith.addf %mul3A_687, %mul3A_689 : vector<16xf32>
        %swap3A_691 = arith.index_cast %scan3A_585 : i32 to index
        %swap3A_692 = arith.constant 64 : index
        %swap3A_693 = tpu.vector_load %arg18[%swap3A_691, %swap3A_692] {strides = array<i32>} : memref<32x512xf32, #tpu.memory_space<vmem>>, vector<1x16xf32>,
        %swap3A_694 = vector.shape_cast %swap3A_693 : vector<1x16xf32> to vector<16xf32>
        %swap3A_695 = vector.shape_cast %add3A_690 : vector<16xf32> to vector<1x16xf32>
        tpu.vector_store %arg18[%swap3A_691, %swap3A_692], %swap3A_695 {strides = array<i32>} : memref<32x512xf32, #tpu.memory_space<vmem>>, vector<1x16xf32>,
        %get3A_696 = arith.index_cast %scan3A_585 : i32 to index
        %get3A_697 = arith.constant 80 : index
        %get3A_698 = tpu.vector_load %arg16[%get3A_696, %get3A_697] {strides = array<i32>} : memref<32x512xf32, #tpu.memory_space<vmem>>, vector<1x16xf32>,
        %get3A_699 = vector.shape_cast %get3A_698 : vector<1x16xf32> to vector<16xf32>
        %mul3A_700 = vector.broadcast %squeeze3A_623 : f32 to vector<16xf32>
        %mul3A_701 = arith.mulf %mul3A_700, %get3A_699 : vector<16xf32>
        %mul3A_702 = vector.broadcast %sub3A_625 : f32 to vector<16xf32>
        %mul3A_703 = arith.mulf %mul3A_702, %scan3A_591 : vector<16xf32>
        %add3A_704 = arith.addf %mul3A_701, %mul3A_703 : vector<16xf32>
        %swap3A_705 = arith.index_cast %scan3A_585 : i32 to index
        %swap3A_706 = arith.constant 80 : index
        %swap3A_707 = tpu.vector_load %arg18[%swap3A_705, %swap3A_706] {strides = array<i32>} : memref<32x512xf32, #tpu.memory_space<vmem>>, vector<1x16xf32>,
        %swap3A_708 = vector.shape_cast %swap3A_707 : vector<1x16xf32> to vector<16xf32>
        %swap3A_709 = vector.shape_cast %add3A_704 : vector<16xf32> to vector<1x16xf32>
        tpu.vector_store %arg18[%swap3A_705, %swap3A_706], %swap3A_709 {strides = array<i32>} : memref<32x512xf32, #tpu.memory_space<vmem>>, vector<1x16xf32>,
        %get3A_710 = arith.index_cast %scan3A_585 : i32 to index
        %get3A_711 = arith.constant 96 : index
        %get3A_712 = tpu.vector_load %arg16[%get3A_710, %get3A_711] {strides = array<i32>} : memref<32x512xf32, #tpu.memory_space<vmem>>, vector<1x16xf32>,
        %get3A_713 = vector.shape_cast %get3A_712 : vector<1x16xf32> to vector<16xf32>
        %mul3A_714 = vector.broadcast %squeeze3A_623 : f32 to vector<16xf32>
        %mul3A_715 = arith.mulf %mul3A_714, %get3A_713 : vector<16xf32>
        %mul3A_716 = vector.broadcast %sub3A_625 : f32 to vector<16xf32>
        %mul3A_717 = arith.mulf %mul3A_716, %scan3A_592 : vector<16xf32>
        %add3A_718 = arith.addf %mul3A_715, %mul3A_717 : vector<16xf32>
        %swap3A_719 = arith.index_cast %scan3A_585 : i32 to index
        %swap3A_720 = arith.constant 96 : index
        %swap3A_721 = tpu.vector_load %arg18[%swap3A_719, %swap3A_720] {strides = array<i32>} : memref<32x512xf32, #tpu.memory_space<vmem>>, vector<1x16xf32>,
        %swap3A_722 = vector.shape_cast %swap3A_721 : vector<1x16xf32> to vector<16xf32>
        %swap3A_723 = vector.shape_cast %add3A_718 : vector<16xf32> to vector<1x16xf32>
        tpu.vector_store %arg18[%swap3A_719, %swap3A_720], %swap3A_723 {strides = array<i32>} : memref<32x512xf32, #tpu.memory_space<vmem>>, vector<1x16xf32>,
        %get3A_724 = arith.index_cast %scan3A_585 : i32 to index
        %get3A_725 = arith.constant 112 : index
        %get3A_726 = tpu.vector_load %arg16[%get3A_724, %get3A_725] {strides = array<i32>} : memref<32x512xf32, #tpu.memory_space<vmem>>, vector<1x16xf32>,
        %get3A_727 = vector.shape_cast %get3A_726 : vector<1x16xf32> to vector<16xf32>
        %mul3A_728 = vector.broadcast %squeeze3A_623 : f32 to vector<16xf32>
        %mul3A_729 = arith.mulf %mul3A_728, %get3A_727 : vector<16xf32>
        %mul3A_730 = vector.broadcast %sub3A_625 : f32 to vector<16xf32>
        %mul3A_731 = arith.mulf %mul3A_730, %scan3A_593 : vector<16xf32>
        %add3A_732 = arith.addf %mul3A_729, %mul3A_731 : vector<16xf32>
        %swap3A_733 = arith.index_cast %scan3A_585 : i32 to index
        %swap3A_734 = arith.constant 112 : index
        %swap3A_735 = tpu.vector_load %arg18[%swap3A_733, %swap3A_734] {strides = array<i32>} : memref<32x512xf32, #tpu.memory_space<vmem>>, vector<1x16xf32>,
        %swap3A_736 = vector.shape_cast %swap3A_735 : vector<1x16xf32> to vector<16xf32>
        %swap3A_737 = vector.shape_cast %add3A_732 : vector<16xf32> to vector<1x16xf32>
        tpu.vector_store %arg18[%swap3A_733, %swap3A_734], %swap3A_737 {strides = array<i32>} : memref<32x512xf32, #tpu.memory_space<vmem>>, vector<1x16xf32>,
        %get3A_738 = arith.index_cast %scan3A_585 : i32 to index
        %get3A_739 = arith.constant 128 : index
        %get3A_740 = tpu.vector_load %arg16[%get3A_738, %get3A_739] {strides = array<i32>} : memref<32x512xf32, #tpu.memory_space<vmem>>, vector<1x16xf32>,
        %get3A_741 = vector.shape_cast %get3A_740 : vector<1x16xf32> to vector<16xf32>
        %mul3A_742 = vector.broadcast %squeeze3A_623 : f32 to vector<16xf32>
        %mul3A_743 = arith.mulf %mul3A_742, %get3A_741 : vector<16xf32>
        %mul3A_744 = vector.broadcast %sub3A_625 : f32 to vector<16xf32>
        %mul3A_745 = arith.mulf %mul3A_744, %scan3A_594 : vector<16xf32>
        %add3A_746 = arith.addf %mul3A_743, %mul3A_745 : vector<16xf32>
        %swap3A_747 = arith.index_cast %scan3A_585 : i32 to index
        %swap3A_748 = arith.constant 128 : index
        %swap3A_749 = tpu.vector_load %arg18[%swap3A_747, %swap3A_748] {strides = array<i32>} : memref<32x512xf32, #tpu.memory_space<vmem>>, vector<1x16xf32>,
        %swap3A_750 = vector.shape_cast %swap3A_749 : vector<1x16xf32> to vector<16xf32>
        %swap3A_751 = vector.shape_cast %add3A_746 : vector<16xf32> to vector<1x16xf32>
        tpu.vector_store %arg18[%swap3A_747, %swap3A_748], %swap3A_751 {strides = array<i32>} : memref<32x512xf32, #tpu.memory_space<vmem>>, vector<1x16xf32>,
        %get3A_752 = arith.index_cast %scan3A_585 : i32 to index
        %get3A_753 = arith.constant 144 : index
        %get3A_754 = tpu.vector_load %arg16[%get3A_752, %get3A_753] {strides = array<i32>} : memref<32x512xf32, #tpu.memory_space<vmem>>, vector<1x16xf32>,
        %get3A_755 = vector.shape_cast %get3A_754 : vector<1x16xf32> to vector<16xf32>
        %mul3A_756 = vector.broadcast %squeeze3A_623 : f32 to vector<16xf32>
        %mul3A_757 = arith.mulf %mul3A_756, %get3A_755 : vector<16xf32>
        %mul3A_758 = vector.broadcast %sub3A_625 : f32 to vector<16xf32>
        %mul3A_759 = arith.mulf %mul3A_758, %scan3A_595 : vector<16xf32>
        %add3A_760 = arith.addf %mul3A_757, %mul3A_759 : vector<16xf32>
        %swap3A_761 = arith.index_cast %scan3A_585 : i32 to index
        %swap3A_762 = arith.constant 144 : index
        %swap3A_763 = tpu.vector_load %arg18[%swap3A_761, %swap3A_762] {strides = array<i32>} : memref<32x512xf32, #tpu.memory_space<vmem>>, vector<1x16xf32>,
        %swap3A_764 = vector.shape_cast %swap3A_763 : vector<1x16xf32> to vector<16xf32>
        %swap3A_765 = vector.shape_cast %add3A_760 : vector<16xf32> to vector<1x16xf32>
        tpu.vector_store %arg18[%swap3A_761, %swap3A_762], %swap3A_765 {strides = array<i32>} : memref<32x512xf32, #tpu.memory_space<vmem>>, vector<1x16xf32>,
        %get3A_766 = arith.index_cast %scan3A_585 : i32 to index
        %get3A_767 = arith.constant 160 : index
        %get3A_768 = tpu.vector_load %arg16[%get3A_766, %get3A_767] {strides = array<i32>} : memref<32x512xf32, #tpu.memory_space<vmem>>, vector<1x16xf32>,
        %get3A_769 = vector.shape_cast %get3A_768 : vector<1x16xf32> to vector<16xf32>
        %mul3A_770 = vector.broadcast %squeeze3A_623 : f32 to vector<16xf32>
        %mul3A_771 = arith.mulf %mul3A_770, %get3A_769 : vector<16xf32>
        %mul3A_772 = vector.broadcast %sub3A_625 : f32 to vector<16xf32>
        %mul3A_773 = arith.mulf %mul3A_772, %scan3A_596 : vector<16xf32>
        %add3A_774 = arith.addf %mul3A_771, %mul3A_773 : vector<16xf32>
        %swap3A_775 = arith.index_cast %scan3A_585 : i32 to index
        %swap3A_776 = arith.constant 160 : index
        %swap3A_777 = tpu.vector_load %arg18[%swap3A_775, %swap3A_776] {strides = array<i32>} : memref<32x512xf32, #tpu.memory_space<vmem>>, vector<1x16xf32>,
        %swap3A_778 = vector.shape_cast %swap3A_777 : vector<1x16xf32> to vector<16xf32>
        %swap3A_779 = vector.shape_cast %add3A_774 : vector<16xf32> to vector<1x16xf32>
        tpu.vector_store %arg18[%swap3A_775, %swap3A_776], %swap3A_779 {strides = array<i32>} : memref<32x512xf32, #tpu.memory_space<vmem>>, vector<1x16xf32>,
        %get3A_780 = arith.index_cast %scan3A_585 : i32 to index
        %get3A_781 = arith.constant 176 : index
        %get3A_782 = tpu.vector_load %arg16[%get3A_780, %get3A_781] {strides = array<i32>} : memref<32x512xf32, #tpu.memory_space<vmem>>, vector<1x16xf32>,
        %get3A_783 = vector.shape_cast %get3A_782 : vector<1x16xf32> to vector<16xf32>
        %mul3A_784 = vector.broadcast %squeeze3A_623 : f32 to vector<16xf32>
        %mul3A_785 = arith.mulf %mul3A_784, %get3A_783 : vector<16xf32>
        %mul3A_786 = vector.broadcast %sub3A_625 : f32 to vector<16xf32>
        %mul3A_787 = arith.mulf %mul3A_786, %scan3A_597 : vector<16xf32>
        %add3A_788 = arith.addf %mul3A_785, %mul3A_787 : vector<16xf32>
        %swap3A_789 = arith.index_cast %scan3A_585 : i32 to index
        %swap3A_790 = arith.constant 176 : index
        %swap3A_791 = tpu.vector_load %arg18[%swap3A_789, %swap3A_790] {strides = array<i32>} : memref<32x512xf32, #tpu.memory_space<vmem>>, vector<1x16xf32>,
        %swap3A_792 = vector.shape_cast %swap3A_791 : vector<1x16xf32> to vector<16xf32>
        %swap3A_793 = vector.shape_cast %add3A_788 : vector<16xf32> to vector<1x16xf32>
        tpu.vector_store %arg18[%swap3A_789, %swap3A_790], %swap3A_793 {strides = array<i32>} : memref<32x512xf32, #tpu.memory_space<vmem>>, vector<1x16xf32>,
        %get3A_794 = arith.index_cast %scan3A_585 : i32 to index
        %get3A_795 = arith.constant 192 : index
        %get3A_796 = tpu.vector_load %arg16[%get3A_794, %get3A_795] {strides = array<i32>} : memref<32x512xf32, #tpu.memory_space<vmem>>, vector<1x16xf32>,
        %get3A_797 = vector.shape_cast %get3A_796 : vector<1x16xf32> to vector<16xf32>
        %mul3A_798 = vector.broadcast %squeeze3A_623 : f32 to vector<16xf32>
        %mul3A_799 = arith.mulf %mul3A_798, %get3A_797 : vector<16xf32>
        %mul3A_800 = vector.broadcast %sub3A_625 : f32 to vector<16xf32>
        %mul3A_801 = arith.mulf %mul3A_800, %scan3A_598 : vector<16xf32>
        %add3A_802 = arith.addf %mul3A_799, %mul3A_801 : vector<16xf32>
        %swap3A_803 = arith.index_cast %scan3A_585 : i32 to index
        %swap3A_804 = arith.constant 192 : index
        %swap3A_805 = tpu.vector_load %arg18[%swap3A_803, %swap3A_804] {strides = array<i32>} : memref<32x512xf32, #tpu.memory_space<vmem>>, vector<1x16xf32>,
        %swap3A_806 = vector.shape_cast %swap3A_805 : vector<1x16xf32> to vector<16xf32>
        %swap3A_807 = vector.shape_cast %add3A_802 : vector<16xf32> to vector<1x16xf32>
        tpu.vector_store %arg18[%swap3A_803, %swap3A_804], %swap3A_807 {strides = array<i32>} : memref<32x512xf32, #tpu.memory_space<vmem>>, vector<1x16xf32>,
        %get3A_808 = arith.index_cast %scan3A_585 : i32 to index
        %get3A_809 = arith.constant 208 : index
        %get3A_810 = tpu.vector_load %arg16[%get3A_808, %get3A_809] {strides = array<i32>} : memref<32x512xf32, #tpu.memory_space<vmem>>, vector<1x16xf32>,
        %get3A_811 = vector.shape_cast %get3A_810 : vector<1x16xf32> to vector<16xf32>
        %mul3A_812 = vector.broadcast %squeeze3A_623 : f32 to vector<16xf32>
        %mul3A_813 = arith.mulf %mul3A_812, %get3A_811 : vector<16xf32>
        %mul3A_814 = vector.broadcast %sub3A_625 : f32 to vector<16xf32>
        %mul3A_815 = arith.mulf %mul3A_814, %scan3A_599 : vector<16xf32>
        %add3A_816 = arith.addf %mul3A_813, %mul3A_815 : vector<16xf32>
        %swap3A_817 = arith.index_cast %scan3A_585 : i32 to index
        %swap3A_818 = arith.constant 208 : index
        %swap3A_819 = tpu.vector_load %arg18[%swap3A_817, %swap3A_818] {strides = array<i32>} : memref<32x512xf32, #tpu.memory_space<vmem>>, vector<1x16xf32>,
        %swap3A_820 = vector.shape_cast %swap3A_819 : vector<1x16xf32> to vector<16xf32>
        %swap3A_821 = vector.shape_cast %add3A_816 : vector<16xf32> to vector<1x16xf32>
        tpu.vector_store %arg18[%swap3A_817, %swap3A_818], %swap3A_821 {strides = array<i32>} : memref<32x512xf32, #tpu.memory_space<vmem>>, vector<1x16xf32>,
        %get3A_822 = arith.index_cast %scan3A_585 : i32 to index
        %get3A_823 = arith.constant 224 : index
        %get3A_824 = tpu.vector_load %arg16[%get3A_822, %get3A_823] {strides = array<i32>} : memref<32x512xf32, #tpu.memory_space<vmem>>, vector<1x16xf32>,
        %get3A_825 = vector.shape_cast %get3A_824 : vector<1x16xf32> to vector<16xf32>
        %mul3A_826 = vector.broadcast %squeeze3A_623 : f32 to vector<16xf32>
        %mul3A_827 = arith.mulf %mul3A_826, %get3A_825 : vector<16xf32>
        %mul3A_828 = vector.broadcast %sub3A_625 : f32 to vector<16xf32>
        %mul3A_829 = arith.mulf %mul3A_828, %scan3A_600 : vector<16xf32>
        %add3A_830 = arith.addf %mul3A_827, %mul3A_829 : vector<16xf32>
        %swap3A_831 = arith.index_cast %scan3A_585 : i32 to index
        %swap3A_832 = arith.constant 224 : index
        %swap3A_833 = tpu.vector_load %arg18[%swap3A_831, %swap3A_832] {strides = array<i32>} : memref<32x512xf32, #tpu.memory_space<vmem>>, vector<1x16xf32>,
        %swap3A_834 = vector.shape_cast %swap3A_833 : vector<1x16xf32> to vector<16xf32>
        %swap3A_835 = vector.shape_cast %add3A_830 : vector<16xf32> to vector<1x16xf32>
        tpu.vector_store %arg18[%swap3A_831, %swap3A_832], %swap3A_835 {strides = array<i32>} : memref<32x512xf32, #tpu.memory_space<vmem>>, vector<1x16xf32>,
        %get3A_836 = arith.index_cast %scan3A_585 : i32 to index
        %get3A_837 = arith.constant 240 : index
        %get3A_838 = tpu.vector_load %arg16[%get3A_836, %get3A_837] {strides = array<i32>} : memref<32x512xf32, #tpu.memory_space<vmem>>, vector<1x16xf32>,
        %get3A_839 = vector.shape_cast %get3A_838 : vector<1x16xf32> to vector<16xf32>
        %mul3A_840 = vector.broadcast %squeeze3A_623 : f32 to vector<16xf32>
        %mul3A_841 = arith.mulf %mul3A_840, %get3A_839 : vector<16xf32>
        %mul3A_842 = vector.broadcast %sub3A_625 : f32 to vector<16xf32>
        %mul3A_843 = arith.mulf %mul3A_842, %scan3A_601 : vector<16xf32>
        %add3A_844 = arith.addf %mul3A_841, %mul3A_843 : vector<16xf32>
        %swap3A_845 = arith.index_cast %scan3A_585 : i32 to index
        %swap3A_846 = arith.constant 240 : index
        %swap3A_847 = tpu.vector_load %arg18[%swap3A_845, %swap3A_846] {strides = array<i32>} : memref<32x512xf32, #tpu.memory_space<vmem>>, vector<1x16xf32>,
        %swap3A_848 = vector.shape_cast %swap3A_847 : vector<1x16xf32> to vector<16xf32>
        %swap3A_849 = vector.shape_cast %add3A_844 : vector<16xf32> to vector<1x16xf32>
        tpu.vector_store %arg18[%swap3A_845, %swap3A_846], %swap3A_849 {strides = array<i32>} : memref<32x512xf32, #tpu.memory_space<vmem>>, vector<1x16xf32>,
        %get3A_850 = arith.index_cast %scan3A_585 : i32 to index
        %get3A_851 = arith.constant 256 : index
        %get3A_852 = tpu.vector_load %arg16[%get3A_850, %get3A_851] {strides = array<i32>} : memref<32x512xf32, #tpu.memory_space<vmem>>, vector<1x16xf32>,
        %get3A_853 = vector.shape_cast %get3A_852 : vector<1x16xf32> to vector<16xf32>
        %mul3A_854 = vector.broadcast %squeeze3A_623 : f32 to vector<16xf32>
        %mul3A_855 = arith.mulf %mul3A_854, %get3A_853 : vector<16xf32>
        %mul3A_856 = vector.broadcast %sub3A_625 : f32 to vector<16xf32>
        %mul3A_857 = arith.mulf %mul3A_856, %scan3A_602 : vector<16xf32>
        %add3A_858 = arith.addf %mul3A_855, %mul3A_857 : vector<16xf32>
        %swap3A_859 = arith.index_cast %scan3A_585 : i32 to index
        %swap3A_860 = arith.constant 256 : index
        %swap3A_861 = tpu.vector_load %arg18[%swap3A_859, %swap3A_860] {strides = array<i32>} : memref<32x512xf32, #tpu.memory_space<vmem>>, vector<1x16xf32>,
        %swap3A_862 = vector.shape_cast %swap3A_861 : vector<1x16xf32> to vector<16xf32>
        %swap3A_863 = vector.shape_cast %add3A_858 : vector<16xf32> to vector<1x16xf32>
        tpu.vector_store %arg18[%swap3A_859, %swap3A_860], %swap3A_863 {strides = array<i32>} : memref<32x512xf32, #tpu.memory_space<vmem>>, vector<1x16xf32>,
        %get3A_864 = arith.index_cast %scan3A_585 : i32 to index
        %get3A_865 = arith.constant 272 : index
        %get3A_866 = tpu.vector_load %arg16[%get3A_864, %get3A_865] {strides = array<i32>} : memref<32x512xf32, #tpu.memory_space<vmem>>, vector<1x16xf32>,
        %get3A_867 = vector.shape_cast %get3A_866 : vector<1x16xf32> to vector<16xf32>
        %mul3A_868 = vector.broadcast %squeeze3A_623 : f32 to vector<16xf32>
        %mul3A_869 = arith.mulf %mul3A_868, %get3A_867 : vector<16xf32>
        %mul3A_870 = vector.broadcast %sub3A_625 : f32 to vector<16xf32>
        %mul3A_871 = arith.mulf %mul3A_870, %scan3A_603 : vector<16xf32>
        %add3A_872 = arith.addf %mul3A_869, %mul3A_871 : vector<16xf32>
        %swap3A_873 = arith.index_cast %scan3A_585 : i32 to index
        %swap3A_874 = arith.constant 272 : index
        %swap3A_875 = tpu.vector_load %arg18[%swap3A_873, %swap3A_874] {strides = array<i32>} : memref<32x512xf32, #tpu.memory_space<vmem>>, vector<1x16xf32>,
        %swap3A_876 = vector.shape_cast %swap3A_875 : vector<1x16xf32> to vector<16xf32>
        %swap3A_877 = vector.shape_cast %add3A_872 : vector<16xf32> to vector<1x16xf32>
        tpu.vector_store %arg18[%swap3A_873, %swap3A_874], %swap3A_877 {strides = array<i32>} : memref<32x512xf32, #tpu.memory_space<vmem>>, vector<1x16xf32>,
        %get3A_878 = arith.index_cast %scan3A_585 : i32 to index
        %get3A_879 = arith.constant 288 : index
        %get3A_880 = tpu.vector_load %arg16[%get3A_878, %get3A_879] {strides = array<i32>} : memref<32x512xf32, #tpu.memory_space<vmem>>, vector<1x16xf32>,
        %get3A_881 = vector.shape_cast %get3A_880 : vector<1x16xf32> to vector<16xf32>
        %mul3A_882 = vector.broadcast %squeeze3A_623 : f32 to vector<16xf32>
        %mul3A_883 = arith.mulf %mul3A_882, %get3A_881 : vector<16xf32>
        %mul3A_884 = vector.broadcast %sub3A_625 : f32 to vector<16xf32>
        %mul3A_885 = arith.mulf %mul3A_884, %scan3A_604 : vector<16xf32>
        %add3A_886 = arith.addf %mul3A_883, %mul3A_885 : vector<16xf32>
        %swap3A_887 = arith.index_cast %scan3A_585 : i32 to index
        %swap3A_888 = arith.constant 288 : index
        %swap3A_889 = tpu.vector_load %arg18[%swap3A_887, %swap3A_888] {strides = array<i32>} : memref<32x512xf32, #tpu.memory_space<vmem>>, vector<1x16xf32>,
        %swap3A_890 = vector.shape_cast %swap3A_889 : vector<1x16xf32> to vector<16xf32>
        %swap3A_891 = vector.shape_cast %add3A_886 : vector<16xf32> to vector<1x16xf32>
        tpu.vector_store %arg18[%swap3A_887, %swap3A_888], %swap3A_891 {strides = array<i32>} : memref<32x512xf32, #tpu.memory_space<vmem>>, vector<1x16xf32>,
        %get3A_892 = arith.index_cast %scan3A_585 : i32 to index
        %get3A_893 = arith.constant 304 : index
        %get3A_894 = tpu.vector_load %arg16[%get3A_892, %get3A_893] {strides = array<i32>} : memref<32x512xf32, #tpu.memory_space<vmem>>, vector<1x16xf32>,
        %get3A_895 = vector.shape_cast %get3A_894 : vector<1x16xf32> to vector<16xf32>
        %mul3A_896 = vector.broadcast %squeeze3A_623 : f32 to vector<16xf32>
        %mul3A_897 = arith.mulf %mul3A_896, %get3A_895 : vector<16xf32>
        %mul3A_898 = vector.broadcast %sub3A_625 : f32 to vector<16xf32>
        %mul3A_899 = arith.mulf %mul3A_898, %scan3A_605 : vector<16xf32>
        %add3A_900 = arith.addf %mul3A_897, %mul3A_899 : vector<16xf32>
        %swap3A_901 = arith.index_cast %scan3A_585 : i32 to index
        %swap3A_902 = arith.constant 304 : index
        %swap3A_903 = tpu.vector_load %arg18[%swap3A_901, %swap3A_902] {strides = array<i32>} : memref<32x512xf32, #tpu.memory_space<vmem>>, vector<1x16xf32>,
        %swap3A_904 = vector.shape_cast %swap3A_903 : vector<1x16xf32> to vector<16xf32>
        %swap3A_905 = vector.shape_cast %add3A_900 : vector<16xf32> to vector<1x16xf32>
        tpu.vector_store %arg18[%swap3A_901, %swap3A_902], %swap3A_905 {strides = array<i32>} : memref<32x512xf32, #tpu.memory_space<vmem>>, vector<1x16xf32>,
        %get3A_906 = arith.index_cast %scan3A_585 : i32 to index
        %get3A_907 = arith.constant 320 : index
        %get3A_908 = tpu.vector_load %arg16[%get3A_906, %get3A_907] {strides = array<i32>} : memref<32x512xf32, #tpu.memory_space<vmem>>, vector<1x16xf32>,
        %get3A_909 = vector.shape_cast %get3A_908 : vector<1x16xf32> to vector<16xf32>
        %mul3A_910 = vector.broadcast %squeeze3A_623 : f32 to vector<16xf32>
        %mul3A_911 = arith.mulf %mul3A_910, %get3A_909 : vector<16xf32>
        %mul3A_912 = vector.broadcast %sub3A_625 : f32 to vector<16xf32>
        %mul3A_913 = arith.mulf %mul3A_912, %scan3A_606 : vector<16xf32>
        %add3A_914 = arith.addf %mul3A_911, %mul3A_913 : vector<16xf32>
        %swap3A_915 = arith.index_cast %scan3A_585 : i32 to index
        %swap3A_916 = arith.constant 320 : index
        %swap3A_917 = tpu.vector_load %arg18[%swap3A_915, %swap3A_916] {strides = array<i32>} : memref<32x512xf32, #tpu.memory_space<vmem>>, vector<1x16xf32>,
        %swap3A_918 = vector.shape_cast %swap3A_917 : vector<1x16xf32> to vector<16xf32>
        %swap3A_919 = vector.shape_cast %add3A_914 : vector<16xf32> to vector<1x16xf32>
        tpu.vector_store %arg18[%swap3A_915, %swap3A_916], %swap3A_919 {strides = array<i32>} : memref<32x512xf32, #tpu.memory_space<vmem>>, vector<1x16xf32>,
        %get3A_920 = arith.index_cast %scan3A_585 : i32 to index
        %get3A_921 = arith.constant 336 : index
        %get3A_922 = tpu.vector_load %arg16[%get3A_920, %get3A_921] {strides = array<i32>} : memref<32x512xf32, #tpu.memory_space<vmem>>, vector<1x16xf32>,
        %get3A_923 = vector.shape_cast %get3A_922 : vector<1x16xf32> to vector<16xf32>
        %mul3A_924 = vector.broadcast %squeeze3A_623 : f32 to vector<16xf32>
        %mul3A_925 = arith.mulf %mul3A_924, %get3A_923 : vector<16xf32>
        %mul3A_926 = vector.broadcast %sub3A_625 : f32 to vector<16xf32>
        %mul3A_927 = arith.mulf %mul3A_926, %scan3A_607 : vector<16xf32>
        %add3A_928 = arith.addf %mul3A_925, %mul3A_927 : vector<16xf32>
        %swap3A_929 = arith.index_cast %scan3A_585 : i32 to index
        %swap3A_930 = arith.constant 336 : index
        %swap3A_931 = tpu.vector_load %arg18[%swap3A_929, %swap3A_930] {strides = array<i32>} : memref<32x512xf32, #tpu.memory_space<vmem>>, vector<1x16xf32>,
        %swap3A_932 = vector.shape_cast %swap3A_931 : vector<1x16xf32> to vector<16xf32>
        %swap3A_933 = vector.shape_cast %add3A_928 : vector<16xf32> to vector<1x16xf32>
        tpu.vector_store %arg18[%swap3A_929, %swap3A_930], %swap3A_933 {strides = array<i32>} : memref<32x512xf32, #tpu.memory_space<vmem>>, vector<1x16xf32>,
        %get3A_934 = arith.index_cast %scan3A_585 : i32 to index
        %get3A_935 = arith.constant 352 : index
        %get3A_936 = tpu.vector_load %arg16[%get3A_934, %get3A_935] {strides = array<i32>} : memref<32x512xf32, #tpu.memory_space<vmem>>, vector<1x16xf32>,
        %get3A_937 = vector.shape_cast %get3A_936 : vector<1x16xf32> to vector<16xf32>
        %mul3A_938 = vector.broadcast %squeeze3A_623 : f32 to vector<16xf32>
        %mul3A_939 = arith.mulf %mul3A_938, %get3A_937 : vector<16xf32>
        %mul3A_940 = vector.broadcast %sub3A_625 : f32 to vector<16xf32>
        %mul3A_941 = arith.mulf %mul3A_940, %scan3A_608 : vector<16xf32>
        %add3A_942 = arith.addf %mul3A_939, %mul3A_941 : vector<16xf32>
        %swap3A_943 = arith.index_cast %scan3A_585 : i32 to index
        %swap3A_944 = arith.constant 352 : index
        %swap3A_945 = tpu.vector_load %arg18[%swap3A_943, %swap3A_944] {strides = array<i32>} : memref<32x512xf32, #tpu.memory_space<vmem>>, vector<1x16xf32>,
        %swap3A_946 = vector.shape_cast %swap3A_945 : vector<1x16xf32> to vector<16xf32>
        %swap3A_947 = vector.shape_cast %add3A_942 : vector<16xf32> to vector<1x16xf32>
        tpu.vector_store %arg18[%swap3A_943, %swap3A_944], %swap3A_947 {strides = array<i32>} : memref<32x512xf32, #tpu.memory_space<vmem>>, vector<1x16xf32>,
        %get3A_948 = arith.index_cast %scan3A_585 : i32 to index
        %get3A_949 = arith.constant 368 : index
        %get3A_950 = tpu.vector_load %arg16[%get3A_948, %get3A_949] {strides = array<i32>} : memref<32x512xf32, #tpu.memory_space<vmem>>, vector<1x16xf32>,
        %get3A_951 = vector.shape_cast %get3A_950 : vector<1x16xf32> to vector<16xf32>
        %mul3A_952 = vector.broadcast %squeeze3A_623 : f32 to vector<16xf32>
        %mul3A_953 = arith.mulf %mul3A_952, %get3A_951 : vector<16xf32>
        %mul3A_954 = vector.broadcast %sub3A_625 : f32 to vector<16xf32>
        %mul3A_955 = arith.mulf %mul3A_954, %scan3A_609 : vector<16xf32>
        %add3A_956 = arith.addf %mul3A_953, %mul3A_955 : vector<16xf32>
        %swap3A_957 = arith.index_cast %scan3A_585 : i32 to index
        %swap3A_958 = arith.constant 368 : index
        %swap3A_959 = tpu.vector_load %arg18[%swap3A_957, %swap3A_958] {strides = array<i32>} : memref<32x512xf32, #tpu.memory_space<vmem>>, vector<1x16xf32>,
        %swap3A_960 = vector.shape_cast %swap3A_959 : vector<1x16xf32> to vector<16xf32>
        %swap3A_961 = vector.shape_cast %add3A_956 : vector<16xf32> to vector<1x16xf32>
        tpu.vector_store %arg18[%swap3A_957, %swap3A_958], %swap3A_961 {strides = array<i32>} : memref<32x512xf32, #tpu.memory_space<vmem>>, vector<1x16xf32>,
        %get3A_962 = arith.index_cast %scan3A_585 : i32 to index
        %get3A_963 = arith.constant 384 : index
        %get3A_964 = tpu.vector_load %arg16[%get3A_962, %get3A_963] {strides = array<i32>} : memref<32x512xf32, #tpu.memory_space<vmem>>, vector<1x16xf32>,
        %get3A_965 = vector.shape_cast %get3A_964 : vector<1x16xf32> to vector<16xf32>
        %mul3A_966 = vector.broadcast %squeeze3A_623 : f32 to vector<16xf32>
        %mul3A_967 = arith.mulf %mul3A_966, %get3A_965 : vector<16xf32>
        %mul3A_968 = vector.broadcast %sub3A_625 : f32 to vector<16xf32>
        %mul3A_969 = arith.mulf %mul3A_968, %scan3A_610 : vector<16xf32>
        %add3A_970 = arith.addf %mul3A_967, %mul3A_969 : vector<16xf32>
        %swap3A_971 = arith.index_cast %scan3A_585 : i32 to index
        %swap3A_972 = arith.constant 384 : index
        %swap3A_973 = tpu.vector_load %arg18[%swap3A_971, %swap3A_972] {strides = array<i32>} : memref<32x512xf32, #tpu.memory_space<vmem>>, vector<1x16xf32>,
        %swap3A_974 = vector.shape_cast %swap3A_973 : vector<1x16xf32> to vector<16xf32>
        %swap3A_975 = vector.shape_cast %add3A_970 : vector<16xf32> to vector<1x16xf32>
        tpu.vector_store %arg18[%swap3A_971, %swap3A_972], %swap3A_975 {strides = array<i32>} : memref<32x512xf32, #tpu.memory_space<vmem>>, vector<1x16xf32>,
        %get3A_976 = arith.index_cast %scan3A_585 : i32 to index
        %get3A_977 = arith.constant 400 : index
        %get3A_978 = tpu.vector_load %arg16[%get3A_976, %get3A_977] {strides = array<i32>} : memref<32x512xf32, #tpu.memory_space<vmem>>, vector<1x16xf32>,
        %get3A_979 = vector.shape_cast %get3A_978 : vector<1x16xf32> to vector<16xf32>
        %mul3A_980 = vector.broadcast %squeeze3A_623 : f32 to vector<16xf32>
        %mul3A_981 = arith.mulf %mul3A_980, %get3A_979 : vector<16xf32>
        %mul3A_982 = vector.broadcast %sub3A_625 : f32 to vector<16xf32>
        %mul3A_983 = arith.mulf %mul3A_982, %scan3A_611 : vector<16xf32>
        %add3A_984 = arith.addf %mul3A_981, %mul3A_983 : vector<16xf32>
        %swap3A_985 = arith.index_cast %scan3A_585 : i32 to index
        %swap3A_986 = arith.constant 400 : index
        %swap3A_987 = tpu.vector_load %arg18[%swap3A_985, %swap3A_986] {strides = array<i32>} : memref<32x512xf32, #tpu.memory_space<vmem>>, vector<1x16xf32>,
        %swap3A_988 = vector.shape_cast %swap3A_987 : vector<1x16xf32> to vector<16xf32>
        %swap3A_989 = vector.shape_cast %add3A_984 : vector<16xf32> to vector<1x16xf32>
        tpu.vector_store %arg18[%swap3A_985, %swap3A_986], %swap3A_989 {strides = array<i32>} : memref<32x512xf32, #tpu.memory_space<vmem>>, vector<1x16xf32>,
        %get3A_990 = arith.index_cast %scan3A_585 : i32 to index
        %get3A_991 = arith.constant 416 : index
        %get3A_992 = tpu.vector_load %arg16[%get3A_990, %get3A_991] {strides = array<i32>} : memref<32x512xf32, #tpu.memory_space<vmem>>, vector<1x16xf32>,
        %get3A_993 = vector.shape_cast %get3A_992 : vector<1x16xf32> to vector<16xf32>
        %mul3A_994 = vector.broadcast %squeeze3A_623 : f32 to vector<16xf32>
        %mul3A_995 = arith.mulf %mul3A_994, %get3A_993 : vector<16xf32>
        %mul3A_996 = vector.broadcast %sub3A_625 : f32 to vector<16xf32>
        %mul3A_997 = arith.mulf %mul3A_996, %scan3A_612 : vector<16xf32>
        %add3A_998 = arith.addf %mul3A_995, %mul3A_997 : vector<16xf32>
        %swap3A_999 = arith.index_cast %scan3A_585 : i32 to index
        %swap3A_1000 = arith.constant 416 : index
        %swap3A_1001 = tpu.vector_load %arg18[%swap3A_999, %swap3A_1000] {strides = array<i32>} : memref<32x512xf32, #tpu.memory_space<vmem>>, vector<1x16xf32>,
        %swap3A_1002 = vector.shape_cast %swap3A_1001 : vector<1x16xf32> to vector<16xf32>
        %swap3A_1003 = vector.shape_cast %add3A_998 : vector<16xf32> to vector<1x16xf32>
        tpu.vector_store %arg18[%swap3A_999, %swap3A_1000], %swap3A_1003 {strides = array<i32>} : memref<32x512xf32, #tpu.memory_space<vmem>>, vector<1x16xf32>,
        %get3A_1004 = arith.index_cast %scan3A_585 : i32 to index
        %get3A_1005 = arith.constant 432 : index
        %get3A_1006 = tpu.vector_load %arg16[%get3A_1004, %get3A_1005] {strides = array<i32>} : memref<32x512xf32, #tpu.memory_space<vmem>>, vector<1x16xf32>,
        %get3A_1007 = vector.shape_cast %get3A_1006 : vector<1x16xf32> to vector<16xf32>
        %mul3A_1008 = vector.broadcast %squeeze3A_623 : f32 to vector<16xf32>
        %mul3A_1009 = arith.mulf %mul3A_1008, %get3A_1007 : vector<16xf32>
        %mul3A_1010 = vector.broadcast %sub3A_625 : f32 to vector<16xf32>
        %mul3A_1011 = arith.mulf %mul3A_1010, %scan3A_613 : vector<16xf32>
        %add3A_1012 = arith.addf %mul3A_1009, %mul3A_1011 : vector<16xf32>
        %swap3A_1013 = arith.index_cast %scan3A_585 : i32 to index
        %swap3A_1014 = arith.constant 432 : index
        %swap3A_1015 = tpu.vector_load %arg18[%swap3A_1013, %swap3A_1014] {strides = array<i32>} : memref<32x512xf32, #tpu.memory_space<vmem>>, vector<1x16xf32>,
        %swap3A_1016 = vector.shape_cast %swap3A_1015 : vector<1x16xf32> to vector<16xf32>
        %swap3A_1017 = vector.shape_cast %add3A_1012 : vector<16xf32> to vector<1x16xf32>
        tpu.vector_store %arg18[%swap3A_1013, %swap3A_1014], %swap3A_1017 {strides = array<i32>} : memref<32x512xf32, #tpu.memory_space<vmem>>, vector<1x16xf32>,
        %get3A_1018 = arith.index_cast %scan3A_585 : i32 to index
        %get3A_1019 = arith.constant 448 : index
        %get3A_1020 = tpu.vector_load %arg16[%get3A_1018, %get3A_1019] {strides = array<i32>} : memref<32x512xf32, #tpu.memory_space<vmem>>, vector<1x16xf32>,
        %get3A_1021 = vector.shape_cast %get3A_1020 : vector<1x16xf32> to vector<16xf32>
        %mul3A_1022 = vector.broadcast %squeeze3A_623 : f32 to vector<16xf32>
        %mul3A_1023 = arith.mulf %mul3A_1022, %get3A_1021 : vector<16xf32>
        %mul3A_1024 = vector.broadcast %sub3A_625 : f32 to vector<16xf32>
        %mul3A_1025 = arith.mulf %mul3A_1024, %scan3A_614 : vector<16xf32>
        %add3A_1026 = arith.addf %mul3A_1023, %mul3A_1025 : vector<16xf32>
        %swap3A_1027 = arith.index_cast %scan3A_585 : i32 to index
        %swap3A_1028 = arith.constant 448 : index
        %swap3A_1029 = tpu.vector_load %arg18[%swap3A_1027, %swap3A_1028] {strides = array<i32>} : memref<32x512xf32, #tpu.memory_space<vmem>>, vector<1x16xf32>,
        %swap3A_1030 = vector.shape_cast %swap3A_1029 : vector<1x16xf32> to vector<16xf32>
        %swap3A_1031 = vector.shape_cast %add3A_1026 : vector<16xf32> to vector<1x16xf32>
        tpu.vector_store %arg18[%swap3A_1027, %swap3A_1028], %swap3A_1031 {strides = array<i32>} : memref<32x512xf32, #tpu.memory_space<vmem>>, vector<1x16xf32>,
        %get3A_1032 = arith.index_cast %scan3A_585 : i32 to index
        %get3A_1033 = arith.constant 464 : index
        %get3A_1034 = tpu.vector_load %arg16[%get3A_1032, %get3A_1033] {strides = array<i32>} : memref<32x512xf32, #tpu.memory_space<vmem>>, vector<1x16xf32>,
        %get3A_1035 = vector.shape_cast %get3A_1034 : vector<1x16xf32> to vector<16xf32>
        %mul3A_1036 = vector.broadcast %squeeze3A_623 : f32 to vector<16xf32>
        %mul3A_1037 = arith.mulf %mul3A_1036, %get3A_1035 : vector<16xf32>
        %mul3A_1038 = vector.broadcast %sub3A_625 : f32 to vector<16xf32>
        %mul3A_1039 = arith.mulf %mul3A_1038, %scan3A_615 : vector<16xf32>
        %add3A_1040 = arith.addf %mul3A_1037, %mul3A_1039 : vector<16xf32>
        %swap3A_1041 = arith.index_cast %scan3A_585 : i32 to index
        %swap3A_1042 = arith.constant 464 : index
        %swap3A_1043 = tpu.vector_load %arg18[%swap3A_1041, %swap3A_1042] {strides = array<i32>} : memref<32x512xf32, #tpu.memory_space<vmem>>, vector<1x16xf32>,
        %swap3A_1044 = vector.shape_cast %swap3A_1043 : vector<1x16xf32> to vector<16xf32>
        %swap3A_1045 = vector.shape_cast %add3A_1040 : vector<16xf32> to vector<1x16xf32>
        tpu.vector_store %arg18[%swap3A_1041, %swap3A_1042], %swap3A_1045 {strides = array<i32>} : memref<32x512xf32, #tpu.memory_space<vmem>>, vector<1x16xf32>,
        %get3A_1046 = arith.index_cast %scan3A_585 : i32 to index
        %get3A_1047 = arith.constant 480 : index
        %get3A_1048 = tpu.vector_load %arg16[%get3A_1046, %get3A_1047] {strides = array<i32>} : memref<32x512xf32, #tpu.memory_space<vmem>>, vector<1x16xf32>,
        %get3A_1049 = vector.shape_cast %get3A_1048 : vector<1x16xf32> to vector<16xf32>
        %mul3A_1050 = vector.broadcast %squeeze3A_623 : f32 to vector<16xf32>
        %mul3A_1051 = arith.mulf %mul3A_1050, %get3A_1049 : vector<16xf32>
        %mul3A_1052 = vector.broadcast %sub3A_625 : f32 to vector<16xf32>
        %mul3A_1053 = arith.mulf %mul3A_1052, %scan3A_616 : vector<16xf32>
        %add3A_1054 = arith.addf %mul3A_1051, %mul3A_1053 : vector<16xf32>
        %swap3A_1055 = arith.index_cast %scan3A_585 : i32 to index
        %swap3A_1056 = arith.constant 480 : index
        %swap3A_1057 = tpu.vector_load %arg18[%swap3A_1055, %swap3A_1056] {strides = array<i32>} : memref<32x512xf32, #tpu.memory_space<vmem>>, vector<1x16xf32>,
        %swap3A_1058 = vector.shape_cast %swap3A_1057 : vector<1x16xf32> to vector<16xf32>
        %swap3A_1059 = vector.shape_cast %add3A_1054 : vector<16xf32> to vector<1x16xf32>
        tpu.vector_store %arg18[%swap3A_1055, %swap3A_1056], %swap3A_1059 {strides = array<i32>} : memref<32x512xf32, #tpu.memory_space<vmem>>, vector<1x16xf32>,
        %get3A_1060 = arith.index_cast %scan3A_585 : i32 to index
        %get3A_1061 = arith.constant 496 : index
        %get3A_1062 = tpu.vector_load %arg16[%get3A_1060, %get3A_1061] {strides = array<i32>} : memref<32x512xf32, #tpu.memory_space<vmem>>, vector<1x16xf32>,
        %get3A_1063 = vector.shape_cast %get3A_1062 : vector<1x16xf32> to vector<16xf32>
        %mul3A_1064 = vector.broadcast %squeeze3A_623 : f32 to vector<16xf32>
        %mul3A_1065 = arith.mulf %mul3A_1064, %get3A_1063 : vector<16xf32>
        %mul3A_1066 = vector.broadcast %sub3A_625 : f32 to vector<16xf32>
        %mul3A_1067 = arith.mulf %mul3A_1066, %scan3A_617 : vector<16xf32>
        %add3A_1068 = arith.addf %mul3A_1065, %mul3A_1067 : vector<16xf32>
        %swap3A_1069 = arith.index_cast %scan3A_585 : i32 to index
        %swap3A_1070 = arith.constant 496 : index
        %swap3A_1071 = tpu.vector_load %arg18[%swap3A_1069, %swap3A_1070] {strides = array<i32>} : memref<32x512xf32, #tpu.memory_space<vmem>>, vector<1x16xf32>,
        %swap3A_1072 = vector.shape_cast %swap3A_1071 : vector<1x16xf32> to vector<16xf32>
        %swap3A_1073 = vector.shape_cast %add3A_1068 : vector<16xf32> to vector<1x16xf32>
        tpu.vector_store %arg18[%swap3A_1069, %swap3A_1070], %swap3A_1073 {strides = array<i32>} : memref<32x512xf32, #tpu.memory_space<vmem>>, vector<1x16xf32>,
        scf.yield %get3A_629, %get3A_643, %get3A_657, %get3A_671, %get3A_685, %get3A_699, %get3A_713, %get3A_727, %get3A_741, %get3A_755, %get3A_769, %get3A_783, %get3A_797, %get3A_811, %get3A_825, %get3A_839, %get3A_853, %get3A_867, %get3A_881, %get3A_895, %get3A_909, %get3A_923, %get3A_937, %get3A_951, %get3A_965, %get3A_979, %get3A_993, %get3A_1007, %get3A_1021, %get3A_1035, %get3A_1049, %get3A_1063 : vector<16xf32>, vector<16xf32>, vector<16xf32>, vector<16xf32>, vector<16xf32>, vector<16xf32>, vector<16xf32>, vector<16xf32>, vector<16xf32>, vector<16xf32>, vector<16xf32>, vector<16xf32>, vector<16xf32>, vector<16xf32>, vector<16xf32>, vector<16xf32>, vector<16xf32>, vector<16xf32>, vector<16xf32>, vector<16xf32>, vector<16xf32>, vector<16xf32>, vector<16xf32>, vector<16xf32>, vector<16xf32>, vector<16xf32>, vector<16xf32>, vector<16xf32>, vector<16xf32>, vector<16xf32>, vector<16xf32>, vector<16xf32>
      }
      %scan3A_532 = arith.constant 32 : i32
      %mul3A_533 = arith.constant 32 : i32
      %mul3A_534 = arith.muli %add3A_512, %mul3A_533 : i32
      %add3A_535 = arith.addi %add3A_35, %mul3A_534 : i32
      %dma_start3A_536 = arith.constant 0 : i32
      %dma_start3A_537 = tpu.memref_slice %arg5[%add3A_535, %dma_start3A_536] : memref<16384x512xf32, #tpu.memory_space<hbm>> -> memref<32x512xf32, #tpu.memory_space<hbm>>
      %dma_start3A_538 = arith.constant 0 : i32
      %dma_start3A_539 = tpu.memref_slice %arg5[%add3A_535, %dma_start3A_538] : memref<16384x512xf32, #tpu.memory_space<hbm>> -> memref<32x512xf32, #tpu.memory_space<hbm>>
      tpu.enqueue_dma source(%arg18 : memref<32x512xf32, #tpu.memory_space<vmem>>) target(%dma_start3A_539 : memref<32x512xf32, #tpu.memory_space<hbm>>) target_semaphore(%arg24 : memref<!tpu.dma_semaphore, #tpu.memory_space<semaphore_mem>>)
      %add3A_540 = arith.constant 4 : i32
      %add3A_541 = arith.addi %add3A_512, %add3A_540 : i32
      %lt3A_542 = arith.constant 16 : i32
      %lt3A_543 = arith.cmpi slt, %add3A_541, %lt3A_542 : i32
      %convert_element_type3A_544 = arith.extui %lt3A_543 : i1 to i32
      %cond3A_545 = arith.constant 0 : i32
      %cond3A_546 = arith.cmpi ne, %convert_element_type3A_544, %cond3A_545 : i32
      scf.if %cond3A_546 {
        %add3A_585 = arith.constant 4 : i32
        %add3A_586 = arith.addi %add3A_512, %add3A_585 : i32
        %add3A_587 = arith.constant 16 : i32
        %add3A_588 = arith.addi %add3A_587, %mul3A_32 : i32
        %mul3A_589 = arith.constant 32 : i32
        %mul3A_590 = arith.muli %add3A_586, %mul3A_589 : i32
        %add3A_591 = arith.addi %add3A_588, %mul3A_590 : i32
        %dma_start3A_592 = tpu.memref_slice %arg9[%add3A_591] : memref<2080xi32, #tpu.memory_space<vmem>> -> memref<32xi32, #tpu.memory_space<vmem>>
        %dma_start3A_593 = arith.constant 0 : i32
        %dma_start3A_594 = arith.constant 0 : i32
        %dma_start3A_595 = tpu.memref_slice %arg2[%dma_start3A_593, %dma_start3A_594] : memref<8192x512xf32, #tpu.memory_space<hbm>> -> memref<8192x512xf32, #tpu.memory_space<hbm>>
        tpu.enqueue_indirect_dma source(%dma_start3A_595 : memref<8192x512xf32, #tpu.memory_space<hbm>>) target(%arg16 : memref<32x512xf32, #tpu.memory_space<vmem>>) offsets(%dma_start3A_592 : memref<32xi32, #tpu.memory_space<vmem>>) semaphore(%arg22 : memref<!tpu.dma_semaphore, #tpu.memory_space<semaphore_mem>>)
      } else {
      }
      %mul3A_547 = arith.constant 4 : i32
      %mul3A_548 = arith.muli %mul3A_547, %scan3A_403 : i32
      %add3A_549 = arith.constant 3 : i32
      %add3A_550 = arith.addi %mul3A_548, %add3A_549 : i32
      %dma_wait3A_551 = arith.constant 0 : i32
      %dma_wait3A_552 = arith.constant 0 : i32
      %dma_wait3A_553 = tpu.memref_slice %arg2[%dma_wait3A_551, %dma_wait3A_552] : memref<8192x512xf32, #tpu.memory_space<hbm>> -> memref<32x512xf32, #tpu.memory_space<hbm>>
      %dma_wait3A_554 = arith.constant 0 : i32
      %dma_wait3A_555 = arith.constant 0 : i32
      %dma_wait3A_556 = tpu.memref_slice %arg2[%dma_wait3A_554, %dma_wait3A_555] : memref<8192x512xf32, #tpu.memory_space<hbm>> -> memref<32x512xf32, #tpu.memory_space<hbm>>
      tpu.wait_dma2 semaphore(%arg23 : memref<!tpu.dma_semaphore, #tpu.memory_space<semaphore_mem>>) src(%dma_wait3A_556 : memref<32x512xf32, #tpu.memory_space<hbm>>) dst(%arg17 : memref<32x512xf32, #tpu.memory_space<vmem>>)
      %dma_wait3A_557 = arith.constant 0 : i32
      %dma_wait3A_558 = arith.constant 0 : i32
      %dma_wait3A_559 = tpu.memref_slice %arg5[%dma_wait3A_557, %dma_wait3A_558] : memref<16384x512xf32, #tpu.memory_space<hbm>> -> memref<32x512xf32, #tpu.memory_space<hbm>>
      %dma_wait3A_560 = arith.constant 0 : i32
      %dma_wait3A_561 = arith.constant 0 : i32
      %dma_wait3A_562 = tpu.memref_slice %arg5[%dma_wait3A_560, %dma_wait3A_561] : memref<16384x512xf32, #tpu.memory_space<hbm>> -> memref<32x512xf32, #tpu.memory_space<hbm>>
      tpu.wait_dma2 semaphore(%arg25 : memref<!tpu.dma_semaphore, #tpu.memory_space<semaphore_mem>>) src(%arg19 : memref<32x512xf32, #tpu.memory_space<vmem>>) dst(%dma_wait3A_562 : memref<32x512xf32, #tpu.memory_space<hbm>>)
      %mul3A_563 = arith.constant 32 : i32
      %mul3A_564 = arith.muli %add3A_550, %mul3A_563 : i32
      %scan3A_565 = arith.constant 0 : i32
      %scan3A_566 = arith.constant 32 : i32
      %scan3A_567 = arith.addi %scan3A_565, %scan3A_566 : i32
      %scan3A_568 = arith.constant 1 : i32
      %scan3A_569:32 = scf.for %scan3A_585 = %scan3A_565 to %scan3A_567 step %scan3A_568 iter_args(%scan3A_586 = %scan3A_531#0, %scan3A_587 = %scan3A_531#1, %scan3A_588 = %scan3A_531#2, %scan3A_589 = %scan3A_531#3, %scan3A_590 = %scan3A_531#4, %scan3A_591 = %scan3A_531#5, %scan3A_592 = %scan3A_531#6, %scan3A_593 = %scan3A_531#7, %scan3A_594 = %scan3A_531#8, %scan3A_595 = %scan3A_531#9, %scan3A_596 = %scan3A_531#10, %scan3A_597 = %scan3A_531#11, %scan3A_598 = %scan3A_531#12, %scan3A_599 = %scan3A_531#13, %scan3A_600 = %scan3A_531#14, %scan3A_601 = %scan3A_531#15, %scan3A_602 = %scan3A_531#16, %scan3A_603 = %scan3A_531#17, %scan3A_604 = %scan3A_531#18, %scan3A_605 = %scan3A_531#19, %scan3A_606 = %scan3A_531#20, %scan3A_607 = %scan3A_531#21, %scan3A_608 = %scan3A_531#22, %scan3A_609 = %scan3A_531#23, %scan3A_610 = %scan3A_531#24, %scan3A_611 = %scan3A_531#25, %scan3A_612 = %scan3A_531#26, %scan3A_613 = %scan3A_531#27, %scan3A_614 = %scan3A_531#28, %scan3A_615 = %scan3A_531#29, %scan3A_616 = %scan3A_531#30, %scan3A_617 = %scan3A_531#31) -> (vector<16xf32>, vector<16xf32>, vector<16xf32>, vector<16xf32>, vector<16xf32>, vector<16xf32>, vector<16xf32>, vector<16xf32>, vector<16xf32>, vector<16xf32>, vector<16xf32>, vector<16xf32>, vector<16xf32>, vector<16xf32>, vector<16xf32>, vector<16xf32>, vector<16xf32>, vector<16xf32>, vector<16xf32>, vector<16xf32>, vector<16xf32>, vector<16xf32>, vector<16xf32>, vector<16xf32>, vector<16xf32>, vector<16xf32>, vector<16xf32>, vector<16xf32>, vector<16xf32>, vector<16xf32>, vector<16xf32>, vector<16xf32>)  : i32 {
        %add3A_618 = arith.addi %mul3A_564, %scan3A_585 : i32
        %get3A_619 = arith.index_cast %add3A_618 : i32 to index
        %get3A_620 = tpu.vector_load %arg7[%get3A_619] {strides = array<i32>} : memref<528xf32, #tpu.memory_space<vmem>>, vector<16xf32>,
        %get3A_621 = vector.shape_cast %get3A_620 : vector<16xf32> to vector<16xf32>
        %slice3A_622 = vector.extract_strided_slice %get3A_621 {offsets = [0], sizes = [1], strides = [1]} : vector<16xf32> to vector<1xf32>
        %squeeze3A_623 = vector.extract %slice3A_622[0] : f32 from vector<1xf32>
        %sub3A_624 = arith.constant 1.000000e+00 : f32
        %sub3A_625 = arith.subf %sub3A_624, %squeeze3A_623 : f32
        %get3A_626 = arith.index_cast %scan3A_585 : i32 to index
        %get3A_627 = arith.constant 0 : index
        %get3A_628 = tpu.vector_load %arg17[%get3A_626, %get3A_627] {strides = array<i32>} : memref<32x512xf32, #tpu.memory_space<vmem>>, vector<1x16xf32>,
        %get3A_629 = vector.shape_cast %get3A_628 : vector<1x16xf32> to vector<16xf32>
        %mul3A_630 = vector.broadcast %squeeze3A_623 : f32 to vector<16xf32>
        %mul3A_631 = arith.mulf %mul3A_630, %get3A_629 : vector<16xf32>
        %mul3A_632 = vector.broadcast %sub3A_625 : f32 to vector<16xf32>
        %mul3A_633 = arith.mulf %mul3A_632, %scan3A_586 : vector<16xf32>
        %add3A_634 = arith.addf %mul3A_631, %mul3A_633 : vector<16xf32>
        %swap3A_635 = arith.index_cast %scan3A_585 : i32 to index
        %swap3A_636 = arith.constant 0 : index
        %swap3A_637 = tpu.vector_load %arg19[%swap3A_635, %swap3A_636] {strides = array<i32>} : memref<32x512xf32, #tpu.memory_space<vmem>>, vector<1x16xf32>,
        %swap3A_638 = vector.shape_cast %swap3A_637 : vector<1x16xf32> to vector<16xf32>
        %swap3A_639 = vector.shape_cast %add3A_634 : vector<16xf32> to vector<1x16xf32>
        tpu.vector_store %arg19[%swap3A_635, %swap3A_636], %swap3A_639 {strides = array<i32>} : memref<32x512xf32, #tpu.memory_space<vmem>>, vector<1x16xf32>,
        %get3A_640 = arith.index_cast %scan3A_585 : i32 to index
        %get3A_641 = arith.constant 16 : index
        %get3A_642 = tpu.vector_load %arg17[%get3A_640, %get3A_641] {strides = array<i32>} : memref<32x512xf32, #tpu.memory_space<vmem>>, vector<1x16xf32>,
        %get3A_643 = vector.shape_cast %get3A_642 : vector<1x16xf32> to vector<16xf32>
        %mul3A_644 = vector.broadcast %squeeze3A_623 : f32 to vector<16xf32>
        %mul3A_645 = arith.mulf %mul3A_644, %get3A_643 : vector<16xf32>
        %mul3A_646 = vector.broadcast %sub3A_625 : f32 to vector<16xf32>
        %mul3A_647 = arith.mulf %mul3A_646, %scan3A_587 : vector<16xf32>
        %add3A_648 = arith.addf %mul3A_645, %mul3A_647 : vector<16xf32>
        %swap3A_649 = arith.index_cast %scan3A_585 : i32 to index
        %swap3A_650 = arith.constant 16 : index
        %swap3A_651 = tpu.vector_load %arg19[%swap3A_649, %swap3A_650] {strides = array<i32>} : memref<32x512xf32, #tpu.memory_space<vmem>>, vector<1x16xf32>,
        %swap3A_652 = vector.shape_cast %swap3A_651 : vector<1x16xf32> to vector<16xf32>
        %swap3A_653 = vector.shape_cast %add3A_648 : vector<16xf32> to vector<1x16xf32>
        tpu.vector_store %arg19[%swap3A_649, %swap3A_650], %swap3A_653 {strides = array<i32>} : memref<32x512xf32, #tpu.memory_space<vmem>>, vector<1x16xf32>,
        %get3A_654 = arith.index_cast %scan3A_585 : i32 to index
        %get3A_655 = arith.constant 32 : index
        %get3A_656 = tpu.vector_load %arg17[%get3A_654, %get3A_655] {strides = array<i32>} : memref<32x512xf32, #tpu.memory_space<vmem>>, vector<1x16xf32>,
        %get3A_657 = vector.shape_cast %get3A_656 : vector<1x16xf32> to vector<16xf32>
        %mul3A_658 = vector.broadcast %squeeze3A_623 : f32 to vector<16xf32>
        %mul3A_659 = arith.mulf %mul3A_658, %get3A_657 : vector<16xf32>
        %mul3A_660 = vector.broadcast %sub3A_625 : f32 to vector<16xf32>
        %mul3A_661 = arith.mulf %mul3A_660, %scan3A_588 : vector<16xf32>
        %add3A_662 = arith.addf %mul3A_659, %mul3A_661 : vector<16xf32>
        %swap3A_663 = arith.index_cast %scan3A_585 : i32 to index
        %swap3A_664 = arith.constant 32 : index
        %swap3A_665 = tpu.vector_load %arg19[%swap3A_663, %swap3A_664] {strides = array<i32>} : memref<32x512xf32, #tpu.memory_space<vmem>>, vector<1x16xf32>,
        %swap3A_666 = vector.shape_cast %swap3A_665 : vector<1x16xf32> to vector<16xf32>
        %swap3A_667 = vector.shape_cast %add3A_662 : vector<16xf32> to vector<1x16xf32>
        tpu.vector_store %arg19[%swap3A_663, %swap3A_664], %swap3A_667 {strides = array<i32>} : memref<32x512xf32, #tpu.memory_space<vmem>>, vector<1x16xf32>,
        %get3A_668 = arith.index_cast %scan3A_585 : i32 to index
        %get3A_669 = arith.constant 48 : index
        %get3A_670 = tpu.vector_load %arg17[%get3A_668, %get3A_669] {strides = array<i32>} : memref<32x512xf32, #tpu.memory_space<vmem>>, vector<1x16xf32>,
        %get3A_671 = vector.shape_cast %get3A_670 : vector<1x16xf32> to vector<16xf32>
        %mul3A_672 = vector.broadcast %squeeze3A_623 : f32 to vector<16xf32>
        %mul3A_673 = arith.mulf %mul3A_672, %get3A_671 : vector<16xf32>
        %mul3A_674 = vector.broadcast %sub3A_625 : f32 to vector<16xf32>
        %mul3A_675 = arith.mulf %mul3A_674, %scan3A_589 : vector<16xf32>
        %add3A_676 = arith.addf %mul3A_673, %mul3A_675 : vector<16xf32>
        %swap3A_677 = arith.index_cast %scan3A_585 : i32 to index
        %swap3A_678 = arith.constant 48 : index
        %swap3A_679 = tpu.vector_load %arg19[%swap3A_677, %swap3A_678] {strides = array<i32>} : memref<32x512xf32, #tpu.memory_space<vmem>>, vector<1x16xf32>,
        %swap3A_680 = vector.shape_cast %swap3A_679 : vector<1x16xf32> to vector<16xf32>
        %swap3A_681 = vector.shape_cast %add3A_676 : vector<16xf32> to vector<1x16xf32>
        tpu.vector_store %arg19[%swap3A_677, %swap3A_678], %swap3A_681 {strides = array<i32>} : memref<32x512xf32, #tpu.memory_space<vmem>>, vector<1x16xf32>,
        %get3A_682 = arith.index_cast %scan3A_585 : i32 to index
        %get3A_683 = arith.constant 64 : index
        %get3A_684 = tpu.vector_load %arg17[%get3A_682, %get3A_683] {strides = array<i32>} : memref<32x512xf32, #tpu.memory_space<vmem>>, vector<1x16xf32>,
        %get3A_685 = vector.shape_cast %get3A_684 : vector<1x16xf32> to vector<16xf32>
        %mul3A_686 = vector.broadcast %squeeze3A_623 : f32 to vector<16xf32>
        %mul3A_687 = arith.mulf %mul3A_686, %get3A_685 : vector<16xf32>
        %mul3A_688 = vector.broadcast %sub3A_625 : f32 to vector<16xf32>
        %mul3A_689 = arith.mulf %mul3A_688, %scan3A_590 : vector<16xf32>
        %add3A_690 = arith.addf %mul3A_687, %mul3A_689 : vector<16xf32>
        %swap3A_691 = arith.index_cast %scan3A_585 : i32 to index
        %swap3A_692 = arith.constant 64 : index
        %swap3A_693 = tpu.vector_load %arg19[%swap3A_691, %swap3A_692] {strides = array<i32>} : memref<32x512xf32, #tpu.memory_space<vmem>>, vector<1x16xf32>,
        %swap3A_694 = vector.shape_cast %swap3A_693 : vector<1x16xf32> to vector<16xf32>
        %swap3A_695 = vector.shape_cast %add3A_690 : vector<16xf32> to vector<1x16xf32>
        tpu.vector_store %arg19[%swap3A_691, %swap3A_692], %swap3A_695 {strides = array<i32>} : memref<32x512xf32, #tpu.memory_space<vmem>>, vector<1x16xf32>,
        %get3A_696 = arith.index_cast %scan3A_585 : i32 to index
        %get3A_697 = arith.constant 80 : index
        %get3A_698 = tpu.vector_load %arg17[%get3A_696, %get3A_697] {strides = array<i32>} : memref<32x512xf32, #tpu.memory_space<vmem>>, vector<1x16xf32>,
        %get3A_699 = vector.shape_cast %get3A_698 : vector<1x16xf32> to vector<16xf32>
        %mul3A_700 = vector.broadcast %squeeze3A_623 : f32 to vector<16xf32>
        %mul3A_701 = arith.mulf %mul3A_700, %get3A_699 : vector<16xf32>
        %mul3A_702 = vector.broadcast %sub3A_625 : f32 to vector<16xf32>
        %mul3A_703 = arith.mulf %mul3A_702, %scan3A_591 : vector<16xf32>
        %add3A_704 = arith.addf %mul3A_701, %mul3A_703 : vector<16xf32>
        %swap3A_705 = arith.index_cast %scan3A_585 : i32 to index
        %swap3A_706 = arith.constant 80 : index
        %swap3A_707 = tpu.vector_load %arg19[%swap3A_705, %swap3A_706] {strides = array<i32>} : memref<32x512xf32, #tpu.memory_space<vmem>>, vector<1x16xf32>,
        %swap3A_708 = vector.shape_cast %swap3A_707 : vector<1x16xf32> to vector<16xf32>
        %swap3A_709 = vector.shape_cast %add3A_704 : vector<16xf32> to vector<1x16xf32>
        tpu.vector_store %arg19[%swap3A_705, %swap3A_706], %swap3A_709 {strides = array<i32>} : memref<32x512xf32, #tpu.memory_space<vmem>>, vector<1x16xf32>,
        %get3A_710 = arith.index_cast %scan3A_585 : i32 to index
        %get3A_711 = arith.constant 96 : index
        %get3A_712 = tpu.vector_load %arg17[%get3A_710, %get3A_711] {strides = array<i32>} : memref<32x512xf32, #tpu.memory_space<vmem>>, vector<1x16xf32>,
        %get3A_713 = vector.shape_cast %get3A_712 : vector<1x16xf32> to vector<16xf32>
        %mul3A_714 = vector.broadcast %squeeze3A_623 : f32 to vector<16xf32>
        %mul3A_715 = arith.mulf %mul3A_714, %get3A_713 : vector<16xf32>
        %mul3A_716 = vector.broadcast %sub3A_625 : f32 to vector<16xf32>
        %mul3A_717 = arith.mulf %mul3A_716, %scan3A_592 : vector<16xf32>
        %add3A_718 = arith.addf %mul3A_715, %mul3A_717 : vector<16xf32>
        %swap3A_719 = arith.index_cast %scan3A_585 : i32 to index
        %swap3A_720 = arith.constant 96 : index
        %swap3A_721 = tpu.vector_load %arg19[%swap3A_719, %swap3A_720] {strides = array<i32>} : memref<32x512xf32, #tpu.memory_space<vmem>>, vector<1x16xf32>,
        %swap3A_722 = vector.shape_cast %swap3A_721 : vector<1x16xf32> to vector<16xf32>
        %swap3A_723 = vector.shape_cast %add3A_718 : vector<16xf32> to vector<1x16xf32>
        tpu.vector_store %arg19[%swap3A_719, %swap3A_720], %swap3A_723 {strides = array<i32>} : memref<32x512xf32, #tpu.memory_space<vmem>>, vector<1x16xf32>,
        %get3A_724 = arith.index_cast %scan3A_585 : i32 to index
        %get3A_725 = arith.constant 112 : index
        %get3A_726 = tpu.vector_load %arg17[%get3A_724, %get3A_725] {strides = array<i32>} : memref<32x512xf32, #tpu.memory_space<vmem>>, vector<1x16xf32>,
        %get3A_727 = vector.shape_cast %get3A_726 : vector<1x16xf32> to vector<16xf32>
        %mul3A_728 = vector.broadcast %squeeze3A_623 : f32 to vector<16xf32>
        %mul3A_729 = arith.mulf %mul3A_728, %get3A_727 : vector<16xf32>
        %mul3A_730 = vector.broadcast %sub3A_625 : f32 to vector<16xf32>
        %mul3A_731 = arith.mulf %mul3A_730, %scan3A_593 : vector<16xf32>
        %add3A_732 = arith.addf %mul3A_729, %mul3A_731 : vector<16xf32>
        %swap3A_733 = arith.index_cast %scan3A_585 : i32 to index
        %swap3A_734 = arith.constant 112 : index
        %swap3A_735 = tpu.vector_load %arg19[%swap3A_733, %swap3A_734] {strides = array<i32>} : memref<32x512xf32, #tpu.memory_space<vmem>>, vector<1x16xf32>,
        %swap3A_736 = vector.shape_cast %swap3A_735 : vector<1x16xf32> to vector<16xf32>
        %swap3A_737 = vector.shape_cast %add3A_732 : vector<16xf32> to vector<1x16xf32>
        tpu.vector_store %arg19[%swap3A_733, %swap3A_734], %swap3A_737 {strides = array<i32>} : memref<32x512xf32, #tpu.memory_space<vmem>>, vector<1x16xf32>,
        %get3A_738 = arith.index_cast %scan3A_585 : i32 to index
        %get3A_739 = arith.constant 128 : index
        %get3A_740 = tpu.vector_load %arg17[%get3A_738, %get3A_739] {strides = array<i32>} : memref<32x512xf32, #tpu.memory_space<vmem>>, vector<1x16xf32>,
        %get3A_741 = vector.shape_cast %get3A_740 : vector<1x16xf32> to vector<16xf32>
        %mul3A_742 = vector.broadcast %squeeze3A_623 : f32 to vector<16xf32>
        %mul3A_743 = arith.mulf %mul3A_742, %get3A_741 : vector<16xf32>
        %mul3A_744 = vector.broadcast %sub3A_625 : f32 to vector<16xf32>
        %mul3A_745 = arith.mulf %mul3A_744, %scan3A_594 : vector<16xf32>
        %add3A_746 = arith.addf %mul3A_743, %mul3A_745 : vector<16xf32>
        %swap3A_747 = arith.index_cast %scan3A_585 : i32 to index
        %swap3A_748 = arith.constant 128 : index
        %swap3A_749 = tpu.vector_load %arg19[%swap3A_747, %swap3A_748] {strides = array<i32>} : memref<32x512xf32, #tpu.memory_space<vmem>>, vector<1x16xf32>,
        %swap3A_750 = vector.shape_cast %swap3A_749 : vector<1x16xf32> to vector<16xf32>
        %swap3A_751 = vector.shape_cast %add3A_746 : vector<16xf32> to vector<1x16xf32>
        tpu.vector_store %arg19[%swap3A_747, %swap3A_748], %swap3A_751 {strides = array<i32>} : memref<32x512xf32, #tpu.memory_space<vmem>>, vector<1x16xf32>,
        %get3A_752 = arith.index_cast %scan3A_585 : i32 to index
        %get3A_753 = arith.constant 144 : index
        %get3A_754 = tpu.vector_load %arg17[%get3A_752, %get3A_753] {strides = array<i32>} : memref<32x512xf32, #tpu.memory_space<vmem>>, vector<1x16xf32>,
        %get3A_755 = vector.shape_cast %get3A_754 : vector<1x16xf32> to vector<16xf32>
        %mul3A_756 = vector.broadcast %squeeze3A_623 : f32 to vector<16xf32>
        %mul3A_757 = arith.mulf %mul3A_756, %get3A_755 : vector<16xf32>
        %mul3A_758 = vector.broadcast %sub3A_625 : f32 to vector<16xf32>
        %mul3A_759 = arith.mulf %mul3A_758, %scan3A_595 : vector<16xf32>
        %add3A_760 = arith.addf %mul3A_757, %mul3A_759 : vector<16xf32>
        %swap3A_761 = arith.index_cast %scan3A_585 : i32 to index
        %swap3A_762 = arith.constant 144 : index
        %swap3A_763 = tpu.vector_load %arg19[%swap3A_761, %swap3A_762] {strides = array<i32>} : memref<32x512xf32, #tpu.memory_space<vmem>>, vector<1x16xf32>,
        %swap3A_764 = vector.shape_cast %swap3A_763 : vector<1x16xf32> to vector<16xf32>
        %swap3A_765 = vector.shape_cast %add3A_760 : vector<16xf32> to vector<1x16xf32>
        tpu.vector_store %arg19[%swap3A_761, %swap3A_762], %swap3A_765 {strides = array<i32>} : memref<32x512xf32, #tpu.memory_space<vmem>>, vector<1x16xf32>,
        %get3A_766 = arith.index_cast %scan3A_585 : i32 to index
        %get3A_767 = arith.constant 160 : index
        %get3A_768 = tpu.vector_load %arg17[%get3A_766, %get3A_767] {strides = array<i32>} : memref<32x512xf32, #tpu.memory_space<vmem>>, vector<1x16xf32>,
        %get3A_769 = vector.shape_cast %get3A_768 : vector<1x16xf32> to vector<16xf32>
        %mul3A_770 = vector.broadcast %squeeze3A_623 : f32 to vector<16xf32>
        %mul3A_771 = arith.mulf %mul3A_770, %get3A_769 : vector<16xf32>
        %mul3A_772 = vector.broadcast %sub3A_625 : f32 to vector<16xf32>
        %mul3A_773 = arith.mulf %mul3A_772, %scan3A_596 : vector<16xf32>
        %add3A_774 = arith.addf %mul3A_771, %mul3A_773 : vector<16xf32>
        %swap3A_775 = arith.index_cast %scan3A_585 : i32 to index
        %swap3A_776 = arith.constant 160 : index
        %swap3A_777 = tpu.vector_load %arg19[%swap3A_775, %swap3A_776] {strides = array<i32>} : memref<32x512xf32, #tpu.memory_space<vmem>>, vector<1x16xf32>,
        %swap3A_778 = vector.shape_cast %swap3A_777 : vector<1x16xf32> to vector<16xf32>
        %swap3A_779 = vector.shape_cast %add3A_774 : vector<16xf32> to vector<1x16xf32>
        tpu.vector_store %arg19[%swap3A_775, %swap3A_776], %swap3A_779 {strides = array<i32>} : memref<32x512xf32, #tpu.memory_space<vmem>>, vector<1x16xf32>,
        %get3A_780 = arith.index_cast %scan3A_585 : i32 to index
        %get3A_781 = arith.constant 176 : index
        %get3A_782 = tpu.vector_load %arg17[%get3A_780, %get3A_781] {strides = array<i32>} : memref<32x512xf32, #tpu.memory_space<vmem>>, vector<1x16xf32>,
        %get3A_783 = vector.shape_cast %get3A_782 : vector<1x16xf32> to vector<16xf32>
        %mul3A_784 = vector.broadcast %squeeze3A_623 : f32 to vector<16xf32>
        %mul3A_785 = arith.mulf %mul3A_784, %get3A_783 : vector<16xf32>
        %mul3A_786 = vector.broadcast %sub3A_625 : f32 to vector<16xf32>
        %mul3A_787 = arith.mulf %mul3A_786, %scan3A_597 : vector<16xf32>
        %add3A_788 = arith.addf %mul3A_785, %mul3A_787 : vector<16xf32>
        %swap3A_789 = arith.index_cast %scan3A_585 : i32 to index
        %swap3A_790 = arith.constant 176 : index
        %swap3A_791 = tpu.vector_load %arg19[%swap3A_789, %swap3A_790] {strides = array<i32>} : memref<32x512xf32, #tpu.memory_space<vmem>>, vector<1x16xf32>,
        %swap3A_792 = vector.shape_cast %swap3A_791 : vector<1x16xf32> to vector<16xf32>
        %swap3A_793 = vector.shape_cast %add3A_788 : vector<16xf32> to vector<1x16xf32>
        tpu.vector_store %arg19[%swap3A_789, %swap3A_790], %swap3A_793 {strides = array<i32>} : memref<32x512xf32, #tpu.memory_space<vmem>>, vector<1x16xf32>,
        %get3A_794 = arith.index_cast %scan3A_585 : i32 to index
        %get3A_795 = arith.constant 192 : index
        %get3A_796 = tpu.vector_load %arg17[%get3A_794, %get3A_795] {strides = array<i32>} : memref<32x512xf32, #tpu.memory_space<vmem>>, vector<1x16xf32>,
        %get3A_797 = vector.shape_cast %get3A_796 : vector<1x16xf32> to vector<16xf32>
        %mul3A_798 = vector.broadcast %squeeze3A_623 : f32 to vector<16xf32>
        %mul3A_799 = arith.mulf %mul3A_798, %get3A_797 : vector<16xf32>
        %mul3A_800 = vector.broadcast %sub3A_625 : f32 to vector<16xf32>
        %mul3A_801 = arith.mulf %mul3A_800, %scan3A_598 : vector<16xf32>
        %add3A_802 = arith.addf %mul3A_799, %mul3A_801 : vector<16xf32>
        %swap3A_803 = arith.index_cast %scan3A_585 : i32 to index
        %swap3A_804 = arith.constant 192 : index
        %swap3A_805 = tpu.vector_load %arg19[%swap3A_803, %swap3A_804] {strides = array<i32>} : memref<32x512xf32, #tpu.memory_space<vmem>>, vector<1x16xf32>,
        %swap3A_806 = vector.shape_cast %swap3A_805 : vector<1x16xf32> to vector<16xf32>
        %swap3A_807 = vector.shape_cast %add3A_802 : vector<16xf32> to vector<1x16xf32>
        tpu.vector_store %arg19[%swap3A_803, %swap3A_804], %swap3A_807 {strides = array<i32>} : memref<32x512xf32, #tpu.memory_space<vmem>>, vector<1x16xf32>,
        %get3A_808 = arith.index_cast %scan3A_585 : i32 to index
        %get3A_809 = arith.constant 208 : index
        %get3A_810 = tpu.vector_load %arg17[%get3A_808, %get3A_809] {strides = array<i32>} : memref<32x512xf32, #tpu.memory_space<vmem>>, vector<1x16xf32>,
        %get3A_811 = vector.shape_cast %get3A_810 : vector<1x16xf32> to vector<16xf32>
        %mul3A_812 = vector.broadcast %squeeze3A_623 : f32 to vector<16xf32>
        %mul3A_813 = arith.mulf %mul3A_812, %get3A_811 : vector<16xf32>
        %mul3A_814 = vector.broadcast %sub3A_625 : f32 to vector<16xf32>
        %mul3A_815 = arith.mulf %mul3A_814, %scan3A_599 : vector<16xf32>
        %add3A_816 = arith.addf %mul3A_813, %mul3A_815 : vector<16xf32>
        %swap3A_817 = arith.index_cast %scan3A_585 : i32 to index
        %swap3A_818 = arith.constant 208 : index
        %swap3A_819 = tpu.vector_load %arg19[%swap3A_817, %swap3A_818] {strides = array<i32>} : memref<32x512xf32, #tpu.memory_space<vmem>>, vector<1x16xf32>,
        %swap3A_820 = vector.shape_cast %swap3A_819 : vector<1x16xf32> to vector<16xf32>
        %swap3A_821 = vector.shape_cast %add3A_816 : vector<16xf32> to vector<1x16xf32>
        tpu.vector_store %arg19[%swap3A_817, %swap3A_818], %swap3A_821 {strides = array<i32>} : memref<32x512xf32, #tpu.memory_space<vmem>>, vector<1x16xf32>,
        %get3A_822 = arith.index_cast %scan3A_585 : i32 to index
        %get3A_823 = arith.constant 224 : index
        %get3A_824 = tpu.vector_load %arg17[%get3A_822, %get3A_823] {strides = array<i32>} : memref<32x512xf32, #tpu.memory_space<vmem>>, vector<1x16xf32>,
        %get3A_825 = vector.shape_cast %get3A_824 : vector<1x16xf32> to vector<16xf32>
        %mul3A_826 = vector.broadcast %squeeze3A_623 : f32 to vector<16xf32>
        %mul3A_827 = arith.mulf %mul3A_826, %get3A_825 : vector<16xf32>
        %mul3A_828 = vector.broadcast %sub3A_625 : f32 to vector<16xf32>
        %mul3A_829 = arith.mulf %mul3A_828, %scan3A_600 : vector<16xf32>
        %add3A_830 = arith.addf %mul3A_827, %mul3A_829 : vector<16xf32>
        %swap3A_831 = arith.index_cast %scan3A_585 : i32 to index
        %swap3A_832 = arith.constant 224 : index
        %swap3A_833 = tpu.vector_load %arg19[%swap3A_831, %swap3A_832] {strides = array<i32>} : memref<32x512xf32, #tpu.memory_space<vmem>>, vector<1x16xf32>,
        %swap3A_834 = vector.shape_cast %swap3A_833 : vector<1x16xf32> to vector<16xf32>
        %swap3A_835 = vector.shape_cast %add3A_830 : vector<16xf32> to vector<1x16xf32>
        tpu.vector_store %arg19[%swap3A_831, %swap3A_832], %swap3A_835 {strides = array<i32>} : memref<32x512xf32, #tpu.memory_space<vmem>>, vector<1x16xf32>,
        %get3A_836 = arith.index_cast %scan3A_585 : i32 to index
        %get3A_837 = arith.constant 240 : index
        %get3A_838 = tpu.vector_load %arg17[%get3A_836, %get3A_837] {strides = array<i32>} : memref<32x512xf32, #tpu.memory_space<vmem>>, vector<1x16xf32>,
        %get3A_839 = vector.shape_cast %get3A_838 : vector<1x16xf32> to vector<16xf32>
        %mul3A_840 = vector.broadcast %squeeze3A_623 : f32 to vector<16xf32>
        %mul3A_841 = arith.mulf %mul3A_840, %get3A_839 : vector<16xf32>
        %mul3A_842 = vector.broadcast %sub3A_625 : f32 to vector<16xf32>
        %mul3A_843 = arith.mulf %mul3A_842, %scan3A_601 : vector<16xf32>
        %add3A_844 = arith.addf %mul3A_841, %mul3A_843 : vector<16xf32>
        %swap3A_845 = arith.index_cast %scan3A_585 : i32 to index
        %swap3A_846 = arith.constant 240 : index
        %swap3A_847 = tpu.vector_load %arg19[%swap3A_845, %swap3A_846] {strides = array<i32>} : memref<32x512xf32, #tpu.memory_space<vmem>>, vector<1x16xf32>,
        %swap3A_848 = vector.shape_cast %swap3A_847 : vector<1x16xf32> to vector<16xf32>
        %swap3A_849 = vector.shape_cast %add3A_844 : vector<16xf32> to vector<1x16xf32>
        tpu.vector_store %arg19[%swap3A_845, %swap3A_846], %swap3A_849 {strides = array<i32>} : memref<32x512xf32, #tpu.memory_space<vmem>>, vector<1x16xf32>,
        %get3A_850 = arith.index_cast %scan3A_585 : i32 to index
        %get3A_851 = arith.constant 256 : index
        %get3A_852 = tpu.vector_load %arg17[%get3A_850, %get3A_851] {strides = array<i32>} : memref<32x512xf32, #tpu.memory_space<vmem>>, vector<1x16xf32>,
        %get3A_853 = vector.shape_cast %get3A_852 : vector<1x16xf32> to vector<16xf32>
        %mul3A_854 = vector.broadcast %squeeze3A_623 : f32 to vector<16xf32>
        %mul3A_855 = arith.mulf %mul3A_854, %get3A_853 : vector<16xf32>
        %mul3A_856 = vector.broadcast %sub3A_625 : f32 to vector<16xf32>
        %mul3A_857 = arith.mulf %mul3A_856, %scan3A_602 : vector<16xf32>
        %add3A_858 = arith.addf %mul3A_855, %mul3A_857 : vector<16xf32>
        %swap3A_859 = arith.index_cast %scan3A_585 : i32 to index
        %swap3A_860 = arith.constant 256 : index
        %swap3A_861 = tpu.vector_load %arg19[%swap3A_859, %swap3A_860] {strides = array<i32>} : memref<32x512xf32, #tpu.memory_space<vmem>>, vector<1x16xf32>,
        %swap3A_862 = vector.shape_cast %swap3A_861 : vector<1x16xf32> to vector<16xf32>
        %swap3A_863 = vector.shape_cast %add3A_858 : vector<16xf32> to vector<1x16xf32>
        tpu.vector_store %arg19[%swap3A_859, %swap3A_860], %swap3A_863 {strides = array<i32>} : memref<32x512xf32, #tpu.memory_space<vmem>>, vector<1x16xf32>,
        %get3A_864 = arith.index_cast %scan3A_585 : i32 to index
        %get3A_865 = arith.constant 272 : index
        %get3A_866 = tpu.vector_load %arg17[%get3A_864, %get3A_865] {strides = array<i32>} : memref<32x512xf32, #tpu.memory_space<vmem>>, vector<1x16xf32>,
        %get3A_867 = vector.shape_cast %get3A_866 : vector<1x16xf32> to vector<16xf32>
        %mul3A_868 = vector.broadcast %squeeze3A_623 : f32 to vector<16xf32>
        %mul3A_869 = arith.mulf %mul3A_868, %get3A_867 : vector<16xf32>
        %mul3A_870 = vector.broadcast %sub3A_625 : f32 to vector<16xf32>
        %mul3A_871 = arith.mulf %mul3A_870, %scan3A_603 : vector<16xf32>
        %add3A_872 = arith.addf %mul3A_869, %mul3A_871 : vector<16xf32>
        %swap3A_873 = arith.index_cast %scan3A_585 : i32 to index
        %swap3A_874 = arith.constant 272 : index
        %swap3A_875 = tpu.vector_load %arg19[%swap3A_873, %swap3A_874] {strides = array<i32>} : memref<32x512xf32, #tpu.memory_space<vmem>>, vector<1x16xf32>,
        %swap3A_876 = vector.shape_cast %swap3A_875 : vector<1x16xf32> to vector<16xf32>
        %swap3A_877 = vector.shape_cast %add3A_872 : vector<16xf32> to vector<1x16xf32>
        tpu.vector_store %arg19[%swap3A_873, %swap3A_874], %swap3A_877 {strides = array<i32>} : memref<32x512xf32, #tpu.memory_space<vmem>>, vector<1x16xf32>,
        %get3A_878 = arith.index_cast %scan3A_585 : i32 to index
        %get3A_879 = arith.constant 288 : index
        %get3A_880 = tpu.vector_load %arg17[%get3A_878, %get3A_879] {strides = array<i32>} : memref<32x512xf32, #tpu.memory_space<vmem>>, vector<1x16xf32>,
        %get3A_881 = vector.shape_cast %get3A_880 : vector<1x16xf32> to vector<16xf32>
        %mul3A_882 = vector.broadcast %squeeze3A_623 : f32 to vector<16xf32>
        %mul3A_883 = arith.mulf %mul3A_882, %get3A_881 : vector<16xf32>
        %mul3A_884 = vector.broadcast %sub3A_625 : f32 to vector<16xf32>
        %mul3A_885 = arith.mulf %mul3A_884, %scan3A_604 : vector<16xf32>
        %add3A_886 = arith.addf %mul3A_883, %mul3A_885 : vector<16xf32>
        %swap3A_887 = arith.index_cast %scan3A_585 : i32 to index
        %swap3A_888 = arith.constant 288 : index
        %swap3A_889 = tpu.vector_load %arg19[%swap3A_887, %swap3A_888] {strides = array<i32>} : memref<32x512xf32, #tpu.memory_space<vmem>>, vector<1x16xf32>,
        %swap3A_890 = vector.shape_cast %swap3A_889 : vector<1x16xf32> to vector<16xf32>
        %swap3A_891 = vector.shape_cast %add3A_886 : vector<16xf32> to vector<1x16xf32>
        tpu.vector_store %arg19[%swap3A_887, %swap3A_888], %swap3A_891 {strides = array<i32>} : memref<32x512xf32, #tpu.memory_space<vmem>>, vector<1x16xf32>,
        %get3A_892 = arith.index_cast %scan3A_585 : i32 to index
        %get3A_893 = arith.constant 304 : index
        %get3A_894 = tpu.vector_load %arg17[%get3A_892, %get3A_893] {strides = array<i32>} : memref<32x512xf32, #tpu.memory_space<vmem>>, vector<1x16xf32>,
        %get3A_895 = vector.shape_cast %get3A_894 : vector<1x16xf32> to vector<16xf32>
        %mul3A_896 = vector.broadcast %squeeze3A_623 : f32 to vector<16xf32>
        %mul3A_897 = arith.mulf %mul3A_896, %get3A_895 : vector<16xf32>
        %mul3A_898 = vector.broadcast %sub3A_625 : f32 to vector<16xf32>
        %mul3A_899 = arith.mulf %mul3A_898, %scan3A_605 : vector<16xf32>
        %add3A_900 = arith.addf %mul3A_897, %mul3A_899 : vector<16xf32>
        %swap3A_901 = arith.index_cast %scan3A_585 : i32 to index
        %swap3A_902 = arith.constant 304 : index
        %swap3A_903 = tpu.vector_load %arg19[%swap3A_901, %swap3A_902] {strides = array<i32>} : memref<32x512xf32, #tpu.memory_space<vmem>>, vector<1x16xf32>,
        %swap3A_904 = vector.shape_cast %swap3A_903 : vector<1x16xf32> to vector<16xf32>
        %swap3A_905 = vector.shape_cast %add3A_900 : vector<16xf32> to vector<1x16xf32>
        tpu.vector_store %arg19[%swap3A_901, %swap3A_902], %swap3A_905 {strides = array<i32>} : memref<32x512xf32, #tpu.memory_space<vmem>>, vector<1x16xf32>,
        %get3A_906 = arith.index_cast %scan3A_585 : i32 to index
        %get3A_907 = arith.constant 320 : index
        %get3A_908 = tpu.vector_load %arg17[%get3A_906, %get3A_907] {strides = array<i32>} : memref<32x512xf32, #tpu.memory_space<vmem>>, vector<1x16xf32>,
        %get3A_909 = vector.shape_cast %get3A_908 : vector<1x16xf32> to vector<16xf32>
        %mul3A_910 = vector.broadcast %squeeze3A_623 : f32 to vector<16xf32>
        %mul3A_911 = arith.mulf %mul3A_910, %get3A_909 : vector<16xf32>
        %mul3A_912 = vector.broadcast %sub3A_625 : f32 to vector<16xf32>
        %mul3A_913 = arith.mulf %mul3A_912, %scan3A_606 : vector<16xf32>
        %add3A_914 = arith.addf %mul3A_911, %mul3A_913 : vector<16xf32>
        %swap3A_915 = arith.index_cast %scan3A_585 : i32 to index
        %swap3A_916 = arith.constant 320 : index
        %swap3A_917 = tpu.vector_load %arg19[%swap3A_915, %swap3A_916] {strides = array<i32>} : memref<32x512xf32, #tpu.memory_space<vmem>>, vector<1x16xf32>,
        %swap3A_918 = vector.shape_cast %swap3A_917 : vector<1x16xf32> to vector<16xf32>
        %swap3A_919 = vector.shape_cast %add3A_914 : vector<16xf32> to vector<1x16xf32>
        tpu.vector_store %arg19[%swap3A_915, %swap3A_916], %swap3A_919 {strides = array<i32>} : memref<32x512xf32, #tpu.memory_space<vmem>>, vector<1x16xf32>,
        %get3A_920 = arith.index_cast %scan3A_585 : i32 to index
        %get3A_921 = arith.constant 336 : index
        %get3A_922 = tpu.vector_load %arg17[%get3A_920, %get3A_921] {strides = array<i32>} : memref<32x512xf32, #tpu.memory_space<vmem>>, vector<1x16xf32>,
        %get3A_923 = vector.shape_cast %get3A_922 : vector<1x16xf32> to vector<16xf32>
        %mul3A_924 = vector.broadcast %squeeze3A_623 : f32 to vector<16xf32>
        %mul3A_925 = arith.mulf %mul3A_924, %get3A_923 : vector<16xf32>
        %mul3A_926 = vector.broadcast %sub3A_625 : f32 to vector<16xf32>
        %mul3A_927 = arith.mulf %mul3A_926, %scan3A_607 : vector<16xf32>
        %add3A_928 = arith.addf %mul3A_925, %mul3A_927 : vector<16xf32>
        %swap3A_929 = arith.index_cast %scan3A_585 : i32 to index
        %swap3A_930 = arith.constant 336 : index
        %swap3A_931 = tpu.vector_load %arg19[%swap3A_929, %swap3A_930] {strides = array<i32>} : memref<32x512xf32, #tpu.memory_space<vmem>>, vector<1x16xf32>,
        %swap3A_932 = vector.shape_cast %swap3A_931 : vector<1x16xf32> to vector<16xf32>
        %swap3A_933 = vector.shape_cast %add3A_928 : vector<16xf32> to vector<1x16xf32>
        tpu.vector_store %arg19[%swap3A_929, %swap3A_930], %swap3A_933 {strides = array<i32>} : memref<32x512xf32, #tpu.memory_space<vmem>>, vector<1x16xf32>,
        %get3A_934 = arith.index_cast %scan3A_585 : i32 to index
        %get3A_935 = arith.constant 352 : index
        %get3A_936 = tpu.vector_load %arg17[%get3A_934, %get3A_935] {strides = array<i32>} : memref<32x512xf32, #tpu.memory_space<vmem>>, vector<1x16xf32>,
        %get3A_937 = vector.shape_cast %get3A_936 : vector<1x16xf32> to vector<16xf32>
        %mul3A_938 = vector.broadcast %squeeze3A_623 : f32 to vector<16xf32>
        %mul3A_939 = arith.mulf %mul3A_938, %get3A_937 : vector<16xf32>
        %mul3A_940 = vector.broadcast %sub3A_625 : f32 to vector<16xf32>
        %mul3A_941 = arith.mulf %mul3A_940, %scan3A_608 : vector<16xf32>
        %add3A_942 = arith.addf %mul3A_939, %mul3A_941 : vector<16xf32>
        %swap3A_943 = arith.index_cast %scan3A_585 : i32 to index
        %swap3A_944 = arith.constant 352 : index
        %swap3A_945 = tpu.vector_load %arg19[%swap3A_943, %swap3A_944] {strides = array<i32>} : memref<32x512xf32, #tpu.memory_space<vmem>>, vector<1x16xf32>,
        %swap3A_946 = vector.shape_cast %swap3A_945 : vector<1x16xf32> to vector<16xf32>
        %swap3A_947 = vector.shape_cast %add3A_942 : vector<16xf32> to vector<1x16xf32>
        tpu.vector_store %arg19[%swap3A_943, %swap3A_944], %swap3A_947 {strides = array<i32>} : memref<32x512xf32, #tpu.memory_space<vmem>>, vector<1x16xf32>,
        %get3A_948 = arith.index_cast %scan3A_585 : i32 to index
        %get3A_949 = arith.constant 368 : index
        %get3A_950 = tpu.vector_load %arg17[%get3A_948, %get3A_949] {strides = array<i32>} : memref<32x512xf32, #tpu.memory_space<vmem>>, vector<1x16xf32>,
        %get3A_951 = vector.shape_cast %get3A_950 : vector<1x16xf32> to vector<16xf32>
        %mul3A_952 = vector.broadcast %squeeze3A_623 : f32 to vector<16xf32>
        %mul3A_953 = arith.mulf %mul3A_952, %get3A_951 : vector<16xf32>
        %mul3A_954 = vector.broadcast %sub3A_625 : f32 to vector<16xf32>
        %mul3A_955 = arith.mulf %mul3A_954, %scan3A_609 : vector<16xf32>
        %add3A_956 = arith.addf %mul3A_953, %mul3A_955 : vector<16xf32>
        %swap3A_957 = arith.index_cast %scan3A_585 : i32 to index
        %swap3A_958 = arith.constant 368 : index
        %swap3A_959 = tpu.vector_load %arg19[%swap3A_957, %swap3A_958] {strides = array<i32>} : memref<32x512xf32, #tpu.memory_space<vmem>>, vector<1x16xf32>,
        %swap3A_960 = vector.shape_cast %swap3A_959 : vector<1x16xf32> to vector<16xf32>
        %swap3A_961 = vector.shape_cast %add3A_956 : vector<16xf32> to vector<1x16xf32>
        tpu.vector_store %arg19[%swap3A_957, %swap3A_958], %swap3A_961 {strides = array<i32>} : memref<32x512xf32, #tpu.memory_space<vmem>>, vector<1x16xf32>,
        %get3A_962 = arith.index_cast %scan3A_585 : i32 to index
        %get3A_963 = arith.constant 384 : index
        %get3A_964 = tpu.vector_load %arg17[%get3A_962, %get3A_963] {strides = array<i32>} : memref<32x512xf32, #tpu.memory_space<vmem>>, vector<1x16xf32>,
        %get3A_965 = vector.shape_cast %get3A_964 : vector<1x16xf32> to vector<16xf32>
        %mul3A_966 = vector.broadcast %squeeze3A_623 : f32 to vector<16xf32>
        %mul3A_967 = arith.mulf %mul3A_966, %get3A_965 : vector<16xf32>
        %mul3A_968 = vector.broadcast %sub3A_625 : f32 to vector<16xf32>
        %mul3A_969 = arith.mulf %mul3A_968, %scan3A_610 : vector<16xf32>
        %add3A_970 = arith.addf %mul3A_967, %mul3A_969 : vector<16xf32>
        %swap3A_971 = arith.index_cast %scan3A_585 : i32 to index
        %swap3A_972 = arith.constant 384 : index
        %swap3A_973 = tpu.vector_load %arg19[%swap3A_971, %swap3A_972] {strides = array<i32>} : memref<32x512xf32, #tpu.memory_space<vmem>>, vector<1x16xf32>,
        %swap3A_974 = vector.shape_cast %swap3A_973 : vector<1x16xf32> to vector<16xf32>
        %swap3A_975 = vector.shape_cast %add3A_970 : vector<16xf32> to vector<1x16xf32>
        tpu.vector_store %arg19[%swap3A_971, %swap3A_972], %swap3A_975 {strides = array<i32>} : memref<32x512xf32, #tpu.memory_space<vmem>>, vector<1x16xf32>,
        %get3A_976 = arith.index_cast %scan3A_585 : i32 to index
        %get3A_977 = arith.constant 400 : index
        %get3A_978 = tpu.vector_load %arg17[%get3A_976, %get3A_977] {strides = array<i32>} : memref<32x512xf32, #tpu.memory_space<vmem>>, vector<1x16xf32>,
        %get3A_979 = vector.shape_cast %get3A_978 : vector<1x16xf32> to vector<16xf32>
        %mul3A_980 = vector.broadcast %squeeze3A_623 : f32 to vector<16xf32>
        %mul3A_981 = arith.mulf %mul3A_980, %get3A_979 : vector<16xf32>
        %mul3A_982 = vector.broadcast %sub3A_625 : f32 to vector<16xf32>
        %mul3A_983 = arith.mulf %mul3A_982, %scan3A_611 : vector<16xf32>
        %add3A_984 = arith.addf %mul3A_981, %mul3A_983 : vector<16xf32>
        %swap3A_985 = arith.index_cast %scan3A_585 : i32 to index
        %swap3A_986 = arith.constant 400 : index
        %swap3A_987 = tpu.vector_load %arg19[%swap3A_985, %swap3A_986] {strides = array<i32>} : memref<32x512xf32, #tpu.memory_space<vmem>>, vector<1x16xf32>,
        %swap3A_988 = vector.shape_cast %swap3A_987 : vector<1x16xf32> to vector<16xf32>
        %swap3A_989 = vector.shape_cast %add3A_984 : vector<16xf32> to vector<1x16xf32>
        tpu.vector_store %arg19[%swap3A_985, %swap3A_986], %swap3A_989 {strides = array<i32>} : memref<32x512xf32, #tpu.memory_space<vmem>>, vector<1x16xf32>,
        %get3A_990 = arith.index_cast %scan3A_585 : i32 to index
        %get3A_991 = arith.constant 416 : index
        %get3A_992 = tpu.vector_load %arg17[%get3A_990, %get3A_991] {strides = array<i32>} : memref<32x512xf32, #tpu.memory_space<vmem>>, vector<1x16xf32>,
        %get3A_993 = vector.shape_cast %get3A_992 : vector<1x16xf32> to vector<16xf32>
        %mul3A_994 = vector.broadcast %squeeze3A_623 : f32 to vector<16xf32>
        %mul3A_995 = arith.mulf %mul3A_994, %get3A_993 : vector<16xf32>
        %mul3A_996 = vector.broadcast %sub3A_625 : f32 to vector<16xf32>
        %mul3A_997 = arith.mulf %mul3A_996, %scan3A_612 : vector<16xf32>
        %add3A_998 = arith.addf %mul3A_995, %mul3A_997 : vector<16xf32>
        %swap3A_999 = arith.index_cast %scan3A_585 : i32 to index
        %swap3A_1000 = arith.constant 416 : index
        %swap3A_1001 = tpu.vector_load %arg19[%swap3A_999, %swap3A_1000] {strides = array<i32>} : memref<32x512xf32, #tpu.memory_space<vmem>>, vector<1x16xf32>,
        %swap3A_1002 = vector.shape_cast %swap3A_1001 : vector<1x16xf32> to vector<16xf32>
        %swap3A_1003 = vector.shape_cast %add3A_998 : vector<16xf32> to vector<1x16xf32>
        tpu.vector_store %arg19[%swap3A_999, %swap3A_1000], %swap3A_1003 {strides = array<i32>} : memref<32x512xf32, #tpu.memory_space<vmem>>, vector<1x16xf32>,
        %get3A_1004 = arith.index_cast %scan3A_585 : i32 to index
        %get3A_1005 = arith.constant 432 : index
        %get3A_1006 = tpu.vector_load %arg17[%get3A_1004, %get3A_1005] {strides = array<i32>} : memref<32x512xf32, #tpu.memory_space<vmem>>, vector<1x16xf32>,
        %get3A_1007 = vector.shape_cast %get3A_1006 : vector<1x16xf32> to vector<16xf32>
        %mul3A_1008 = vector.broadcast %squeeze3A_623 : f32 to vector<16xf32>
        %mul3A_1009 = arith.mulf %mul3A_1008, %get3A_1007 : vector<16xf32>
        %mul3A_1010 = vector.broadcast %sub3A_625 : f32 to vector<16xf32>
        %mul3A_1011 = arith.mulf %mul3A_1010, %scan3A_613 : vector<16xf32>
        %add3A_1012 = arith.addf %mul3A_1009, %mul3A_1011 : vector<16xf32>
        %swap3A_1013 = arith.index_cast %scan3A_585 : i32 to index
        %swap3A_1014 = arith.constant 432 : index
        %swap3A_1015 = tpu.vector_load %arg19[%swap3A_1013, %swap3A_1014] {strides = array<i32>} : memref<32x512xf32, #tpu.memory_space<vmem>>, vector<1x16xf32>,
        %swap3A_1016 = vector.shape_cast %swap3A_1015 : vector<1x16xf32> to vector<16xf32>
        %swap3A_1017 = vector.shape_cast %add3A_1012 : vector<16xf32> to vector<1x16xf32>
        tpu.vector_store %arg19[%swap3A_1013, %swap3A_1014], %swap3A_1017 {strides = array<i32>} : memref<32x512xf32, #tpu.memory_space<vmem>>, vector<1x16xf32>,
        %get3A_1018 = arith.index_cast %scan3A_585 : i32 to index
        %get3A_1019 = arith.constant 448 : index
        %get3A_1020 = tpu.vector_load %arg17[%get3A_1018, %get3A_1019] {strides = array<i32>} : memref<32x512xf32, #tpu.memory_space<vmem>>, vector<1x16xf32>,
        %get3A_1021 = vector.shape_cast %get3A_1020 : vector<1x16xf32> to vector<16xf32>
        %mul3A_1022 = vector.broadcast %squeeze3A_623 : f32 to vector<16xf32>
        %mul3A_1023 = arith.mulf %mul3A_1022, %get3A_1021 : vector<16xf32>
        %mul3A_1024 = vector.broadcast %sub3A_625 : f32 to vector<16xf32>
        %mul3A_1025 = arith.mulf %mul3A_1024, %scan3A_614 : vector<16xf32>
        %add3A_1026 = arith.addf %mul3A_1023, %mul3A_1025 : vector<16xf32>
        %swap3A_1027 = arith.index_cast %scan3A_585 : i32 to index
        %swap3A_1028 = arith.constant 448 : index
        %swap3A_1029 = tpu.vector_load %arg19[%swap3A_1027, %swap3A_1028] {strides = array<i32>} : memref<32x512xf32, #tpu.memory_space<vmem>>, vector<1x16xf32>,
        %swap3A_1030 = vector.shape_cast %swap3A_1029 : vector<1x16xf32> to vector<16xf32>
        %swap3A_1031 = vector.shape_cast %add3A_1026 : vector<16xf32> to vector<1x16xf32>
        tpu.vector_store %arg19[%swap3A_1027, %swap3A_1028], %swap3A_1031 {strides = array<i32>} : memref<32x512xf32, #tpu.memory_space<vmem>>, vector<1x16xf32>,
        %get3A_1032 = arith.index_cast %scan3A_585 : i32 to index
        %get3A_1033 = arith.constant 464 : index
        %get3A_1034 = tpu.vector_load %arg17[%get3A_1032, %get3A_1033] {strides = array<i32>} : memref<32x512xf32, #tpu.memory_space<vmem>>, vector<1x16xf32>,
        %get3A_1035 = vector.shape_cast %get3A_1034 : vector<1x16xf32> to vector<16xf32>
        %mul3A_1036 = vector.broadcast %squeeze3A_623 : f32 to vector<16xf32>
        %mul3A_1037 = arith.mulf %mul3A_1036, %get3A_1035 : vector<16xf32>
        %mul3A_1038 = vector.broadcast %sub3A_625 : f32 to vector<16xf32>
        %mul3A_1039 = arith.mulf %mul3A_1038, %scan3A_615 : vector<16xf32>
        %add3A_1040 = arith.addf %mul3A_1037, %mul3A_1039 : vector<16xf32>
        %swap3A_1041 = arith.index_cast %scan3A_585 : i32 to index
        %swap3A_1042 = arith.constant 464 : index
        %swap3A_1043 = tpu.vector_load %arg19[%swap3A_1041, %swap3A_1042] {strides = array<i32>} : memref<32x512xf32, #tpu.memory_space<vmem>>, vector<1x16xf32>,
        %swap3A_1044 = vector.shape_cast %swap3A_1043 : vector<1x16xf32> to vector<16xf32>
        %swap3A_1045 = vector.shape_cast %add3A_1040 : vector<16xf32> to vector<1x16xf32>
        tpu.vector_store %arg19[%swap3A_1041, %swap3A_1042], %swap3A_1045 {strides = array<i32>} : memref<32x512xf32, #tpu.memory_space<vmem>>, vector<1x16xf32>,
        %get3A_1046 = arith.index_cast %scan3A_585 : i32 to index
        %get3A_1047 = arith.constant 480 : index
        %get3A_1048 = tpu.vector_load %arg17[%get3A_1046, %get3A_1047] {strides = array<i32>} : memref<32x512xf32, #tpu.memory_space<vmem>>, vector<1x16xf32>,
        %get3A_1049 = vector.shape_cast %get3A_1048 : vector<1x16xf32> to vector<16xf32>
        %mul3A_1050 = vector.broadcast %squeeze3A_623 : f32 to vector<16xf32>
        %mul3A_1051 = arith.mulf %mul3A_1050, %get3A_1049 : vector<16xf32>
        %mul3A_1052 = vector.broadcast %sub3A_625 : f32 to vector<16xf32>
        %mul3A_1053 = arith.mulf %mul3A_1052, %scan3A_616 : vector<16xf32>
        %add3A_1054 = arith.addf %mul3A_1051, %mul3A_1053 : vector<16xf32>
        %swap3A_1055 = arith.index_cast %scan3A_585 : i32 to index
        %swap3A_1056 = arith.constant 480 : index
        %swap3A_1057 = tpu.vector_load %arg19[%swap3A_1055, %swap3A_1056] {strides = array<i32>} : memref<32x512xf32, #tpu.memory_space<vmem>>, vector<1x16xf32>,
        %swap3A_1058 = vector.shape_cast %swap3A_1057 : vector<1x16xf32> to vector<16xf32>
        %swap3A_1059 = vector.shape_cast %add3A_1054 : vector<16xf32> to vector<1x16xf32>
        tpu.vector_store %arg19[%swap3A_1055, %swap3A_1056], %swap3A_1059 {strides = array<i32>} : memref<32x512xf32, #tpu.memory_space<vmem>>, vector<1x16xf32>,
        %get3A_1060 = arith.index_cast %scan3A_585 : i32 to index
        %get3A_1061 = arith.constant 496 : index
        %get3A_1062 = tpu.vector_load %arg17[%get3A_1060, %get3A_1061] {strides = array<i32>} : memref<32x512xf32, #tpu.memory_space<vmem>>, vector<1x16xf32>,
        %get3A_1063 = vector.shape_cast %get3A_1062 : vector<1x16xf32> to vector<16xf32>
        %mul3A_1064 = vector.broadcast %squeeze3A_623 : f32 to vector<16xf32>
        %mul3A_1065 = arith.mulf %mul3A_1064, %get3A_1063 : vector<16xf32>
        %mul3A_1066 = vector.broadcast %sub3A_625 : f32 to vector<16xf32>
        %mul3A_1067 = arith.mulf %mul3A_1066, %scan3A_617 : vector<16xf32>
        %add3A_1068 = arith.addf %mul3A_1065, %mul3A_1067 : vector<16xf32>
        %swap3A_1069 = arith.index_cast %scan3A_585 : i32 to index
        %swap3A_1070 = arith.constant 496 : index
        %swap3A_1071 = tpu.vector_load %arg19[%swap3A_1069, %swap3A_1070] {strides = array<i32>} : memref<32x512xf32, #tpu.memory_space<vmem>>, vector<1x16xf32>,
        %swap3A_1072 = vector.shape_cast %swap3A_1071 : vector<1x16xf32> to vector<16xf32>
        %swap3A_1073 = vector.shape_cast %add3A_1068 : vector<16xf32> to vector<1x16xf32>
        tpu.vector_store %arg19[%swap3A_1069, %swap3A_1070], %swap3A_1073 {strides = array<i32>} : memref<32x512xf32, #tpu.memory_space<vmem>>, vector<1x16xf32>,
        scf.yield %get3A_629, %get3A_643, %get3A_657, %get3A_671, %get3A_685, %get3A_699, %get3A_713, %get3A_727, %get3A_741, %get3A_755, %get3A_769, %get3A_783, %get3A_797, %get3A_811, %get3A_825, %get3A_839, %get3A_853, %get3A_867, %get3A_881, %get3A_895, %get3A_909, %get3A_923, %get3A_937, %get3A_951, %get3A_965, %get3A_979, %get3A_993, %get3A_1007, %get3A_1021, %get3A_1035, %get3A_1049, %get3A_1063 : vector<16xf32>, vector<16xf32>, vector<16xf32>, vector<16xf32>, vector<16xf32>, vector<16xf32>, vector<16xf32>, vector<16xf32>, vector<16xf32>, vector<16xf32>, vector<16xf32>, vector<16xf32>, vector<16xf32>, vector<16xf32>, vector<16xf32>, vector<16xf32>, vector<16xf32>, vector<16xf32>, vector<16xf32>, vector<16xf32>, vector<16xf32>, vector<16xf32>, vector<16xf32>, vector<16xf32>, vector<16xf32>, vector<16xf32>, vector<16xf32>, vector<16xf32>, vector<16xf32>, vector<16xf32>, vector<16xf32>, vector<16xf32>
      }
      %scan3A_570 = arith.constant 32 : i32
      %mul3A_571 = arith.constant 32 : i32
      %mul3A_572 = arith.muli %add3A_550, %mul3A_571 : i32
      %add3A_573 = arith.addi %add3A_35, %mul3A_572 : i32
      %dma_start3A_574 = arith.constant 0 : i32
      %dma_start3A_575 = tpu.memref_slice %arg5[%add3A_573, %dma_start3A_574] : memref<16384x512xf32, #tpu.memory_space<hbm>> -> memref<32x512xf32, #tpu.memory_space<hbm>>
      %dma_start3A_576 = arith.constant 0 : i32
      %dma_start3A_577 = tpu.memref_slice %arg5[%add3A_573, %dma_start3A_576] : memref<16384x512xf32, #tpu.memory_space<hbm>> -> memref<32x512xf32, #tpu.memory_space<hbm>>
      tpu.enqueue_dma source(%arg19 : memref<32x512xf32, #tpu.memory_space<vmem>>) target(%dma_start3A_577 : memref<32x512xf32, #tpu.memory_space<hbm>>) target_semaphore(%arg25 : memref<!tpu.dma_semaphore, #tpu.memory_space<semaphore_mem>>)
      %add3A_578 = arith.constant 4 : i32
      %add3A_579 = arith.addi %add3A_550, %add3A_578 : i32
      %lt3A_580 = arith.constant 16 : i32
      %lt3A_581 = arith.cmpi slt, %add3A_579, %lt3A_580 : i32
      %convert_element_type3A_582 = arith.extui %lt3A_581 : i1 to i32
      %cond3A_583 = arith.constant 0 : i32
      %cond3A_584 = arith.cmpi ne, %convert_element_type3A_582, %cond3A_583 : i32
      scf.if %cond3A_584 {
        %add3A_585 = arith.constant 4 : i32
        %add3A_586 = arith.addi %add3A_550, %add3A_585 : i32
        %add3A_587 = arith.constant 16 : i32
        %add3A_588 = arith.addi %add3A_587, %mul3A_32 : i32
        %mul3A_589 = arith.constant 32 : i32
        %mul3A_590 = arith.muli %add3A_586, %mul3A_589 : i32
        %add3A_591 = arith.addi %add3A_588, %mul3A_590 : i32
        %dma_start3A_592 = tpu.memref_slice %arg9[%add3A_591] : memref<2080xi32, #tpu.memory_space<vmem>> -> memref<32xi32, #tpu.memory_space<vmem>>
        %dma_start3A_593 = arith.constant 0 : i32
        %dma_start3A_594 = arith.constant 0 : i32
        %dma_start3A_595 = tpu.memref_slice %arg2[%dma_start3A_593, %dma_start3A_594] : memref<8192x512xf32, #tpu.memory_space<hbm>> -> memref<8192x512xf32, #tpu.memory_space<hbm>>
        tpu.enqueue_indirect_dma source(%dma_start3A_595 : memref<8192x512xf32, #tpu.memory_space<hbm>>) target(%arg17 : memref<32x512xf32, #tpu.memory_space<vmem>>) offsets(%dma_start3A_592 : memref<32xi32, #tpu.memory_space<vmem>>) semaphore(%arg23 : memref<!tpu.dma_semaphore, #tpu.memory_space<semaphore_mem>>)
      } else {
      }
      scf.yield %scan3A_569#0, %scan3A_569#1, %scan3A_569#2, %scan3A_569#3, %scan3A_569#4, %scan3A_569#5, %scan3A_569#6, %scan3A_569#7, %scan3A_569#8, %scan3A_569#9, %scan3A_569#10, %scan3A_569#11, %scan3A_569#12, %scan3A_569#13, %scan3A_569#14, %scan3A_569#15, %scan3A_569#16, %scan3A_569#17, %scan3A_569#18, %scan3A_569#19, %scan3A_569#20, %scan3A_569#21, %scan3A_569#22, %scan3A_569#23, %scan3A_569#24, %scan3A_569#25, %scan3A_569#26, %scan3A_569#27, %scan3A_569#28, %scan3A_569#29, %scan3A_569#30, %scan3A_569#31 : vector<16xf32>, vector<16xf32>, vector<16xf32>, vector<16xf32>, vector<16xf32>, vector<16xf32>, vector<16xf32>, vector<16xf32>, vector<16xf32>, vector<16xf32>, vector<16xf32>, vector<16xf32>, vector<16xf32>, vector<16xf32>, vector<16xf32>, vector<16xf32>, vector<16xf32>, vector<16xf32>, vector<16xf32>, vector<16xf32>, vector<16xf32>, vector<16xf32>, vector<16xf32>, vector<16xf32>, vector<16xf32>, vector<16xf32>, vector<16xf32>, vector<16xf32>, vector<16xf32>, vector<16xf32>, vector<16xf32>, vector<16xf32>
    }
    %scan3A_390 = arith.constant 4 : i32
    %dma_wait3A_391 = arith.constant 0 : i32
    %dma_wait3A_392 = arith.constant 0 : i32
    %dma_wait3A_393 = tpu.memref_slice %arg5[%dma_wait3A_391, %dma_wait3A_392] : memref<16384x512xf32, #tpu.memory_space<hbm>> -> memref<32x512xf32, #tpu.memory_space<hbm>>
    %dma_wait3A_394 = arith.constant 0 : i32
    %dma_wait3A_395 = arith.constant 0 : i32
    %dma_wait3A_396 = tpu.memref_slice %arg5[%dma_wait3A_394, %dma_wait3A_395] : memref<16384x512xf32, #tpu.memory_space<hbm>> -> memref<32x512xf32, #tpu.memory_space<hbm>>
    tpu.wait_dma2 semaphore(%arg24 : memref<!tpu.dma_semaphore, #tpu.memory_space<semaphore_mem>>) src(%arg18 : memref<32x512xf32, #tpu.memory_space<vmem>>) dst(%dma_wait3A_396 : memref<32x512xf32, #tpu.memory_space<hbm>>)
    %dma_wait3A_397 = arith.constant 0 : i32
    %dma_wait3A_398 = arith.constant 0 : i32
    %dma_wait3A_399 = tpu.memref_slice %arg5[%dma_wait3A_397, %dma_wait3A_398] : memref<16384x512xf32, #tpu.memory_space<hbm>> -> memref<32x512xf32, #tpu.memory_space<hbm>>
    %dma_wait3A_400 = arith.constant 0 : i32
    %dma_wait3A_401 = arith.constant 0 : i32
    %dma_wait3A_402 = tpu.memref_slice %arg5[%dma_wait3A_400, %dma_wait3A_401] : memref<16384x512xf32, #tpu.memory_space<hbm>> -> memref<32x512xf32, #tpu.memory_space<hbm>>
    tpu.wait_dma2 semaphore(%arg25 : memref<!tpu.dma_semaphore, #tpu.memory_space<semaphore_mem>>) src(%arg19 : memref<32x512xf32, #tpu.memory_space<vmem>>) dst(%dma_wait3A_402 : memref<32x512xf32, #tpu.memory_space<hbm>>)
    return
  }
}

</mosaic_0001>

<sc_bundles>
// kernel: kernel.3.cloned.1.call-start
scs
__scs_entry_jumppad:
0x0: {  	(pc) =	sbr.rel $0x88, $3  }
0x1: {  	(tag) =	ssettag $0x0;
	lr =	simm.s32 $0x1  }
0x2: {  	[smem:$0x3F9E] =	sst lr;
	_ =	strace $0xD0000000  }
0x3: {  	_ = 	snop  }
0x4: {  	_ = 	snop  }
0x5: {  	_ = 	snop  }
0x6: {  	_ = 	snop  }
0x7: {  	_ = 	snop  }
__scs_overlays_trampoline_lowered:
0x8: {  	[smem:$0x3FAD] =	sst s0  }
0x9: {  	[smem:$0x3FAE] =	sst s1  }
0xa: {  	[smem:$0x3FAF] =	sst s2  }
0xb: {  	[smem:$0x3FB0] =	sst s3  }
0xc: {  	[smem:$0x3FB1] =	sst s4  }
0xd: {  	[smem:$0x3FB2] =	sst s5  }
0xe: {  	[smem:$0x3FB3] =	sst s6  }
0xf: {  	[smem:$0x3FB4] =	sst s7  }
0x10: {  	[smem:$0x3FB5] =	sst s8  }
0x11: {  	[smem:$0x3FB6] =	sst s9;
	s0 =	simm.s32 @!p0 $0x0  }
0x12: {  	s1 =	sld [smem:$0x3F9C];
	s0 =	simm.s32 @p0 $0x1  }
0x13: {  	[smem:$0x3FB7] =	sst s0;
	s0 =	simm.s32 @!p1 $0x0  }
0x14: {  	s2 =	sld [smem:$0x3F9B];
	s0 =	simm.s32 @p1 $0x1  }
0x15: {  	[smem:$0x3FB8] =	sst s0;
	s0 =	simm.s32 @!p2 $0x0  }
0x16: {  	s3 =	sld [smem:$0x3FDB];
	s0 =	simm.s32 @p2 $0x1  }
0x17: {  	s4 =	simm.s32 $0x1BF5;
	[smem:$0x3FBA] =	sst s0  }
0x18: {  	s0 =	sld [smem:$0x3F9D];
	_ =	swait.ge [sflag:s4], $0x0  }
0x19: {  	s7 =	sld [smem:$0x3F9E]  }
0x1a: {  	s8 =	sadd.s32 $0xFFFFE003, lr  }
0x1b: {  	s9 =	sadd.s32 $0xFFFFFEF7, lr;
	s5 =	simm.s32 $0xFFFFFFFF;
	p2 =	slt.u32 s8, $0xFFFFF086  }
0x1c: {  	p1 =	slt.u32 s9, $0xF7A;
	s5 =	simm.s32 @!p2 $0x0  }
0x1d: {  	s5 =	simm.s32 @p1 $0x1;
	p0 =	seq.s32 s7, s2  }
0x1e: {  	s7 =	smul.u32 @!p0 $0xF7A, s2;
	p2 =	seq.s32 @!p0 s5, $0x0  }
0x1f: {  	s9 =	smul.u32 $0xF7A, s1;
	s8 =	simm.s32 @!p0 $0x1BF5;
	p2 =	por !p2, p0  }
0x20: {  	[sflag:s8] =	ssyncset.s32 @!p0 $0xFFFFF086;
	s6 =	sadd.s32 @!p0 s3, s7;
	s7 =	simm.s32 @!p0 $0x108  }
0x21: {  	s3 =	sadd.s32 s3, s9;
	s6 =	sadd.s32 @!p0 $0x88, s6;
	s7 =	simm.s32 @p2 $0x1082  }
0x22: {  	[simem:s7], [sflag:s8] =	dma.local @!p0 [hbm:s6], $0xF7A  }
0x23: {  	s9 =	sor.u32 $0xD0000000, s2;
	s6 =	simm.s32 $0x108;
	_ =	swait.ge @!p0 [sflag:s8], $0x0  }
0x24: {  	s3 =	sadd.s32 $0x88, s3;
	s6 =	simm.s32 @!p1 $0x1082;
	[sflag:s4] =	ssyncset.s32 $0xFFFFF086  }
0x25: {  	[simem:s6], [sflag:s4] =	dma.local [hbm:s3], $0xF7A  }
0x26: {  	[smem:$0x3F9E] =	sst s1;
	(tag) =	ssettag s2;
	_ =	strace s9  }
0x27: {  	s1 =	sld [smem:$0x3FAE]  }
0x28: {  	s2 =	sld [smem:$0x3FAF]  }
0x29: {  	s4 =	sld [smem:$0x3FB1]  }
0x2a: {  	p0 =	seq.s32 s5, $0x0;
	s5 =	sld [smem:$0x3FB2]  }
0x2b: {  	s6 =	sld [smem:$0x3FB3]  }
0x2c: {  	s7 =	sld [smem:$0x3FB4]  }
0x2d: {  	s3 =	simm.s32 $0x108;
	s8 =	sld [smem:$0x3FB5]  }
0x2e: {  	s3 =	simm.s32 @!p0 $0x1082;
	s9 =	sld [smem:$0x3FB6]  }
0x2f: {  	lr =	sadd.s32 s0, s3;
	s0 =	sld [smem:$0x3FAD]  }
0x30: {  	s3 =	sld [smem:$0x3FB0]  }
0x31: {  	[smem:$0x3FB9] =	sst s10  }
0x32: {  	s10 =	sld [smem:$0x3FB7];
	_ =	sdelay $0x3  }
0x33: {  	p0 =	seq.s32 s10, $0x1;
	s10 =	sld [smem:$0x3FB9];
	_ =	sdelay $0x3  }
0x34: {  	[smem:$0x3FB9] =	sst s10  }
0x35: {  	s10 =	sld [smem:$0x3FB8];
	_ =	sdelay $0x3  }
0x36: {  	p1 =	seq.s32 s10, $0x1;
	s10 =	sld [smem:$0x3FB9];
	_ =	sdelay $0x3  }
0x37: {  	[smem:$0x3FB9] =	sst s10  }
0x38: {  	s10 =	sld [smem:$0x3FBA]  }
0x39: {  	_ = 	snop;
	(pc) =	sbr.ind lr, $3  }
0x3a: {  	_ = 	snop  }
0x3b: {  	_ = 	snop  }
0x3c: {  	p2 =	seq.s32 s10, $0x1;
	s10 =	sld [smem:$0x3FB9]  }
0x3d: {  	_ =	shalt  }
0x3e: {  	_ =	shalt  }
0x3f: {  	_ =	shalt  }
0x40: {  	_ =	shalt  }
0x41: {  	_ =	shalt  }
0x42: {  	_ =	shalt  }
0x43: {  	_ =	shalt  }
0x44: {  	_ =	shalt  }
0x45: {  	_ =	shalt  }
0x46: {  	_ =	shalt  }
0x47: {  	_ =	shalt  }
0x48: {  	_ =	shalt  }
0x49: {  	_ =	shalt  }
0x4a: {  	_ =	shalt  }
0x4b: {  	_ =	shalt  }
0x4c: {  	_ =	shalt  }
0x4d: {  	_ =	shalt  }
0x4e: {  	_ =	shalt  }
0x4f: {  	_ =	shalt  }
0x50: {  	_ =	shalt  }
0x51: {  	_ =	shalt  }
0x52: {  	_ =	shalt  }
0x53: {  	_ =	shalt  }
0x54: {  	_ =	shalt  }
0x55: {  	_ =	shalt  }
0x56: {  	_ =	shalt  }
0x57: {  	_ =	shalt  }
0x58: {  	_ =	shalt  }
0x59: {  	_ =	shalt  }
0x5a: {  	_ =	shalt  }
0x5b: {  	_ =	shalt  }
0x5c: {  	_ =	shalt  }
0x5d: {  	_ =	shalt  }
0x5e: {  	_ =	shalt  }
0x5f: {  	_ =	shalt  }
0x60: {  	_ =	shalt  }
0x61: {  	_ =	shalt  }
0x62: {  	_ =	shalt  }
0x63: {  	_ =	shalt  }
0x64: {  	_ =	shalt  }
0x65: {  	_ =	shalt  }
0x66: {  	_ =	shalt  }
0x67: {  	_ =	shalt  }
0x68: {  	_ =	shalt  }
0x69: {  	_ =	shalt  }
0x6a: {  	_ =	shalt  }
0x6b: {  	_ =	shalt  }
0x6c: {  	_ =	shalt  }
0x6d: {  	_ =	shalt  }
0x6e: {  	_ =	shalt  }
0x6f: {  	_ =	shalt  }
0x70: {  	_ =	shalt  }
0x71: {  	_ =	shalt  }
0x72: {  	_ =	shalt  }
0x73: {  	_ =	shalt  }
0x74: {  	_ =	shalt  }
0x75: {  	_ =	shalt  }
0x76: {  	_ =	shalt  }
0x77: {  	_ =	shalt  }
0x78: {  	_ =	shalt  }
0x79: {  	_ =	shalt  }
0x7a: {  	_ =	shalt  }
0x7b: {  	_ =	shalt  }
0x7c: {  	_ =	shalt  }
0x7d: {  	_ =	shalt  }
0x7e: {  	_ =	shalt  }
0x7f: {  	_ =	shalt  }
0x80: {  	_ =	shalt  }
0x81: {  	_ =	shalt  }
0x82: {  	_ =	shalt  }
0x83: {  	_ =	shalt  }
0x84: {  	_ =	shalt  }
0x85: {  	_ =	shalt  }
0x86: {  	_ =	shalt  }
0x87: {  	_ =	shalt  }
.Lfunc_end0:
.L_simem_size_0:
called_computation_lowered:
.L_overlay_start_0:
0x88: {  	s2 =	sld [smem:$0x3FD9]  }
0x89: {  	s3 =	sld [smem:$0x3FFE];
	_ =	sdelay $0x1  }
0x8a: {  	s1 =	srdreg.scid  }
0x8b: {  	s0 =	sand.u32 $0x1, s1  }
0x8c: {  	s17 =	sshll.u32 s0, $0xA;
	s2 =	sadd.s32 s3, s2  }
0x8d: {  	s2 =	sadd.s32 s2, s17  }
0x8e: {  	[smem:$0x3FC5] =	sst s2  }
0x8f: {  	_ = 	snop  }
0x90: {  	s2 =	sld [smem:$0x3FC9]  }
0x91: {  	s18 =	sld [smem:$0x3FD0];
	(tm) =	ssettm $0x1  }
0x92: {  	s4 =	sld [smem:$0x3FFB];
	_ =	sdelay $0x3  }
0x93: {  	_ =	strace s4  }
0x94: {  	s4 =	sld [smem:$0x3FFC];
	_ =	sdelay $0x3  }
0x95: {  	_ =	strace s4  }
0x96: {  	s4 =	sld [smem:$0x3FFD];
	_ =	sdelay $0x3  }
0x97: {  	_ =	strace s4  }
0x98: {  	_ =	strace $0x8FFFFFFF  }
0x99: {  	s19 =	sld [smem:$0x3FDB];
	_ =	sdelay $0x1  }
0x9a: {  	s5 =	simm.s32 $_scs_section_size  }
0x9b: {  	s6 =	simm.s32 $_size__tile_overlayer_lowered;
	s7 =	simm.s32 $_tile_overlayer_lowered  }
0x9c: {  	s22 =	simm.s32 $0x1BFF;
	s21 =	sshll.u32 s7, $0x1;
	s4 =	sadd.s32 s5, s19  }
0x9d: {  	s8 =	simm.s32 $0x0;
	s20 =	sshll.u32 s6, $0x1;
	s6 =	sadd.s32 s21, s4  }
0x9e: {  	[timem:s8], [sflag:s22] =	dma.local [hbm:s6], s20  }
0x9f: {  	_ =	swait.ge [sflag:s22], s20  }
0xa0: {  	s5 =	ssub.s32 $0x0, s20;
	[sflag:s22] =	ssyncset.done $0x0  }
0xa1: {  	[sflag:s22] =	ssyncadd.s32 s5;
	_ =	sdelay $0x1  }
0xa2: {  	s23 =	simm.s32 $0x1B8B  }
0xa3: {  	_ =	swait.ge [sflag:s23], $0x1  }
0xa4: {  	[sflag:s23] =	ssyncset.done $0x0  }
0xa5: {  	s25 =	simm.s32 $0x1B8E;
	s24 =	sld [smem:$0x3FFE];
	[sflag:s23] =	ssyncadd.s32 $0xFFFFFFFF  }
0xa6: {  	s26 =	simm.s32 $execute0_lowered;
	[smem:$0x3FD2] =	sst s25  }
0xa7: {  	s6 =	sshll.u32 s26, $0x1;
	_ =	strace $0x80000046;
	[dreg:$0x1] =	wrdreg $0xFFFFFFFF  }
0xa8: {  	s28 =	simm.s32 $_size_execute0_lowered;
	s4 =	sadd.s32 s4, s6;
	[dreg:$0x0] =	wrdreg $0x0  }
0xa9: {  	s6 =	sshll.u32 s28, $0x1;
	[dreg:$0x2] =	wrdreg s4  }
0xaa: {  	[dreg:$0x3] =	wrdreg s6  }
0xab: {  	[dreg:$0x4] =	wrdreg $0xC0  }
0xac: {  	_ =	task [dreg:s8], $0x5FFFF  }
0xad: {  	[dreg:$0x1] =	wrdreg $0xFFFFFFFF  }
0xae: {  	[dreg:$0x0] =	wrdreg $0x60  }
0xaf: {  	[dreg:$0x2] =	wrdreg s2  }
0xb0: {  	[dreg:$0x3] =	wrdreg s24  }
0xb1: {  	[dreg:$0x4] =	wrdreg s18  }
0xb2: {  	[dreg:$0x5] =	wrdreg $0x1E800  }
0xb3: {  	[dreg:$0x6] =	wrdreg $0x9  }
0xb4: {  	_ =	task.clear_ibuf [dreg:s8], $0x7FFFF;
	_ =	strace $0x90000046  }
0xb5: {  	s29 =	simm.s32 $0x9;
	_ =	strace $0x80000048  }
0xb6: {  	_ =	swait.ge [sflag:s29], $0x1  }
0xb7: {  	[sflag:s29] =	ssyncadd.s32 $0xFFFFFFFF  }
0xb8: {  	_ =	strace $0x90000048  }
0xb9: {  	_ =	sfence  }
0xba: {  	s30 =	sld [smem:$0x0];
	_ =	sdelay $0x2  }
0xbb: {  	s31 =	sshll.u32 s1, $0xD;
	s1 =	sshrl.u32 s1, $0x2  }
0xbc: {  	s3 =	sand.u32 $0x4000, s31;
	s1 =	sadd.s32 s1, s30  }
0xbd: {  	s0 =	sor.u32 s3, s0;
	s1 =	sshll.u32 s1, $0x11  }
0xbe: {  	s0 =	sor.u32 s1, s0  }
0xbf: {  	s0 =	sadd.s32 $0x8F2B, s0  }
0xc0: {  	[sflag:s0] =	ssyncadd.remote.s32 $0x1  }
0xc1: {  	_ =	sfence.sel $0xFFFF  }
0xc2: {  	[dreg:$0x0] =	wrdreg $0xFFFFFFFF;
	(pc) =	sbr.abs _section_cstart, $3  }
0xc3: {  	[dreg:$0x1] =	wrdreg $0xFFFFFFFF  }
0xc4: {  	_ =	task.clear_ibuf [dreg:s8], $0x2FFFF;
	_ =	strace $0x9FFFFFFF  }
0xc5: {  	(tm) =	ssettm $0x7FFFFFFF  }
tec
execute0_lowered:
.L_overlay_start_1:
0x0: {  	(tag) =	ssettag $0x1  }
0x1: {  	s1 =	rddreg [dreg:$0x0]  }
0x2: {  	s0 =	rddreg [dreg:$0x1]  }
0x3: {  	s3 =	rddreg [dreg:$0x2];
	s11 =	stileid.u32  }
0x4: {  	s12 =	rddreg [dreg:$0x3];
	s2 =	srdreg.scid  }
0x5: {  	s5 =	simm.s32 $0x0;
	s18 =	simm.s32 $0x9;
	s16 =	simm.s32 $0x16E90  }
0x6: {  	s19 =	simm.s32 $0x4;
	s4 =	sshll.u32 s11, $0x1;
	s2 =	sand.u32 $0x1, s2  }
0x7: {  	s6 =	sshrl.u32 s11, $0x2;
	[smem:$0x7FF] =	sst s5;
	s22 =	sshll.u32 s11, $0x7  }
0x8: {  	s25 =	smax.u32 s11, $0x4;
	s26 =	smax.u32 s11, $0x8;
	s28 =	smax.u32 s11, $0xC  }
0x9: {  	s15 =	sadd.s32 $0x100, s1;
	p1 =	sgt.u32 s11, $0x7;
	s11 =	simm.s32 $0x12E90  }
0xa: {  	s4 =	sand.u32 $0x6, s4;
	s13 =	sshll.u32 s6, $0x9;
	_ =	strace $0x80000047  }
0xb: {  	s29 =	sshll.u32 s26, $0x7;
	s30 =	sshll.u32 s28, $0x7;
	p0 =	seq.s32 s6, $0x3  }
0xc: {  	p2 =	seq.s32 s6, $0x0;
	p3 =	sne.s32 s6, $0x0;
	[dreg:$0xa] =	wrdreg s29  }
0xd: {  	s4 =	sor.u32 s2, s4;
	s2 =	ssub.s32 $0x2, s2;
	[dreg:$0xb] =	wrdreg s30  }
0xe: {  	s24 =	sor.u32 $0xF, s13;
	[dreg:$0x5] =	wrdreg s13;
	s14 =	sadd.s32 $0xD90, s13  }
0xf: {  	s7 =	sshll.u32 s4, $0xB;
	s9 =	sshll.u32 s4, $0x8;
	s10 =	sshrl.u32 s2, $0x1  }
0x10: {  	v0 =	vlaneseq.u32;
	s23 =	sshll.u32 s4, $0xA;
	s4 =	simm.s32 $0x12690;
	s7 =	sor.u32 s13, s7  }
0x11: {  	v1 =	vshrl.u32 v0, $0x3;
	v4 =	vand.u32 $0x7, v0;
	s2 =	ssub.s32 s2, s10;
	s10 =	simm.s32 $0x1;
	s8 =	sshrl.u32 s7, $0x3  }
0x12: {  	v0 =	vor.u32 $0x8, v0;
	[tilespmem:$0x1FFA0] =	vst v4;
	v1 =	vmul.u32 $0x8, v1;
	s31 =	smax.u32 s2, $0x1;
	s8 =	sadd.s32 s8, s0;
	s0 =	sadd.s32 s9, s0  }
.Ltmp0:
0x13: {  	[tilespmem:$0x1FFC0] =	vst v0;
	v2 =	vmov s24;
	[dreg:$0xc] =	wrdreg s31;
	s8 =	sadd.s32 $0x400, s8;
	(pc) =	sbr.rel .LBB2_1-.Ltmp0, $4  }
0x14: {  	[tilespmem:$0x1FFB0] =	vst v1;
	s13 =	simm.s32 $0x6;
	s0 =	sadd.s32 $0xC00, s0;
	[dreg:$0x6] =	wrdreg s8  }
0x15: {  	v4 =	vmov s14;
	[tilespmem:$0x1FFE0] =	vst v2;
	s2 =	simm.s32 $0x0;
	[dreg:$0x7] =	wrdreg s0;
	s0 =	sadd.s32 s22, s12  }
0x16: {  	v3 =	vmov s23;
	[tilespmem:$0x1FFF0] =	vst v4;
	s9 =	simm.s32 $0x5;
	[dreg:$0x8] =	wrdreg s0;
	s0 =	sshll.u32 s25, $0x7  }
0x17: {  	vm0 =	vmmov $0xffff;
	[tilespmem:$0x1FFD0] =	vst v3;
	s12 =	simm.s32 $0x2;
	s8 =	simm.s32 $0x3;
	[dreg:$0x9] =	wrdreg s0  }
.LBB2_38:
0x18: {  	_ =	swait.ge [sflag:s9], $0x4000  }
0x19: {  	[sflag:s9] =	ssyncset.done $0x0  }
0x1a: {  	[sflag:s9] =	ssyncadd.s32 $0xFFFFC000  }
0x1b: {  	_ =	swait.ge [sflag:s13], $0x4000  }
0x1c: {  	s2 =	rddreg [dreg:$0xd];
	v2 =	vld [tilespmem:$0x1FFE0]  }
0x1d: {  	s0 =	rddreg [dreg:$0xc];
	s2 =	sadd.s32 $0x1, s2  }
0x1e: {  	p4 =	sne.s32 s2, s0  }
.Ltmp1:
0x1f: {  	_ = 	snop;
	(pc) =	sbr.rel @!p4 .LBB2_39-.Ltmp1, $3  }
0x20: {  	_ =	sdelay $0x1  }
0x21: {  	[sflag:s13] =	ssyncset.done $0x0;
	v3 =	vld [tilespmem:$0x1FFD0]  }
0x22: {  	s18 =	simm.s32 $0x9;
	v4 =	vld [tilespmem:$0x1FFF0];
	[sflag:s13] =	ssyncadd.s32 $0xFFFFC000  }
.LBB2_1:
0x23: {  	[dreg:$0xd] =	wrdreg s2  }
0x24: {  	s0 =	rddreg [dreg:$0x6];
	s29 =	simm.s32 $0x880  }
0x25: {  	[tilespmem:s29], [sflag:$0x8] =	stream.linear.gather [hbm4b:s0+s5], $0x200, $0x38;
	[tilespmem:$0x1AE90] =	vst v63  }
0x26: {  	s30 =	rddreg [dreg:$0x7];
	s31 =	simm.s32 $0x10  }
0x27: {  	[tilespmem:s31], [sflag:$0x9] =	stream.linear.gather [hbm4b:s30+s5], $0x800, $0x38;
	[tilespmem:$0x1AE90] =	vst v63  }
0x28: {  	_ =	swait.ge [sflag:s18], $0x800  }
0x29: {  	[sflag:s18] =	ssyncset.done $0x0  }
0x2a: {  	v0 =	vimm.s32 $0x0;
	[sflag:s18] =	ssyncadd.s32 $0xFFFFF800  }
0x2b: {  	[tilespmem:$0x0] =	vst v0  }
0x2c: {  	s2 =	simm.s32 $0x40;
	s0 =	simm.s32 $0x0;
	[tilespmem:$0xB00] =	vst v0  }
.LBB2_2:
0x2d: {  	p4 =	sne.s32 s2, $0x7C0;
	v0 =	vld.idx.msk [tilespmem:v2+s0+$0x0 ss:$0x1], $0xffff;
	_ =	sdelay $0x1  }
.Ltmp2:
0x2e: {  	(pc) =	sbr.rel @p4 .LBB2_2-.Ltmp2, $2  }
0x2f: {  	_ =	sdelay $0x2  }
0x30: {  	[tilespmem:s0+$0xB10] =	vst v0;
	s0 =	sshra.s32 s2, $0x2;
	s2 =	sadd.s32 $0x40, s2  }
0x31: {  	_ =	sdelay $0x3  }
0x32: {  	v0 =	vld.idx.msk [tilespmem:v2+s0+$0x0 ss:$0x1], $0xffff;
	_ =	sdelay $0x4  }
0x33: {  	[tilespmem:s0+$0xB10] =	vst v0;
	s0 =	simm.s32 $0x0  }
0x34: {  	s2 =	simm.s32 $0xFFFFFFC0;
	v0 =	vld [tilespmem:s0+$0xCFF]  }
.LBB2_4:
0x35: {  	p4 =	sne.s32 s2, $0xFFFFF840;
	v1 =	vld [tilespmem:s0+$0xD00];
	_ =	sdelay $0x2  }
.Ltmp3:
0x36: {  	(pc) =	sbr.rel @p4 .LBB2_4-.Ltmp3, $4  }
0x37: {  	_ = 	snop  }
0x38: {  	v0 =	vadd.s32 v1, v0  }
0x39: {  	[tilespmem:s0+$0xD00] =	vst v0;
	s0 =	sshra.s32 s2, $0x2  }
0x3a: {  	s2 =	sadd.s32 $0xFFFFFFC0, s2;
	v0 =	vld [tilespmem:s0+$0xCFF]  }
0x3b: {  	v1 =	vld [tilespmem:s0+$0xD00];
	_ =	sdelay $0x4  }
0x3c: {  	v0 =	vadd.s32 v1, v0  }
0x3d: {  	[tilespmem:s0+$0xD00] =	vst v0;
	s0 =	simm.s32 $0x0  }
0x3e: {  	s2 =	simm.s32 $0xFFFFFFC0;
	v0 =	vld [tilespmem:s0+$0xCFE]  }
.LBB2_6:
0x3f: {  	p4 =	sne.s32 s2, $0xFFFFF840;
	v1 =	vld [tilespmem:s0+$0xD00];
	_ =	sdelay $0x2  }
.Ltmp4:
0x40: {  	(pc) =	sbr.rel @p4 .LBB2_6-.Ltmp4, $4  }
0x41: {  	_ = 	snop  }
0x42: {  	v0 =	vadd.s32 v1, v0  }
0x43: {  	[tilespmem:s0+$0xD00] =	vst v0;
	s0 =	sshra.s32 s2, $0x2  }
0x44: {  	s2 =	sadd.s32 $0xFFFFFFC0, s2;
	v0 =	vld [tilespmem:s0+$0xCFE]  }
0x45: {  	v1 =	vld [tilespmem:s0+$0xD00];
	_ =	sdelay $0x4  }
0x46: {  	v0 =	vadd.s32 v1, v0  }
0x47: {  	[tilespmem:s0+$0xD00] =	vst v0;
	s0 =	simm.s32 $0x0  }
0x48: {  	s2 =	simm.s32 $0xFFFFFFC0;
	v0 =	vld [tilespmem:s0+$0xCFC]  }
.LBB2_8:
0x49: {  	p4 =	sne.s32 s2, $0xFFFFF840;
	v1 =	vld [tilespmem:s0+$0xD00];
	_ =	sdelay $0x2  }
.Ltmp5:
0x4a: {  	(pc) =	sbr.rel @p4 .LBB2_8-.Ltmp5, $4  }
0x4b: {  	_ = 	snop  }
0x4c: {  	v0 =	vadd.s32 v1, v0  }
0x4d: {  	[tilespmem:s0+$0xD00] =	vst v0;
	s0 =	sshra.s32 s2, $0x2  }
0x4e: {  	s2 =	sadd.s32 $0xFFFFFFC0, s2;
	v0 =	vld [tilespmem:s0+$0xCFC]  }
0x4f: {  	v1 =	vld [tilespmem:s0+$0xD00];
	_ =	sdelay $0x4  }
0x50: {  	v0 =	vadd.s32 v1, v0  }
0x51: {  	[tilespmem:s0+$0xD00] =	vst v0;
	s0 =	simm.s32 $0x0  }
0x52: {  	s2 =	simm.s32 $0xFFFFFFC0;
	v0 =	vld [tilespmem:s0+$0xCF8]  }
.LBB2_10:
0x53: {  	p4 =	sne.s32 s2, $0xFFFFF840;
	v1 =	vld [tilespmem:s0+$0xD00];
	_ =	sdelay $0x2  }
.Ltmp6:
0x54: {  	(pc) =	sbr.rel @p4 .LBB2_10-.Ltmp6, $4  }
0x55: {  	_ = 	snop  }
0x56: {  	v0 =	vadd.s32 v1, v0  }
0x57: {  	[tilespmem:s0+$0xD00] =	vst v0;
	s0 =	sshra.s32 s2, $0x2  }
0x58: {  	s2 =	sadd.s32 $0xFFFFFFC0, s2;
	v0 =	vld [tilespmem:s0+$0xCF8]  }
0x59: {  	v1 =	vld [tilespmem:s0+$0xD00];
	_ =	sdelay $0x4  }
0x5a: {  	v0 =	vadd.s32 v1, v0  }
0x5b: {  	[tilespmem:s0+$0xD00] =	vst v0;
	s0 =	simm.s32 $0x0  }
0x5c: {  	s6 =	simm.s32 $0xFFFFFFC0;
	s2 =	simm.s32 $0x0;
	v0 =	vld [tilespmem:s0+$0xCF0]  }
.LBB2_12:
0x5d: {  	p4 =	sne.s32 s6, $0xFFFFF880;
	v1 =	vld [tilespmem:s2+$0xD00];
	_ =	sdelay $0x1  }
.Ltmp7:
0x5e: {  	(pc) =	sbr.rel @p4 .LBB2_12-.Ltmp7, $3  }
0x5f: {  	_ =	sdelay $0x1  }
0x60: {  	s17 =	sshra.s32 s6, $0x2;
	v1 =	vadd.s32 v1, v0  }
0x61: {  	s6 =	sadd.s32 $0xFFFFFFC0, s6;
	v0 =	vld [tilespmem:s17+$0xCF0];
	[tilespmem:s2+$0xD00] =	vst v1;
	s2 =	smov.u32 s17  }
0x62: {  	v1 =	vld [tilespmem:s2+$0xD00];
	_ =	sdelay $0x4  }
0x63: {  	v0 =	vadd.s32 v1, v0  }
0x64: {  	[tilespmem:s2+$0xD00] =	vst v0  }
0x65: {  	s2 =	simm.s32 $0xFFFFFFC0;
	v0 =	vld [tilespmem:s0+$0xCE0]  }
.LBB2_14:
0x66: {  	p4 =	sne.s32 s2, $0xFFFFF8C0;
	v1 =	vld [tilespmem:s0+$0xD00];
	_ =	sdelay $0x1  }
.Ltmp8:
0x67: {  	(pc) =	sbr.rel @p4 .LBB2_14-.Ltmp8, $3  }
0x68: {  	_ =	sdelay $0x1  }
0x69: {  	s6 =	sshra.s32 s2, $0x2;
	v1 =	vadd.s32 v1, v0  }
0x6a: {  	s2 =	sadd.s32 $0xFFFFFFC0, s2;
	v0 =	vld [tilespmem:s6+$0xCE0];
	[tilespmem:s0+$0xD00] =	vst v1;
	s0 =	smov.u32 s6  }
0x6b: {  	v1 =	vld [tilespmem:s0+$0xD00];
	_ =	sdelay $0x4  }
0x6c: {  	v0 =	vadd.s32 v1, v0  }
0x6d: {  	[tilespmem:s0+$0xD00] =	vst v0;
	s0 =	simm.s32 $0x0  }
0x6e: {  	s6 =	simm.s32 $0xFFFFFFC0;
	s2 =	simm.s32 $0x0;
	v0 =	vld [tilespmem:s0+$0xCC0]  }
.LBB2_16:
0x6f: {  	p4 =	sne.s32 s6, $0xFFFFF940;
	v1 =	vld [tilespmem:s2+$0xD00];
	_ =	sdelay $0x1  }
.Ltmp9:
0x70: {  	(pc) =	sbr.rel @p4 .LBB2_16-.Ltmp9, $3  }
0x71: {  	_ =	sdelay $0x1  }
0x72: {  	s17 =	sshra.s32 s6, $0x2;
	v1 =	vadd.s32 v1, v0  }
0x73: {  	s6 =	sadd.s32 $0xFFFFFFC0, s6;
	v0 =	vld [tilespmem:s17+$0xCC0];
	[tilespmem:s2+$0xD00] =	vst v1;
	s2 =	smov.u32 s17  }
0x74: {  	v1 =	vld [tilespmem:s2+$0xD00];
	_ =	sdelay $0x4  }
0x75: {  	v0 =	vadd.s32 v1, v0  }
0x76: {  	[tilespmem:s2+$0xD00] =	vst v0  }
0x77: {  	s2 =	simm.s32 $0xFFFFFFC0;
	v0 =	vld [tilespmem:s0+$0xC80]  }
.LBB2_18:
0x78: {  	p4 =	sne.s32 s2, $0xFFFFFA40;
	v1 =	vld [tilespmem:s0+$0xD00];
	_ =	sdelay $0x1  }
.Ltmp10:
0x79: {  	(pc) =	sbr.rel @p4 .LBB2_18-.Ltmp10, $3  }
0x7a: {  	_ =	sdelay $0x1  }
0x7b: {  	s6 =	sshra.s32 s2, $0x2;
	v1 =	vadd.s32 v1, v0  }
0x7c: {  	s2 =	sadd.s32 $0xFFFFFFC0, s2;
	v0 =	vld [tilespmem:s6+$0xC80];
	[tilespmem:s0+$0xD00] =	vst v1;
	s0 =	smov.u32 s6  }
0x7d: {  	v1 =	vld [tilespmem:s0+$0xD00];
	_ =	sdelay $0x4  }
0x7e: {  	v0 =	vadd.s32 v1, v0  }
0x7f: {  	[tilespmem:s0+$0xD00] =	vst v0;
	s0 =	simm.s32 $0x0  }
0x80: {  	s2 =	simm.s32 $0xFFFFFFC0;
	v0 =	vld [tilespmem:s0+$0xC00]  }
.LBB2_20:
0x81: {  	p4 =	sne.s32 s2, $0xFFFFFC40;
	v1 =	vld [tilespmem:s0+$0xD00];
	_ =	sdelay $0x1  }
.Ltmp11:
0x82: {  	(pc) =	sbr.rel @p4 .LBB2_20-.Ltmp11, $3  }
0x83: {  	_ =	sdelay $0x1  }
0x84: {  	s6 =	sshra.s32 s2, $0x2;
	v1 =	vadd.s32 v1, v0  }
0x85: {  	s2 =	sadd.s32 $0xFFFFFFC0, s2;
	v0 =	vld [tilespmem:s6+$0xC00];
	[tilespmem:s0+$0xD00] =	vst v1;
	s0 =	smov.u32 s6  }
0x86: {  	v1 =	vld [tilespmem:s0+$0xD00];
	_ =	sdelay $0x4  }
0x87: {  	v0 =	vadd.s32 v1, v0  }
0x88: {  	s25 =	rddreg [dreg:$0x8];
	s2 =	simm.s32 $0xD00;
	[tilespmem:s0+$0xD00] =	vst v0  }
0x89: {  	[spmem:s25] =	stream.linear.scatter [tilespmem:s2], [sflag:$0x9], $0x10, $0x38;
	[tilespmem:$0x1AE90] =	vst v63  }
0x8a: {  	_ =	swait.ge [sflag:s18], $0x10  }
0x8b: {  	[sflag:s18] =	ssyncset.done $0x0  }
0x8c: {  	[sflag:s18] =	ssyncadd.s32 $0xFFFFFFF0  }
0x8d: {  	[bflag:$0x0] =	sbarrier.arrive $0xFFFF  }
0x8e: {  	s28 =	simm.s32 $0x1680;
	s26 =	rddreg [dreg:$0x3]  }
0x8f: {  	[tilespmem:s28], [sflag:$0x9] =	stream.linear.gather [spmem:s26], $0x800, $0x38;
	[tilespmem:$0x1AE90] =	vst v63  }
0x90: {  	_ =	swait.ge [sflag:s18], $0x800  }
0x91: {  	[sflag:s18] =	ssyncset.done $0x0  }
0x92: {  	s29 =	rddreg [dreg:$0x9];
	[sflag:s18] =	ssyncadd.s32 $0xFFFFF800  }
0x93: {  	s30 =	rddreg [dreg:$0xa];
	v0 =	vld [tilespmem:s29+$0x1480]  }
0x94: {  	s31 =	rddreg [dreg:$0xb];
	v1 =	vld [tilespmem:s30+$0x1280]  }
0x95: {  	v2 =	vld [tilespmem:s31+$0x1080];
	_ =	sdelay $0x2  }
0x96: {  	(v2sf) =	vpush v0, $0xF  }
0x97: {  	(v2sf) =	vpush v1, $0xF  }
0x98: {  	(v2sf) =	vpush v2, $0xF;
	_ =	sdelay $0xc  }
0x99: {  	v0 =	vld [tilespmem:$0xB0F];
	s0 =	spop (v2sf)  }
0x9a: {  	s2 =	spop (v2sf)  }
0x9b: {  	s0 =	simm.s32 @p2 $0x0;
	s2 =	simm.s32 @!p1 $0x0;
	s6 =	spop (v2sf)  }
0x9c: {  	s0 =	sadd.s32 s0, s2;
	s6 =	simm.s32 @!p0 $0x0  }
0x9d: {  	s0 =	sadd.s32 s6, s0  }
0x9e: {  	v0 =	vadd.s32 s0, v0  }
0x9f: {  	vm1 =	vlt.s32 v0, $0x3FF  }
0xa0: {  	v0 =	vnsel vm1, $0x3FF, v0  }
0xa1: {  	v1 =	vadd.s32 v3, v0  }
0xa2: {  	s2 =	simm.s32 $0x40;
	v0 =	vmov s0;
	s0 =	simm.s32 $0x0;
	[tilespmem:$0x1600] =	vst v1  }
.LBB2_22:
0xa3: {  	p4 =	sne.s32 s2, $0x7C0;
	v1 =	vld [tilespmem:s0+$0xB10];
	_ =	sdelay $0x4  }
.Ltmp12:
0xa4: {  	v1 =	vadd.s32 v0, v1;
	(pc) =	sbr.rel @p4 .LBB2_22-.Ltmp12, $4  }
0xa5: {  	vm1 =	vlt.s32 v1, $0x3FF  }
0xa6: {  	v1 =	vnsel vm1, $0x3FF, v1  }
0xa7: {  	v1 =	vadd.s32 v3, v1  }
0xa8: {  	[tilespmem:v4+s0+$0x0 ss:$0x1] =	vst.idx.msk $0xffff, v1;
	s0 =	sshra.s32 s2, $0x2;
	s2 =	sadd.s32 $0x40, s2  }
0xa9: {  	v1 =	vld [tilespmem:s0+$0xB10];
	_ =	sdelay $0x4  }
0xaa: {  	v0 =	vadd.s32 v0, v1  }
0xab: {  	vm1 =	vlt.s32 v0, $0x3FF  }
0xac: {  	v0 =	vnsel vm1, $0x3FF, v0  }
0xad: {  	v0 =	vadd.s32 v3, v0  }
0xae: {  	[tilespmem:v4+s0+$0x0 ss:$0x1] =	vst.idx.msk $0xffff, v0  }
0xaf: {  	v0 =	vld.msk [tilespmem:$0x1600], $0xff;
	_ =	sdelay $0x2  }
0xb0: {  	v2 =	vld [tilespmem:$0x1FFA0];
	_ =	sdelay $0x1  }
0xb1: {  	v3 =	vld [tilespmem:$0x1FFB0];
	v1 =	vshll.u32 v0, $0x2  }
0xb2: {  	v0 =	vand.u32 $0x7, v0;
	v1 =	vand.u32 $0xFFFFFFE0, v1  }
0xb3: {  	v0 =	vor.u32 v0, v1  }
0xb4: {  	v0 =	vperm.xlane v0, v2;
	_ =	sdelay $0x1  }
0xb5: {  	v0 =	vadd.s32 v3, v0;
	_ =	sdelay $0x3  }
0xb6: {  	s18 =	simm.s32 $0x1E90  }
0xb7: {  	[tilespmem:s18], [sflag:$0x7] =	stream.indirect_vreg.gather [hbm4b:s1+s5], $0x80, v0, vm0, $0xb8;
	[tilespmem:$0x1AE90] =	vst v63  }
0xb8: {  	s20 =	simm.s32 $0x2690;
	s0 =	rddreg [dreg:$0x5]  }
0xb9: {  	[tilespmem:s20], [sflag:$0x7] =	stream.indirect_vreg.gather [hbm4b:s15+s5], $0x80, v0, vm0, $0xb8;
	[tilespmem:$0x1AE90] =	vst v63  }
0xba: {  	v0 =	vld [tilespmem:s0+$0xD90];
	_ =	sdelay $0x4  }
0xbb: {  	v1 =	vshll.u32 v0, $0x2  }
0xbc: {  	v0 =	vand.u32 $0x7, v0;
	v1 =	vand.u32 $0xFFFFFFE0, v1  }
0xbd: {  	v4 =	vld [tilespmem:$0x1FFC0];
	v0 =	vor.u32 v0, v1  }
0xbe: {  	v1 =	vperm.xlane v0, v2;
	_ =	sdelay $0x1  }
0xbf: {  	v1 =	vadd.s32 v3, v1;
	_ =	sdelay $0x1  }
0xc0: {  	v0 =	vperm.xlane v0, v4;
	_ =	sdelay $0x1  }
0xc1: {  	s2 =	simm.s32 $0x2E90;
	v0 =	vadd.s32 v3, v0  }
0xc2: {  	[tilespmem:s2], [sflag:$0x1] =	stream.indirect_vreg.gather [hbm4b:s1+s5], $0x80, v1, vm0, $0xb8;
	[tilespmem:$0x1AE90] =	vst v63  }
0xc3: {  	s21 =	simm.s32 $0x3690  }
0xc4: {  	[tilespmem:s21], [sflag:$0x1] =	stream.indirect_vreg.gather [hbm4b:s15+s5], $0x80, v1, vm0, $0xb8;
	[tilespmem:$0x1AE90] =	vst v63  }
0xc5: {  	s22 =	simm.s32 $0x3E90  }
0xc6: {  	[tilespmem:s22], [sflag:$0x1] =	stream.indirect_vreg.gather [hbm4b:s1+s5], $0x80, v0, vm0, $0xb8;
	[tilespmem:$0x1AE90] =	vst v63  }
0xc7: {  	s23 =	simm.s32 $0x4690  }
0xc8: {  	[tilespmem:s23], [sflag:$0x1] =	stream.indirect_vreg.gather [hbm4b:s15+s5], $0x80, v0, vm0, $0xb8;
	[tilespmem:$0x1AE90] =	vst v63  }
0xc9: {  	v0 =	vld [tilespmem:s0+$0xDA0];
	_ =	sdelay $0x4  }
0xca: {  	v1 =	vshll.u32 v0, $0x2  }
0xcb: {  	v0 =	vand.u32 $0x7, v0;
	v1 =	vand.u32 $0xFFFFFFE0, v1  }
0xcc: {  	v0 =	vor.u32 v0, v1  }
0xcd: {  	v1 =	vperm.xlane v0, v2;
	_ =	sdelay $0x1  }
0xce: {  	v1 =	vadd.s32 v3, v1;
	_ =	sdelay $0x1  }
0xcf: {  	v0 =	vperm.xlane v0, v4;
	_ =	sdelay $0x1  }
0xd0: {  	s24 =	simm.s32 $0x4E90;
	v0 =	vadd.s32 v3, v0  }
0xd1: {  	[tilespmem:s24], [sflag:$0x1] =	stream.indirect_vreg.gather [hbm4b:s1+s5], $0x80, v1, vm0, $0xb8;
	[tilespmem:$0x1AE90] =	vst v63  }
0xd2: {  	s25 =	simm.s32 $0x5690  }
0xd3: {  	[tilespmem:s25], [sflag:$0x1] =	stream.indirect_vreg.gather [hbm4b:s15+s5], $0x80, v1, vm0, $0xb8;
	[tilespmem:$0x1AE90] =	vst v63  }
0xd4: {  	s26 =	simm.s32 $0x5E90  }
0xd5: {  	[tilespmem:s26], [sflag:$0x1] =	stream.indirect_vreg.gather [hbm4b:s1+s5], $0x80, v0, vm0, $0xb8;
	[tilespmem:$0x1AE90] =	vst v63  }
0xd6: {  	s30 =	simm.s32 $0x6690  }
0xd7: {  	[tilespmem:s30], [sflag:$0x1] =	stream.indirect_vreg.gather [hbm4b:s15+s5], $0x80, v0, vm0, $0xb8;
	[tilespmem:$0x1AE90] =	vst v63  }
0xd8: {  	v0 =	vld [tilespmem:s0+$0xDB0];
	_ =	sdelay $0x4  }
0xd9: {  	v1 =	vshll.u32 v0, $0x2  }
0xda: {  	v0 =	vand.u32 $0x7, v0;
	v1 =	vand.u32 $0xFFFFFFE0, v1  }
0xdb: {  	v0 =	vor.u32 v0, v1  }
0xdc: {  	v1 =	vperm.xlane v0, v2;
	_ =	sdelay $0x1  }
0xdd: {  	v1 =	vadd.s32 v3, v1;
	_ =	sdelay $0x1  }
0xde: {  	v0 =	vperm.xlane v0, v4;
	_ =	sdelay $0x1  }
0xdf: {  	s31 =	simm.s32 $0x6E90;
	v0 =	vadd.s32 v3, v0  }
0xe0: {  	[tilespmem:s31], [sflag:$0x2] =	stream.indirect_vreg.gather [hbm4b:s1+s5], $0x80, v1, vm0, $0xb8;
	[tilespmem:$0x1AE90] =	vst v63  }
0xe1: {  	s6 =	simm.s32 $0x7690  }
0xe2: {  	[tilespmem:s6], [sflag:$0x2] =	stream.indirect_vreg.gather [hbm4b:s15+s5], $0x80, v1, vm0, $0xb8;
	[tilespmem:$0x1AE90] =	vst v63  }
0xe3: {  	s17 =	simm.s32 $0x7E90  }
0xe4: {  	[tilespmem:s17], [sflag:$0x2] =	stream.indirect_vreg.gather [hbm4b:s1+s5], $0x80, v0, vm0, $0xb8;
	[tilespmem:$0x1AE90] =	vst v63  }
0xe5: {  	s18 =	simm.s32 $0x8690  }
0xe6: {  	[tilespmem:s18], [sflag:$0x2] =	stream.indirect_vreg.gather [hbm4b:s15+s5], $0x80, v0, vm0, $0xb8;
	[tilespmem:$0x1AE90] =	vst v63  }
0xe7: {  	v0 =	vld [tilespmem:s0+$0xDC0];
	_ =	sdelay $0x4  }
0xe8: {  	v1 =	vshll.u32 v0, $0x2  }
0xe9: {  	v0 =	vand.u32 $0x7, v0;
	v1 =	vand.u32 $0xFFFFFFE0, v1  }
0xea: {  	v0 =	vor.u32 v0, v1  }
0xeb: {  	v1 =	vperm.xlane v0, v2;
	_ =	sdelay $0x1  }
0xec: {  	v1 =	vadd.s32 v3, v1;
	_ =	sdelay $0x1  }
0xed: {  	v0 =	vperm.xlane v0, v4;
	_ =	sdelay $0x1  }
0xee: {  	s20 =	simm.s32 $0x8E90;
	v0 =	vadd.s32 v3, v0  }
0xef: {  	[tilespmem:s20], [sflag:$0x2] =	stream.indirect_vreg.gather [hbm4b:s1+s5], $0x80, v1, vm0, $0xb8;
	[tilespmem:$0x1AE90] =	vst v63  }
0xf0: {  	s21 =	simm.s32 $0x9690  }
0xf1: {  	[tilespmem:s21], [sflag:$0x2] =	stream.indirect_vreg.gather [hbm4b:s15+s5], $0x80, v1, vm0, $0xb8;
	[tilespmem:$0x1AE90] =	vst v63  }
0xf2: {  	s22 =	simm.s32 $0x9E90  }
0xf3: {  	[tilespmem:s22], [sflag:$0x2] =	stream.indirect_vreg.gather [hbm4b:s1+s5], $0x80, v0, vm0, $0xb8;
	[tilespmem:$0x1AE90] =	vst v63  }
0xf4: {  	s23 =	simm.s32 $0xA690  }
0xf5: {  	[tilespmem:s23], [sflag:$0x2] =	stream.indirect_vreg.gather [hbm4b:s15+s5], $0x80, v0, vm0, $0xb8;
	[tilespmem:$0x1AE90] =	vst v63  }
0xf6: {  	v0 =	vld [tilespmem:s0+$0xDD0];
	_ =	sdelay $0x4  }
0xf7: {  	v1 =	vshll.u32 v0, $0x2  }
0xf8: {  	v0 =	vand.u32 $0x7, v0;
	v1 =	vand.u32 $0xFFFFFFE0, v1  }
0xf9: {  	v0 =	vor.u32 v0, v1  }
0xfa: {  	v1 =	vperm.xlane v0, v2;
	_ =	sdelay $0x1  }
0xfb: {  	v1 =	vadd.s32 v3, v1;
	_ =	sdelay $0x1  }
0xfc: {  	v0 =	vperm.xlane v0, v4;
	_ =	sdelay $0x1  }
0xfd: {  	s24 =	simm.s32 $0xAE90;
	v0 =	vadd.s32 v3, v0  }
0xfe: {  	[tilespmem:s24], [sflag:$0x3] =	stream.indirect_vreg.gather [hbm4b:s1+s5], $0x80, v1, vm0, $0xb8;
	[tilespmem:$0x1AE90] =	vst v63  }
0xff: {  	s25 =	simm.s32 $0xB690  }
0x100: {  	[tilespmem:s25], [sflag:$0x3] =	stream.indirect_vreg.gather [hbm4b:s15+s5], $0x80, v1, vm0, $0xb8;
	[tilespmem:$0x1AE90] =	vst v63  }
0x101: {  	s26 =	simm.s32 $0xBE90  }
0x102: {  	[tilespmem:s26], [sflag:$0x3] =	stream.indirect_vreg.gather [hbm4b:s1+s5], $0x80, v0, vm0, $0xb8;
	[tilespmem:$0x1AE90] =	vst v63  }
0x103: {  	s30 =	simm.s32 $0xC690  }
0x104: {  	[tilespmem:s30], [sflag:$0x3] =	stream.indirect_vreg.gather [hbm4b:s15+s5], $0x80, v0, vm0, $0xb8;
	[tilespmem:$0x1AE90] =	vst v63  }
0x105: {  	v0 =	vld [tilespmem:s0+$0xDE0];
	_ =	sdelay $0x4  }
0x106: {  	v1 =	vshll.u32 v0, $0x2  }
0x107: {  	v0 =	vand.u32 $0x7, v0;
	v1 =	vand.u32 $0xFFFFFFE0, v1  }
0x108: {  	v0 =	vor.u32 v0, v1  }
0x109: {  	v1 =	vperm.xlane v0, v2;
	_ =	sdelay $0x1  }
0x10a: {  	v1 =	vadd.s32 v3, v1;
	_ =	sdelay $0x1  }
0x10b: {  	v0 =	vperm.xlane v0, v4;
	_ =	sdelay $0x1  }
0x10c: {  	s31 =	simm.s32 $0xCE90;
	v0 =	vadd.s32 v3, v0  }
0x10d: {  	[tilespmem:s31], [sflag:$0x3] =	stream.indirect_vreg.gather [hbm4b:s1+s5], $0x80, v1, vm0, $0xb8;
	[tilespmem:$0x1AE90] =	vst v63  }
0x10e: {  	s6 =	simm.s32 $0xD690  }
0x10f: {  	[tilespmem:s6], [sflag:$0x3] =	stream.indirect_vreg.gather [hbm4b:s15+s5], $0x80, v1, vm0, $0xb8;
	[tilespmem:$0x1AE90] =	vst v63  }
0x110: {  	s17 =	simm.s32 $0xDE90  }
0x111: {  	[tilespmem:s17], [sflag:$0x3] =	stream.indirect_vreg.gather [hbm4b:s1+s5], $0x80, v0, vm0, $0xb8;
	[tilespmem:$0x1AE90] =	vst v63  }
0x112: {  	s18 =	simm.s32 $0xE690  }
0x113: {  	[tilespmem:s18], [sflag:$0x3] =	stream.indirect_vreg.gather [hbm4b:s15+s5], $0x80, v0, vm0, $0xb8;
	[tilespmem:$0x1AE90] =	vst v63  }
0x114: {  	v0 =	vld [tilespmem:s0+$0xDF0];
	_ =	sdelay $0x4  }
0x115: {  	v1 =	vshll.u32 v0, $0x2  }
0x116: {  	v0 =	vand.u32 $0x7, v0;
	v1 =	vand.u32 $0xFFFFFFE0, v1  }
0x117: {  	v0 =	vor.u32 v0, v1  }
0x118: {  	v1 =	vperm.xlane v0, v2;
	_ =	sdelay $0x1  }
0x119: {  	v1 =	vadd.s32 v3, v1;
	_ =	sdelay $0x1  }
0x11a: {  	v0 =	vperm.xlane v0, v4;
	_ =	sdelay $0x1  }
0x11b: {  	s20 =	simm.s32 $0xEE90;
	v0 =	vadd.s32 v3, v0  }
0x11c: {  	[tilespmem:s20], [sflag:$0x4] =	stream.indirect_vreg.gather [hbm4b:s1+s5], $0x80, v1, vm0, $0xb8;
	[tilespmem:$0x1AE90] =	vst v63  }
0x11d: {  	s21 =	simm.s32 $0xF690  }
0x11e: {  	[tilespmem:s21], [sflag:$0x4] =	stream.indirect_vreg.gather [hbm4b:s15+s5], $0x80, v1, vm0, $0xb8;
	[tilespmem:$0x1AE90] =	vst v63  }
0x11f: {  	s22 =	simm.s32 $0xFE90  }
0x120: {  	[tilespmem:s22], [sflag:$0x4] =	stream.indirect_vreg.gather [hbm4b:s1+s5], $0x80, v0, vm0, $0xb8;
	[tilespmem:$0x1AE90] =	vst v63  }
0x121: {  	s23 =	simm.s32 $0x10690  }
0x122: {  	[tilespmem:s23], [sflag:$0x4] =	stream.indirect_vreg.gather [hbm4b:s15+s5], $0x80, v0, vm0, $0xb8;
	[tilespmem:$0x1AE90] =	vst v63  }
0x123: {  	v0 =	vld [tilespmem:s0+$0xE00];
	_ =	sdelay $0x4  }
0x124: {  	v1 =	vshll.u32 v0, $0x2  }
0x125: {  	v0 =	vand.u32 $0x7, v0;
	v1 =	vand.u32 $0xFFFFFFE0, v1  }
0x126: {  	v0 =	vor.u32 v0, v1  }
0x127: {  	v1 =	vperm.xlane v0, v2;
	_ =	sdelay $0x1  }
0x128: {  	v1 =	vadd.s32 v3, v1;
	_ =	sdelay $0x1  }
0x129: {  	v0 =	vperm.xlane v0, v4;
	_ =	sdelay $0x1  }
0x12a: {  	s24 =	simm.s32 $0x10E90;
	v0 =	vadd.s32 v3, v0  }
0x12b: {  	[tilespmem:s24], [sflag:$0x4] =	stream.indirect_vreg.gather [hbm4b:s1+s5], $0x80, v1, vm0, $0xb8;
	[tilespmem:$0x1AE90] =	vst v63  }
0x12c: {  	s25 =	simm.s32 $0x11690  }
0x12d: {  	[tilespmem:s25], [sflag:$0x4] =	stream.indirect_vreg.gather [hbm4b:s15+s5], $0x80, v1, vm0, $0xb8;
	[tilespmem:$0x1AE90] =	vst v63  }
0x12e: {  	s26 =	simm.s32 $0x11E90  }
0x12f: {  	[tilespmem:s26], [sflag:$0x4] =	stream.indirect_vreg.gather [hbm4b:s1+s5], $0x80, v0, vm0, $0xb8;
	[tilespmem:$0x1AE90] =	vst v63  }
0x130: {  	s30 =	simm.s32 $0x7  }
0x131: {  	[tilespmem:s4], [sflag:$0x4] =	stream.indirect_vreg.gather [hbm4b:s15+s5], $0x80, v0, vm0, $0xb8;
	[tilespmem:$0x1AE90] =	vst v63  }
0x132: {  	_ =	swait.ge [sflag:s30], $0x1000  }
0x133: {  	[sflag:s30] =	ssyncset.done $0x0  }
0x134: {  	s31 =	simm.s32 $0x8;
	[sflag:s30] =	ssyncadd.s32 $0xFFFFF000  }
0x135: {  	_ =	swait.ge [sflag:s31], $0x200  }
0x136: {  	[sflag:s31] =	ssyncset.done $0x0  }
0x137: {  	[sflag:s31] =	ssyncadd.s32 $0xFFFFFE00  }
0x138: {  	v0 =	vld @!p3 [tilespmem:$0x880]  }
0x139: {  	v54 =	vld [tilespmem:$0x1E90]  }
0x13a: {  	v52 =	vld [tilespmem:$0x1EA0]  }
0x13b: {  	v48 =	vld [tilespmem:$0x1EB0]  }
0x13c: {  	v50 =	vld [tilespmem:$0x1EC0]  }
0x13d: {  	v45 =	vld [tilespmem:$0x1ED0]  }
0x13e: {  	v43 =	vld [tilespmem:$0x1EE0]  }
0x13f: {  	v41 =	vld [tilespmem:$0x1EF0]  }
0x140: {  	v40 =	vld [tilespmem:$0x1F00]  }
0x141: {  	v19 =	vld [tilespmem:$0x2290]  }
0x142: {  	v42 =	vld [tilespmem:$0x22A0]  }
0x143: {  	v44 =	vld [tilespmem:$0x22B0]  }
0x144: {  	v46 =	vld [tilespmem:$0x22C0]  }
0x145: {  	v47 =	vld [tilespmem:$0x22D0]  }
0x146: {  	v49 =	vld [tilespmem:$0x22E0]  }
0x147: {  	v51 =	vld [tilespmem:$0x22F0]  }
0x148: {  	v53 =	vld [tilespmem:$0x2300]  }
0x149: {  	v55 =	vld [tilespmem:$0x2690]  }
0x14a: {  	v56 =	vld [tilespmem:$0x26A0]  }
0x14b: {  	v57 =	vld [tilespmem:$0x26B0]  }
0x14c: {  	v58 =	vld [tilespmem:$0x26C0]  }
0x14d: {  	v59 =	vld [tilespmem:$0x26D0]  }
0x14e: {  	v60 =	vld [tilespmem:$0x26E0]  }
0x14f: {  	v61 =	vld [tilespmem:$0x26F0]  }
0x150: {  	v62 =	vld [tilespmem:$0x2700]  }
0x151: {  	v63 =	vld [tilespmem:$0x2A90]  }
0x152: {  	v2 =	vld [tilespmem:$0x2AA0]  }
0x153: {  	v5 =	vld [tilespmem:$0x2AB0]  }
0x154: {  	v3 =	vld [tilespmem:$0x2AC0]  }
0x155: {  	v1 =	vlaneseq.u32 @!p3;
	v4 =	vld [tilespmem:$0x2AD0]  }
0x156: {  	vm1 =	veq.s32 @!p3 v1, $0x0;
	v1 =	vld [tilespmem:$0x2AE0]  }
0x157: {  	s28 =	simm.s32 $0x8E0;
	s29 =	simm.s32 $0x0;
	s6 =	simm.s32 $0x0;
	v6 =	vsel @!p3 vm1, $0x3F800000, v0;
	v0 =	vld [tilespmem:$0x2AF0]  }
0x158: {  	s24 =	simm.s32 $0x880;
	s25 =	simm.s32 $0x8A0;
	s26 =	simm.s32 $0x8C0;
	[tilespmem:$0x880] =	vst @!p3 v6;
	v6 =	vld [tilespmem:$0x2B00]  }
.LBB2_24:
0x159: {  	_ =	swait.ge [sflag:s10], $0x4000  }
0x15a: {  	p4 =	seq.s32 s29, $0x0;
	[sflag:s10] =	ssyncset.done $0x0  }
0x15b: {  	s0 =	simm.s32 @!p4 $0x5;
	[sflag:s10] =	ssyncadd.s32 $0xFFFFC000  }
0x15c: {  	_ =	swait.ge @!p4 [sflag:s0], $0x4000  }
0x15d: {  	[sflag:s0] =	ssyncset.done @!p4 $0x0  }
0x15e: {  	[sflag:s0] =	ssyncadd.s32 @!p4 $0xFFFFC000  }
0x15f: {  	v7 =	vld [tilespmem:s24+$0x0];
	_ =	sdelay $0x4  }
0x160: {  	(v2sf) =	vpush v7, $0x0;
	_ =	sdelay $0xa  }
0x161: {  	s22 =	sand.u32 $0x3000, s6;
	s2 =	sand.u32 $0x380, s6  }
0x162: {  	s0 =	sor.u32 s2, s22  }
0x163: {  	v38 =	vld [tilespmem:s0+$0x2E90]  }
0x164: {  	v37 =	vld [tilespmem:s0+$0x2EA0]  }
0x165: {  	v36 =	vld [tilespmem:s0+$0x2EC0];
	s23 =	spop (v2sf)  }
0x166: {  	v35 =	vld [tilespmem:s0+$0x2EB0];
	v39 =	vbroadcast v7, $0x0;
	s2 =	ssub.f32 $1.000000000e+00, s23  }
0x167: {  	v30 =	vld [tilespmem:s0+$0x2EF0]  }
0x168: {  	v34 =	vld [tilespmem:s0+$0x2ED0];
	v7 =	vmul.f32 v38, v39;
	v8 =	vmul.f32 s2, v54  }
0x169: {  	v33 =	vld [tilespmem:s0+$0x2EE0];
	v9 =	vmul.f32 v37, v39;
	v10 =	vmul.f32 s2, v52  }
0x16a: {  	v28 =	vld [tilespmem:s0+$0x2F00];
	v13 =	vmul.f32 v36, v39;
	v14 =	vmul.f32 s2, v50;
	v7 =	vadd.f32 v8, v7  }
0x16b: {  	v11 =	vmul.f32 v35, v39;
	v12 =	vmul.f32 s2, v48;
	v10 =	vadd.f32 v10, v9;
	v8 =	vld [tilespmem:s0+$0x3290]  }
0x16c: {  	v16 =	vmul.f32 v30, v39;
	v15 =	vmul.f32 s2, v43;
	v9 =	vld [tilespmem:s0+$0x32A0];
	v13 =	vadd.f32 v13, v14;
	[tilespmem:s0+$0x12E90] =	vst v7  }
0x16d: {  	v7 =	vadd.f32 v11, v12;
	v11 =	vmul.f32 v34, v39;
	v12 =	vmul.f32 s2, v45;
	[tilespmem:s0+$0x12EA0] =	vst v10;
	v10 =	vld [tilespmem:s0+$0x32B0]  }
0x16e: {  	v17 =	vmul.f32 s2, v41;
	v14 =	vmul.f32 v33, v39;
	[tilespmem:s0+$0x12EC0] =	vst v13;
	v13 =	vld [tilespmem:s0+$0x32E0]  }
0x16f: {  	v18 =	vmul.f32 s2, v40;
	v20 =	vmul.f32 s2, v42;
	[tilespmem:s0+$0x12EB0] =	vst v7;
	v7 =	vadd.f32 v11, v12  }
0x170: {  	v21 =	vmul.f32 s2, v44;
	v14 =	vadd.f32 v14, v15;
	v15 =	vmul.f32 v28, v39;
	v11 =	vld [tilespmem:s0+$0x32C0]  }
0x171: {  	v12 =	vld [tilespmem:s0+$0x32D0];
	[tilespmem:s0+$0x12ED0] =	vst v7;
	v7 =	vadd.f32 v16, v17;
	v16 =	vmul.f32 v8, v39;
	v17 =	vmul.f32 s2, v19  }
0x172: {  	v24 =	vmul.f32 s2, v49;
	[tilespmem:s0+$0x12EE0] =	vst v14;
	v18 =	vadd.f32 v15, v18;
	v15 =	vld [tilespmem:s0+$0x3300];
	v19 =	vmul.f32 v9, v39  }
0x173: {  	v14 =	vld [tilespmem:s0+$0x32F0];
	v23 =	vmul.f32 v13, v39;
	[tilespmem:s0+$0x12EF0] =	vst v7;
	v7 =	vadd.f32 v16, v17;
	v17 =	vmul.f32 v10, v39  }
0x174: {  	v22 =	vmul.f32 s2, v47;
	[tilespmem:s0+$0x12F00] =	vst v18;
	v18 =	vadd.f32 v19, v20;
	v20 =	vmul.f32 s2, v46;
	v16 =	vld [tilespmem:s0+$0x3690]  }
0x175: {  	v19 =	vmul.f32 v11, v39;
	v23 =	vadd.f32 v23, v24;
	[tilespmem:s0+$0x13290] =	vst v7;
	v7 =	vadd.f32 v17, v21;
	v17 =	vld [tilespmem:s0+$0x36A0]  }
0x176: {  	v25 =	vmul.f32 s2, v53;
	v21 =	vmul.f32 v12, v39;
	[tilespmem:s0+$0x132A0] =	vst v18;
	v18 =	vld [tilespmem:s0+$0x36B0]  }
0x177: {  	v27 =	vmul.f32 s2, v55;
	v24 =	vmul.f32 v15, v39;
	v20 =	vadd.f32 v19, v20;
	v19 =	vld [tilespmem:s0+$0x36C0];
	[tilespmem:s0+$0x132E0] =	vst v23  }
0x178: {  	v23 =	vld [tilespmem:s0+$0x3700];
	[tilespmem:s0+$0x132B0] =	vst v7;
	v7 =	vadd.f32 v21, v22;
	v21 =	vmul.f32 v14, v39;
	v22 =	vmul.f32 s2, v51  }
0x179: {  	v29 =	vmul.f32 s2, v56;
	v32 =	vmul.f32 s2, v58;
	v24 =	vadd.f32 v24, v25;
	[tilespmem:s0+$0x132C0] =	vst v20;
	v20 =	vld [tilespmem:s0+$0x36D0]  }
0x17a: {  	v50 =	vmul.f32 s2, v59;
	v26 =	vmul.f32 v16, v39;
	[tilespmem:s0+$0x132D0] =	vst v7;
	v7 =	vadd.f32 v21, v22;
	v21 =	vld [tilespmem:s0+$0x36E0]  }
0x17b: {  	v55 =	vmul.f32 s2, v62;
	[tilespmem:s0+$0x13300] =	vst v24;
	v25 =	vmul.f32 v17, v39  }
0x17c: {  	v24 =	vld [tilespmem:s0+$0x3A90];
	[tilespmem:s0+$0x132F0] =	vst v7;
	v7 =	vadd.f32 v26, v27;
	v26 =	vmul.f32 v18, v39;
	v27 =	vmul.f32 s2, v57  }
0x17d: {  	v22 =	vld [tilespmem:s0+$0x36F0];
	v31 =	vmul.f32 v19, v39;
	v54 =	vmul.f32 v23, v39;
	v29 =	vadd.f32 v25, v29  }
0x17e: {  	v51 =	vmul.f32 s2, v60;
	v25 =	vld [tilespmem:s0+$0x3AA0];
	[tilespmem:s0+$0x13690] =	vst v7;
	v7 =	vadd.f32 v26, v27;
	v27 =	vmul.f32 v20, v39  }
0x17f: {  	v26 =	vld [tilespmem:s0+$0x3AB0];
	v43 =	vadd.f32 v54, v55;
	[tilespmem:s0+$0x136A0] =	vst v29;
	v29 =	vadd.f32 v31, v32;
	v31 =	vmul.f32 v21, v39  }
0x180: {  	v58 =	vmul.f32 s2, v63;
	[tilespmem:s0+$0x136B0] =	vst v7;
	v7 =	vld [tilespmem:s0+$0x3AC0]  }
0x181: {  	v57 =	vmul.f32 v24, v39;
	v40 =	vadd.f32 v27, v50;
	v27 =	vld [tilespmem:s0+$0x3AD0];
	[tilespmem:s0+$0x13700] =	vst v43;
	v31 =	vadd.f32 v31, v51  }
0x182: {  	v53 =	vmul.f32 s2, v61;
	v52 =	vmul.f32 v22, v39;
	[tilespmem:s0+$0x136C0] =	vst v29;
	v29 =	vld [tilespmem:s0+$0x3AE0]  }
0x183: {  	v2 =	vmul.f32 s2, v2;
	v60 =	vadd.f32 v57, v58;
	v59 =	vmul.f32 v25, v39;
	[tilespmem:s0+$0x136E0] =	vst v31;
	v31 =	vld [tilespmem:s0+$0x3AF0]  }
0x184: {  	v5 =	vmul.f32 s2, v5;
	v32 =	vld [tilespmem:s0+$0x3B00];
	v56 =	vadd.f32 v52, v53;
	[tilespmem:s0+$0x136D0] =	vst v40;
	v61 =	vmul.f32 v26, v39  }
0x185: {  	v3 =	vmul.f32 s2, v3;
	[tilespmem:s0+$0x13A90] =	vst v60;
	v2 =	vadd.f32 v59, v2;
	v62 =	vmul.f32 v7, v39  }
0x186: {  	v4 =	vmul.f32 s2, v4;
	[tilespmem:s0+$0x136F0] =	vst v56;
	v5 =	vadd.f32 v61, v5;
	v63 =	vmul.f32 v27, v39  }
0x187: {  	v1 =	vmul.f32 s2, v1;
	[tilespmem:s0+$0x13AA0] =	vst v2;
	v2 =	vadd.f32 v62, v3;
	v3 =	vmul.f32 v29, v39  }
0x188: {  	v0 =	vmul.f32 s2, v0;
	[tilespmem:s0+$0x13AB0] =	vst v5;
	v4 =	vadd.f32 v63, v4;
	v5 =	vmul.f32 v31, v39  }
0x189: {  	[tilespmem:s0+$0x13AC0] =	vst v2;
	v1 =	vadd.f32 v3, v1;
	v2 =	vmul.f32 v32, v39;
	v3 =	vmul.f32 s2, v6  }
0x18a: {  	[tilespmem:s0+$0x13AD0] =	vst v4;
	v0 =	vadd.f32 v5, v0  }
0x18b: {  	[tilespmem:s0+$0x13AE0] =	vst v1;
	v1 =	vadd.f32 v2, v3  }
0x18c: {  	[tilespmem:s0+$0x13AF0] =	vst v0  }
0x18d: {  	s30 =	sshll.u32 s29, $0x9;
	s31 =	sshll.u32 s29, $0x7;
	s18 =	sadd.s32 $0x1, s24;
	[tilespmem:s0+$0x13B00] =	vst v1  }
0x18e: {  	s21 =	simm.s32 $0x400;
	s20 =	simm.s32 $0x0;
	s2 =	simm.s32 $0x200;
	v0 =	vld [tilespmem:s18+$0x0]  }
.LBB2_25:
0x18f: {  	p5 =	sne.s32 s21, $0x3E00;
	_ =	sdelay $0x3  }
0x190: {  	(v2sf) =	vpush v0, $0x0;
	_ =	sdelay $0x9  }
0x191: {  	s20 =	sadd.s32 $0x80, s20  }
0x192: {  	s0 =	sand.u32 $0x3000, s2;
	s2 =	smov.u32 s21;
	s17 =	sand.u32 $0x380, s20  }
0x193: {  	s22 =	sor.u32 s17, s0  }
0x194: {  	v1 =	vld [tilespmem:s22+$0x2E90]  }
0x195: {  	v2 =	vld [tilespmem:s22+$0x2EA0]  }
0x196: {  	v3 =	vld [tilespmem:s22+$0x2EB0];
	s0 =	spop (v2sf)  }
0x197: {  	v0 =	vbroadcast v0, $0x0;
	s0 =	ssub.f32 $1.000000000e+00, s0;
	v4 =	vld [tilespmem:s22+$0x2EC0]  }
0x198: {  	v5 =	vld [tilespmem:s22+$0x2ED0]  }
0x199: {  	v6 =	vmul.f32 v1, v0;
	v39 =	vmul.f32 s0, v38;
	v40 =	vld [tilespmem:s22+$0x2EE0];
	v38 =	vmov v1  }
0x19a: {  	v41 =	vmul.f32 s0, v37;
	v1 =	vmul.f32 v2, v0;
	v42 =	vld [tilespmem:s22+$0x2EF0];
	v37 =	vmov v2  }
0x19b: {  	v2 =	vadd.f32 v39, v6;
	v6 =	vmul.f32 v3, v0;
	v39 =	vmul.f32 s0, v35;
	v43 =	vld [tilespmem:s22+$0x2F00];
	v35 =	vmovc v3  }
0x19c: {  	v1 =	vadd.f32 v41, v1;
	v3 =	vmul.f32 v4, v0;
	v41 =	vmul.f32 s0, v36;
	v44 =	vld [tilespmem:s22+$0x3290];
	v36 =	vmovc v4  }
0x19d: {  	[tilespmem:s22+$0x12E90] =	vst v2;
	v2 =	vadd.f32 v6, v39;
	v4 =	vmul.f32 v5, v0;
	v6 =	vmul.f32 s0, v34;
	v39 =	vld [tilespmem:s22+$0x32A0];
	v34 =	vmovc v5  }
0x19e: {  	v5 =	vmul.f32 s0, v33;
	[tilespmem:s22+$0x12EA0] =	vst v1;
	v1 =	vadd.f32 v3, v41;
	v3 =	vmul.f32 v40, v0;
	v41 =	vld [tilespmem:s22+$0x32B0];
	v33 =	vmovc v40  }
0x19f: {  	[tilespmem:s22+$0x12EB0] =	vst v2;
	v2 =	vadd.f32 v4, v6;
	v4 =	vmul.f32 v42, v0;
	v6 =	vmul.f32 s0, v30;
	v40 =	vld [tilespmem:s22+$0x32C0];
	v30 =	vmovc v42  }
0x1a0: {  	[tilespmem:s22+$0x12EC0] =	vst v1;
	v1 =	vadd.f32 v3, v5;
	v3 =	vmul.f32 v43, v0;
	v5 =	vmul.f32 s0, v28;
	v42 =	vld [tilespmem:s22+$0x32D0];
	v28 =	vmovc v43  }
0x1a1: {  	[tilespmem:s22+$0x12ED0] =	vst v2;
	v2 =	vadd.f32 v4, v6;
	v4 =	vmul.f32 v44, v0;
	v6 =	vmul.f32 s0, v8;
	v43 =	vld [tilespmem:s22+$0x32E0];
	v8 =	vmovc v44  }
0x1a2: {  	[tilespmem:s22+$0x12EE0] =	vst v1;
	v1 =	vadd.f32 v3, v5;
	v3 =	vmul.f32 v39, v0;
	v5 =	vmul.f32 s0, v9;
	v44 =	vld [tilespmem:s22+$0x32F0];
	v9 =	vmovc v39  }
0x1a3: {  	[tilespmem:s22+$0x12EF0] =	vst v2;
	v2 =	vadd.f32 v4, v6;
	v4 =	vmul.f32 v41, v0;
	v6 =	vmul.f32 s0, v10;
	v39 =	vld [tilespmem:s22+$0x3300];
	v10 =	vmovc v41  }
0x1a4: {  	[tilespmem:s22+$0x12F00] =	vst v1;
	v1 =	vadd.f32 v3, v5;
	v3 =	vmul.f32 v40, v0;
	v5 =	vmul.f32 s0, v11;
	v41 =	vld [tilespmem:s22+$0x3690];
	v11 =	vmovc v40  }
0x1a5: {  	[tilespmem:s22+$0x13290] =	vst v2;
	v2 =	vadd.f32 v4, v6;
	v4 =	vmul.f32 v42, v0;
	v6 =	vmul.f32 s0, v12;
	v40 =	vld [tilespmem:s22+$0x36A0];
	v12 =	vmovc v42  }
0x1a6: {  	[tilespmem:s22+$0x132A0] =	vst v1;
	v1 =	vadd.f32 v3, v5;
	v3 =	vmul.f32 v43, v0;
	v5 =	vmul.f32 s0, v13;
	v42 =	vld [tilespmem:s22+$0x36B0];
	v13 =	vmovc v43  }
0x1a7: {  	[tilespmem:s22+$0x132B0] =	vst v2;
	v2 =	vadd.f32 v4, v6;
	v4 =	vmul.f32 v44, v0;
	v6 =	vmul.f32 s0, v14;
	v43 =	vld [tilespmem:s22+$0x36C0];
	v14 =	vmovc v44  }
0x1a8: {  	[tilespmem:s22+$0x132C0] =	vst v1;
	v1 =	vadd.f32 v3, v5;
	v3 =	vmul.f32 v39, v0;
	v5 =	vmul.f32 s0, v15;
	v44 =	vld [tilespmem:s22+$0x36D0];
	v15 =	vmovc v39  }
0x1a9: {  	[tilespmem:s22+$0x132D0] =	vst v2;
	v2 =	vadd.f32 v4, v6;
	v4 =	vmul.f32 v41, v0;
	v6 =	vmul.f32 s0, v16;
	v39 =	vld [tilespmem:s22+$0x36E0];
	v16 =	vmovc v41  }
0x1aa: {  	[tilespmem:s22+$0x132E0] =	vst v1;
	v1 =	vadd.f32 v3, v5;
	v3 =	vmul.f32 v40, v0;
	v5 =	vmul.f32 s0, v17;
	v41 =	vld [tilespmem:s22+$0x36F0];
	v17 =	vmovc v40  }
0x1ab: {  	[tilespmem:s22+$0x132F0] =	vst v2;
	v2 =	vadd.f32 v4, v6;
	v4 =	vmul.f32 v42, v0;
	v6 =	vmul.f32 s0, v18;
	v40 =	vld [tilespmem:s22+$0x3700];
	v18 =	vmovc v42  }
0x1ac: {  	[tilespmem:s22+$0x13300] =	vst v1;
	v1 =	vadd.f32 v3, v5;
	v3 =	vmul.f32 v43, v0;
	v5 =	vmul.f32 s0, v19;
	v42 =	vld [tilespmem:s22+$0x3A90];
	v19 =	vmovc v43  }
0x1ad: {  	[tilespmem:s22+$0x13690] =	vst v2;
	v2 =	vadd.f32 v4, v6;
	v4 =	vmul.f32 v44, v0;
	v6 =	vmul.f32 s0, v20;
	v43 =	vld [tilespmem:s22+$0x3AA0];
	v20 =	vmovc v44  }
0x1ae: {  	[tilespmem:s22+$0x136A0] =	vst v1;
	v1 =	vadd.f32 v3, v5;
	v3 =	vmul.f32 v39, v0;
	v5 =	vmul.f32 s0, v21;
	v44 =	vld [tilespmem:s22+$0x3AB0];
	v21 =	vmovc v39  }
0x1af: {  	[tilespmem:s22+$0x136B0] =	vst v2;
	v2 =	vadd.f32 v4, v6;
	v4 =	vmul.f32 v41, v0;
	v6 =	vmul.f32 s0, v22;
	v39 =	vld [tilespmem:s22+$0x3AC0];
	v22 =	vmovc v41  }
0x1b0: {  	[tilespmem:s22+$0x136C0] =	vst v1;
	v1 =	vadd.f32 v3, v5;
	v3 =	vmul.f32 v40, v0;
	v5 =	vmul.f32 s0, v23;
	v41 =	vld [tilespmem:s22+$0x3AD0];
	v23 =	vmovc v40  }
0x1b1: {  	[tilespmem:s22+$0x136D0] =	vst v2;
	v2 =	vadd.f32 v4, v6;
	v4 =	vmul.f32 v42, v0;
	v6 =	vmul.f32 s0, v24;
	v40 =	vld [tilespmem:s22+$0x3AE0];
	v24 =	vmovc v42  }
0x1b2: {  	[tilespmem:s22+$0x136E0] =	vst v1;
	v1 =	vadd.f32 v3, v5;
	v3 =	vmul.f32 v43, v0;
	v5 =	vmul.f32 s0, v25;
	v42 =	vld [tilespmem:s22+$0x3AF0];
	v25 =	vmovc v43  }
0x1b3: {  	[tilespmem:s22+$0x136F0] =	vst v2;
	v2 =	vadd.f32 v4, v6;
	v4 =	vmul.f32 v44, v0;
	v6 =	vmul.f32 s0, v26;
	v43 =	vld [tilespmem:s22+$0x3B00];
	v26 =	vmovc v44  }
0x1b4: {  	[tilespmem:s22+$0x13700] =	vst v1;
	v1 =	vadd.f32 v3, v5;
	v3 =	vmul.f32 v39, v0;
	v5 =	vmul.f32 s0, v7;
	v7 =	vmovc v39  }
0x1b5: {  	[tilespmem:s22+$0x13A90] =	vst v2;
	v2 =	vadd.f32 v4, v6;
	v4 =	vmul.f32 v41, v0;
	v6 =	vmul.f32 s0, v27;
	v27 =	vmovc v41  }
0x1b6: {  	[tilespmem:s22+$0x13AA0] =	vst v1;
	v1 =	vadd.f32 v3, v5;
	v3 =	vmul.f32 v40, v0;
	v5 =	vmul.f32 s0, v29;
	v29 =	vmovc v40  }
0x1b7: {  	[tilespmem:s22+$0x13AB0] =	vst v2;
	v2 =	vadd.f32 v4, v6;
	v4 =	vmul.f32 v42, v0;
	v6 =	vmul.f32 s0, v31;
	v31 =	vmovc v42  }
0x1b8: {  	[tilespmem:s22+$0x13AC0] =	vst v1;
	v1 =	vadd.f32 v3, v5;
	v0 =	vmul.f32 v43, v0;
	v3 =	vmul.f32 s0, v32;
	v32 =	vmovc v43  }
.Ltmp13:
0x1b9: {  	[tilespmem:s22+$0x13AD0] =	vst v2;
	v2 =	vadd.f32 v4, v6;
	(pc) =	sbr.rel @p5 .LBB2_25-.Ltmp13, $4  }
0x1ba: {  	[tilespmem:s22+$0x13AE0] =	vst v1;
	v0 =	vadd.f32 v0, v3  }
0x1bb: {  	[tilespmem:s22+$0x13AF0] =	vst v2  }
0x1bc: {  	s18 =	sadd.s32 $0x1, s18;
	[tilespmem:s22+$0x13B00] =	vst v0  }
0x1bd: {  	s21 =	sadd.s32 $0x200, s21;
	v0 =	vld [tilespmem:s18+$0x0]  }
0x1be: {  	_ =	sdelay $0x3  }
0x1bf: {  	(v2sf) =	vpush v0, $0x0;
	_ =	sdelay $0x5  }
0x1c0: {  	s0 =	sadd.s32 $0x80, s20  }
0x1c1: {  	s2 =	sand.u32 $0x3000, s2;
	s0 =	sand.u32 $0x380, s0  }
0x1c2: {  	s0 =	sor.u32 s0, s2  }
0x1c3: {  	v63 =	vld [tilespmem:s0+$0x2E90]  }
0x1c4: {  	v62 =	vld [tilespmem:s0+$0x2EA0]  }
0x1c5: {  	v6 =	vld [tilespmem:s0+$0x2ED0]  }
0x1c6: {  	v58 =	vld [tilespmem:s0+$0x2EE0]  }
0x1c7: {  	v55 =	vld [tilespmem:s0+$0x2EF0]  }
0x1c8: {  	v60 =	vld [tilespmem:s0+$0x2EB0];
	v0 =	vbroadcast v0, $0x0  }
0x1c9: {  	v61 =	vld [tilespmem:s0+$0x2EC0];
	s21 =	spop (v2sf)  }
0x1ca: {  	v50 =	vld [tilespmem:s0+$0x3290];
	v1 =	vmul.f32 v63, v0;
	v3 =	vmul.f32 v62, v0;
	s2 =	ssub.f32 $1.000000000e+00, s21  }
0x1cb: {  	v53 =	vld [tilespmem:s0+$0x2F00];
	v51 =	vmul.f32 v6, v0;
	v52 =	vmul.f32 v58, v0  }
0x1cc: {  	v54 =	vmul.f32 v55, v0;
	v2 =	vmul.f32 s2, v38  }
0x1cd: {  	v4 =	vmul.f32 s2, v37;
	v5 =	vmul.f32 s2, v35  }
0x1ce: {  	v39 =	vld [tilespmem:s0+$0x32F0];
	v49 =	vmul.f32 s2, v36;
	v33 =	vmul.f32 s2, v33;
	v1 =	vadd.f32 v2, v1  }
0x1cf: {  	[tilespmem:$0x1FF90] =	vst v50;
	v2 =	vmul.f32 v60, v0;
	v3 =	vadd.f32 v4, v3;
	v4 =	vmul.f32 v61, v0  }
0x1d0: {  	v40 =	vld [tilespmem:s0+$0x3300];
	v56 =	vmul.f32 v53, v0;
	v30 =	vmul.f32 s2, v30;
	v33 =	vadd.f32 v52, v33;
	[tilespmem:s0+$0x12E90] =	vst v1  }
0x1d1: {  	v57 =	vmul.f32 v50, v0;
	v5 =	vadd.f32 v2, v5;
	[tilespmem:s0+$0x12EA0] =	vst v3;
	v4 =	vadd.f32 v4, v49;
	v2 =	vld [tilespmem:s0+$0x32B0]  }
0x1d2: {  	v28 =	vmul.f32 s2, v28;
	v8 =	vmul.f32 s2, v8;
	v30 =	vadd.f32 v54, v30;
	v1 =	vld [tilespmem:s0+$0x32A0];
	[tilespmem:s0+$0x12EE0] =	vst v33  }
0x1d3: {  	v48 =	vmul.f32 v39, v0;
	v34 =	vmul.f32 s2, v34;
	[tilespmem:s0+$0x12EC0] =	vst v4;
	v4 =	vld [tilespmem:s0+$0x32D0]  }
0x1d4: {  	v9 =	vmul.f32 s2, v9;
	v28 =	vadd.f32 v56, v28;
	v8 =	vadd.f32 v57, v8;
	v3 =	vld [tilespmem:s0+$0x32C0];
	[tilespmem:s0+$0x12EF0] =	vst v30  }
0x1d5: {  	v41 =	vld [tilespmem:s0+$0x3690];
	v52 =	vmul.f32 s2, v15;
	[tilespmem:s0+$0x12EB0] =	vst v5;
	v5 =	vadd.f32 v51, v34;
	v51 =	vmul.f32 v40, v0  }
0x1d6: {  	v42 =	vld [tilespmem:s0+$0x36A0];
	v10 =	vmul.f32 s2, v10;
	[tilespmem:s0+$0x12F00] =	vst v28;
	v34 =	vmul.f32 v2, v0  }
0x1d7: {  	v43 =	vld [tilespmem:s0+$0x36B0];
	v11 =	vmul.f32 s2, v11;
	[tilespmem:s0+$0x13290] =	vst v8;
	v57 =	vadd.f32 v51, v52;
	v59 =	vmul.f32 v1, v0  }
0x1d8: {  	v12 =	vmul.f32 s2, v12;
	[tilespmem:s0+$0x12ED0] =	vst v5;
	v5 =	vld [tilespmem:s0+$0x32E0];
	v8 =	vadd.f32 v34, v10;
	v36 =	vmul.f32 v4, v0  }
0x1d9: {  	v44 =	vld [tilespmem:s0+$0x36C0];
	v13 =	vmul.f32 s2, v13;
	v35 =	vmul.f32 v3, v0;
	[tilespmem:s0+$0x13300] =	vst v57;
	v9 =	vadd.f32 v59, v9  }
0x1da: {  	v47 =	vld [tilespmem:s0+$0x36F0];
	v56 =	vmul.f32 s2, v16;
	v49 =	vmul.f32 s2, v14;
	[tilespmem:s0+$0x132B0] =	vst v8;
	v8 =	vadd.f32 v36, v12  }
0x1db: {  	v45 =	vld [tilespmem:s0+$0x36D0];
	v16 =	vmul.f32 s2, v17;
	v37 =	vadd.f32 v35, v11;
	v59 =	vmul.f32 v42, v0;
	[tilespmem:s0+$0x132A0] =	vst v9  }
0x1dc: {  	v46 =	vld [tilespmem:s0+$0x36E0];
	v7 =	vmul.f32 s2, v7;
	v54 =	vmul.f32 v41, v0;
	[tilespmem:s0+$0x132D0] =	vst v8;
	v8 =	vadd.f32 v48, v49  }
0x1dd: {  	v17 =	vmul.f32 v43, v0;
	v52 =	vld [tilespmem:s0+$0x3AC0];
	v38 =	vmul.f32 v5, v0;
	[tilespmem:s0+$0x132C0] =	vst v37;
	v30 =	vadd.f32 v59, v16  }
0x1de: {  	v28 =	vmul.f32 s2, v18;
	v33 =	vmul.f32 v44, v0;
	v51 =	vld [tilespmem:s0+$0x3AB0];
	[tilespmem:s0+$0x132F0] =	vst v8;
	v8 =	vadd.f32 v54, v56  }
0x1df: {  	v57 =	vmul.f32 v47, v0;
	v34 =	vmul.f32 s2, v19;
	v50 =	vadd.f32 v38, v13;
	v48 =	vld [tilespmem:s0+$0x3700];
	[tilespmem:s0+$0x136A0] =	vst v30  }
0x1e0: {  	v35 =	vmul.f32 v45, v0;
	v36 =	vmul.f32 s2, v20;
	v49 =	vld [tilespmem:s0+$0x3A90];
	[tilespmem:s0+$0x13690] =	vst v8;
	v8 =	vadd.f32 v17, v28  }
0x1e1: {  	v37 =	vadd.f32 v33, v34;
	v38 =	vmul.f32 v46, v0;
	[tilespmem:s0+$0x132E0] =	vst v50;
	v50 =	vld [tilespmem:s0+$0x3AA0];
	v56 =	vmul.f32 s2, v21  }
0x1e2: {  	v59 =	vmul.f32 s2, v22;
	v54 =	vld [tilespmem:s0+$0x3AD0];
	v28 =	vmul.f32 v52, v0;
	[tilespmem:s0+$0x136B0] =	vst v8;
	v8 =	vadd.f32 v35, v36  }
0x1e3: {  	v18 =	vmul.f32 s2, v23;
	v23 =	vmul.f32 s2, v25;
	[tilespmem:s0+$0x136C0] =	vst v37;
	v16 =	vadd.f32 v38, v56;
	v56 =	vld [tilespmem:s0+$0x3AE0]  }
0x1e4: {  	v17 =	vmul.f32 v48, v0;
	v7 =	vadd.f32 v28, v7;
	[tilespmem:s0+$0x136D0] =	vst v8;
	v8 =	vadd.f32 v57, v59;
	v57 =	vld [tilespmem:s0+$0x3AF0]  }
0x1e5: {  	v20 =	vmul.f32 s2, v24;
	v19 =	vmul.f32 v49, v0;
	[tilespmem:s0+$0x136E0] =	vst v16;
	v59 =	vld [tilespmem:s0+$0x3B00]  }
0x1e6: {  	v25 =	vmul.f32 s2, v26;
	v21 =	vadd.f32 v17, v18;
	v22 =	vmul.f32 v50, v0;
	[tilespmem:s0+$0x13AC0] =	vst v7  }
0x1e7: {  	v24 =	vmul.f32 v51, v0;
	v33 =	vmul.f32 s2, v27;
	[tilespmem:s0+$0x136F0] =	vst v8;
	v8 =	vadd.f32 v19, v20  }
0x1e8: {  	v35 =	vmul.f32 s2, v29;
	[tilespmem:s0+$0x13700] =	vst v21;
	v26 =	vadd.f32 v22, v23;
	v34 =	vmul.f32 v56, v0  }
0x1e9: {  	v38 =	vmul.f32 s2, v32;
	v30 =	vmul.f32 v54, v0;
	[tilespmem:s0+$0x13A90] =	vst v8;
	v8 =	vadd.f32 v24, v25  }
0x1ea: {  	[tilespmem:s0+$0x13AA0] =	vst v26;
	v7 =	vadd.f32 v34, v35;
	v36 =	vmul.f32 v57, v0;
	v0 =	vmul.f32 v59, v0  }
0x1eb: {  	p5 =	sne.s32 s29, $0x3;
	v37 =	vmul.f32 s2, v31;
	[tilespmem:s0+$0x13AB0] =	vst v8;
	v8 =	vadd.f32 v30, v33  }
.Ltmp14:
0x1ec: {  	[tilespmem:s0+$0x13AE0] =	vst v7;
	v0 =	vadd.f32 v0, v38;
	(pc) =	sbr.rel @p5 .LBB2_28-.Ltmp14, $4  }
0x1ed: {  	s22 =	sadd.s32 s7, s31;
	[tilespmem:s0+$0x13AD0] =	vst v8;
	v8 =	vadd.f32 v36, v37  }
0x1ee: {  	s2 =	sshll.u32 s22, $0x6;
	[tilespmem:s0+$0x13B00] =	vst v0  }
0x1ef: {  	s23 =	sadd.s32 s3, s2;
	[tilespmem:s0+$0x13AF0] =	vst v8  }
0x1f0: {  	[hbm4b:s23+s5] =	stream.linear.scatter [tilespmem:s11], [sflag:$0x5], $0x4000, $0x38;
	[tilespmem:$0x1AE90] =	vst v63  }
.Ltmp15:
0x1f1: {  	(pc) =	sbr.rel .LBB2_29-.Ltmp15, $4  }
0x1f2: {  	_ = 	snop  }
0x1f3: {  	_ =	swait.ge [sflag:s12], $0x4000  }
0x1f4: {  	[sflag:s12] =	ssyncset.done $0x0  }
0x1f5: {  	[sflag:s12] =	ssyncadd.s32 $0xFFFFC000  }
.LBB2_28:
0x1f6: {  	v11 =	vld [tilespmem:$0x1FFF0];
	_ =	sdelay $0x6  }
0x1f7: {  	s0 =	sshrl.u32 s30, $0x2  }
0x1f8: {  	v0 =	vld.idx.msk [tilespmem:v11+s0+$0x80 ss:$0x1], $0xffff;
	_ =	sdelay $0x2  }
0x1f9: {  	v8 =	vld [tilespmem:$0x1FFA0];
	_ =	sdelay $0x1  }
0x1fa: {  	v9 =	vld [tilespmem:$0x1FFB0];
	v7 =	vshll.u32 v0, $0x2  }
0x1fb: {  	v0 =	vand.u32 $0x7, v0;
	v7 =	vand.u32 $0xFFFFFFE0, v7  }
0x1fc: {  	v10 =	vld [tilespmem:$0x1FFC0];
	v0 =	vor.u32 v0, v7  }
0x1fd: {  	v7 =	vperm.xlane v0, v8;
	_ =	sdelay $0x1  }
0x1fe: {  	v7 =	vadd.s32 v9, v7;
	_ =	sdelay $0x1  }
0x1ff: {  	v0 =	vperm.xlane v0, v10;
	_ =	sdelay $0x1  }
0x200: {  	s2 =	simm.s32 $0x2E90;
	v0 =	vadd.s32 v9, v0  }
0x201: {  	[tilespmem:s2], [sflag:$0x1] =	stream.indirect_vreg.gather [hbm4b:s1+s5], $0x80, v7, vm0, $0xb8;
	[tilespmem:$0x1AE90] =	vst v63  }
0x202: {  	s23 =	simm.s32 $0x3690  }
0x203: {  	[tilespmem:s23], [sflag:$0x1] =	stream.indirect_vreg.gather [hbm4b:s15+s5], $0x80, v7, vm0, $0xb8;
	[tilespmem:$0x1AE90] =	vst v63  }
0x204: {  	s17 =	simm.s32 $0x3E90  }
0x205: {  	[tilespmem:s17], [sflag:$0x1] =	stream.indirect_vreg.gather [hbm4b:s1+s5], $0x80, v0, vm0, $0xb8;
	[tilespmem:$0x1AE90] =	vst v63  }
0x206: {  	s18 =	simm.s32 $0x4690  }
0x207: {  	[tilespmem:s18], [sflag:$0x1] =	stream.indirect_vreg.gather [hbm4b:s15+s5], $0x80, v0, vm0, $0xb8;
	[tilespmem:$0x1AE90] =	vst v63  }
0x208: {  	v0 =	vld.idx.msk [tilespmem:v11+s0+$0x90 ss:$0x1], $0xffff;
	_ =	sdelay $0x4  }
0x209: {  	v7 =	vshll.u32 v0, $0x2  }
0x20a: {  	v0 =	vand.u32 $0x7, v0;
	v7 =	vand.u32 $0xFFFFFFE0, v7  }
0x20b: {  	v0 =	vor.u32 v0, v7  }
0x20c: {  	v7 =	vperm.xlane v0, v8;
	_ =	sdelay $0x1  }
0x20d: {  	v7 =	vadd.s32 v9, v7;
	_ =	sdelay $0x1  }
0x20e: {  	v0 =	vperm.xlane v0, v10;
	_ =	sdelay $0x1  }
0x20f: {  	s20 =	simm.s32 $0x4E90;
	v0 =	vadd.s32 v9, v0  }
0x210: {  	[tilespmem:s20], [sflag:$0x1] =	stream.indirect_vreg.gather [hbm4b:s1+s5], $0x80, v7, vm0, $0xb8;
	[tilespmem:$0x1AE90] =	vst v63  }
0x211: {  	s21 =	simm.s32 $0x5690  }
0x212: {  	[tilespmem:s21], [sflag:$0x1] =	stream.indirect_vreg.gather [hbm4b:s15+s5], $0x80, v7, vm0, $0xb8;
	[tilespmem:$0x1AE90] =	vst v63  }
0x213: {  	s22 =	simm.s32 $0x5E90  }
0x214: {  	[tilespmem:s22], [sflag:$0x1] =	stream.indirect_vreg.gather [hbm4b:s1+s5], $0x80, v0, vm0, $0xb8;
	[tilespmem:$0x1AE90] =	vst v63  }
.Ltmp16:
0x215: {  	s23 =	simm.s32 $0x6690;
	(pc) =	sbr.rel @p4 .LBB2_30-.Ltmp16, $4  }
0x216: {  	[tilespmem:s23], [sflag:$0x1] =	stream.indirect_vreg.gather [hbm4b:s15+s5], $0x80, v0, vm0, $0xb8;
	[tilespmem:$0x1AE90] =	vst v63  }
0x217: {  	_ =	swait.ge [sflag:s12], $0x4000  }
0x218: {  	[sflag:s12] =	ssyncset.done $0x0  }
0x219: {  	[sflag:s12] =	ssyncadd.s32 $0xFFFFC000  }
.LBB2_29:
0x21a: {  	_ =	swait.ge [sflag:s13], $0x4000  }
0x21b: {  	[sflag:s13] =	ssyncset.done $0x0  }
0x21c: {  	[sflag:s13] =	ssyncadd.s32 $0xFFFFC000  }
.LBB2_30:
0x21d: {  	v0 =	vld [tilespmem:s25+$0x0];
	_ =	sdelay $0x4  }
0x21e: {  	(v2sf) =	vpush v0, $0x0;
	_ =	sdelay $0x9  }
0x21f: {  	s2 =	simm.s32 $0x0  }
0x220: {  	s0 =	sand.u32 $0x3000, s2;
	s17 =	sand.u32 $0x380, s2  }
0x221: {  	s0 =	sor.u32 s17, s0  }
0x222: {  	v38 =	vld [tilespmem:s0+$0x6E90];
	_ =	sdelay $0x1  }
0x223: {  	v35 =	vld [tilespmem:s0+$0x6EB0];
	s23 =	spop (v2sf)  }
0x224: {  	v36 =	vld [tilespmem:s0+$0x6EC0];
	v0 =	vbroadcast v0, $0x0;
	s17 =	ssub.f32 $1.000000000e+00, s23  }
0x225: {  	v37 =	vld [tilespmem:s0+$0x6EA0]  }
0x226: {  	v33 =	vld [tilespmem:s0+$0x6EE0];
	v7 =	vmul.f32 v38, v0;
	v8 =	vmul.f32 s17, v63;
	_ =	sdelay $0x1  }
0x227: {  	v11 =	vmul.f32 v35, v0;
	v12 =	vmul.f32 s17, v60;
	v7 =	vadd.f32 v8, v7  }
0x228: {  	v34 =	vld [tilespmem:s0+$0x6ED0];
	v13 =	vmul.f32 v36, v0;
	v14 =	vmul.f32 s17, v61  }
0x229: {  	v30 =	vld [tilespmem:s0+$0x6EF0];
	v9 =	vmul.f32 v37, v0;
	v10 =	vmul.f32 s17, v62;
	[tilespmem:s0+$0x16E90] =	vst v7;
	v7 =	vadd.f32 v11, v12  }
0x22a: {  	v28 =	vld [tilespmem:s0+$0x6F00];
	v12 =	vadd.f32 v13, v14;
	v13 =	vmul.f32 v33, v0;
	v14 =	vmul.f32 s17, v58  }
0x22b: {  	v8 =	vld [tilespmem:s0+$0x7290]  }
0x22c: {  	v10 =	vadd.f32 v10, v9;
	v14 =	vadd.f32 v13, v14;
	v13 =	vld [tilespmem:$0x1FF90]  }
0x22d: {  	v6 =	vmul.f32 s17, v6;
	v9 =	vld [tilespmem:s0+$0x72A0];
	v11 =	vmul.f32 v34, v0  }
0x22e: {  	[tilespmem:s0+$0x16EA0] =	vst v10;
	v10 =	vld [tilespmem:s0+$0x72B0]  }
0x22f: {  	v15 =	vmul.f32 s17, v55;
	[tilespmem:s0+$0x16EB0] =	vst v7;
	v6 =	vadd.f32 v11, v6;
	v7 =	vmul.f32 v30, v0;
	v11 =	vld [tilespmem:s0+$0x72C0]  }
0x230: {  	v16 =	vmul.f32 v28, v0;
	v17 =	vmul.f32 s17, v53;
	[tilespmem:s0+$0x16EC0] =	vst v12;
	v12 =	vld [tilespmem:s0+$0x72D0]  }
0x231: {  	[tilespmem:s0+$0x16ED0] =	vst v6;
	v6 =	vadd.f32 v7, v15;
	v7 =	vmul.f32 v8, v0;
	v15 =	vmul.f32 s17, v13;
	v13 =	vld [tilespmem:s0+$0x72E0]  }
0x232: {  	v1 =	vmul.f32 s17, v1;
	v16 =	vadd.f32 v16, v17;
	v17 =	vmul.f32 v9, v0;
	[tilespmem:s0+$0x16EE0] =	vst v14;
	v14 =	vld [tilespmem:s0+$0x72F0]  }
0x233: {  	v2 =	vmul.f32 s17, v2;
	[tilespmem:s0+$0x16EF0] =	vst v6;
	v6 =	vadd.f32 v7, v15;
	v7 =	vmul.f32 v10, v0;
	v15 =	vld [tilespmem:s0+$0x7300]  }
0x234: {  	v3 =	vmul.f32 s17, v3;
	[tilespmem:s0+$0x16F00] =	vst v16;
	v16 =	vld [tilespmem:s0+$0x7690];
	v1 =	vadd.f32 v17, v1;
	v18 =	vmul.f32 v11, v0  }
0x235: {  	v4 =	vmul.f32 s17, v4;
	v17 =	vld [tilespmem:s0+$0x76A0];
	[tilespmem:s0+$0x17290] =	vst v6;
	v2 =	vadd.f32 v7, v2;
	v6 =	vmul.f32 v12, v0  }
0x236: {  	v5 =	vmul.f32 s17, v5;
	[tilespmem:s0+$0x172A0] =	vst v1;
	v1 =	vadd.f32 v18, v3;
	v18 =	vld [tilespmem:s0+$0x76B0];
	v3 =	vmul.f32 v13, v0  }
0x237: {  	v19 =	vld [tilespmem:s0+$0x76C0];
	[tilespmem:s0+$0x172B0] =	vst v2;
	v2 =	vadd.f32 v6, v4;
	v4 =	vmul.f32 v14, v0;
	v6 =	vmul.f32 s17, v39  }
0x238: {  	v20 =	vld [tilespmem:s0+$0x76D0];
	[tilespmem:s0+$0x172C0] =	vst v1;
	v1 =	vadd.f32 v3, v5;
	v3 =	vmul.f32 v15, v0;
	v5 =	vmul.f32 s17, v40  }
0x239: {  	v21 =	vld [tilespmem:s0+$0x76E0];
	[tilespmem:s0+$0x172D0] =	vst v2;
	v2 =	vadd.f32 v4, v6;
	v4 =	vmul.f32 v16, v0;
	v6 =	vmul.f32 s17, v41  }
0x23a: {  	v22 =	vld [tilespmem:s0+$0x76F0];
	[tilespmem:s0+$0x172E0] =	vst v1;
	v1 =	vadd.f32 v3, v5;
	v3 =	vmul.f32 v17, v0;
	v5 =	vmul.f32 s17, v42  }
0x23b: {  	v23 =	vld [tilespmem:s0+$0x7700];
	[tilespmem:s0+$0x172F0] =	vst v2;
	v2 =	vadd.f32 v4, v6;
	v4 =	vmul.f32 v18, v0;
	v6 =	vmul.f32 s17, v43  }
0x23c: {  	v24 =	vld [tilespmem:s0+$0x7A90];
	[tilespmem:s0+$0x17300] =	vst v1;
	v1 =	vadd.f32 v3, v5;
	v3 =	vmul.f32 v19, v0;
	v5 =	vmul.f32 s17, v44  }
0x23d: {  	v25 =	vld [tilespmem:s0+$0x7AA0];
	[tilespmem:s0+$0x17690] =	vst v2;
	v2 =	vadd.f32 v4, v6;
	v4 =	vmul.f32 v20, v0;
	v6 =	vmul.f32 s17, v45  }
0x23e: {  	v26 =	vld [tilespmem:s0+$0x7AB0];
	[tilespmem:s0+$0x176A0] =	vst v1;
	v1 =	vadd.f32 v3, v5;
	v3 =	vmul.f32 v21, v0;
	v5 =	vmul.f32 s17, v46  }
0x23f: {  	v7 =	vld [tilespmem:s0+$0x7AC0];
	[tilespmem:s0+$0x176B0] =	vst v2;
	v2 =	vadd.f32 v4, v6;
	v4 =	vmul.f32 v22, v0;
	v6 =	vmul.f32 s17, v47  }
0x240: {  	v27 =	vld [tilespmem:s0+$0x7AD0];
	[tilespmem:s0+$0x176C0] =	vst v1;
	v1 =	vadd.f32 v3, v5;
	v3 =	vmul.f32 v23, v0;
	v5 =	vmul.f32 s17, v48  }
0x241: {  	v29 =	vld [tilespmem:s0+$0x7AE0];
	[tilespmem:s0+$0x176D0] =	vst v2;
	v2 =	vadd.f32 v4, v6;
	v4 =	vmul.f32 v24, v0;
	v6 =	vmul.f32 s17, v49  }
0x242: {  	v31 =	vld [tilespmem:s0+$0x7AF0];
	[tilespmem:s0+$0x176E0] =	vst v1;
	v1 =	vadd.f32 v3, v5;
	v3 =	vmul.f32 v25, v0;
	v5 =	vmul.f32 s17, v50  }
0x243: {  	v32 =	vld [tilespmem:s0+$0x7B00];
	[tilespmem:s0+$0x176F0] =	vst v2;
	v2 =	vadd.f32 v4, v6;
	v4 =	vmul.f32 v26, v0;
	v6 =	vmul.f32 s17, v51  }
0x244: {  	[tilespmem:s0+$0x17700] =	vst v1;
	v1 =	vadd.f32 v3, v5;
	v3 =	vmul.f32 v7, v0;
	v5 =	vmul.f32 s17, v52  }
0x245: {  	[tilespmem:s0+$0x17A90] =	vst v2;
	v2 =	vadd.f32 v4, v6;
	v4 =	vmul.f32 v27, v0;
	v6 =	vmul.f32 s17, v54  }
0x246: {  	[tilespmem:s0+$0x17AA0] =	vst v1;
	v1 =	vadd.f32 v3, v5;
	v3 =	vmul.f32 v29, v0;
	v5 =	vmul.f32 s17, v56  }
0x247: {  	[tilespmem:s0+$0x17AB0] =	vst v2;
	v2 =	vadd.f32 v4, v6;
	v4 =	vmul.f32 v31, v0;
	v6 =	vmul.f32 s17, v57  }
0x248: {  	v0 =	vmul.f32 v32, v0;
	[tilespmem:s0+$0x17AC0] =	vst v1;
	v1 =	vadd.f32 v3, v5;
	v3 =	vmul.f32 s17, v59  }
0x249: {  	[tilespmem:s0+$0x17AD0] =	vst v2;
	v2 =	vadd.f32 v4, v6  }
0x24a: {  	[tilespmem:s0+$0x17AE0] =	vst v1;
	v0 =	vadd.f32 v0, v3  }
0x24b: {  	[tilespmem:s0+$0x17AF0] =	vst v2  }
0x24c: {  	s20 =	sadd.s32 $0x1, s25;
	[tilespmem:s0+$0x17B00] =	vst v0  }
0x24d: {  	s18 =	sor.u32 $0x20, s31;
	s21 =	simm.s32 $0x200;
	s22 =	simm.s32 $0x400;
	v0 =	vld [tilespmem:s20+$0x0]  }
.LBB2_31:
0x24e: {  	p4 =	sne.s32 s22, $0x3E00;
	_ =	sdelay $0x3  }
0x24f: {  	(v2sf) =	vpush v0, $0x0;
	_ =	sdelay $0x9  }
0x250: {  	s2 =	sadd.s32 $0x80, s2  }
0x251: {  	s0 =	sand.u32 $0x3000, s21;
	s21 =	smov.u32 s22;
	s17 =	sand.u32 $0x380, s2  }
0x252: {  	s23 =	sor.u32 s17, s0  }
0x253: {  	v1 =	vld [tilespmem:s23+$0x6E90]  }
0x254: {  	v2 =	vld [tilespmem:s23+$0x6EA0]  }
0x255: {  	v3 =	vld [tilespmem:s23+$0x6EB0];
	s0 =	spop (v2sf)  }
0x256: {  	v0 =	vbroadcast v0, $0x0;
	s0 =	ssub.f32 $1.000000000e+00, s0;
	v4 =	vld [tilespmem:s23+$0x6EC0]  }
0x257: {  	v5 =	vld [tilespmem:s23+$0x6ED0]  }
0x258: {  	v6 =	vmul.f32 v1, v0;
	v39 =	vmul.f32 s0, v38;
	v40 =	vld [tilespmem:s23+$0x6EE0];
	v38 =	vmov v1  }
0x259: {  	v41 =	vmul.f32 s0, v37;
	v1 =	vmul.f32 v2, v0;
	v42 =	vld [tilespmem:s23+$0x6EF0];
	v37 =	vmov v2  }
0x25a: {  	v2 =	vadd.f32 v39, v6;
	v6 =	vmul.f32 v3, v0;
	v39 =	vmul.f32 s0, v35;
	v43 =	vld [tilespmem:s23+$0x6F00];
	v35 =	vmovc v3  }
0x25b: {  	v1 =	vadd.f32 v41, v1;
	v3 =	vmul.f32 v4, v0;
	v41 =	vmul.f32 s0, v36;
	v44 =	vld [tilespmem:s23+$0x7290];
	v36 =	vmovc v4  }
0x25c: {  	[tilespmem:s23+$0x16E90] =	vst v2;
	v2 =	vadd.f32 v6, v39;
	v4 =	vmul.f32 v5, v0;
	v6 =	vmul.f32 s0, v34;
	v39 =	vld [tilespmem:s23+$0x72A0];
	v34 =	vmovc v5  }
0x25d: {  	v5 =	vmul.f32 s0, v33;
	[tilespmem:s23+$0x16EA0] =	vst v1;
	v1 =	vadd.f32 v3, v41;
	v3 =	vmul.f32 v40, v0;
	v41 =	vld [tilespmem:s23+$0x72B0];
	v33 =	vmovc v40  }
0x25e: {  	[tilespmem:s23+$0x16EB0] =	vst v2;
	v2 =	vadd.f32 v4, v6;
	v4 =	vmul.f32 v42, v0;
	v6 =	vmul.f32 s0, v30;
	v40 =	vld [tilespmem:s23+$0x72C0];
	v30 =	vmovc v42  }
0x25f: {  	[tilespmem:s23+$0x16EC0] =	vst v1;
	v1 =	vadd.f32 v3, v5;
	v3 =	vmul.f32 v43, v0;
	v5 =	vmul.f32 s0, v28;
	v42 =	vld [tilespmem:s23+$0x72D0];
	v28 =	vmovc v43  }
0x260: {  	[tilespmem:s23+$0x16ED0] =	vst v2;
	v2 =	vadd.f32 v4, v6;
	v4 =	vmul.f32 v44, v0;
	v6 =	vmul.f32 s0, v8;
	v43 =	vld [tilespmem:s23+$0x72E0];
	v8 =	vmovc v44  }
0x261: {  	[tilespmem:s23+$0x16EE0] =	vst v1;
	v1 =	vadd.f32 v3, v5;
	v3 =	vmul.f32 v39, v0;
	v5 =	vmul.f32 s0, v9;
	v44 =	vld [tilespmem:s23+$0x72F0];
	v9 =	vmovc v39  }
0x262: {  	[tilespmem:s23+$0x16EF0] =	vst v2;
	v2 =	vadd.f32 v4, v6;
	v4 =	vmul.f32 v41, v0;
	v6 =	vmul.f32 s0, v10;
	v39 =	vld [tilespmem:s23+$0x7300];
	v10 =	vmovc v41  }
0x263: {  	[tilespmem:s23+$0x16F00] =	vst v1;
	v1 =	vadd.f32 v3, v5;
	v3 =	vmul.f32 v40, v0;
	v5 =	vmul.f32 s0, v11;
	v41 =	vld [tilespmem:s23+$0x7690];
	v11 =	vmovc v40  }
0x264: {  	[tilespmem:s23+$0x17290] =	vst v2;
	v2 =	vadd.f32 v4, v6;
	v4 =	vmul.f32 v42, v0;
	v6 =	vmul.f32 s0, v12;
	v40 =	vld [tilespmem:s23+$0x76A0];
	v12 =	vmovc v42  }
0x265: {  	[tilespmem:s23+$0x172A0] =	vst v1;
	v1 =	vadd.f32 v3, v5;
	v3 =	vmul.f32 v43, v0;
	v5 =	vmul.f32 s0, v13;
	v42 =	vld [tilespmem:s23+$0x76B0];
	v13 =	vmovc v43  }
0x266: {  	[tilespmem:s23+$0x172B0] =	vst v2;
	v2 =	vadd.f32 v4, v6;
	v4 =	vmul.f32 v44, v0;
	v6 =	vmul.f32 s0, v14;
	v43 =	vld [tilespmem:s23+$0x76C0];
	v14 =	vmovc v44  }
0x267: {  	[tilespmem:s23+$0x172C0] =	vst v1;
	v1 =	vadd.f32 v3, v5;
	v3 =	vmul.f32 v39, v0;
	v5 =	vmul.f32 s0, v15;
	v44 =	vld [tilespmem:s23+$0x76D0];
	v15 =	vmovc v39  }
0x268: {  	[tilespmem:s23+$0x172D0] =	vst v2;
	v2 =	vadd.f32 v4, v6;
	v4 =	vmul.f32 v41, v0;
	v6 =	vmul.f32 s0, v16;
	v39 =	vld [tilespmem:s23+$0x76E0];
	v16 =	vmovc v41  }
0x269: {  	[tilespmem:s23+$0x172E0] =	vst v1;
	v1 =	vadd.f32 v3, v5;
	v3 =	vmul.f32 v40, v0;
	v5 =	vmul.f32 s0, v17;
	v41 =	vld [tilespmem:s23+$0x76F0];
	v17 =	vmovc v40  }
0x26a: {  	[tilespmem:s23+$0x172F0] =	vst v2;
	v2 =	vadd.f32 v4, v6;
	v4 =	vmul.f32 v42, v0;
	v6 =	vmul.f32 s0, v18;
	v40 =	vld [tilespmem:s23+$0x7700];
	v18 =	vmovc v42  }
0x26b: {  	[tilespmem:s23+$0x17300] =	vst v1;
	v1 =	vadd.f32 v3, v5;
	v3 =	vmul.f32 v43, v0;
	v5 =	vmul.f32 s0, v19;
	v42 =	vld [tilespmem:s23+$0x7A90];
	v19 =	vmovc v43  }
0x26c: {  	[tilespmem:s23+$0x17690] =	vst v2;
	v2 =	vadd.f32 v4, v6;
	v4 =	vmul.f32 v44, v0;
	v6 =	vmul.f32 s0, v20;
	v43 =	vld [tilespmem:s23+$0x7AA0];
	v20 =	vmovc v44  }
0x26d: {  	[tilespmem:s23+$0x176A0] =	vst v1;
	v1 =	vadd.f32 v3, v5;
	v3 =	vmul.f32 v39, v0;
	v5 =	vmul.f32 s0, v21;
	v44 =	vld [tilespmem:s23+$0x7AB0];
	v21 =	vmovc v39  }
0x26e: {  	[tilespmem:s23+$0x176B0] =	vst v2;
	v2 =	vadd.f32 v4, v6;
	v4 =	vmul.f32 v41, v0;
	v6 =	vmul.f32 s0, v22;
	v39 =	vld [tilespmem:s23+$0x7AC0];
	v22 =	vmovc v41  }
0x26f: {  	[tilespmem:s23+$0x176C0] =	vst v1;
	v1 =	vadd.f32 v3, v5;
	v3 =	vmul.f32 v40, v0;
	v5 =	vmul.f32 s0, v23;
	v41 =	vld [tilespmem:s23+$0x7AD0];
	v23 =	vmovc v40  }
0x270: {  	[tilespmem:s23+$0x176D0] =	vst v2;
	v2 =	vadd.f32 v4, v6;
	v4 =	vmul.f32 v42, v0;
	v6 =	vmul.f32 s0, v24;
	v40 =	vld [tilespmem:s23+$0x7AE0];
	v24 =	vmovc v42  }
0x271: {  	[tilespmem:s23+$0x176E0] =	vst v1;
	v1 =	vadd.f32 v3, v5;
	v3 =	vmul.f32 v43, v0;
	v5 =	vmul.f32 s0, v25;
	v42 =	vld [tilespmem:s23+$0x7AF0];
	v25 =	vmovc v43  }
0x272: {  	[tilespmem:s23+$0x176F0] =	vst v2;
	v2 =	vadd.f32 v4, v6;
	v4 =	vmul.f32 v44, v0;
	v6 =	vmul.f32 s0, v26;
	v43 =	vld [tilespmem:s23+$0x7B00];
	v26 =	vmovc v44  }
0x273: {  	[tilespmem:s23+$0x17700] =	vst v1;
	v1 =	vadd.f32 v3, v5;
	v3 =	vmul.f32 v39, v0;
	v5 =	vmul.f32 s0, v7;
	v7 =	vmovc v39  }
0x274: {  	[tilespmem:s23+$0x17A90] =	vst v2;
	v2 =	vadd.f32 v4, v6;
	v4 =	vmul.f32 v41, v0;
	v6 =	vmul.f32 s0, v27;
	v27 =	vmovc v41  }
0x275: {  	[tilespmem:s23+$0x17AA0] =	vst v1;
	v1 =	vadd.f32 v3, v5;
	v3 =	vmul.f32 v40, v0;
	v5 =	vmul.f32 s0, v29;
	v29 =	vmovc v40  }
0x276: {  	[tilespmem:s23+$0x17AB0] =	vst v2;
	v2 =	vadd.f32 v4, v6;
	v4 =	vmul.f32 v42, v0;
	v6 =	vmul.f32 s0, v31;
	v31 =	vmovc v42  }
0x277: {  	[tilespmem:s23+$0x17AC0] =	vst v1;
	v1 =	vadd.f32 v3, v5;
	v0 =	vmul.f32 v43, v0;
	v3 =	vmul.f32 s0, v32;
	v32 =	vmovc v43  }
.Ltmp17:
0x278: {  	[tilespmem:s23+$0x17AD0] =	vst v2;
	v2 =	vadd.f32 v4, v6;
	(pc) =	sbr.rel @p4 .LBB2_31-.Ltmp17, $4  }
0x279: {  	[tilespmem:s23+$0x17AE0] =	vst v1;
	v0 =	vadd.f32 v0, v3  }
0x27a: {  	[tilespmem:s23+$0x17AF0] =	vst v2  }
0x27b: {  	s20 =	sadd.s32 $0x1, s20;
	[tilespmem:s23+$0x17B00] =	vst v0  }
0x27c: {  	s22 =	sadd.s32 $0x200, s22;
	v0 =	vld [tilespmem:s20+$0x0]  }
0x27d: {  	_ =	sdelay $0x3  }
0x27e: {  	(v2sf) =	vpush v0, $0x0;
	_ =	sdelay $0x8  }
0x27f: {  	s0 =	sadd.s32 $0x80, s2  }
0x280: {  	s23 =	sand.u32 $0x3000, s21;
	s0 =	sand.u32 $0x380, s0  }
0x281: {  	s0 =	sor.u32 s0, s23  }
0x282: {  	v63 =	vld [tilespmem:s0+$0x6E90]  }
0x283: {  	v62 =	vld [tilespmem:s0+$0x6EA0]  }
0x284: {  	v6 =	vld [tilespmem:s0+$0x6EB0]  }
0x285: {  	v61 =	vld [tilespmem:s0+$0x6EC0];
	s17 =	spop (v2sf)  }
0x286: {  	v60 =	vld [tilespmem:s0+$0x6ED0];
	v0 =	vbroadcast v0, $0x0;
	s2 =	ssub.f32 $1.000000000e+00, s17  }
0x287: {  	v58 =	vld [tilespmem:s0+$0x6EE0]  }
0x288: {  	v55 =	vld [tilespmem:s0+$0x6EF0];
	v1 =	vmul.f32 v63, v0;
	v2 =	vmul.f32 s2, v38  }
0x289: {  	v53 =	vld [tilespmem:s0+$0x6F00];
	v3 =	vmul.f32 v62, v0;
	v4 =	vmul.f32 s2, v37  }
0x28a: {  	v50 =	vld [tilespmem:s0+$0x7290];
	v5 =	vmul.f32 s2, v35;
	v1 =	vadd.f32 v2, v1;
	v2 =	vmul.f32 v6, v0  }
0x28b: {  	v51 =	vmul.f32 v60, v0;
	v3 =	vadd.f32 v4, v3  }
0x28c: {  	v52 =	vmul.f32 v58, v0;
	v34 =	vmul.f32 s2, v34;
	[tilespmem:s0+$0x16E90] =	vst v1;
	v5 =	vadd.f32 v2, v5;
	v1 =	vld [tilespmem:s0+$0x72A0]  }
0x28d: {  	v49 =	vmul.f32 s2, v36;
	v4 =	vmul.f32 v61, v0;
	[tilespmem:s0+$0x16EA0] =	vst v3  }
0x28e: {  	v54 =	vmul.f32 v55, v0;
	v56 =	vmul.f32 v53, v0;
	v3 =	vld [tilespmem:s0+$0x72C0];
	[tilespmem:s0+$0x16EB0] =	vst v5;
	v5 =	vadd.f32 v51, v34  }
0x28f: {  	v57 =	vmul.f32 v50, v0;
	v28 =	vmul.f32 s2, v28;
	v4 =	vadd.f32 v4, v49;
	v2 =	vld [tilespmem:s0+$0x72B0]  }
0x290: {  	v33 =	vmul.f32 s2, v33;
	v30 =	vmul.f32 s2, v30;
	[tilespmem:s0+$0x16ED0] =	vst v5;
	v5 =	vld [tilespmem:s0+$0x72E0]  }
0x291: {  	v9 =	vmul.f32 s2, v9;
	v28 =	vadd.f32 v56, v28;
	[tilespmem:s0+$0x16EC0] =	vst v4;
	v4 =	vld [tilespmem:s0+$0x72D0];
	v59 =	vmul.f32 v1, v0  }
0x292: {  	v40 =	vld [tilespmem:s0+$0x7300];
	[tilespmem:$0x1FF80] =	vst v50;
	v8 =	vmul.f32 s2, v8;
	v10 =	vmul.f32 s2, v10;
	v30 =	vadd.f32 v54, v30  }
0x293: {  	v39 =	vld [tilespmem:s0+$0x72F0];
	v11 =	vmul.f32 s2, v11;
	[tilespmem:s0+$0x16F00] =	vst v28;
	v28 =	vmul.f32 v3, v0;
	v9 =	vadd.f32 v59, v9  }
0x294: {  	v42 =	vld [tilespmem:s0+$0x76A0];
	v12 =	vmul.f32 s2, v12;
	v8 =	vadd.f32 v57, v8;
	[tilespmem:s0+$0x16EF0] =	vst v30;
	v30 =	vmul.f32 v2, v0  }
0x295: {  	v41 =	vld [tilespmem:s0+$0x7690];
	v13 =	vmul.f32 s2, v13;
	[tilespmem:s0+$0x172A0] =	vst v9;
	v9 =	vadd.f32 v28, v11;
	v11 =	vmul.f32 v5, v0  }
0x296: {  	v44 =	vld [tilespmem:s0+$0x76C0];
	v33 =	vadd.f32 v52, v33;
	[tilespmem:s0+$0x17290] =	vst v8;
	v8 =	vadd.f32 v30, v10;
	v10 =	vmul.f32 v4, v0  }
0x297: {  	v43 =	vld [tilespmem:s0+$0x76B0];
	[tilespmem:s0+$0x172C0] =	vst v9;
	v9 =	vadd.f32 v11, v13;
	v11 =	vmul.f32 v40, v0;
	v13 =	vmul.f32 s2, v15  }
0x298: {  	v46 =	vld [tilespmem:s0+$0x76E0];
	[tilespmem:s0+$0x172B0] =	vst v8;
	v8 =	vadd.f32 v10, v12;
	v10 =	vmul.f32 v39, v0;
	v12 =	vmul.f32 s2, v14  }
0x299: {  	v45 =	vld [tilespmem:s0+$0x76D0];
	[tilespmem:s0+$0x172E0] =	vst v9;
	v9 =	vadd.f32 v11, v13;
	v11 =	vmul.f32 v42, v0;
	v13 =	vmul.f32 s2, v17  }
0x29a: {  	v48 =	vld [tilespmem:s0+$0x7700];
	[tilespmem:s0+$0x172D0] =	vst v8;
	v8 =	vadd.f32 v10, v12;
	v10 =	vmul.f32 v41, v0;
	v12 =	vmul.f32 s2, v16  }
0x29b: {  	v47 =	vld [tilespmem:s0+$0x76F0];
	[tilespmem:s0+$0x17300] =	vst v9;
	v9 =	vadd.f32 v11, v13;
	v11 =	vmul.f32 v44, v0;
	v13 =	vmul.f32 s2, v19  }
0x29c: {  	v50 =	vld [tilespmem:s0+$0x7AA0];
	[tilespmem:s0+$0x172F0] =	vst v8;
	v8 =	vadd.f32 v10, v12;
	v10 =	vmul.f32 v43, v0;
	v12 =	vmul.f32 s2, v18  }
0x29d: {  	v49 =	vld [tilespmem:s0+$0x7A90];
	[tilespmem:s0+$0x176A0] =	vst v9;
	v9 =	vadd.f32 v11, v13;
	v11 =	vmul.f32 v46, v0;
	v13 =	vmul.f32 s2, v21  }
0x29e: {  	v52 =	vld [tilespmem:s0+$0x7AC0];
	[tilespmem:s0+$0x17690] =	vst v8;
	v8 =	vadd.f32 v10, v12;
	v10 =	vmul.f32 v45, v0;
	v12 =	vmul.f32 s2, v20  }
0x29f: {  	v51 =	vld [tilespmem:s0+$0x7AB0];
	[tilespmem:s0+$0x176C0] =	vst v9;
	v9 =	vadd.f32 v11, v13;
	v11 =	vmul.f32 v48, v0;
	v13 =	vmul.f32 s2, v23  }
0x2a0: {  	v56 =	vld [tilespmem:s0+$0x7AE0];
	[tilespmem:s0+$0x176B0] =	vst v8;
	v8 =	vadd.f32 v10, v12;
	v10 =	vmul.f32 v47, v0;
	v12 =	vmul.f32 s2, v22  }
0x2a1: {  	v54 =	vld [tilespmem:s0+$0x7AD0];
	[tilespmem:s0+$0x176E0] =	vst v9;
	v9 =	vadd.f32 v11, v13;
	v11 =	vmul.f32 v50, v0;
	v13 =	vmul.f32 s2, v25  }
0x2a2: {  	[tilespmem:s0+$0x176D0] =	vst v8;
	v8 =	vadd.f32 v10, v12;
	v10 =	vmul.f32 v49, v0;
	v12 =	vmul.f32 s2, v24  }
0x2a3: {  	v7 =	vmul.f32 s2, v7;
	v57 =	vld [tilespmem:s0+$0x7AF0];
	[tilespmem:s0+$0x17700] =	vst v9;
	v9 =	vadd.f32 v11, v13;
	v11 =	vmul.f32 v52, v0  }
0x2a4: {  	v59 =	vld [tilespmem:s0+$0x7B00];
	[tilespmem:s0+$0x176F0] =	vst v8;
	v8 =	vadd.f32 v10, v12;
	v10 =	vmul.f32 v51, v0;
	v12 =	vmul.f32 s2, v26  }
0x2a5: {  	[tilespmem:s0+$0x17AA0] =	vst v9;
	v7 =	vadd.f32 v11, v7;
	v9 =	vmul.f32 v56, v0;
	v11 =	vmul.f32 s2, v29  }
0x2a6: {  	[tilespmem:s0+$0x17A90] =	vst v8;
	v8 =	vadd.f32 v10, v12;
	v10 =	vmul.f32 v54, v0;
	v12 =	vmul.f32 s2, v27  }
0x2a7: {  	[tilespmem:s0+$0x17AC0] =	vst v7;
	v7 =	vadd.f32 v9, v11;
	v11 =	vld [tilespmem:$0x1FFF0]  }
0x2a8: {  	[tilespmem:s0+$0x17AB0] =	vst v8;
	v8 =	vadd.f32 v10, v12;
	v10 =	vmul.f32 v57, v0;
	v12 =	vmul.f32 s2, v31  }
0x2a9: {  	[tilespmem:s0+$0x16EE0] =	vst v33;
	v0 =	vmul.f32 v59, v0;
	v9 =	vmul.f32 s2, v32  }
0x2aa: {  	[tilespmem:s0+$0x17AD0] =	vst v8;
	v8 =	vadd.f32 v10, v12  }
0x2ab: {  	s18 =	sadd.s32 s7, s18;
	[tilespmem:s0+$0x17AE0] =	vst v7;
	v0 =	vadd.f32 v0, v9  }
0x2ac: {  	p4 =	seq.s32 s29, $0x3;
	s2 =	sshll.u32 s18, $0x6;
	[tilespmem:s0+$0x17AF0] =	vst v8  }
0x2ad: {  	s20 =	sadd.s32 s3, s2;
	[tilespmem:s0+$0x17B00] =	vst v0;
	s0 =	sshrl.u32 @!p4 s30, $0x2  }
0x2ae: {  	[hbm4b:s20+s5] =	stream.linear.scatter [tilespmem:s16], [sflag:$0x6], $0x4000, $0x38;
	[tilespmem:$0x1AE90] =	vst v63  }
0x2af: {  	v0 =	vld.idx.msk @!p4 [tilespmem:v11+s0+$0xA0 ss:$0x1], $0xffff;
	_ =	sdelay $0x4  }
0x2b0: {  	v7 =	vshll.u32 @!p4 v0, $0x2  }
0x2b1: {  	v8 =	vlaneseq.u32 @!p4;
	v0 =	vand.u32 @!p4 $0x7, v0;
	v7 =	vand.u32 @!p4 $0xFFFFFFE0, v7  }
0x2b2: {  	v9 =	vshrl.u32 @!p4 v8, $0x3;
	v0 =	vor.u32 @!p4 v0, v7;
	v7 =	vand.u32 @!p4 $0x7, v8  }
0x2b3: {  	v9 =	vmul.u32 @!p4 $0x8, v9;
	v10 =	vperm.xlane @!p4 v0, v7;
	_ =	sdelay $0x1  }
0x2b4: {  	v10 =	vadd.s32 @!p4 v9, v10  }
0x2b5: {  	v8 =	vor.u32 @!p4 $0x8, v8  }
0x2b6: {  	v0 =	vperm.xlane @!p4 v0, v8;
	_ =	sdelay $0x1  }
0x2b7: {  	vm1 =	vmmov @!p4 $0xffff;
	s17 =	simm.s32 @!p4 $0x6E90;
	s2 =	simm.s32 @!p4 $0x0;
	v0 =	vadd.s32 @!p4 v9, v0  }
0x2b8: {  	[tilespmem:s17], [sflag:$0x2] =	stream.indirect_vreg.gather @!p4 [hbm4b:s1+s2], $0x80, v10, vm1, $0xb8;
	[tilespmem:$0x1AE90] =	vst v63  }
0x2b9: {  	s17 =	simm.s32 @!p4 $0x7690  }
0x2ba: {  	[tilespmem:s17], [sflag:$0x2] =	stream.indirect_vreg.gather @!p4 [hbm4b:s15+s2], $0x80, v10, vm1, $0xb8;
	[tilespmem:$0x1AE90] =	vst v63  }
0x2bb: {  	s17 =	simm.s32 @!p4 $0x7E90  }
0x2bc: {  	[tilespmem:s17], [sflag:$0x2] =	stream.indirect_vreg.gather @!p4 [hbm4b:s1+s2], $0x80, v0, vm1, $0xb8;
	[tilespmem:$0x1AE90] =	vst v63  }
0x2bd: {  	s17 =	simm.s32 @!p4 $0x8690  }
0x2be: {  	[tilespmem:s17], [sflag:$0x2] =	stream.indirect_vreg.gather @!p4 [hbm4b:s15+s2], $0x80, v0, vm1, $0xb8;
	[tilespmem:$0x1AE90] =	vst v63  }
0x2bf: {  	v0 =	vld.idx.msk @!p4 [tilespmem:v11+s0+$0xB0 ss:$0x1], $0xffff;
	_ =	sdelay $0x4  }
0x2c0: {  	v10 =	vshll.u32 @!p4 v0, $0x2  }
0x2c1: {  	v0 =	vand.u32 @!p4 $0x7, v0;
	v10 =	vand.u32 @!p4 $0xFFFFFFE0, v10  }
0x2c2: {  	v0 =	vor.u32 @!p4 v0, v10  }
0x2c3: {  	v7 =	vperm.xlane @!p4 v0, v7;
	_ =	sdelay $0x1  }
0x2c4: {  	v7 =	vadd.s32 @!p4 v9, v7;
	_ =	sdelay $0x1  }
0x2c5: {  	v0 =	vperm.xlane @!p4 v0, v8;
	_ =	sdelay $0x1  }
0x2c6: {  	s17 =	simm.s32 @!p4 $0x8E90;
	v0 =	vadd.s32 @!p4 v9, v0  }
0x2c7: {  	[tilespmem:s17], [sflag:$0x2] =	stream.indirect_vreg.gather @!p4 [hbm4b:s1+s2], $0x80, v7, vm1, $0xb8;
	[tilespmem:$0x1AE90] =	vst v63  }
0x2c8: {  	s17 =	simm.s32 @!p4 $0x9690  }
0x2c9: {  	[tilespmem:s17], [sflag:$0x2] =	stream.indirect_vreg.gather @!p4 [hbm4b:s15+s2], $0x80, v7, vm1, $0xb8;
	[tilespmem:$0x1AE90] =	vst v63  }
0x2ca: {  	s17 =	simm.s32 @!p4 $0x9E90  }
0x2cb: {  	[tilespmem:s17], [sflag:$0x2] =	stream.indirect_vreg.gather @!p4 [hbm4b:s1+s2], $0x80, v0, vm1, $0xb8;
	[tilespmem:$0x1AE90] =	vst v63  }
0x2cc: {  	s17 =	simm.s32 @!p4 $0xA690  }
0x2cd: {  	[tilespmem:s17], [sflag:$0x2] =	stream.indirect_vreg.gather @!p4 [hbm4b:s15+s2], $0x80, v0, vm1, $0xb8;
	[tilespmem:$0x1AE90] =	vst v63  }
0x2ce: {  	_ =	swait.ge [sflag:s8], $0x4000  }
0x2cf: {  	[sflag:s8] =	ssyncset.done $0x0  }
0x2d0: {  	[sflag:s8] =	ssyncadd.s32 $0xFFFFC000  }
0x2d1: {  	_ =	swait.ge [sflag:s9], $0x4000  }
0x2d2: {  	[sflag:s9] =	ssyncset.done $0x0  }
0x2d3: {  	[sflag:s9] =	ssyncadd.s32 $0xFFFFC000  }
0x2d4: {  	v0 =	vld [tilespmem:s26+$0x0];
	_ =	sdelay $0x4  }
0x2d5: {  	(v2sf) =	vpush v0, $0x0;
	_ =	sdelay $0x7  }
0x2d6: {  	s18 =	simm.s32 $0x0  }
0x2d7: {  	s21 =	sand.u32 $0x3000, s18;
	s22 =	sand.u32 $0x380, s18  }
0x2d8: {  	s17 =	sor.u32 s22, s21  }
0x2d9: {  	v38 =	vld [tilespmem:s17+$0xAE90]  }
0x2da: {  	v37 =	vld [tilespmem:s17+$0xAEA0]  }
0x2db: {  	v36 =	vld [tilespmem:s17+$0xAEC0];
	_ =	sdelay $0x1  }
0x2dc: {  	v33 =	vld [tilespmem:s17+$0xAEE0];
	v0 =	vbroadcast v0, $0x0;
	s23 =	spop (v2sf)  }
0x2dd: {  	v35 =	vld [tilespmem:s17+$0xAEB0];
	s2 =	ssub.f32 $1.000000000e+00, s23  }
0x2de: {  	v7 =	vmul.f32 v38, v0;
	v9 =	vmul.f32 v37, v0  }
0x2df: {  	v34 =	vld [tilespmem:s17+$0xAED0];
	v12 =	vmul.f32 v36, v0;
	v13 =	vmul.f32 s2, v61  }
0x2e0: {  	v30 =	vld [tilespmem:s17+$0xAEF0];
	v8 =	vmul.f32 s2, v63;
	v10 =	vmul.f32 s2, v62  }
0x2e1: {  	v28 =	vld [tilespmem:s17+$0xAF00];
	v14 =	vmul.f32 s2, v58;
	v12 =	vadd.f32 v12, v13;
	v13 =	vmul.f32 v33, v0  }
0x2e2: {  	v11 =	vmul.f32 v35, v0;
	v6 =	vmul.f32 s2, v6;
	v7 =	vadd.f32 v8, v7;
	v8 =	vld [tilespmem:s17+$0xB290]  }
0x2e3: {  	v10 =	vadd.f32 v10, v9;
	v14 =	vadd.f32 v13, v14;
	v13 =	vld [tilespmem:$0x1FF80]  }
0x2e4: {  	v6 =	vadd.f32 v11, v6;
	v11 =	vmul.f32 s2, v60;
	v9 =	vld [tilespmem:s17+$0xB2A0];
	[tilespmem:s17+$0x12E90] =	vst v7;
	v7 =	vmul.f32 v34, v0  }
0x2e5: {  	[tilespmem:s17+$0x12EA0] =	vst v10;
	v10 =	vld [tilespmem:s17+$0xB2B0]  }
0x2e6: {  	v15 =	vmul.f32 s2, v55;
	[tilespmem:s17+$0x12EB0] =	vst v6;
	v6 =	vadd.f32 v7, v11;
	v7 =	vmul.f32 v30, v0;
	v11 =	vld [tilespmem:s17+$0xB2C0]  }
0x2e7: {  	v16 =	vmul.f32 v28, v0;
	v17 =	vmul.f32 s2, v53;
	[tilespmem:s17+$0x12EC0] =	vst v12;
	v12 =	vld [tilespmem:s17+$0xB2D0]  }
0x2e8: {  	[tilespmem:s17+$0x12ED0] =	vst v6;
	v6 =	vadd.f32 v7, v15;
	v7 =	vmul.f32 v8, v0;
	v15 =	vmul.f32 s2, v13;
	v13 =	vld [tilespmem:s17+$0xB2E0]  }
0x2e9: {  	v1 =	vmul.f32 s2, v1;
	v16 =	vadd.f32 v16, v17;
	[tilespmem:s17+$0x12EE0] =	vst v14;
	v14 =	vld [tilespmem:s17+$0xB2F0];
	v17 =	vmul.f32 v9, v0  }
0x2ea: {  	v2 =	vmul.f32 s2, v2;
	[tilespmem:s17+$0x12EF0] =	vst v6;
	v6 =	vadd.f32 v7, v15;
	v7 =	vmul.f32 v10, v0;
	v15 =	vld [tilespmem:s17+$0xB300]  }
0x2eb: {  	v3 =	vmul.f32 s2, v3;
	[tilespmem:s17+$0x12F00] =	vst v16;
	v16 =	vld [tilespmem:s17+$0xB690];
	v1 =	vadd.f32 v17, v1;
	v18 =	vmul.f32 v11, v0  }
0x2ec: {  	v4 =	vmul.f32 s2, v4;
	v17 =	vld [tilespmem:s17+$0xB6A0];
	[tilespmem:s17+$0x13290] =	vst v6;
	v2 =	vadd.f32 v7, v2;
	v6 =	vmul.f32 v12, v0  }
0x2ed: {  	v5 =	vmul.f32 s2, v5;
	[tilespmem:s17+$0x132A0] =	vst v1;
	v1 =	vadd.f32 v18, v3;
	v18 =	vld [tilespmem:s17+$0xB6B0];
	v3 =	vmul.f32 v13, v0  }
0x2ee: {  	v19 =	vld [tilespmem:s17+$0xB6C0];
	[tilespmem:s17+$0x132B0] =	vst v2;
	v2 =	vadd.f32 v6, v4;
	v4 =	vmul.f32 v14, v0;
	v6 =	vmul.f32 s2, v39  }
0x2ef: {  	v20 =	vld [tilespmem:s17+$0xB6D0];
	[tilespmem:s17+$0x132C0] =	vst v1;
	v1 =	vadd.f32 v3, v5;
	v3 =	vmul.f32 v15, v0;
	v5 =	vmul.f32 s2, v40  }
0x2f0: {  	v21 =	vld [tilespmem:s17+$0xB6E0];
	[tilespmem:s17+$0x132D0] =	vst v2;
	v2 =	vadd.f32 v4, v6;
	v4 =	vmul.f32 v16, v0;
	v6 =	vmul.f32 s2, v41  }
0x2f1: {  	v22 =	vld [tilespmem:s17+$0xB6F0];
	[tilespmem:s17+$0x132E0] =	vst v1;
	v1 =	vadd.f32 v3, v5;
	v3 =	vmul.f32 v17, v0;
	v5 =	vmul.f32 s2, v42  }
0x2f2: {  	v23 =	vld [tilespmem:s17+$0xB700];
	[tilespmem:s17+$0x132F0] =	vst v2;
	v2 =	vadd.f32 v4, v6;
	v4 =	vmul.f32 v18, v0;
	v6 =	vmul.f32 s2, v43  }
0x2f3: {  	v24 =	vld [tilespmem:s17+$0xBA90];
	[tilespmem:s17+$0x13300] =	vst v1;
	v1 =	vadd.f32 v3, v5;
	v3 =	vmul.f32 v19, v0;
	v5 =	vmul.f32 s2, v44  }
0x2f4: {  	v25 =	vld [tilespmem:s17+$0xBAA0];
	[tilespmem:s17+$0x13690] =	vst v2;
	v2 =	vadd.f32 v4, v6;
	v4 =	vmul.f32 v20, v0;
	v6 =	vmul.f32 s2, v45  }
0x2f5: {  	v26 =	vld [tilespmem:s17+$0xBAB0];
	[tilespmem:s17+$0x136A0] =	vst v1;
	v1 =	vadd.f32 v3, v5;
	v3 =	vmul.f32 v21, v0;
	v5 =	vmul.f32 s2, v46  }
0x2f6: {  	v7 =	vld [tilespmem:s17+$0xBAC0];
	[tilespmem:s17+$0x136B0] =	vst v2;
	v2 =	vadd.f32 v4, v6;
	v4 =	vmul.f32 v22, v0;
	v6 =	vmul.f32 s2, v47  }
0x2f7: {  	v27 =	vld [tilespmem:s17+$0xBAD0];
	[tilespmem:s17+$0x136C0] =	vst v1;
	v1 =	vadd.f32 v3, v5;
	v3 =	vmul.f32 v23, v0;
	v5 =	vmul.f32 s2, v48  }
0x2f8: {  	v29 =	vld [tilespmem:s17+$0xBAE0];
	[tilespmem:s17+$0x136D0] =	vst v2;
	v2 =	vadd.f32 v4, v6;
	v4 =	vmul.f32 v24, v0;
	v6 =	vmul.f32 s2, v49  }
0x2f9: {  	v31 =	vld [tilespmem:s17+$0xBAF0];
	[tilespmem:s17+$0x136E0] =	vst v1;
	v1 =	vadd.f32 v3, v5;
	v3 =	vmul.f32 v25, v0;
	v5 =	vmul.f32 s2, v50  }
0x2fa: {  	v32 =	vld [tilespmem:s17+$0xBB00];
	[tilespmem:s17+$0x136F0] =	vst v2;
	v2 =	vadd.f32 v4, v6;
	v4 =	vmul.f32 v26, v0;
	v6 =	vmul.f32 s2, v51  }
0x2fb: {  	[tilespmem:s17+$0x13700] =	vst v1;
	v1 =	vadd.f32 v3, v5;
	v3 =	vmul.f32 v7, v0;
	v5 =	vmul.f32 s2, v52  }
0x2fc: {  	[tilespmem:s17+$0x13A90] =	vst v2;
	v2 =	vadd.f32 v4, v6;
	v4 =	vmul.f32 v27, v0;
	v6 =	vmul.f32 s2, v54  }
0x2fd: {  	[tilespmem:s17+$0x13AA0] =	vst v1;
	v1 =	vadd.f32 v3, v5;
	v3 =	vmul.f32 v29, v0;
	v5 =	vmul.f32 s2, v56  }
0x2fe: {  	[tilespmem:s17+$0x13AB0] =	vst v2;
	v2 =	vadd.f32 v4, v6;
	v4 =	vmul.f32 v31, v0;
	v6 =	vmul.f32 s2, v57  }
0x2ff: {  	v0 =	vmul.f32 v32, v0;
	[tilespmem:s17+$0x13AC0] =	vst v1;
	v1 =	vadd.f32 v3, v5;
	v3 =	vmul.f32 s2, v59  }
0x300: {  	[tilespmem:s17+$0x13AD0] =	vst v2;
	v2 =	vadd.f32 v4, v6  }
0x301: {  	[tilespmem:s17+$0x13AE0] =	vst v1;
	v0 =	vadd.f32 v0, v3  }
0x302: {  	[tilespmem:s17+$0x13AF0] =	vst v2  }
0x303: {  	s20 =	sor.u32 $0x40, s31;
	s21 =	sadd.s32 $0x1, s26;
	[tilespmem:s17+$0x13B00] =	vst v0  }
0x304: {  	s22 =	simm.s32 $0x200;
	s23 =	simm.s32 $0x400;
	s2 =	sadd.s32 @!p4 s0, s14;
	v0 =	vld [tilespmem:s21+$0x0]  }
.LBB2_33:
0x305: {  	p5 =	sne.s32 s23, $0x3E00;
	_ =	sdelay $0x3  }
0x306: {  	(v2sf) =	vpush v0, $0x0;
	_ =	sdelay $0x9  }
0x307: {  	s18 =	sadd.s32 $0x80, s18  }
0x308: {  	s0 =	sand.u32 $0x3000, s22;
	s22 =	smov.u32 s23;
	s17 =	sand.u32 $0x380, s18  }
0x309: {  	s0 =	sor.u32 s17, s0  }
0x30a: {  	v1 =	vld [tilespmem:s0+$0xAE90]  }
0x30b: {  	v2 =	vld [tilespmem:s0+$0xAEA0]  }
0x30c: {  	v3 =	vld [tilespmem:s0+$0xAEB0];
	s17 =	spop (v2sf)  }
0x30d: {  	v0 =	vbroadcast v0, $0x0;
	s17 =	ssub.f32 $1.000000000e+00, s17;
	v4 =	vld [tilespmem:s0+$0xAEC0]  }
0x30e: {  	v5 =	vld [tilespmem:s0+$0xAED0]  }
0x30f: {  	v6 =	vmul.f32 v1, v0;
	v39 =	vmul.f32 s17, v38;
	v40 =	vld [tilespmem:s0+$0xAEE0];
	v38 =	vmov v1  }
0x310: {  	v41 =	vmul.f32 s17, v37;
	v1 =	vmul.f32 v2, v0;
	v42 =	vld [tilespmem:s0+$0xAEF0];
	v37 =	vmov v2  }
0x311: {  	v2 =	vadd.f32 v39, v6;
	v6 =	vmul.f32 v3, v0;
	v39 =	vmul.f32 s17, v35;
	v43 =	vld [tilespmem:s0+$0xAF00];
	v35 =	vmovc v3  }
0x312: {  	v1 =	vadd.f32 v41, v1;
	v3 =	vmul.f32 v4, v0;
	v41 =	vmul.f32 s17, v36;
	v44 =	vld [tilespmem:s0+$0xB290];
	v36 =	vmovc v4  }
0x313: {  	[tilespmem:s0+$0x12E90] =	vst v2;
	v2 =	vadd.f32 v6, v39;
	v4 =	vmul.f32 v5, v0;
	v6 =	vmul.f32 s17, v34;
	v39 =	vld [tilespmem:s0+$0xB2A0];
	v34 =	vmovc v5  }
0x314: {  	v5 =	vmul.f32 s17, v33;
	[tilespmem:s0+$0x12EA0] =	vst v1;
	v1 =	vadd.f32 v3, v41;
	v3 =	vmul.f32 v40, v0;
	v41 =	vld [tilespmem:s0+$0xB2B0];
	v33 =	vmovc v40  }
0x315: {  	[tilespmem:s0+$0x12EB0] =	vst v2;
	v2 =	vadd.f32 v4, v6;
	v4 =	vmul.f32 v42, v0;
	v6 =	vmul.f32 s17, v30;
	v40 =	vld [tilespmem:s0+$0xB2C0];
	v30 =	vmovc v42  }
0x316: {  	[tilespmem:s0+$0x12EC0] =	vst v1;
	v1 =	vadd.f32 v3, v5;
	v3 =	vmul.f32 v43, v0;
	v5 =	vmul.f32 s17, v28;
	v42 =	vld [tilespmem:s0+$0xB2D0];
	v28 =	vmovc v43  }
0x317: {  	[tilespmem:s0+$0x12ED0] =	vst v2;
	v2 =	vadd.f32 v4, v6;
	v4 =	vmul.f32 v44, v0;
	v6 =	vmul.f32 s17, v8;
	v43 =	vld [tilespmem:s0+$0xB2E0];
	v8 =	vmovc v44  }
0x318: {  	[tilespmem:s0+$0x12EE0] =	vst v1;
	v1 =	vadd.f32 v3, v5;
	v3 =	vmul.f32 v39, v0;
	v5 =	vmul.f32 s17, v9;
	v44 =	vld [tilespmem:s0+$0xB2F0];
	v9 =	vmovc v39  }
0x319: {  	[tilespmem:s0+$0x12EF0] =	vst v2;
	v2 =	vadd.f32 v4, v6;
	v4 =	vmul.f32 v41, v0;
	v6 =	vmul.f32 s17, v10;
	v39 =	vld [tilespmem:s0+$0xB300];
	v10 =	vmovc v41  }
0x31a: {  	[tilespmem:s0+$0x12F00] =	vst v1;
	v1 =	vadd.f32 v3, v5;
	v3 =	vmul.f32 v40, v0;
	v5 =	vmul.f32 s17, v11;
	v41 =	vld [tilespmem:s0+$0xB690];
	v11 =	vmovc v40  }
0x31b: {  	[tilespmem:s0+$0x13290] =	vst v2;
	v2 =	vadd.f32 v4, v6;
	v4 =	vmul.f32 v42, v0;
	v6 =	vmul.f32 s17, v12;
	v40 =	vld [tilespmem:s0+$0xB6A0];
	v12 =	vmovc v42  }
0x31c: {  	[tilespmem:s0+$0x132A0] =	vst v1;
	v1 =	vadd.f32 v3, v5;
	v3 =	vmul.f32 v43, v0;
	v5 =	vmul.f32 s17, v13;
	v42 =	vld [tilespmem:s0+$0xB6B0];
	v13 =	vmovc v43  }
0x31d: {  	[tilespmem:s0+$0x132B0] =	vst v2;
	v2 =	vadd.f32 v4, v6;
	v4 =	vmul.f32 v44, v0;
	v6 =	vmul.f32 s17, v14;
	v43 =	vld [tilespmem:s0+$0xB6C0];
	v14 =	vmovc v44  }
0x31e: {  	[tilespmem:s0+$0x132C0] =	vst v1;
	v1 =	vadd.f32 v3, v5;
	v3 =	vmul.f32 v39, v0;
	v5 =	vmul.f32 s17, v15;
	v44 =	vld [tilespmem:s0+$0xB6D0];
	v15 =	vmovc v39  }
0x31f: {  	[tilespmem:s0+$0x132D0] =	vst v2;
	v2 =	vadd.f32 v4, v6;
	v4 =	vmul.f32 v41, v0;
	v6 =	vmul.f32 s17, v16;
	v39 =	vld [tilespmem:s0+$0xB6E0];
	v16 =	vmovc v41  }
0x320: {  	[tilespmem:s0+$0x132E0] =	vst v1;
	v1 =	vadd.f32 v3, v5;
	v3 =	vmul.f32 v40, v0;
	v5 =	vmul.f32 s17, v17;
	v41 =	vld [tilespmem:s0+$0xB6F0];
	v17 =	vmovc v40  }
0x321: {  	[tilespmem:s0+$0x132F0] =	vst v2;
	v2 =	vadd.f32 v4, v6;
	v4 =	vmul.f32 v42, v0;
	v6 =	vmul.f32 s17, v18;
	v40 =	vld [tilespmem:s0+$0xB700];
	v18 =	vmovc v42  }
0x322: {  	[tilespmem:s0+$0x13300] =	vst v1;
	v1 =	vadd.f32 v3, v5;
	v3 =	vmul.f32 v43, v0;
	v5 =	vmul.f32 s17, v19;
	v42 =	vld [tilespmem:s0+$0xBA90];
	v19 =	vmovc v43  }
0x323: {  	[tilespmem:s0+$0x13690] =	vst v2;
	v2 =	vadd.f32 v4, v6;
	v4 =	vmul.f32 v44, v0;
	v6 =	vmul.f32 s17, v20;
	v43 =	vld [tilespmem:s0+$0xBAA0];
	v20 =	vmovc v44  }
0x324: {  	[tilespmem:s0+$0x136A0] =	vst v1;
	v1 =	vadd.f32 v3, v5;
	v3 =	vmul.f32 v39, v0;
	v5 =	vmul.f32 s17, v21;
	v44 =	vld [tilespmem:s0+$0xBAB0];
	v21 =	vmovc v39  }
0x325: {  	[tilespmem:s0+$0x136B0] =	vst v2;
	v2 =	vadd.f32 v4, v6;
	v4 =	vmul.f32 v41, v0;
	v6 =	vmul.f32 s17, v22;
	v39 =	vld [tilespmem:s0+$0xBAC0];
	v22 =	vmovc v41  }
0x326: {  	[tilespmem:s0+$0x136C0] =	vst v1;
	v1 =	vadd.f32 v3, v5;
	v3 =	vmul.f32 v40, v0;
	v5 =	vmul.f32 s17, v23;
	v41 =	vld [tilespmem:s0+$0xBAD0];
	v23 =	vmovc v40  }
0x327: {  	[tilespmem:s0+$0x136D0] =	vst v2;
	v2 =	vadd.f32 v4, v6;
	v4 =	vmul.f32 v42, v0;
	v6 =	vmul.f32 s17, v24;
	v40 =	vld [tilespmem:s0+$0xBAE0];
	v24 =	vmovc v42  }
0x328: {  	[tilespmem:s0+$0x136E0] =	vst v1;
	v1 =	vadd.f32 v3, v5;
	v3 =	vmul.f32 v43, v0;
	v5 =	vmul.f32 s17, v25;
	v42 =	vld [tilespmem:s0+$0xBAF0];
	v25 =	vmovc v43  }
0x329: {  	[tilespmem:s0+$0x136F0] =	vst v2;
	v2 =	vadd.f32 v4, v6;
	v4 =	vmul.f32 v44, v0;
	v6 =	vmul.f32 s17, v26;
	v43 =	vld [tilespmem:s0+$0xBB00];
	v26 =	vmovc v44  }
0x32a: {  	[tilespmem:s0+$0x13700] =	vst v1;
	v1 =	vadd.f32 v3, v5;
	v3 =	vmul.f32 v39, v0;
	v5 =	vmul.f32 s17, v7;
	v7 =	vmovc v39  }
0x32b: {  	[tilespmem:s0+$0x13A90] =	vst v2;
	v2 =	vadd.f32 v4, v6;
	v4 =	vmul.f32 v41, v0;
	v6 =	vmul.f32 s17, v27;
	v27 =	vmovc v41  }
0x32c: {  	[tilespmem:s0+$0x13AA0] =	vst v1;
	v1 =	vadd.f32 v3, v5;
	v3 =	vmul.f32 v40, v0;
	v5 =	vmul.f32 s17, v29;
	v29 =	vmovc v40  }
0x32d: {  	[tilespmem:s0+$0x13AB0] =	vst v2;
	v2 =	vadd.f32 v4, v6;
	v4 =	vmul.f32 v42, v0;
	v6 =	vmul.f32 s17, v31;
	v31 =	vmovc v42  }
0x32e: {  	[tilespmem:s0+$0x13AC0] =	vst v1;
	v1 =	vadd.f32 v3, v5;
	v0 =	vmul.f32 v43, v0;
	v3 =	vmul.f32 s17, v32;
	v32 =	vmovc v43  }
.Ltmp18:
0x32f: {  	[tilespmem:s0+$0x13AD0] =	vst v2;
	v2 =	vadd.f32 v4, v6;
	(pc) =	sbr.rel @p5 .LBB2_33-.Ltmp18, $4  }
0x330: {  	[tilespmem:s0+$0x13AE0] =	vst v1;
	v0 =	vadd.f32 v0, v3  }
0x331: {  	[tilespmem:s0+$0x13AF0] =	vst v2  }
0x332: {  	s21 =	sadd.s32 $0x1, s21;
	[tilespmem:s0+$0x13B00] =	vst v0  }
0x333: {  	s23 =	sadd.s32 $0x200, s23;
	v0 =	vld [tilespmem:s21+$0x0]  }
0x334: {  	_ =	sdelay $0x3  }
0x335: {  	(v2sf) =	vpush v0, $0x0;
	_ =	sdelay $0x8  }
0x336: {  	s0 =	sadd.s32 $0x80, s18  }
0x337: {  	s17 =	sand.u32 $0x3000, s22;
	s0 =	sand.u32 $0x380, s0  }
0x338: {  	s0 =	sor.u32 s0, s17  }
0x339: {  	v63 =	vld [tilespmem:s0+$0xAE90]  }
0x33a: {  	v62 =	vld [tilespmem:s0+$0xAEA0]  }
0x33b: {  	v60 =	vld [tilespmem:s0+$0xAEB0]  }
0x33c: {  	v61 =	vld [tilespmem:s0+$0xAEC0];
	s23 =	spop (v2sf)  }
0x33d: {  	v50 =	vld [tilespmem:s0+$0xB290];
	v0 =	vbroadcast v0, $0x0;
	s17 =	ssub.f32 $1.000000000e+00, s23  }
0x33e: {  	v6 =	vld [tilespmem:s0+$0xAED0]  }
0x33f: {  	v58 =	vld [tilespmem:s0+$0xAEE0];
	v1 =	vmul.f32 v63, v0;
	v2 =	vmul.f32 s17, v38  }
0x340: {  	v55 =	vld [tilespmem:s0+$0xAEF0];
	v3 =	vmul.f32 v62, v0;
	v4 =	vmul.f32 s17, v37  }
0x341: {  	v53 =	vld [tilespmem:s0+$0xAF00];
	v5 =	vmul.f32 s17, v35;
	v1 =	vadd.f32 v2, v1;
	v2 =	vmul.f32 v60, v0  }
0x342: {  	[tilespmem:$0x1FF70] =	vst v50;
	v49 =	vmul.f32 s17, v36;
	v3 =	vadd.f32 v4, v3;
	v4 =	vmul.f32 v61, v0  }
0x343: {  	v51 =	vmul.f32 v6, v0;
	v34 =	vmul.f32 s17, v34;
	[tilespmem:s0+$0x12E90] =	vst v1;
	v5 =	vadd.f32 v2, v5;
	v1 =	vld [tilespmem:s0+$0xB2A0]  }
0x344: {  	v52 =	vmul.f32 v58, v0;
	v33 =	vmul.f32 s17, v33;
	[tilespmem:s0+$0x12EA0] =	vst v3;
	v4 =	vadd.f32 v4, v49;
	v2 =	vld [tilespmem:s0+$0xB2B0]  }
0x345: {  	v54 =	vmul.f32 v55, v0;
	v30 =	vmul.f32 s17, v30;
	v3 =	vld [tilespmem:s0+$0xB2C0];
	[tilespmem:s0+$0x12EB0] =	vst v5;
	v5 =	vadd.f32 v51, v34  }
0x346: {  	v56 =	vmul.f32 v53, v0;
	v28 =	vmul.f32 s17, v28;
	v33 =	vadd.f32 v52, v33;
	[tilespmem:s0+$0x12EC0] =	vst v4;
	v4 =	vld [tilespmem:s0+$0xB2D0]  }
0x347: {  	v57 =	vmul.f32 v50, v0;
	v8 =	vmul.f32 s17, v8;
	v30 =	vadd.f32 v54, v30;
	[tilespmem:s0+$0x12ED0] =	vst v5;
	v5 =	vld [tilespmem:s0+$0xB2E0]  }
0x348: {  	v39 =	vld [tilespmem:s0+$0xB2F0];
	v9 =	vmul.f32 s17, v9;
	v28 =	vadd.f32 v56, v28;
	[tilespmem:s0+$0x12EE0] =	vst v33;
	v59 =	vmul.f32 v1, v0  }
0x349: {  	v40 =	vld [tilespmem:s0+$0xB300];
	v10 =	vmul.f32 s17, v10;
	v8 =	vadd.f32 v57, v8;
	[tilespmem:s0+$0x12EF0] =	vst v30;
	v30 =	vmul.f32 v2, v0  }
0x34a: {  	v41 =	vld [tilespmem:s0+$0xB690];
	v11 =	vmul.f32 s17, v11;
	[tilespmem:s0+$0x12F00] =	vst v28;
	v28 =	vmul.f32 v3, v0;
	v9 =	vadd.f32 v59, v9  }
0x34b: {  	v42 =	vld [tilespmem:s0+$0xB6A0];
	v12 =	vmul.f32 s17, v12;
	[tilespmem:s0+$0x13290] =	vst v8;
	v8 =	vadd.f32 v30, v10;
	v10 =	vmul.f32 v4, v0  }
0x34c: {  	v43 =	vld [tilespmem:s0+$0xB6B0];
	v13 =	vmul.f32 s17, v13;
	[tilespmem:s0+$0x132A0] =	vst v9;
	v9 =	vadd.f32 v28, v11;
	v11 =	vmul.f32 v5, v0  }
0x34d: {  	v44 =	vld [tilespmem:s0+$0xB6C0];
	[tilespmem:s0+$0x132B0] =	vst v8;
	v8 =	vadd.f32 v10, v12;
	v10 =	vmul.f32 v39, v0;
	v12 =	vmul.f32 s17, v14  }
0x34e: {  	v45 =	vld [tilespmem:s0+$0xB6D0];
	[tilespmem:s0+$0x132C0] =	vst v9;
	v9 =	vadd.f32 v11, v13;
	v11 =	vmul.f32 v40, v0;
	v13 =	vmul.f32 s17, v15  }
0x34f: {  	v46 =	vld [tilespmem:s0+$0xB6E0];
	[tilespmem:s0+$0x132D0] =	vst v8;
	v8 =	vadd.f32 v10, v12;
	v10 =	vmul.f32 v41, v0;
	v12 =	vmul.f32 s17, v16  }
0x350: {  	v47 =	vld [tilespmem:s0+$0xB6F0];
	[tilespmem:s0+$0x132E0] =	vst v9;
	v9 =	vadd.f32 v11, v13;
	v11 =	vmul.f32 v42, v0;
	v13 =	vmul.f32 s17, v17  }
0x351: {  	v48 =	vld [tilespmem:s0+$0xB700];
	[tilespmem:s0+$0x132F0] =	vst v8;
	v8 =	vadd.f32 v10, v12;
	v10 =	vmul.f32 v43, v0;
	v12 =	vmul.f32 s17, v18  }
0x352: {  	v49 =	vld [tilespmem:s0+$0xBA90];
	[tilespmem:s0+$0x13300] =	vst v9;
	v9 =	vadd.f32 v11, v13;
	v11 =	vmul.f32 v44, v0;
	v13 =	vmul.f32 s17, v19  }
0x353: {  	v50 =	vld [tilespmem:s0+$0xBAA0];
	[tilespmem:s0+$0x13690] =	vst v8;
	v8 =	vadd.f32 v10, v12;
	v10 =	vmul.f32 v45, v0;
	v12 =	vmul.f32 s17, v20  }
0x354: {  	v51 =	vld [tilespmem:s0+$0xBAB0];
	[tilespmem:s0+$0x136A0] =	vst v9;
	v9 =	vadd.f32 v11, v13;
	v11 =	vmul.f32 v46, v0;
	v13 =	vmul.f32 s17, v21  }
0x355: {  	v52 =	vld [tilespmem:s0+$0xBAC0];
	[tilespmem:s0+$0x136B0] =	vst v8;
	v8 =	vadd.f32 v10, v12;
	v10 =	vmul.f32 v47, v0;
	v12 =	vmul.f32 s17, v22  }
0x356: {  	v54 =	vld [tilespmem:s0+$0xBAD0];
	[tilespmem:s0+$0x136C0] =	vst v9;
	v9 =	vadd.f32 v11, v13;
	v11 =	vmul.f32 v48, v0;
	v13 =	vmul.f32 s17, v23  }
0x357: {  	v56 =	vld [tilespmem:s0+$0xBAE0];
	[tilespmem:s0+$0x136D0] =	vst v8;
	v8 =	vadd.f32 v10, v12;
	v10 =	vmul.f32 v49, v0;
	v12 =	vmul.f32 s17, v24  }
0x358: {  	v57 =	vld [tilespmem:s0+$0xBAF0];
	[tilespmem:s0+$0x136E0] =	vst v9;
	v9 =	vadd.f32 v11, v13;
	v11 =	vmul.f32 v50, v0;
	v13 =	vmul.f32 s17, v25  }
0x359: {  	v59 =	vld [tilespmem:s0+$0xBB00];
	[tilespmem:s0+$0x136F0] =	vst v8;
	v8 =	vadd.f32 v10, v12;
	v10 =	vmul.f32 v51, v0;
	v12 =	vmul.f32 s17, v26  }
0x35a: {  	v7 =	vmul.f32 s17, v7;
	[tilespmem:s0+$0x13700] =	vst v9;
	v9 =	vadd.f32 v11, v13;
	v11 =	vmul.f32 v52, v0  }
0x35b: {  	[tilespmem:s0+$0x13A90] =	vst v8;
	v8 =	vadd.f32 v10, v12;
	v10 =	vmul.f32 v54, v0;
	v12 =	vmul.f32 s17, v27  }
0x35c: {  	[tilespmem:s0+$0x13AA0] =	vst v9;
	v7 =	vadd.f32 v11, v7;
	v9 =	vmul.f32 v56, v0;
	v11 =	vmul.f32 s17, v29  }
0x35d: {  	[tilespmem:s0+$0x13AB0] =	vst v8;
	v8 =	vadd.f32 v10, v12;
	v10 =	vmul.f32 v57, v0;
	v12 =	vmul.f32 s17, v31  }
0x35e: {  	v0 =	vmul.f32 v59, v0;
	[tilespmem:s0+$0x13AC0] =	vst v7;
	v7 =	vadd.f32 v9, v11;
	v9 =	vmul.f32 s17, v32  }
0x35f: {  	[tilespmem:s0+$0x13AD0] =	vst v8;
	v8 =	vadd.f32 v10, v12  }
0x360: {  	s18 =	sadd.s32 s7, s20;
	[tilespmem:s0+$0x13AE0] =	vst v7;
	v0 =	vadd.f32 v0, v9  }
0x361: {  	s17 =	sshll.u32 s18, $0x6;
	[tilespmem:s0+$0x13AF0] =	vst v8  }
0x362: {  	s20 =	sadd.s32 s3, s17;
	[tilespmem:s0+$0x13B00] =	vst v0  }
0x363: {  	[hbm4b:s20+s5] =	stream.linear.scatter [tilespmem:s11], [sflag:$0x5], $0x4000, $0x38;
	[tilespmem:$0x1AE90] =	vst v63  }
0x364: {  	v0 =	vld @!p4 [tilespmem:s2+$0xC0];
	_ =	sdelay $0x4  }
0x365: {  	v7 =	vshll.u32 @!p4 v0, $0x2  }
0x366: {  	v8 =	vlaneseq.u32 @!p4;
	v0 =	vand.u32 @!p4 $0x7, v0;
	v7 =	vand.u32 @!p4 $0xFFFFFFE0, v7  }
0x367: {  	v9 =	vshrl.u32 @!p4 v8, $0x3;
	v0 =	vor.u32 @!p4 v0, v7;
	v7 =	vand.u32 @!p4 $0x7, v8  }
0x368: {  	v9 =	vmul.u32 @!p4 $0x8, v9;
	v10 =	vperm.xlane @!p4 v0, v7;
	_ =	sdelay $0x1  }
0x369: {  	v10 =	vadd.s32 @!p4 v9, v10  }
0x36a: {  	v8 =	vor.u32 @!p4 $0x8, v8  }
0x36b: {  	v0 =	vperm.xlane @!p4 v0, v8;
	_ =	sdelay $0x1  }
0x36c: {  	s17 =	simm.s32 @!p4 $0xAE90;
	s0 =	simm.s32 @!p4 $0x0;
	v0 =	vadd.s32 @!p4 v9, v0  }
0x36d: {  	[tilespmem:s17], [sflag:$0x3] =	stream.indirect_vreg.gather @!p4 [hbm4b:s1+s0], $0x80, v10, vm1, $0xb8;
	[tilespmem:$0x1AE90] =	vst v63  }
0x36e: {  	s17 =	simm.s32 @!p4 $0xB690  }
0x36f: {  	[tilespmem:s17], [sflag:$0x3] =	stream.indirect_vreg.gather @!p4 [hbm4b:s15+s0], $0x80, v10, vm1, $0xb8;
	[tilespmem:$0x1AE90] =	vst v63  }
0x370: {  	s17 =	simm.s32 @!p4 $0xBE90  }
0x371: {  	[tilespmem:s17], [sflag:$0x3] =	stream.indirect_vreg.gather @!p4 [hbm4b:s1+s0], $0x80, v0, vm1, $0xb8;
	[tilespmem:$0x1AE90] =	vst v63  }
0x372: {  	s17 =	simm.s32 @!p4 $0xC690  }
0x373: {  	[tilespmem:s17], [sflag:$0x3] =	stream.indirect_vreg.gather @!p4 [hbm4b:s15+s0], $0x80, v0, vm1, $0xb8;
	[tilespmem:$0x1AE90] =	vst v63  }
0x374: {  	v0 =	vld @!p4 [tilespmem:s2+$0xD0];
	_ =	sdelay $0x4  }
0x375: {  	v10 =	vshll.u32 @!p4 v0, $0x2  }
0x376: {  	v0 =	vand.u32 @!p4 $0x7, v0;
	v10 =	vand.u32 @!p4 $0xFFFFFFE0, v10  }
0x377: {  	v0 =	vor.u32 @!p4 v0, v10  }
0x378: {  	v7 =	vperm.xlane @!p4 v0, v7;
	_ =	sdelay $0x1  }
0x379: {  	v7 =	vadd.s32 @!p4 v9, v7;
	_ =	sdelay $0x1  }
0x37a: {  	v0 =	vperm.xlane @!p4 v0, v8;
	_ =	sdelay $0x1  }
0x37b: {  	s2 =	simm.s32 @!p4 $0xCE90;
	v0 =	vadd.s32 @!p4 v9, v0  }
0x37c: {  	[tilespmem:s2], [sflag:$0x3] =	stream.indirect_vreg.gather @!p4 [hbm4b:s1+s0], $0x80, v7, vm1, $0xb8;
	[tilespmem:$0x1AE90] =	vst v63  }
0x37d: {  	s2 =	simm.s32 @!p4 $0xD690  }
0x37e: {  	[tilespmem:s2], [sflag:$0x3] =	stream.indirect_vreg.gather @!p4 [hbm4b:s15+s0], $0x80, v7, vm1, $0xb8;
	[tilespmem:$0x1AE90] =	vst v63  }
0x37f: {  	s2 =	simm.s32 @!p4 $0xDE90  }
0x380: {  	[tilespmem:s2], [sflag:$0x3] =	stream.indirect_vreg.gather @!p4 [hbm4b:s1+s0], $0x80, v0, vm1, $0xb8;
	[tilespmem:$0x1AE90] =	vst v63  }
0x381: {  	s2 =	simm.s32 @!p4 $0xE690  }
0x382: {  	[tilespmem:s2], [sflag:$0x3] =	stream.indirect_vreg.gather @!p4 [hbm4b:s15+s0], $0x80, v0, vm1, $0xb8;
	[tilespmem:$0x1AE90] =	vst v63  }
0x383: {  	_ =	swait.ge [sflag:s19], $0x4000  }
0x384: {  	[sflag:s19] =	ssyncset.done $0x0  }
0x385: {  	[sflag:s19] =	ssyncadd.s32 $0xFFFFC000  }
0x386: {  	_ =	swait.ge [sflag:s13], $0x4000  }
0x387: {  	[sflag:s13] =	ssyncset.done $0x0  }
0x388: {  	[sflag:s13] =	ssyncadd.s32 $0xFFFFC000  }
0x389: {  	v0 =	vld [tilespmem:s28+$0x0];
	_ =	sdelay $0x4  }
0x38a: {  	(v2sf) =	vpush v0, $0x0;
	_ =	sdelay $0x9  }
0x38b: {  	s2 =	simm.s32 $0x0  }
0x38c: {  	s21 =	sand.u32 $0x3000, s2;
	s22 =	sand.u32 $0x380, s2  }
0x38d: {  	s0 =	sor.u32 s22, s21  }
0x38e: {  	v38 =	vld [tilespmem:s0+$0xEE90];
	_ =	sdelay $0x1  }
0x38f: {  	v35 =	vld [tilespmem:s0+$0xEEB0];
	s23 =	spop (v2sf)  }
0x390: {  	v36 =	vld [tilespmem:s0+$0xEEC0];
	v0 =	vbroadcast v0, $0x0;
	s17 =	ssub.f32 $1.000000000e+00, s23  }
0x391: {  	v37 =	vld [tilespmem:s0+$0xEEA0]  }
0x392: {  	v33 =	vld [tilespmem:s0+$0xEEE0];
	v7 =	vmul.f32 v38, v0;
	v8 =	vmul.f32 s17, v63;
	_ =	sdelay $0x1  }
0x393: {  	v11 =	vmul.f32 v35, v0;
	v12 =	vmul.f32 s17, v60;
	v7 =	vadd.f32 v8, v7  }
0x394: {  	v34 =	vld [tilespmem:s0+$0xEED0];
	v13 =	vmul.f32 v36, v0;
	v14 =	vmul.f32 s17, v61  }
0x395: {  	v30 =	vld [tilespmem:s0+$0xEEF0];
	v9 =	vmul.f32 v37, v0;
	v10 =	vmul.f32 s17, v62;
	[tilespmem:s0+$0x16E90] =	vst v7;
	v7 =	vadd.f32 v11, v12  }
0x396: {  	v28 =	vld [tilespmem:s0+$0xEF00];
	v12 =	vadd.f32 v13, v14;
	v13 =	vmul.f32 v33, v0;
	v14 =	vmul.f32 s17, v58  }
0x397: {  	v8 =	vld [tilespmem:s0+$0xF290]  }
0x398: {  	v10 =	vadd.f32 v10, v9;
	v14 =	vadd.f32 v13, v14;
	v13 =	vld [tilespmem:$0x1FF70]  }
0x399: {  	v6 =	vmul.f32 s17, v6;
	v9 =	vld [tilespmem:s0+$0xF2A0];
	v11 =	vmul.f32 v34, v0  }
0x39a: {  	[tilespmem:s0+$0x16EA0] =	vst v10;
	v10 =	vld [tilespmem:s0+$0xF2B0]  }
0x39b: {  	v15 =	vmul.f32 s17, v55;
	[tilespmem:s0+$0x16EB0] =	vst v7;
	v6 =	vadd.f32 v11, v6;
	v7 =	vmul.f32 v30, v0;
	v11 =	vld [tilespmem:s0+$0xF2C0]  }
0x39c: {  	v16 =	vmul.f32 v28, v0;
	v17 =	vmul.f32 s17, v53;
	[tilespmem:s0+$0x16EC0] =	vst v12;
	v12 =	vld [tilespmem:s0+$0xF2D0]  }
0x39d: {  	[tilespmem:s0+$0x16ED0] =	vst v6;
	v6 =	vadd.f32 v7, v15;
	v7 =	vmul.f32 v8, v0;
	v15 =	vmul.f32 s17, v13;
	v13 =	vld [tilespmem:s0+$0xF2E0]  }
0x39e: {  	v1 =	vmul.f32 s17, v1;
	v16 =	vadd.f32 v16, v17;
	v17 =	vmul.f32 v9, v0;
	[tilespmem:s0+$0x16EE0] =	vst v14;
	v14 =	vld [tilespmem:s0+$0xF2F0]  }
0x39f: {  	v2 =	vmul.f32 s17, v2;
	[tilespmem:s0+$0x16EF0] =	vst v6;
	v6 =	vadd.f32 v7, v15;
	v7 =	vmul.f32 v10, v0;
	v15 =	vld [tilespmem:s0+$0xF300]  }
0x3a0: {  	v3 =	vmul.f32 s17, v3;
	[tilespmem:s0+$0x16F00] =	vst v16;
	v16 =	vld [tilespmem:s0+$0xF690];
	v1 =	vadd.f32 v17, v1;
	v18 =	vmul.f32 v11, v0  }
0x3a1: {  	v4 =	vmul.f32 s17, v4;
	v17 =	vld [tilespmem:s0+$0xF6A0];
	[tilespmem:s0+$0x17290] =	vst v6;
	v2 =	vadd.f32 v7, v2;
	v6 =	vmul.f32 v12, v0  }
0x3a2: {  	v5 =	vmul.f32 s17, v5;
	[tilespmem:s0+$0x172A0] =	vst v1;
	v1 =	vadd.f32 v18, v3;
	v18 =	vld [tilespmem:s0+$0xF6B0];
	v3 =	vmul.f32 v13, v0  }
0x3a3: {  	v19 =	vld [tilespmem:s0+$0xF6C0];
	[tilespmem:s0+$0x172B0] =	vst v2;
	v2 =	vadd.f32 v6, v4;
	v4 =	vmul.f32 v14, v0;
	v6 =	vmul.f32 s17, v39  }
0x3a4: {  	v20 =	vld [tilespmem:s0+$0xF6D0];
	[tilespmem:s0+$0x172C0] =	vst v1;
	v1 =	vadd.f32 v3, v5;
	v3 =	vmul.f32 v15, v0;
	v5 =	vmul.f32 s17, v40  }
0x3a5: {  	v21 =	vld [tilespmem:s0+$0xF6E0];
	[tilespmem:s0+$0x172D0] =	vst v2;
	v2 =	vadd.f32 v4, v6;
	v4 =	vmul.f32 v16, v0;
	v6 =	vmul.f32 s17, v41  }
0x3a6: {  	v22 =	vld [tilespmem:s0+$0xF6F0];
	[tilespmem:s0+$0x172E0] =	vst v1;
	v1 =	vadd.f32 v3, v5;
	v3 =	vmul.f32 v17, v0;
	v5 =	vmul.f32 s17, v42  }
0x3a7: {  	v23 =	vld [tilespmem:s0+$0xF700];
	[tilespmem:s0+$0x172F0] =	vst v2;
	v2 =	vadd.f32 v4, v6;
	v4 =	vmul.f32 v18, v0;
	v6 =	vmul.f32 s17, v43  }
0x3a8: {  	v24 =	vld [tilespmem:s0+$0xFA90];
	[tilespmem:s0+$0x17300] =	vst v1;
	v1 =	vadd.f32 v3, v5;
	v3 =	vmul.f32 v19, v0;
	v5 =	vmul.f32 s17, v44  }
0x3a9: {  	v25 =	vld [tilespmem:s0+$0xFAA0];
	[tilespmem:s0+$0x17690] =	vst v2;
	v2 =	vadd.f32 v4, v6;
	v4 =	vmul.f32 v20, v0;
	v6 =	vmul.f32 s17, v45  }
0x3aa: {  	v26 =	vld [tilespmem:s0+$0xFAB0];
	[tilespmem:s0+$0x176A0] =	vst v1;
	v1 =	vadd.f32 v3, v5;
	v3 =	vmul.f32 v21, v0;
	v5 =	vmul.f32 s17, v46  }
0x3ab: {  	v7 =	vld [tilespmem:s0+$0xFAC0];
	[tilespmem:s0+$0x176B0] =	vst v2;
	v2 =	vadd.f32 v4, v6;
	v4 =	vmul.f32 v22, v0;
	v6 =	vmul.f32 s17, v47  }
0x3ac: {  	v27 =	vld [tilespmem:s0+$0xFAD0];
	[tilespmem:s0+$0x176C0] =	vst v1;
	v1 =	vadd.f32 v3, v5;
	v3 =	vmul.f32 v23, v0;
	v5 =	vmul.f32 s17, v48  }
0x3ad: {  	v29 =	vld [tilespmem:s0+$0xFAE0];
	[tilespmem:s0+$0x176D0] =	vst v2;
	v2 =	vadd.f32 v4, v6;
	v4 =	vmul.f32 v24, v0;
	v6 =	vmul.f32 s17, v49  }
0x3ae: {  	v31 =	vld [tilespmem:s0+$0xFAF0];
	[tilespmem:s0+$0x176E0] =	vst v1;
	v1 =	vadd.f32 v3, v5;
	v3 =	vmul.f32 v25, v0;
	v5 =	vmul.f32 s17, v50  }
0x3af: {  	v32 =	vld [tilespmem:s0+$0xFB00];
	[tilespmem:s0+$0x176F0] =	vst v2;
	v2 =	vadd.f32 v4, v6;
	v4 =	vmul.f32 v26, v0;
	v6 =	vmul.f32 s17, v51  }
0x3b0: {  	[tilespmem:s0+$0x17700] =	vst v1;
	v1 =	vadd.f32 v3, v5;
	v3 =	vmul.f32 v7, v0;
	v5 =	vmul.f32 s17, v52  }
0x3b1: {  	[tilespmem:s0+$0x17A90] =	vst v2;
	v2 =	vadd.f32 v4, v6;
	v4 =	vmul.f32 v27, v0;
	v6 =	vmul.f32 s17, v54  }
0x3b2: {  	[tilespmem:s0+$0x17AA0] =	vst v1;
	v1 =	vadd.f32 v3, v5;
	v3 =	vmul.f32 v29, v0;
	v5 =	vmul.f32 s17, v56  }
0x3b3: {  	[tilespmem:s0+$0x17AB0] =	vst v2;
	v2 =	vadd.f32 v4, v6;
	v4 =	vmul.f32 v31, v0;
	v6 =	vmul.f32 s17, v57  }
0x3b4: {  	v0 =	vmul.f32 v32, v0;
	[tilespmem:s0+$0x17AC0] =	vst v1;
	v1 =	vadd.f32 v3, v5;
	v3 =	vmul.f32 s17, v59  }
0x3b5: {  	[tilespmem:s0+$0x17AD0] =	vst v2;
	v2 =	vadd.f32 v4, v6  }
0x3b6: {  	[tilespmem:s0+$0x17AE0] =	vst v1;
	v0 =	vadd.f32 v0, v3  }
0x3b7: {  	[tilespmem:s0+$0x17AF0] =	vst v2  }
0x3b8: {  	s20 =	sadd.s32 $0x1, s28;
	[tilespmem:s0+$0x17B00] =	vst v0  }
0x3b9: {  	s18 =	sor.u32 $0x60, s31;
	s21 =	simm.s32 $0x200;
	s22 =	simm.s32 $0x400;
	v0 =	vld [tilespmem:s20+$0x0]  }
.LBB2_35:
0x3ba: {  	p5 =	sne.s32 s22, $0x3E00;
	_ =	sdelay $0x3  }
0x3bb: {  	(v2sf) =	vpush v0, $0x0;
	_ =	sdelay $0x9  }
0x3bc: {  	s2 =	sadd.s32 $0x80, s2  }
0x3bd: {  	s0 =	sand.u32 $0x3000, s21;
	s21 =	smov.u32 s22;
	s17 =	sand.u32 $0x380, s2  }
0x3be: {  	s0 =	sor.u32 s17, s0  }
0x3bf: {  	v1 =	vld [tilespmem:s0+$0xEE90]  }
0x3c0: {  	v2 =	vld [tilespmem:s0+$0xEEA0]  }
0x3c1: {  	v3 =	vld [tilespmem:s0+$0xEEB0];
	s17 =	spop (v2sf)  }
0x3c2: {  	v0 =	vbroadcast v0, $0x0;
	s17 =	ssub.f32 $1.000000000e+00, s17;
	v4 =	vld [tilespmem:s0+$0xEEC0]  }
0x3c3: {  	v5 =	vld [tilespmem:s0+$0xEED0]  }
0x3c4: {  	v6 =	vmul.f32 v1, v0;
	v39 =	vmul.f32 s17, v38;
	v40 =	vld [tilespmem:s0+$0xEEE0];
	v38 =	vmov v1  }
0x3c5: {  	v41 =	vmul.f32 s17, v37;
	v1 =	vmul.f32 v2, v0;
	v42 =	vld [tilespmem:s0+$0xEEF0];
	v37 =	vmov v2  }
0x3c6: {  	v2 =	vadd.f32 v39, v6;
	v6 =	vmul.f32 v3, v0;
	v39 =	vmul.f32 s17, v35;
	v43 =	vld [tilespmem:s0+$0xEF00];
	v35 =	vmovc v3  }
0x3c7: {  	v1 =	vadd.f32 v41, v1;
	v3 =	vmul.f32 v4, v0;
	v41 =	vmul.f32 s17, v36;
	v44 =	vld [tilespmem:s0+$0xF290];
	v36 =	vmovc v4  }
0x3c8: {  	[tilespmem:s0+$0x16E90] =	vst v2;
	v2 =	vadd.f32 v6, v39;
	v4 =	vmul.f32 v5, v0;
	v6 =	vmul.f32 s17, v34;
	v39 =	vld [tilespmem:s0+$0xF2A0];
	v34 =	vmovc v5  }
0x3c9: {  	v5 =	vmul.f32 s17, v33;
	[tilespmem:s0+$0x16EA0] =	vst v1;
	v1 =	vadd.f32 v3, v41;
	v3 =	vmul.f32 v40, v0;
	v41 =	vld [tilespmem:s0+$0xF2B0];
	v33 =	vmovc v40  }
0x3ca: {  	[tilespmem:s0+$0x16EB0] =	vst v2;
	v2 =	vadd.f32 v4, v6;
	v4 =	vmul.f32 v42, v0;
	v6 =	vmul.f32 s17, v30;
	v40 =	vld [tilespmem:s0+$0xF2C0];
	v30 =	vmovc v42  }
0x3cb: {  	[tilespmem:s0+$0x16EC0] =	vst v1;
	v1 =	vadd.f32 v3, v5;
	v3 =	vmul.f32 v43, v0;
	v5 =	vmul.f32 s17, v28;
	v42 =	vld [tilespmem:s0+$0xF2D0];
	v28 =	vmovc v43  }
0x3cc: {  	[tilespmem:s0+$0x16ED0] =	vst v2;
	v2 =	vadd.f32 v4, v6;
	v4 =	vmul.f32 v44, v0;
	v6 =	vmul.f32 s17, v8;
	v43 =	vld [tilespmem:s0+$0xF2E0];
	v8 =	vmovc v44  }
0x3cd: {  	[tilespmem:s0+$0x16EE0] =	vst v1;
	v1 =	vadd.f32 v3, v5;
	v3 =	vmul.f32 v39, v0;
	v5 =	vmul.f32 s17, v9;
	v44 =	vld [tilespmem:s0+$0xF2F0];
	v9 =	vmovc v39  }
0x3ce: {  	[tilespmem:s0+$0x16EF0] =	vst v2;
	v2 =	vadd.f32 v4, v6;
	v4 =	vmul.f32 v41, v0;
	v6 =	vmul.f32 s17, v10;
	v39 =	vld [tilespmem:s0+$0xF300];
	v10 =	vmovc v41  }
0x3cf: {  	[tilespmem:s0+$0x16F00] =	vst v1;
	v1 =	vadd.f32 v3, v5;
	v3 =	vmul.f32 v40, v0;
	v5 =	vmul.f32 s17, v11;
	v41 =	vld [tilespmem:s0+$0xF690];
	v11 =	vmovc v40  }
0x3d0: {  	[tilespmem:s0+$0x17290] =	vst v2;
	v2 =	vadd.f32 v4, v6;
	v4 =	vmul.f32 v42, v0;
	v6 =	vmul.f32 s17, v12;
	v40 =	vld [tilespmem:s0+$0xF6A0];
	v12 =	vmovc v42  }
0x3d1: {  	[tilespmem:s0+$0x172A0] =	vst v1;
	v1 =	vadd.f32 v3, v5;
	v3 =	vmul.f32 v43, v0;
	v5 =	vmul.f32 s17, v13;
	v42 =	vld [tilespmem:s0+$0xF6B0];
	v13 =	vmovc v43  }
0x3d2: {  	[tilespmem:s0+$0x172B0] =	vst v2;
	v2 =	vadd.f32 v4, v6;
	v4 =	vmul.f32 v44, v0;
	v6 =	vmul.f32 s17, v14;
	v43 =	vld [tilespmem:s0+$0xF6C0];
	v14 =	vmovc v44  }
0x3d3: {  	[tilespmem:s0+$0x172C0] =	vst v1;
	v1 =	vadd.f32 v3, v5;
	v3 =	vmul.f32 v39, v0;
	v5 =	vmul.f32 s17, v15;
	v44 =	vld [tilespmem:s0+$0xF6D0];
	v15 =	vmovc v39  }
0x3d4: {  	[tilespmem:s0+$0x172D0] =	vst v2;
	v2 =	vadd.f32 v4, v6;
	v4 =	vmul.f32 v41, v0;
	v6 =	vmul.f32 s17, v16;
	v39 =	vld [tilespmem:s0+$0xF6E0];
	v16 =	vmovc v41  }
0x3d5: {  	[tilespmem:s0+$0x172E0] =	vst v1;
	v1 =	vadd.f32 v3, v5;
	v3 =	vmul.f32 v40, v0;
	v5 =	vmul.f32 s17, v17;
	v41 =	vld [tilespmem:s0+$0xF6F0];
	v17 =	vmovc v40  }
0x3d6: {  	[tilespmem:s0+$0x172F0] =	vst v2;
	v2 =	vadd.f32 v4, v6;
	v4 =	vmul.f32 v42, v0;
	v6 =	vmul.f32 s17, v18;
	v40 =	vld [tilespmem:s0+$0xF700];
	v18 =	vmovc v42  }
0x3d7: {  	[tilespmem:s0+$0x17300] =	vst v1;
	v1 =	vadd.f32 v3, v5;
	v3 =	vmul.f32 v43, v0;
	v5 =	vmul.f32 s17, v19;
	v42 =	vld [tilespmem:s0+$0xFA90];
	v19 =	vmovc v43  }
0x3d8: {  	[tilespmem:s0+$0x17690] =	vst v2;
	v2 =	vadd.f32 v4, v6;
	v4 =	vmul.f32 v44, v0;
	v6 =	vmul.f32 s17, v20;
	v43 =	vld [tilespmem:s0+$0xFAA0];
	v20 =	vmovc v44  }
0x3d9: {  	[tilespmem:s0+$0x176A0] =	vst v1;
	v1 =	vadd.f32 v3, v5;
	v3 =	vmul.f32 v39, v0;
	v5 =	vmul.f32 s17, v21;
	v44 =	vld [tilespmem:s0+$0xFAB0];
	v21 =	vmovc v39  }
0x3da: {  	[tilespmem:s0+$0x176B0] =	vst v2;
	v2 =	vadd.f32 v4, v6;
	v4 =	vmul.f32 v41, v0;
	v6 =	vmul.f32 s17, v22;
	v39 =	vld [tilespmem:s0+$0xFAC0];
	v22 =	vmovc v41  }
0x3db: {  	[tilespmem:s0+$0x176C0] =	vst v1;
	v1 =	vadd.f32 v3, v5;
	v3 =	vmul.f32 v40, v0;
	v5 =	vmul.f32 s17, v23;
	v41 =	vld [tilespmem:s0+$0xFAD0];
	v23 =	vmovc v40  }
0x3dc: {  	[tilespmem:s0+$0x176D0] =	vst v2;
	v2 =	vadd.f32 v4, v6;
	v4 =	vmul.f32 v42, v0;
	v6 =	vmul.f32 s17, v24;
	v40 =	vld [tilespmem:s0+$0xFAE0];
	v24 =	vmovc v42  }
0x3dd: {  	[tilespmem:s0+$0x176E0] =	vst v1;
	v1 =	vadd.f32 v3, v5;
	v3 =	vmul.f32 v43, v0;
	v5 =	vmul.f32 s17, v25;
	v42 =	vld [tilespmem:s0+$0xFAF0];
	v25 =	vmovc v43  }
0x3de: {  	[tilespmem:s0+$0x176F0] =	vst v2;
	v2 =	vadd.f32 v4, v6;
	v4 =	vmul.f32 v44, v0;
	v6 =	vmul.f32 s17, v26;
	v43 =	vld [tilespmem:s0+$0xFB00];
	v26 =	vmovc v44  }
0x3df: {  	[tilespmem:s0+$0x17700] =	vst v1;
	v1 =	vadd.f32 v3, v5;
	v3 =	vmul.f32 v39, v0;
	v5 =	vmul.f32 s17, v7;
	v7 =	vmovc v39  }
0x3e0: {  	[tilespmem:s0+$0x17A90] =	vst v2;
	v2 =	vadd.f32 v4, v6;
	v4 =	vmul.f32 v41, v0;
	v6 =	vmul.f32 s17, v27;
	v27 =	vmovc v41  }
0x3e1: {  	[tilespmem:s0+$0x17AA0] =	vst v1;
	v1 =	vadd.f32 v3, v5;
	v3 =	vmul.f32 v40, v0;
	v5 =	vmul.f32 s17, v29;
	v29 =	vmovc v40  }
0x3e2: {  	[tilespmem:s0+$0x17AB0] =	vst v2;
	v2 =	vadd.f32 v4, v6;
	v4 =	vmul.f32 v42, v0;
	v6 =	vmul.f32 s17, v31;
	v31 =	vmovc v42  }
0x3e3: {  	[tilespmem:s0+$0x17AC0] =	vst v1;
	v1 =	vadd.f32 v3, v5;
	v0 =	vmul.f32 v43, v0;
	v3 =	vmul.f32 s17, v32;
	v32 =	vmovc v43  }
.Ltmp19:
0x3e4: {  	[tilespmem:s0+$0x17AD0] =	vst v2;
	v2 =	vadd.f32 v4, v6;
	(pc) =	sbr.rel @p5 .LBB2_35-.Ltmp19, $4  }
0x3e5: {  	[tilespmem:s0+$0x17AE0] =	vst v1;
	v0 =	vadd.f32 v0, v3  }
0x3e6: {  	[tilespmem:s0+$0x17AF0] =	vst v2  }
0x3e7: {  	s20 =	sadd.s32 $0x1, s20;
	[tilespmem:s0+$0x17B00] =	vst v0  }
0x3e8: {  	s22 =	sadd.s32 $0x200, s22;
	v0 =	vld [tilespmem:s20+$0x0]  }
0x3e9: {  	_ =	sdelay $0x3  }
0x3ea: {  	(v2sf) =	vpush v0, $0x0;
	_ =	sdelay $0x9  }
0x3eb: {  	s0 =	sadd.s32 $0x80, s2  }
0x3ec: {  	s21 =	sand.u32 $0x3000, s21;
	s0 =	sand.u32 $0x380, s0  }
0x3ed: {  	s0 =	sor.u32 s0, s21  }
0x3ee: {  	v54 =	vld [tilespmem:s0+$0xEE90]  }
0x3ef: {  	v52 =	vld [tilespmem:s0+$0xEEA0]  }
0x3f0: {  	v48 =	vld [tilespmem:s0+$0xEEB0];
	s22 =	spop (v2sf)  }
0x3f1: {  	v50 =	vld [tilespmem:s0+$0xEEC0];
	v39 =	vbroadcast v0, $0x0;
	s2 =	ssub.f32 $1.000000000e+00, s22  }
0x3f2: {  	v45 =	vld [tilespmem:s0+$0xEED0]  }
0x3f3: {  	v43 =	vld [tilespmem:s0+$0xEEE0];
	v0 =	vmul.f32 v54, v39;
	v1 =	vmul.f32 s2, v38  }
0x3f4: {  	v41 =	vld [tilespmem:s0+$0xEEF0];
	v2 =	vmul.f32 v52, v39;
	v3 =	vmul.f32 s2, v37  }
0x3f5: {  	v40 =	vld [tilespmem:s0+$0xEF00];
	v4 =	vmul.f32 s2, v35;
	v0 =	vadd.f32 v1, v0;
	v1 =	vmul.f32 v48, v39  }
0x3f6: {  	v6 =	vld [tilespmem:s0+$0xF290];
	v5 =	vmul.f32 s2, v36;
	v2 =	vadd.f32 v3, v2;
	v3 =	vmul.f32 v50, v39  }
0x3f7: {  	v42 =	vld [tilespmem:s0+$0xF2A0];
	[tilespmem:s0+$0x16E90] =	vst v0;
	v0 =	vadd.f32 v1, v4;
	v1 =	vmul.f32 v45, v39;
	v4 =	vmul.f32 s2, v34  }
0x3f8: {  	v44 =	vld [tilespmem:s0+$0xF2B0];
	[tilespmem:s0+$0x16EA0] =	vst v2;
	v2 =	vadd.f32 v3, v5;
	v3 =	vmul.f32 v43, v39;
	v5 =	vmul.f32 s2, v33  }
0x3f9: {  	v46 =	vld [tilespmem:s0+$0xF2C0];
	[tilespmem:s0+$0x16EB0] =	vst v0;
	v0 =	vadd.f32 v1, v4;
	v1 =	vmul.f32 v41, v39;
	v4 =	vmul.f32 s2, v30  }
0x3fa: {  	v47 =	vld [tilespmem:s0+$0xF2D0];
	[tilespmem:s0+$0x16EC0] =	vst v2;
	v2 =	vadd.f32 v3, v5;
	v3 =	vmul.f32 v40, v39;
	v5 =	vmul.f32 s2, v28  }
0x3fb: {  	v49 =	vld [tilespmem:s0+$0xF2E0];
	[tilespmem:s0+$0x16ED0] =	vst v0;
	v0 =	vadd.f32 v1, v4;
	v1 =	vmul.f32 v6, v39  }
0x3fc: {  	v51 =	vld [tilespmem:s0+$0xF2F0];
	v4 =	vmul.f32 s2, v8;
	[tilespmem:s0+$0x16EE0] =	vst v2;
	v2 =	vadd.f32 v3, v5;
	v3 =	vmul.f32 v42, v39  }
0x3fd: {  	v53 =	vld [tilespmem:s0+$0xF300];
	v28 =	vmov v6;
	v5 =	vmul.f32 s2, v9;
	v6 =	vmul.f32 s2, v19  }
0x3fe: {  	v55 =	vld [tilespmem:s0+$0xF690];
	[tilespmem:s0+$0x16EF0] =	vst v0;
	v0 =	vadd.f32 v1, v4;
	v1 =	vmul.f32 v44, v39;
	v4 =	vmul.f32 s2, v10  }
0x3ff: {  	v60 =	vld [tilespmem:s0+$0xF6E0];
	[tilespmem:s0+$0x16F00] =	vst v2;
	v2 =	vadd.f32 v3, v5;
	v3 =	vmul.f32 v46, v39;
	v5 =	vmul.f32 s2, v11  }
0x400: {  	v56 =	vld [tilespmem:s0+$0xF6A0];
	[tilespmem:s0+$0x17290] =	vst v0;
	v0 =	vadd.f32 v1, v4;
	v1 =	vmul.f32 v47, v39;
	v4 =	vmul.f32 s2, v12  }
0x401: {  	v63 =	vld [tilespmem:s0+$0xFA90];
	[tilespmem:s0+$0x172A0] =	vst v2;
	v2 =	vadd.f32 v3, v5;
	v3 =	vmul.f32 v49, v39;
	v5 =	vmul.f32 s2, v13  }
0x402: {  	v57 =	vld [tilespmem:s0+$0xF6B0];
	[tilespmem:s0+$0x172B0] =	vst v0;
	v0 =	vadd.f32 v1, v4;
	v1 =	vmul.f32 v51, v39;
	v4 =	vmul.f32 s2, v14  }
0x403: {  	v58 =	vld [tilespmem:s0+$0xF6C0];
	[tilespmem:s0+$0x172C0] =	vst v2;
	v2 =	vadd.f32 v3, v5;
	v3 =	vmul.f32 v53, v39;
	v5 =	vmul.f32 s2, v15  }
0x404: {  	v59 =	vld [tilespmem:s0+$0xF6D0];
	v8 =	vmul.f32 v60, v39;
	[tilespmem:s0+$0x172D0] =	vst v0;
	v0 =	vadd.f32 v1, v4;
	v1 =	vmul.f32 v55, v39  }
0x405: {  	v4 =	vmul.f32 s2, v16;
	[tilespmem:s0+$0x172E0] =	vst v2;
	v2 =	vadd.f32 v3, v5;
	v3 =	vmul.f32 v56, v39  }
0x406: {  	v61 =	vld [tilespmem:s0+$0xF6F0];
	v5 =	vmul.f32 s2, v17;
	v17 =	vmul.f32 v63, v39  }
0x407: {  	v62 =	vld [tilespmem:s0+$0xF700];
	[tilespmem:s0+$0x172F0] =	vst v0;
	v0 =	vadd.f32 v1, v4;
	v1 =	vmul.f32 v57, v39;
	v4 =	vmul.f32 s2, v18  }
0x408: {  	[tilespmem:s0+$0x17300] =	vst v2;
	v3 =	vadd.f32 v3, v5;
	v5 =	vmul.f32 v58, v39;
	v18 =	vmul.f32 s2, v24  }
0x409: {  	v2 =	vld [tilespmem:s0+$0xFAA0];
	[tilespmem:s0+$0x17690] =	vst v0;
	v0 =	vadd.f32 v1, v4;
	v1 =	vmul.f32 v59, v39;
	v4 =	vmul.f32 s2, v20  }
0x40a: {  	v14 =	vmul.f32 s2, v21;
	v15 =	vmul.f32 s2, v22;
	[tilespmem:s0+$0x176A0] =	vst v3;
	v6 =	vadd.f32 v5, v6;
	v5 =	vld [tilespmem:s0+$0xFAB0]  }
0x40b: {  	v3 =	vld [tilespmem:s0+$0xFAC0];
	v21 =	vadd.f32 v17, v18;
	[tilespmem:s0+$0x176B0] =	vst v0;
	v0 =	vadd.f32 v1, v4;
	v1 =	vmul.f32 v61, v39  }
0x40c: {  	v16 =	vmul.f32 s2, v23;
	[tilespmem:s0+$0x176C0] =	vst v6;
	v6 =	vadd.f32 v8, v14;
	v8 =	vmul.f32 v62, v39;
	v4 =	vld [tilespmem:s0+$0xFAD0]  }
0x40d: {  	[tilespmem:s0+$0x17A90] =	vst v21;
	v10 =	vadd.f32 v1, v15;
	v1 =	vld [tilespmem:s0+$0xFAE0]  }
0x40e: {  	v20 =	vmul.f32 s2, v25;
	v19 =	vmul.f32 v2, v39;
	[tilespmem:s0+$0x176D0] =	vst v0;
	v8 =	vadd.f32 v8, v16;
	v0 =	vld [tilespmem:s0+$0xFAF0]  }
0x40f: {  	v23 =	vmul.f32 s2, v26;
	[tilespmem:s0+$0x176E0] =	vst v6;
	v6 =	vld [tilespmem:s0+$0xFB00];
	v22 =	vmul.f32 v5, v39  }
0x410: {  	v7 =	vmul.f32 s2, v7;
	v24 =	vmul.f32 v3, v39;
	[tilespmem:s0+$0x17700] =	vst v8;
	v8 =	vadd.f32 v19, v20  }
0x411: {  	v33 =	vmul.f32 s2, v27;
	[tilespmem:s0+$0x176F0] =	vst v10;
	v25 =	vadd.f32 v22, v23;
	v26 =	vmul.f32 v4, v39  }
0x412: {  	v34 =	vmul.f32 s2, v29;
	v7 =	vadd.f32 v24, v7;
	[tilespmem:s0+$0x17AA0] =	vst v8;
	v8 =	vmul.f32 v1, v39  }
0x413: {  	v37 =	vmul.f32 s2, v31;
	[tilespmem:s0+$0x17AB0] =	vst v25;
	v35 =	vadd.f32 v26, v33;
	v36 =	vmul.f32 v0, v39  }
0x414: {  	v38 =	vmul.f32 s2, v32;
	[tilespmem:s0+$0x17AC0] =	vst v7;
	v7 =	vadd.f32 v8, v34;
	v8 =	vmul.f32 v6, v39  }
.Ltmp20:
0x415: {  	[tilespmem:s0+$0x17AD0] =	vst v35;
	v39 =	vadd.f32 v36, v37;
	(pc) =	sbr.rel @p4 .LBB2_38-.Ltmp20, $4  }
0x416: {  	s23 =	sadd.s32 s7, s18;
	[tilespmem:s0+$0x17AE0] =	vst v7;
	v7 =	vadd.f32 v8, v38  }
0x417: {  	s2 =	sshll.u32 s23, $0x6;
	[tilespmem:s0+$0x17AF0] =	vst v39  }
0x418: {  	s31 =	sadd.s32 s3, s2;
	[tilespmem:s0+$0x17B00] =	vst v7  }
0x419: {  	[hbm4b:s31+s5] =	stream.linear.scatter [tilespmem:s16], [sflag:$0x6], $0x4000, $0x38;
	[tilespmem:$0x1AE90] =	vst v63  }
0x41a: {  	v12 =	vld [tilespmem:$0x1FFF0];
	_ =	sdelay $0x6  }
0x41b: {  	s0 =	sshrl.u32 s30, $0x2  }
0x41c: {  	v7 =	vld.idx.msk [tilespmem:v12+s0+$0xE0 ss:$0x1], $0xffff;
	_ =	sdelay $0x2  }
0x41d: {  	v9 =	vld [tilespmem:$0x1FFA0];
	_ =	sdelay $0x1  }
0x41e: {  	v10 =	vld [tilespmem:$0x1FFB0];
	v8 =	vshll.u32 v7, $0x2  }
0x41f: {  	v7 =	vand.u32 $0x7, v7;
	v8 =	vand.u32 $0xFFFFFFE0, v8  }
0x420: {  	v11 =	vld [tilespmem:$0x1FFC0];
	v7 =	vor.u32 v7, v8  }
0x421: {  	v8 =	vperm.xlane v7, v9;
	_ =	sdelay $0x1  }
0x422: {  	v8 =	vadd.s32 v10, v8;
	_ =	sdelay $0x1  }
0x423: {  	v7 =	vperm.xlane v7, v11;
	_ =	sdelay $0x1  }
0x424: {  	s2 =	simm.s32 $0xEE90;
	v7 =	vadd.s32 v10, v7  }
0x425: {  	[tilespmem:s2], [sflag:$0x4] =	stream.indirect_vreg.gather [hbm4b:s1+s5], $0x80, v8, vm0, $0xb8;
	[tilespmem:$0x1AE90] =	vst v63  }
0x426: {  	s20 =	simm.s32 $0xF690  }
0x427: {  	[tilespmem:s20], [sflag:$0x4] =	stream.indirect_vreg.gather [hbm4b:s15+s5], $0x80, v8, vm0, $0xb8;
	[tilespmem:$0x1AE90] =	vst v63  }
0x428: {  	s21 =	simm.s32 $0xFE90  }
0x429: {  	[tilespmem:s21], [sflag:$0x4] =	stream.indirect_vreg.gather [hbm4b:s1+s5], $0x80, v7, vm0, $0xb8;
	[tilespmem:$0x1AE90] =	vst v63  }
0x42a: {  	s22 =	simm.s32 $0x10690  }
0x42b: {  	[tilespmem:s22], [sflag:$0x4] =	stream.indirect_vreg.gather [hbm4b:s15+s5], $0x80, v7, vm0, $0xb8;
	[tilespmem:$0x1AE90] =	vst v63  }
0x42c: {  	v7 =	vld.idx.msk [tilespmem:v12+s0+$0xF0 ss:$0x1], $0xffff;
	_ =	sdelay $0x4  }
0x42d: {  	v8 =	vshll.u32 v7, $0x2  }
0x42e: {  	v7 =	vand.u32 $0x7, v7;
	v8 =	vand.u32 $0xFFFFFFE0, v8  }
0x42f: {  	v7 =	vor.u32 v7, v8  }
0x430: {  	v8 =	vperm.xlane v7, v9;
	_ =	sdelay $0x1  }
0x431: {  	v8 =	vadd.s32 v10, v8;
	_ =	sdelay $0x2  }
0x432: {  	v7 =	vperm.xlane v7, v11  }
0x433: {  	s23 =	simm.s32 $0x10E90  }
0x434: {  	v7 =	vadd.s32 v10, v7;
	[tilespmem:s23], [sflag:$0x4] =	stream.indirect_vreg.gather [hbm4b:s1+s5], $0x80, v8, vm0, $0xb8;
	[tilespmem:$0x1AE90] =	vst v63  }
0x435: {  	s30 =	simm.s32 $0x11690  }
0x436: {  	[tilespmem:s30], [sflag:$0x4] =	stream.indirect_vreg.gather [hbm4b:s15+s5], $0x80, v8, vm0, $0xb8;
	[tilespmem:$0x1AE90] =	vst v63  }
.Ltmp21:
0x437: {  	_ = 	snop;
	(pc) =	sbr.rel .LBB2_24-.Ltmp21, $4  }
0x438: {  	s31 =	simm.s32 $0x11E90;
	s29 =	sadd.s32 $0x1, s29;
	s24 =	sadd.s32 $0x80, s24  }
0x439: {  	[tilespmem:s31], [sflag:$0x4] =	stream.indirect_vreg.gather [hbm4b:s1+s5], $0x80, v7, vm0, $0xb8;
	[tilespmem:$0x1AE90] =	vst v63  }
0x43a: {  	s25 =	sadd.s32 $0x80, s25;
	s26 =	sadd.s32 $0x80, s26;
	s28 =	sadd.s32 $0x80, s28  }
0x43b: {  	v19 =	vmov v28;
	[tilespmem:s4], [sflag:$0x4] =	stream.indirect_vreg.gather [hbm4b:s15+s5], $0x80, v7, vm0, $0xb8;
	[tilespmem:$0x1AE90] =	vst v63  }
.LBB2_39:
0x43c: {  	_ =	sfence.sel $0x180000  }
0x43d: {  	[bflag:$0x0] =	sbarrier.arrive $0xFFFF  }
0x43e: {  	_ =	strace $0x90000047  }
0x43f: {  	s0 =	stileid.u32;
	[bflag:$0x2] =	sbarrier.arrive $0xFFFF  }
0x440: {  	p0 =	sne.s32 s0, $0x0;
	s0 =	rddreg [dreg:$0x4]  }
0x441: {  	s0 =	sadd.s32 @!p0 $0x100000, s0  }
0x442: {  	[sflag:s0] =	ssyncadd.tile.s32 @!p0 $0x1;
	_ =	shalt  }
.Lfunc_end2:
_tile_overlayer_lowered:
.L_overlay_start_2:
0x443: {  	(tag) =	ssettag $0x2  }
0x444: {  	s0 =	rddreg [dreg:$0x0];
	s2 =	stileid.u32  }
0x445: {  	s1 =	rddreg [dreg:$0x1];
	p0 =	sne.s32 s2, $0x0  }
0x446: {  	s3 =	rddreg [dreg:$0x2];
	[bflag:$0x3] =	sbarrier.arrive $0xFFFF;
	s2 =	simm.s32 @!p0 $0x1C09  }
0x447: {  	[timem:s3], [sflag:s2] =	dma.local @!p0 [hbm:s0], s1  }
0x448: {  	s0 =	simm.s32 @!p0 $0x9  }
0x449: {  	_ =	swait.ge @!p0 [sflag:s0], s1  }
0x44a: {  	s1 =	ssub.s32 @!p0 $0x0, s1;
	[sflag:s0] =	ssyncset.done @!p0 $0x0  }
0x44b: {  	[sflag:s0] =	ssyncadd.s32 @!p0 s1  }
0x44c: {  	[bflag:$0x3] =	sbarrier.arrive $0xFFFF  }
0x44d: {  	_ =	shalt  }

</sc_bundles>
